<compile_context>
chip_gen: v7x
topology: tpu7x:2x2x1
jax: 0.10.2.dev20260603
libtpu: 0.0.44.dev20260713+nightly
codegen_flags: <defaults>
</compile_context>

<pallas_src>
import functools
import numpy as np
import jax
import jax.numpy as jnp
from jax import lax
from jax.experimental import pallas as pl
from jax.experimental.pallas import tpu as pltpu

try:
    from jax.experimental.pallas import tpu_sc as plsc
    _HAVE_SC = True
except ImportError:
    plsc = None
    _HAVE_SC = False



def _fps_body(npoint, N, xyz_ref, cent_ref, nxyz_ref):
    R = N // 128
    x = xyz_ref[0]
    y = xyz_ref[1]
    z = xyz_ref[2]
    row = lax.broadcasted_iota(jnp.int32, (R, 128), 0)
    col = lax.broadcasted_iota(jnp.int32, (R, 128), 1)
    idx = row * 128 + col

    def step(i, carry):
        dist, far = carry
        cent_ref[pl.ds(i, 1), :] = jnp.full((1, 1), far, jnp.int32)
        fm = idx == far
        zero = jnp.zeros((R, 128), jnp.float32)
        cx = jnp.sum(jnp.where(fm, x, zero))
        cy = jnp.sum(jnp.where(fm, y, zero))
        cz = jnp.sum(jnp.where(fm, z, zero))
        nxyz_ref[pl.ds(i, 1), :] = jnp.concatenate(
            [cx.reshape(1, 1), cy.reshape(1, 1), cz.reshape(1, 1)], axis=1)
        dx = x - cx
        dy = y - cy
        dz = z - cz
        d = (dx * dx + dy * dy) + dz * dz
        dist = jnp.minimum(dist, d)
        m = jnp.max(dist)
        far2 = jnp.min(jnp.where(dist == m, idx, jnp.full((R, 128), N, jnp.int32)))
        return dist, far2

    dist0 = jnp.full((R, 128), 1e10, jnp.float32)
    lax.fori_loop(0, npoint, step, (dist0, jnp.int32(0)))


def _fps(xyz, npoint):
    N = xyz.shape[0]
    xt = xyz.T.reshape(3, N // 128, 128)
    cent, nxyz = pl.pallas_call(
        functools.partial(_fps_body, npoint, N),
        out_shape=[
            jax.ShapeDtypeStruct((npoint, 1), jnp.int32),
            jax.ShapeDtypeStruct((npoint, 3), jnp.float32),
        ],
    )(xt)
    return cent[:, 0], nxyz



def _bq_body(N, r2, nsample, nxyz_ref, xt_ref, out_ref):
    cx = nxyz_ref[:, 0:1]
    cy = nxyz_ref[:, 1:2]
    cz = nxyz_ref[:, 2:3]
    dx = cx - xt_ref[0:1, :]
    dy = cy - xt_ref[1:2, :]
    dz = cz - xt_ref[2:3, :]
    sq = (dx * dx + dy * dy) + dz * dz
    TQ = sq.shape[0]
    mask = jnp.where(sq <= r2, jnp.ones_like(sq), jnp.zeros_like(sq))
    lane = lax.broadcasted_iota(jnp.int32, (1, N), 1)
    rank = mask
    k = 1
    while k < N:
        rolled = pltpu.roll(rank, k, 1)
        rank = rank + jnp.where(lane >= k, rolled, jnp.zeros_like(rolled))
        k *= 2
    cols = []
    for s in range(nsample):
        le = jnp.where(rank <= jnp.float32(s), jnp.ones_like(rank),
                       jnp.zeros_like(rank))
        cols.append(jnp.sum(le, axis=1, keepdims=True))
    cnt = jnp.concatenate(cols, axis=1)
    first = cnt[:, 0:1]
    out = jnp.where(cnt >= jnp.float32(N), jnp.broadcast_to(first, (TQ, nsample)), cnt)
    out_ref[...] = out.astype(jnp.int32)


def _ball_query(xyz, new_xyz, radius, nsample):
    N = xyz.shape[0]
    npoint = new_xyz.shape[0]
    TQ = min(npoint, 256)
    r2 = np.float32(radius ** 2)
    xt = xyz.T
    return pl.pallas_call(
        functools.partial(_bq_body, N, r2, nsample),
        grid=(npoint // TQ,),
        in_specs=[
            pl.BlockSpec((TQ, 3), lambda i: (i, 0)),
            pl.BlockSpec((3, N), lambda i: (0, 0)),
        ],
        out_specs=pl.BlockSpec((TQ, nsample), lambda i: (i, 0)),
        out_shape=jax.ShapeDtypeStruct((npoint, nsample), jnp.int32),
    )(new_xyz, xt)



def _sc_gather_words(flat_table, word_idx):
    M = word_idx.shape[0]
    NC, NS = 2, 16
    NW = NC * NS
    assert M % (8 * NW) == 0
    m_per_w = M // NW
    nch = 1
    while m_per_w // nch > 12288 or m_per_w % nch or (m_per_w // nch) % 8:
        nch += 1
    chunk = m_per_w // nch
    mesh = plsc.VectorSubcoreMesh(core_axis_name="c", subcore_axis_name="s")

    @functools.partial(
        pl.kernel, mesh=mesh,
        out_type=pltpu.HBM((M,), jnp.float32),
        scratch_types=[
            pltpu.VMEM((chunk,), jnp.int32),
            pltpu.VMEM((chunk,), jnp.float32),
            pltpu.SemaphoreType.DMA,
        ],
    )
    def k(table_hbm, idx_hbm, out_hbm, idx_v, val_v, sem):
        wid = lax.axis_index("s") * NC + lax.axis_index("c")
        base = wid * m_per_w
        for c in range(nch):
            off = base + c * chunk
            pltpu.sync_copy(idx_hbm.at[pl.ds(off, chunk)], idx_v)
            pltpu.async_copy(table_hbm.at[idx_v], val_v, sem).wait()
            pltpu.sync_copy(val_v, out_hbm.at[pl.ds(off, chunk)])

    return k(flat_table, word_idx)



def _dotT(x, w):
    return lax.dot_general(x, w, (((1,), (1,)), ((), ())),
                           preferred_element_type=jnp.float32)


def _dot_hi(a, b):
    return lax.dot_general(a, b, (((1,), (0,)), ((), ())),
                           preferred_element_type=jnp.float32,
                           precision=lax.Precision.HIGHEST)


def _mul3(x3, wt):
    return ((x3[:, 0:1] * wt[0:1, :] + x3[:, 1:2] * wt[1:2, :])
            + x3[:, 2:3] * wt[2:3, :])


def _acc_stats(h, stats_ref):
    s1 = jnp.sum(h, axis=0, keepdims=True)
    s2 = jnp.sum(h * h, axis=0, keepdims=True)
    st = jnp.concatenate([s1, s2], axis=0)

    @pl.when(pl.program_id(0) == 0)
    def _():
        stats_ref[...] = st

    @pl.when(pl.program_id(0) != 0)
    def _():
        stats_ref[...] += st


def _sa1_body(C, group, g_ref, nx_ref, w_ref, b_ref, h_ref, stats_ref):
    TB = g_ref.shape[0]
    ncent = TB // group
    row = lax.broadcasted_iota(jnp.int32, (TB, ncent), 0) // group
    col = lax.broadcasted_iota(jnp.int32, (TB, ncent), 1)
    oh = jnp.where(row == col, jnp.float32(1.0), jnp.float32(0.0))
    ctr = _dot_hi(oh, nx_ref[...])
    x3 = g_ref[:, C:C + 3] - ctr
    zpad = jnp.zeros((TB, 125), jnp.float32)
    if C > 0:
        xin = jnp.concatenate([x3, g_ref[:, 0:C], zpad], axis=1)
    else:
        xin = jnp.concatenate([x3, zpad], axis=1)
    h = _dotT(xin, w_ref[...]) + b_ref[...]
    h_ref[...] = h
    _acc_stats(h, stats_ref)


def _ssq_body(Btot, h_ref, stats_ref, ssq_ref):
    m = stats_ref[0:1, :] / np.float32(Btot)
    d = h_ref[...] - m
    t = jnp.sum(d * d, axis=0, keepdims=True)

    @pl.when(pl.program_id(0) == 0)
    def _():
        ssq_ref[...] = t

    @pl.when(pl.program_id(0) != 0)
    def _():
        ssq_ref[...] += t


def _ssq(h, stats, Btot, TB):
    B, C = h.shape
    return pl.pallas_call(
        functools.partial(_ssq_body, Btot),
        grid=(B // TB,),
        in_specs=[
            pl.BlockSpec((TB, C), lambda i: (i, 0)),
            pl.BlockSpec((2, C), lambda i: (0, 0)),
        ],
        out_specs=pl.BlockSpec((1, C), lambda i: (0, 0)),
        out_shape=jax.ShapeDtypeStruct((1, C), jnp.float32),
    )(h, stats)


def _bn_relu_in(h, stats_ref, ssq_ref, Btot, g_ref, be_ref):
    m = stats_ref[0:1, :] / np.float32(Btot)
    v = ssq_ref[...] / np.float32(Btot)
    y = (h - m) / jnp.sqrt(v + 1e-5) * g_ref[...] + be_ref[...]
    return jnp.maximum(y, 0.0)


def _sa_mid_body(Btot, h_ref, stats_in_ref, ssq_in_ref, g_ref, be_ref,
                 w_ref, b_ref, h2_ref, stats_ref):
    y = _bn_relu_in(h_ref[...], stats_in_ref, ssq_in_ref, Btot, g_ref, be_ref)
    h2 = _dotT(y, w_ref[...]) + b_ref[...]
    h2_ref[...] = h2
    _acc_stats(h2, stats_ref)


def _sa_last_body(Btot, group, h_ref, stats_in_ref, ssq_in_ref, g_ref, be_ref,
                  out_ref):
    y = _bn_relu_in(h_ref[...], stats_in_ref, ssq_in_ref, Btot, g_ref, be_ref)
    TB, Cc = y.shape
    out_ref[...] = jnp.max(y.reshape(TB // group, group, Cc), axis=1)


def _sa_mlp(G, new_xyz, layers, C, group):
    B = G.shape[0]
    TB = min(B, 256)
    ngrid = B // TB
    ncent = B // group
    L0 = layers[0]
    C1 = L0['W'].shape[0]
    if new_xyz is None:
        new_xyz = jnp.zeros((ncent, 3), jnp.float32)
    w1 = jnp.pad(L0['W'], ((0, 0), (0, 125)))
    h, stats = pl.pallas_call(
        functools.partial(_sa1_body, C, group),
        grid=(ngrid,),
        in_specs=[
            pl.BlockSpec((TB, G.shape[1]), lambda i: (i, 0)),
            pl.BlockSpec((TB // group, 3), lambda i: (i, 0)),
            pl.BlockSpec(w1.shape, lambda i: (0, 0)),
            pl.BlockSpec((1, C1), lambda i: (0, 0)),
        ],
        out_specs=[
            pl.BlockSpec((TB, C1), lambda i: (i, 0)),
            pl.BlockSpec((2, C1), lambda i: (0, 0)),
        ],
        out_shape=[
            jax.ShapeDtypeStruct((B, C1), jnp.float32),
            jax.ShapeDtypeStruct((2, C1), jnp.float32),
        ],
    )(G, new_xyz, w1, L0['b'].reshape(1, -1))

    for li in range(1, len(layers)):
        Lp, Ln = layers[li - 1], layers[li]
        Cp, Cn = Ln['W'].shape[1], Ln['W'].shape[0]
        ssq = _ssq(h, stats, B, TB)
        h, stats = pl.pallas_call(
            functools.partial(_sa_mid_body, B),
            grid=(ngrid,),
            in_specs=[
                pl.BlockSpec((TB, Cp), lambda i: (i, 0)),
                pl.BlockSpec((2, Cp), lambda i: (0, 0)),
                pl.BlockSpec((1, Cp), lambda i: (0, 0)),
                pl.BlockSpec((1, Cp), lambda i: (0, 0)),
                pl.BlockSpec((1, Cp), lambda i: (0, 0)),
                pl.BlockSpec((Cn, Cp), lambda i: (0, 0)),
                pl.BlockSpec((1, Cn), lambda i: (0, 0)),
            ],
            out_specs=[
                pl.BlockSpec((TB, Cn), lambda i: (i, 0)),
                pl.BlockSpec((2, Cn), lambda i: (0, 0)),
            ],
            out_shape=[
                jax.ShapeDtypeStruct((B, Cn), jnp.float32),
                jax.ShapeDtypeStruct((2, Cn), jnp.float32),
            ],
        )(h, stats, ssq, Lp['g'].reshape(1, -1), Lp['be'].reshape(1, -1),
          Ln['W'], Ln['b'].reshape(1, -1))

    Lf = layers[-1]
    Cl = Lf['W'].shape[0]
    ssq = _ssq(h, stats, B, TB)
    out = pl.pallas_call(
        functools.partial(_sa_last_body, B, group),
        grid=(ngrid,),
        in_specs=[
            pl.BlockSpec((TB, Cl), lambda i: (i, 0)),
            pl.BlockSpec((2, Cl), lambda i: (0, 0)),
            pl.BlockSpec((1, Cl), lambda i: (0, 0)),
            pl.BlockSpec((1, Cl), lambda i: (0, 0)),
            pl.BlockSpec((1, Cl), lambda i: (0, 0)),
        ],
        out_specs=pl.BlockSpec((TB // group, Cl), lambda i: (i, 0)),
        out_shape=jax.ShapeDtypeStruct((ncent, Cl), jnp.float32),
    )(h, stats, ssq, Lf['g'].reshape(1, -1), Lf['be'].reshape(1, -1))
    return out



def _embed_body(xyz_ref, freqs_ref, posw_ref, posb_ref, projw_ref, projb_ref,
                pos_ref, x_ref):
    xyz = xyz_ref[...]
    freqs = freqs_ref[...]
    parts = [xyz[:, c:c + 1] * freqs for c in range(3)]
    xf = jnp.concatenate(parts, axis=1)
    pe = jnp.concatenate([jnp.sin(xf), jnp.cos(xf)], axis=1)
    pos_ref[...] = _dotT(pe, posw_ref[...]) + posb_ref[...]
    x_ref[...] = _dotT(xyz, projw_ref[...]) + projb_ref[...]


def _embed(xyz, params):
    N = xyz.shape[0]
    D = params['pos_W'].shape[0]
    TB = 256
    freqs = (2.0 ** jnp.arange(10, dtype=jnp.float32)).reshape(1, 10) * np.pi
    freqs = freqs.astype(jnp.float32)
    return pl.pallas_call(
        _embed_body,
        grid=(N // TB,),
        in_specs=[
            pl.BlockSpec((TB, 3), lambda i: (i, 0)),
            pl.BlockSpec((1, 10), lambda i: (0, 0)),
            pl.BlockSpec(params['pos_W'].shape, lambda i: (0, 0)),
            pl.BlockSpec((1, D), lambda i: (0, 0)),
            pl.BlockSpec(params['proj_W'].shape, lambda i: (0, 0)),
            pl.BlockSpec((1, D), lambda i: (0, 0)),
        ],
        out_specs=[
            pl.BlockSpec((TB, D), lambda i: (i, 0)),
            pl.BlockSpec((TB, D), lambda i: (i, 0)),
        ],
        out_shape=[
            jax.ShapeDtypeStruct((N, D), jnp.float32),
            jax.ShapeDtypeStruct((N, D), jnp.float32),
        ],
    )(xyz, freqs, params['pos_W'], params['pos_b'].reshape(1, -1),
      params['proj_W'], params['proj_b'].reshape(1, -1))


def _qkv_body(x_ref, pos_ref, w_ref, b_ref, qkv_ref):
    qk = x_ref[...] + pos_ref[...]
    D = qk.shape[1]
    w = w_ref[...]
    q = _dotT(qk, w[0:D])
    k = _dotT(qk, w[D:2 * D])
    v = _dotT(x_ref[...], w[2 * D:3 * D])
    qkv_ref[...] = jnp.concatenate([q, k, v], axis=1) + b_ref[...]


def _attn_body(scale, hd, q_ref, k_ref, v_ref, o_ref):
    nsub = q_ref.shape[1] // hd
    outs = []
    for sub in range(nsub):
        q = q_ref[:, sub * hd:(sub + 1) * hd]
        k = k_ref[:, sub * hd:(sub + 1) * hd]
        v = v_ref[:, sub * hd:(sub + 1) * hd]
        s = jnp.dot(q, k.T, preferred_element_type=jnp.float32) * scale
        s = s - jnp.max(s, axis=1, keepdims=True)
        p = jnp.exp(s)
        p = p / jnp.sum(p, axis=1, keepdims=True)
        outs.append(jnp.dot(p, v, preferred_element_type=jnp.float32))
    o_ref[...] = jnp.concatenate(outs, axis=1)


def _ln(x, g, b):
    m = jnp.mean(x, axis=1, keepdims=True)
    d = x - m
    v = jnp.mean(d * d, axis=1, keepdims=True)
    return d / jnp.sqrt(v + 1e-5) * g + b


def _post_body(o_ref, x_ref, ow_ref, ob_ref, n1g_ref, n1b_ref,
               w1_ref, b1_ref, w2_ref, b2_ref, n2g_ref, n2b_ref, out_ref):
    a = _dotT(o_ref[...], ow_ref[...]) + ob_ref[...]
    x1 = _ln(x_ref[...] + a, n1g_ref[...], n1b_ref[...])
    f = jnp.maximum(_dotT(x1, w1_ref[...]) + b1_ref[...], 0.0)
    f = _dotT(f, w2_ref[...]) + b2_ref[...]
    out_ref[...] = _ln(x1 + f, n2g_ref[...], n2b_ref[...])


def _tr_layer(x, pos, L, nhead):
    N, D = x.shape
    hd = D // nhead
    TB = 256
    qkv = pl.pallas_call(
        _qkv_body,
        grid=(N // TB,),
        in_specs=[
            pl.BlockSpec((TB, D), lambda i: (i, 0)),
            pl.BlockSpec((TB, D), lambda i: (i, 0)),
            pl.BlockSpec((3 * D, D), lambda i: (0, 0)),
            pl.BlockSpec((1, 3 * D), lambda i: (0, 0)),
        ],
        out_specs=pl.BlockSpec((TB, 3 * D), lambda i: (i, 0)),
        out_shape=jax.ShapeDtypeStruct((N, 3 * D), jnp.float32),
    )(x, pos, L['in_w'], L['in_b'].reshape(1, -1))

    scale = np.float32(1.0 / np.sqrt(hd))
    TQA = 256
    HPW = 128
    nb = D // HPW
    o = pl.pallas_call(
        functools.partial(_attn_body, scale, hd),
        grid=(nb, N // TQA),
        in_specs=[
            pl.BlockSpec((TQA, HPW), lambda h, qi: (qi, h)),
            pl.BlockSpec((N, HPW), lambda h, qi: (0, nb + h)),
            pl.BlockSpec((N, HPW), lambda h, qi: (0, 2 * nb + h)),
        ],
        out_specs=pl.BlockSpec((TQA, HPW), lambda h, qi: (qi, h)),
        out_shape=jax.ShapeDtypeStruct((N, D), jnp.float32),
    )(qkv, qkv, qkv)

    return pl.pallas_call(
        _post_body,
        grid=(N // TB,),
        in_specs=[
            pl.BlockSpec((TB, D), lambda i: (i, 0)),
            pl.BlockSpec((TB, D), lambda i: (i, 0)),
            pl.BlockSpec((D, D), lambda i: (0, 0)),
            pl.BlockSpec((1, D), lambda i: (0, 0)),
            pl.BlockSpec((1, D), lambda i: (0, 0)),
            pl.BlockSpec((1, D), lambda i: (0, 0)),
            pl.BlockSpec(L['l1_w'].shape, lambda i: (0, 0)),
            pl.BlockSpec((1, L['l1_w'].shape[0]), lambda i: (0, 0)),
            pl.BlockSpec(L['l2_w'].shape, lambda i: (0, 0)),
            pl.BlockSpec((1, D), lambda i: (0, 0)),
            pl.BlockSpec((1, D), lambda i: (0, 0)),
            pl.BlockSpec((1, D), lambda i: (0, 0)),
        ],
        out_specs=pl.BlockSpec((TB, D), lambda i: (i, 0)),
        out_shape=jax.ShapeDtypeStruct((N, D), jnp.float32),
    )(o, x, L['out_w'], L['out_b'].reshape(1, -1),
      L['n1_g'].reshape(1, -1), L['n1_b'].reshape(1, -1),
      L['l1_w'], L['l1_b'].reshape(1, -1),
      L['l2_w'], L['l2_b'].reshape(1, -1),
      L['n2_g'].reshape(1, -1), L['n2_b'].reshape(1, -1))


def _pool_body(x_ref, w1_ref, b1_ref, w2_ref, b2_ref, out_ref):
    p = jnp.maximum(_dotT(x_ref[...], w1_ref[...]) + b1_ref[...], 0.0)
    p = _dotT(p, w2_ref[...]) + b2_ref[...]
    t = jnp.max(p, axis=0, keepdims=True)

    @pl.when(pl.program_id(0) == 0)
    def _():
        out_ref[...] = t

    @pl.when(pl.program_id(0) != 0)
    def _():
        out_ref[...] = jnp.maximum(out_ref[...], t)


def _pool(x, params):
    N, D = x.shape
    TB = 256
    C = params['pool2_W'].shape[0]
    return pl.pallas_call(
        _pool_body,
        grid=(N // TB,),
        in_specs=[
            pl.BlockSpec((TB, D), lambda i: (i, 0)),
            pl.BlockSpec((D, D), lambda i: (0, 0)),
            pl.BlockSpec((1, D), lambda i: (0, 0)),
            pl.BlockSpec((C, D), lambda i: (0, 0)),
            pl.BlockSpec((1, C), lambda i: (0, 0)),
        ],
        out_specs=pl.BlockSpec((1, C), lambda i: (0, 0)),
        out_shape=jax.ShapeDtypeStruct((1, C), jnp.float32),
    )(x, params['pool1_W'], params['pool1_b'].reshape(1, -1),
      params['pool2_W'], params['pool2_b'].reshape(1, -1))


def _fuse_body(pn_ref, tr_ref, wv_ref, bv_ref, ow_ref, ob_ref,
               fng_ref, fnb_ref, fused_ref):
    tr = tr_ref[...]
    pn = pn_ref[...]
    vp = _dotT(tr, wv_ref[...]) + bv_ref[...]
    fa = _dotT(vp, ow_ref[...]) + ob_ref[...]
    fused_ref[...] = _ln(pn + fa, fng_ref[...], fnb_ref[...])


def _cls_body(fused_ref, tr_ref, fcw_ref, fcb_ref, clw_ref, clb_ref, out_ref):
    h = jnp.concatenate([fused_ref[...], tr_ref[...]], axis=1)
    h = jnp.maximum(_dotT(h, fcw_ref[...]) + fcb_ref[...], 0.0)
    out_ref[...] = _dotT(h, clw_ref[...]) + clb_ref[...]


def _head(pn_feat, tr_feat, params):
    D = pn_feat.shape[1]
    wv = params['fus_in_w'][2 * D:3 * D]
    bv = params['fus_in_b'][2 * D:3 * D]
    ncls = params['cls_W'].shape[0]
    fused = pl.pallas_call(
        _fuse_body,
        out_shape=jax.ShapeDtypeStruct((1, D), jnp.float32),
    )(pn_feat, tr_feat, wv, bv.reshape(1, -1),
      params['fus_out_w'], params['fus_out_b'].reshape(1, -1),
      params['fn_g'].reshape(1, -1), params['fn_b'].reshape(1, -1))
    return pl.pallas_call(
        _cls_body,
        out_shape=jax.ShapeDtypeStruct((1, ncls), jnp.float32),
    )(fused, tr_feat, params['fc_W'], params['fc_b'].reshape(1, -1),
      params['cls_W'], params['cls_b'].reshape(1, -1))



def _pad_cols(a, to):
    return jnp.pad(a, ((0, 0), (0, to - a.shape[1])))


def _sa_level(xyz_l, feats, layers, npoint, radius, nsample):
    N = xyz_l.shape[0]
    cent, new_xyz = _fps(xyz_l, npoint)
    idx = _ball_query(xyz_l, new_xyz, radius, nsample)
    if feats is None:
        C = 0
        table = xyz_l
    else:
        C = feats.shape[1]
        table = jnp.concatenate([feats, xyz_l], axis=1)
    Du = C + 3
    widx = (idx.reshape(-1)[:, None] * Du
            + jnp.arange(Du, dtype=jnp.int32)[None, :]).reshape(-1)
    G = _sc_gather_words(table.reshape(-1), widx).reshape(npoint * nsample, Du)
    return new_xyz, _sa_mlp(G, new_xyz, layers, C, nsample)


def kernel(xyz, params):
    x0 = xyz[0]

    l1_xyz, l1_f = _sa_level(x0, None, params['sa'][0], 2048, 0.2, 32)
    l2_xyz, l2_f = _sa_level(l1_xyz, l1_f, params['sa'][1], 512, 0.4, 32)
    l3_xyz, l3_f = _sa_level(l2_xyz, l2_f, params['sa'][2], 128, 0.8, 32)

    g4 = _pad_cols(jnp.concatenate([l3_f, l3_xyz], axis=1), 528)
    pn_feat = _sa_mlp(g4, None, params['sa'][3], l3_f.shape[1], 128)

    pos, x = _embed(x0, params)
    for L in params['tls']:
        x = _tr_layer(x, pos, L, 8)
    tr_feat = _pool(x, params)

    out = _head(pn_feat, tr_feat, params)
    return out

# --- scband reference (transcript-rebuilt; emitter-appended) ---
"""Pipeline reference for scband-hybrid-lod2-model-22213570855532 (READ-ONLY COPY).

The authoritative reference and input builder live on the scoring server;
editing this copy changes nothing except your own understanding.
"""

import jax, jax.numpy as jnp
import numpy as np

SA_CHANNELS = [(3, [64, 64, 128]), (131, [128, 128, 256]), (259, [256, 256, 512]), (515, [512, 512, 1024])]
D_MODEL = 512
NLAYERS = 4
NUM_CLASSES = 6


def _dense(key, o, i):
    return jax.random.normal(key, (o, i), jnp.float32) * 0.02


def setup_inputs():
    base = jax.random.key(0)
    cnt = [0]
    def nk():
        cnt[0] += 1
        return jax.random.fold_in(base, cnt[0])
    xyz = jax.random.normal(nk(), (1, 2048, 3), jnp.float32)
    params = {}
    sa = []
    for (cin, mlp) in SA_CHANNELS:
        layers = []
        last = cin
        for cout in mlp:
            layers.append({'W': _dense(nk(), cout, last), 'b': jnp.zeros((cout,), jnp.float32), 'g': jnp.ones((cout,), jnp.float32), 'be': jnp.zeros((cout,), jnp.float32)})
            last = cout
        sa.append(layers)
    params['sa'] = sa
    params['pos_W'] = _dense(nk(), D_MODEL, 60); params['pos_b'] = jnp.zeros((D_MODEL,), jnp.float32)
    params['proj_W'] = _dense(nk(), D_MODEL, 3); params['proj_b'] = jnp.zeros((D_MODEL,), jnp.float32)
    tls = []
    for _ in range(NLAYERS):
        tls.append({'in_w': _dense(nk(), 3 * D_MODEL, D_MODEL), 'in_b': jnp.zeros((3 * D_MODEL,), jnp.float32), 'out_w': _dense(nk(), D_MODEL, D_MODEL), 'out_b': jnp.zeros((D_MODEL,), jnp.float32), 'l1_w': _dense(nk(), 2048, D_MODEL), 'l1_b': jnp.zeros((2048,), jnp.float32), 'l2_w': _dense(nk(), D_MODEL, 2048), 'l2_b': jnp.zeros((D_MODEL,), jnp.float32), 'n1_g': jnp.ones((D_MODEL,), jnp.float32), 'n1_b': jnp.zeros((D_MODEL,), jnp.float32), 'n2_g': jnp.ones((D_MODEL,), jnp.float32), 'n2_b': jnp.zeros((D_MODEL,), jnp.float32)})
    params['tls'] = tls
    params['pool1_W'] = _dense(nk(), D_MODEL, D_MODEL); params['pool1_b'] = jnp.zeros((D_MODEL,), jnp.float32)
    params['pool2_W'] = _dense(nk(), 1024, D_MODEL); params['pool2_b'] = jnp.zeros((1024,), jnp.float32)
    params['fus_in_w'] = _dense(nk(), 3 * 1024, 1024); params['fus_in_b'] = jnp.zeros((3 * 1024,), jnp.float32)
    params['fus_out_w'] = _dense(nk(), 1024, 1024); params['fus_out_b'] = jnp.zeros((1024,), jnp.float32)
    params['fn_g'] = jnp.ones((1024,), jnp.float32); params['fn_b'] = jnp.zeros((1024,), jnp.float32)
    params['fc_W'] = _dense(nk(), 1024, 2048); params['fc_b'] = jnp.zeros((1024,), jnp.float32)
    params['cls_W'] = _dense(nk(), NUM_CLASSES, 1024); params['cls_b'] = jnp.zeros((NUM_CLASSES,), jnp.float32)
    return {'xyz': xyz, 'params': params}


def index_points(points, idx):
    return jax.vmap(lambda p, i: p[i])(points, idx)


def fps(xyz, npoint):
    xyz = jax.lax.stop_gradient(xyz)
    B, N, _ = xyz.shape
    def body(i, state):
        cent, dist, far = state
        cent = cent.at[:, i].set(far)
        c = jnp.take_along_axis(xyz, far[:, None, None], axis=1)
        d = jnp.sum((xyz - c) ** 2, -1)
        dist = jnp.minimum(dist, d)
        far = jnp.argmax(dist, -1).astype(jnp.int32)
        return cent, dist, far
    cent = jnp.zeros((B, npoint), jnp.int32)
    dist = jnp.full((B, N), 1e10, jnp.float32)
    far = jnp.zeros((B,), jnp.int32)
    cent, _, _ = jax.lax.fori_loop(0, npoint, body, (cent, dist, far))
    return cent


def ball_query(radius, nsample, xyz, new_xyz):
    xyz = jax.lax.stop_gradient(xyz)
    new_xyz = jax.lax.stop_gradient(new_xyz)
    B, N, _ = xyz.shape
    sq = jnp.sum((new_xyz[:, :, None, :] - xyz[:, None, :, :]) ** 2, -1)
    gi = jnp.broadcast_to(jnp.arange(N, dtype=jnp.int32), sq.shape)
    gi = jnp.where(sq > radius ** 2, N, gi)
    gi = jnp.sort(gi, axis=-1)[:, :, :nsample]
    first = gi[:, :, :1]
    gi = jnp.where(gi == N, jnp.broadcast_to(first, gi.shape), gi)
    return gi


def bn_relu(x, g, be):
    m = x.mean((0, 2, 3), keepdims=True)
    v = x.var((0, 2, 3), keepdims=True)
    x = (x - m) / jnp.sqrt(v + 1e-5) * g[None, :, None, None] + be[None, :, None, None]
    return jax.nn.relu(x)


def sa_forward(xyz, feats, layers, npoint, radius, nsample, group_all):
    if group_all:
        new_xyz = xyz.mean(1, keepdims=True)
        g = jnp.concatenate([xyz, feats.transpose(0, 2, 1)], -1)[:, None]
        g = g.transpose(0, 3, 2, 1)
    else:
        fidx = fps(xyz, npoint)
        new_xyz = index_points(xyz, fidx)
        idx = ball_query(radius, nsample, xyz, new_xyz)
        gxyz = index_points(xyz, idx) - new_xyz[:, :, None, :]
        if feats is not None:
            gf = index_points(feats.transpose(0, 2, 1), idx)
            g = jnp.concatenate([gxyz, gf], -1)
        else:
            g = gxyz
        g = g.transpose(0, 3, 2, 1)
    for L in layers:
        g = jnp.einsum('oc,bcns->bons', L['W'], g) + L['b'][None, :, None, None]
        g = bn_relu(g, L['g'], L['be'])
    return new_xyz, g.max(2)


def layernorm(x, g, b):
    m = x.mean(-1, keepdims=True)
    v = x.var(-1, keepdims=True)
    return (x - m) / jnp.sqrt(v + 1e-5) * g + b


def mha(q, k, v, in_w, in_b, out_w, out_b, nhead):
    d = q.shape[-1]
    B, Nq, _ = q.shape
    qp = q @ in_w[:d].T + in_b[:d]
    kp = k @ in_w[d:2 * d].T + in_b[d:2 * d]
    vp = v @ in_w[2 * d:].T + in_b[2 * d:]
    hd = d // nhead
    def sp(x):
        return x.reshape(B, -1, nhead, hd).transpose(0, 2, 1, 3)
    qh, kh, vh = sp(qp), sp(kp), sp(vp)
    a = jax.nn.softmax(jnp.einsum('bhqd,bhkd->bhqk', qh, kh) / np.sqrt(hd), -1)
    o = jnp.einsum('bhqk,bhkd->bhqd', a, vh).transpose(0, 2, 1, 3).reshape(B, Nq, d)
    return o @ out_w.T + out_b


def pos_encode(xyz, W, b):
    B, N, _ = xyz.shape
    freqs = (2.0 ** jnp.arange(10, dtype=jnp.float32)) * np.pi
    xf = (xyz[..., None] * freqs).reshape(B, N, -1)
    pe = jnp.concatenate([jnp.sin(xf), jnp.cos(xf)], -1)
    return pe @ W.T + b


def forward(xyz, params):
    l1_xyz, l1_f = sa_forward(xyz, None, params['sa'][0], 2048, 0.2, 32, False)
    l2_xyz, l2_f = sa_forward(l1_xyz, l1_f, params['sa'][1], 512, 0.4, 32, False)
    l3_xyz, l3_f = sa_forward(l2_xyz, l2_f, params['sa'][2], 128, 0.8, 32, False)
    _, l4_f = sa_forward(l3_xyz, l3_f, params['sa'][3], None, None, None, True)
    pn_feat = jnp.squeeze(l4_f, -1)
    pos = pos_encode(xyz, params['pos_W'], params['pos_b'])
    x = xyz @ params['proj_W'].T + params['proj_b']
    for L in params['tls']:
        qk = x + pos
        a = mha(qk, qk, x, L['in_w'], L['in_b'], L['out_w'], L['out_b'], 8)
        x = layernorm(x + a, L['n1_g'], L['n1_b'])
        f = jax.nn.relu(x @ L['l1_w'].T + L['l1_b']) @ L['l2_w'].T + L['l2_b']
        x = layernorm(x + f, L['n2_g'], L['n2_b'])
    p = jax.nn.relu(x @ params['pool1_W'].T + params['pool1_b']) @ params['pool2_W'].T + params['pool2_b']
    tr_feat = p.max(1)
    q = pn_feat[:, None]
    kv = tr_feat[:, None]
    fa = mha(q, kv, kv, params['fus_in_w'], params['fus_in_b'], params['fus_out_w'], params['fus_out_b'], 8)
    fused = layernorm(q + fa, params['fn_g'], params['fn_b'])[:, 0]
    h = jnp.concatenate([fused, tr_feat], -1)
    h = jax.nn.relu(h @ params['fc_W'].T + params['fc_b'])
    return h @ params['cls_W'].T + params['cls_b']


def reference(xyz, params):
    return forward(xyz, params)

if __name__ == "__main__":
    import jax
    _d = setup_inputs()
    print(jax.jit(kernel)(*tuple(_d.values())))

</pallas_src>

<mosaic_0001>
#map = affine_map<(d0, d1) -> (0)>
module attributes {stable_mosaic.version = 14 : i64} {
  func.func @k(%arg0: i32, %arg1: i32, %arg2: memref<6144xf32, #tpu.memory_space<hbm>>, %arg3: memref<196608xi32, #tpu.memory_space<hbm>>, %arg4: memref<196608xf32, #tpu.memory_space<hbm>>, %arg5: memref<6144xi32, #tpu.memory_space<vmem>>, %arg6: memref<6144xf32, #tpu.memory_space<vmem>>, %arg7: memref<!tpu.dma_semaphore, #tpu.memory_space<semaphore_mem>>) attributes {dimension_semantics = [#tpu.dimension_semantics<core_parallel>, #tpu.dimension_semantics<subcore_parallel>], iteration_bounds = array<i64: 2, 16>, scalar_prefetch = 0 : i64, scratch_operands = 3 : i64, tpu.core_type = #tpu.core_type<sc_vector_subcore>, window_params = [{transform_indices = #map}, {transform_indices = #map}, {transform_indices = #map}]} {
    %mul3A = arith.constant 2 : i32
    %mul3A_0 = arith.muli %arg1, %mul3A : i32
    %add3A = arith.addi %mul3A_0, %arg0 : i32
    %mul3A_1 = arith.constant 6144 : i32
    %mul3A_2 = arith.muli %add3A, %mul3A_1 : i32
    %add3A_3 = arith.constant 0 : i32
    %add3A_4 = arith.addi %mul3A_2, %add3A_3 : i32
    "tpu.region"() ({
      %run_scoped3A = tpu.sem_alloc : memref<!tpu.dma_semaphore, #tpu.memory_space<semaphore_mem>>
      %dma_start3A_7 = tpu.memref_slice %arg3[%add3A_4] : memref<196608xi32, #tpu.memory_space<hbm>> -> memref<6144xi32, #tpu.memory_space<hbm>>
      %dma_start3A_8 = tpu.memref_slice %arg3[%add3A_4] : memref<196608xi32, #tpu.memory_space<hbm>> -> memref<6144xi32, #tpu.memory_space<hbm>>
      tpu.enqueue_dma source(%dma_start3A_8 : memref<6144xi32, #tpu.memory_space<hbm>>) target(%arg5 : memref<6144xi32, #tpu.memory_space<vmem>>) target_semaphore(%run_scoped3A : memref<!tpu.dma_semaphore, #tpu.memory_space<semaphore_mem>>)
      %dma_wait3A_9 = tpu.memref_slice %arg3[%add3A_4] : memref<196608xi32, #tpu.memory_space<hbm>> -> memref<6144xi32, #tpu.memory_space<hbm>>
      %dma_wait3A_10 = tpu.memref_slice %arg3[%add3A_4] : memref<196608xi32, #tpu.memory_space<hbm>> -> memref<6144xi32, #tpu.memory_space<hbm>>
      tpu.wait_dma2 semaphore(%run_scoped3A : memref<!tpu.dma_semaphore, #tpu.memory_space<semaphore_mem>>) src(%dma_wait3A_10 : memref<6144xi32, #tpu.memory_space<hbm>>) dst(%arg5 : memref<6144xi32, #tpu.memory_space<vmem>>)
      tpu.yield
    }) : () -> ()
    %dma_start3A = arith.constant 0 : i32
    %dma_start3A_5 = tpu.memref_slice %arg2[%dma_start3A] : memref<6144xf32, #tpu.memory_space<hbm>> -> memref<6144xf32, #tpu.memory_space<hbm>>
    tpu.enqueue_indirect_dma source(%dma_start3A_5 : memref<6144xf32, #tpu.memory_space<hbm>>) target(%arg6 : memref<6144xf32, #tpu.memory_space<vmem>>) offsets(%arg5 : memref<6144xi32, #tpu.memory_space<vmem>>) semaphore(%arg7 : memref<!tpu.dma_semaphore, #tpu.memory_space<semaphore_mem>>)
    %dma_wait3A = arith.constant 0 : i32
    %dma_wait3A_6 = tpu.memref_slice %arg2[%dma_wait3A] : memref<6144xf32, #tpu.memory_space<hbm>> -> memref<6144xf32, #tpu.memory_space<hbm>>
    tpu.wait_indirect_dma semaphore(%arg7 : memref<!tpu.dma_semaphore, #tpu.memory_space<semaphore_mem>>) src(%dma_wait3A_6 : memref<6144xf32, #tpu.memory_space<hbm>>) dst(%arg6 : memref<6144xf32, #tpu.memory_space<vmem>>)
    "tpu.region"() ({
      %run_scoped3A = tpu.sem_alloc : memref<!tpu.dma_semaphore, #tpu.memory_space<semaphore_mem>>
      %dma_start3A_7 = tpu.memref_slice %arg4[%add3A_4] : memref<196608xf32, #tpu.memory_space<hbm>> -> memref<6144xf32, #tpu.memory_space<hbm>>
      %dma_start3A_8 = tpu.memref_slice %arg4[%add3A_4] : memref<196608xf32, #tpu.memory_space<hbm>> -> memref<6144xf32, #tpu.memory_space<hbm>>
      tpu.enqueue_dma source(%arg6 : memref<6144xf32, #tpu.memory_space<vmem>>) target(%dma_start3A_8 : memref<6144xf32, #tpu.memory_space<hbm>>) target_semaphore(%run_scoped3A : memref<!tpu.dma_semaphore, #tpu.memory_space<semaphore_mem>>)
      %dma_wait3A_9 = tpu.memref_slice %arg4[%add3A_4] : memref<196608xf32, #tpu.memory_space<hbm>> -> memref<6144xf32, #tpu.memory_space<hbm>>
      %dma_wait3A_10 = tpu.memref_slice %arg4[%add3A_4] : memref<196608xf32, #tpu.memory_space<hbm>> -> memref<6144xf32, #tpu.memory_space<hbm>>
      tpu.wait_dma2 semaphore(%run_scoped3A : memref<!tpu.dma_semaphore, #tpu.memory_space<semaphore_mem>>) src(%arg6 : memref<6144xf32, #tpu.memory_space<vmem>>) dst(%dma_wait3A_10 : memref<6144xf32, #tpu.memory_space<hbm>>)
      tpu.yield
    }) : () -> ()
    return
  }
}

#map = affine_map<(d0, d1) -> (0)>
module attributes {stable_mosaic.version = 14 : i64} {
  func.func @k(%arg0: i32, %arg1: i32, %arg2: memref<132608xf32, #tpu.memory_space<hbm>>, %arg3: memref<1060864xi32, #tpu.memory_space<hbm>>, %arg4: memref<1060864xf32, #tpu.memory_space<hbm>>, %arg5: memref<8288xi32, #tpu.memory_space<vmem>>, %arg6: memref<8288xf32, #tpu.memory_space<vmem>>, %arg7: memref<!tpu.dma_semaphore, #tpu.memory_space<semaphore_mem>>) attributes {dimension_semantics = [#tpu.dimension_semantics<core_parallel>, #tpu.dimension_semantics<subcore_parallel>], iteration_bounds = array<i64: 2, 16>, scalar_prefetch = 0 : i64, scratch_operands = 3 : i64, tpu.core_type = #tpu.core_type<sc_vector_subcore>, window_params = [{transform_indices = #map}, {transform_indices = #map}, {transform_indices = #map}]} {
    %mul3A = arith.constant 2 : i32
    %mul3A_0 = arith.muli %arg1, %mul3A : i32
    %add3A = arith.addi %mul3A_0, %arg0 : i32
    %mul3A_1 = arith.constant 33152 : i32
    %mul3A_2 = arith.muli %add3A, %mul3A_1 : i32
    %add3A_3 = arith.constant 0 : i32
    %add3A_4 = arith.addi %mul3A_2, %add3A_3 : i32
    "tpu.region"() ({
      %run_scoped3A = tpu.sem_alloc : memref<!tpu.dma_semaphore, #tpu.memory_space<semaphore_mem>>
      %dma_start3A_25 = tpu.memref_slice %arg3[%add3A_4] : memref<1060864xi32, #tpu.memory_space<hbm>> -> memref<8288xi32, #tpu.memory_space<hbm>>
      %dma_start3A_26 = tpu.memref_slice %arg3[%add3A_4] : memref<1060864xi32, #tpu.memory_space<hbm>> -> memref<8288xi32, #tpu.memory_space<hbm>>
      tpu.enqueue_dma source(%dma_start3A_26 : memref<8288xi32, #tpu.memory_space<hbm>>) target(%arg5 : memref<8288xi32, #tpu.memory_space<vmem>>) target_semaphore(%run_scoped3A : memref<!tpu.dma_semaphore, #tpu.memory_space<semaphore_mem>>)
      %dma_wait3A_27 = tpu.memref_slice %arg3[%add3A_4] : memref<1060864xi32, #tpu.memory_space<hbm>> -> memref<8288xi32, #tpu.memory_space<hbm>>
      %dma_wait3A_28 = tpu.memref_slice %arg3[%add3A_4] : memref<1060864xi32, #tpu.memory_space<hbm>> -> memref<8288xi32, #tpu.memory_space<hbm>>
      tpu.wait_dma2 semaphore(%run_scoped3A : memref<!tpu.dma_semaphore, #tpu.memory_space<semaphore_mem>>) src(%dma_wait3A_28 : memref<8288xi32, #tpu.memory_space<hbm>>) dst(%arg5 : memref<8288xi32, #tpu.memory_space<vmem>>)
      tpu.yield
    }) : () -> ()
    %dma_start3A = arith.constant 0 : i32
    %dma_start3A_5 = tpu.memref_slice %arg2[%dma_start3A] : memref<132608xf32, #tpu.memory_space<hbm>> -> memref<132608xf32, #tpu.memory_space<hbm>>
    tpu.enqueue_indirect_dma source(%dma_start3A_5 : memref<132608xf32, #tpu.memory_space<hbm>>) target(%arg6 : memref<8288xf32, #tpu.memory_space<vmem>>) offsets(%arg5 : memref<8288xi32, #tpu.memory_space<vmem>>) semaphore(%arg7 : memref<!tpu.dma_semaphore, #tpu.memory_space<semaphore_mem>>)
    %dma_wait3A = arith.constant 0 : i32
    %dma_wait3A_6 = tpu.memref_slice %arg2[%dma_wait3A] : memref<132608xf32, #tpu.memory_space<hbm>> -> memref<132608xf32, #tpu.memory_space<hbm>>
    tpu.wait_indirect_dma semaphore(%arg7 : memref<!tpu.dma_semaphore, #tpu.memory_space<semaphore_mem>>) src(%dma_wait3A_6 : memref<132608xf32, #tpu.memory_space<hbm>>) dst(%arg6 : memref<8288xf32, #tpu.memory_space<vmem>>)
    "tpu.region"() ({
      %run_scoped3A = tpu.sem_alloc : memref<!tpu.dma_semaphore, #tpu.memory_space<semaphore_mem>>
      %dma_start3A_25 = tpu.memref_slice %arg4[%add3A_4] : memref<1060864xf32, #tpu.memory_space<hbm>> -> memref<8288xf32, #tpu.memory_space<hbm>>
      %dma_start3A_26 = tpu.memref_slice %arg4[%add3A_4] : memref<1060864xf32, #tpu.memory_space<hbm>> -> memref<8288xf32, #tpu.memory_space<hbm>>
      tpu.enqueue_dma source(%arg6 : memref<8288xf32, #tpu.memory_space<vmem>>) target(%dma_start3A_26 : memref<8288xf32, #tpu.memory_space<hbm>>) target_semaphore(%run_scoped3A : memref<!tpu.dma_semaphore, #tpu.memory_space<semaphore_mem>>)
      %dma_wait3A_27 = tpu.memref_slice %arg4[%add3A_4] : memref<1060864xf32, #tpu.memory_space<hbm>> -> memref<8288xf32, #tpu.memory_space<hbm>>
      %dma_wait3A_28 = tpu.memref_slice %arg4[%add3A_4] : memref<1060864xf32, #tpu.memory_space<hbm>> -> memref<8288xf32, #tpu.memory_space<hbm>>
      tpu.wait_dma2 semaphore(%run_scoped3A : memref<!tpu.dma_semaphore, #tpu.memory_space<semaphore_mem>>) src(%arg6 : memref<8288xf32, #tpu.memory_space<vmem>>) dst(%dma_wait3A_28 : memref<8288xf32, #tpu.memory_space<hbm>>)
      tpu.yield
    }) : () -> ()
    %add3A_7 = arith.constant 8288 : i32
    %add3A_8 = arith.addi %mul3A_2, %add3A_7 : i32
    "tpu.region"() ({
      %run_scoped3A = tpu.sem_alloc : memref<!tpu.dma_semaphore, #tpu.memory_space<semaphore_mem>>
      %dma_start3A_25 = tpu.memref_slice %arg3[%add3A_8] : memref<1060864xi32, #tpu.memory_space<hbm>> -> memref<8288xi32, #tpu.memory_space<hbm>>
      %dma_start3A_26 = tpu.memref_slice %arg3[%add3A_8] : memref<1060864xi32, #tpu.memory_space<hbm>> -> memref<8288xi32, #tpu.memory_space<hbm>>
      tpu.enqueue_dma source(%dma_start3A_26 : memref<8288xi32, #tpu.memory_space<hbm>>) target(%arg5 : memref<8288xi32, #tpu.memory_space<vmem>>) target_semaphore(%run_scoped3A : memref<!tpu.dma_semaphore, #tpu.memory_space<semaphore_mem>>)
      %dma_wait3A_27 = tpu.memref_slice %arg3[%add3A_8] : memref<1060864xi32, #tpu.memory_space<hbm>> -> memref<8288xi32, #tpu.memory_space<hbm>>
      %dma_wait3A_28 = tpu.memref_slice %arg3[%add3A_8] : memref<1060864xi32, #tpu.memory_space<hbm>> -> memref<8288xi32, #tpu.memory_space<hbm>>
      tpu.wait_dma2 semaphore(%run_scoped3A : memref<!tpu.dma_semaphore, #tpu.memory_space<semaphore_mem>>) src(%dma_wait3A_28 : memref<8288xi32, #tpu.memory_space<hbm>>) dst(%arg5 : memref<8288xi32, #tpu.memory_space<vmem>>)
      tpu.yield
    }) : () -> ()
    %dma_start3A_9 = arith.constant 0 : i32
    %dma_start3A_10 = tpu.memref_slice %arg2[%dma_start3A_9] : memref<132608xf32, #tpu.memory_space<hbm>> -> memref<132608xf32, #tpu.memory_space<hbm>>
    tpu.enqueue_indirect_dma source(%dma_start3A_10 : memref<132608xf32, #tpu.memory_space<hbm>>) target(%arg6 : memref<8288xf32, #tpu.memory_space<vmem>>) offsets(%arg5 : memref<8288xi32, #tpu.memory_space<vmem>>) semaphore(%arg7 : memref<!tpu.dma_semaphore, #tpu.memory_space<semaphore_mem>>)
    %dma_wait3A_11 = arith.constant 0 : i32
    %dma_wait3A_12 = tpu.memref_slice %arg2[%dma_wait3A_11] : memref<132608xf32, #tpu.memory_space<hbm>> -> memref<132608xf32, #tpu.memory_space<hbm>>
    tpu.wait_indirect_dma semaphore(%arg7 : memref<!tpu.dma_semaphore, #tpu.memory_space<semaphore_mem>>) src(%dma_wait3A_12 : memref<132608xf32, #tpu.memory_space<hbm>>) dst(%arg6 : memref<8288xf32, #tpu.memory_space<vmem>>)
    "tpu.region"() ({
      %run_scoped3A = tpu.sem_alloc : memref<!tpu.dma_semaphore, #tpu.memory_space<semaphore_mem>>
      %dma_start3A_25 = tpu.memref_slice %arg4[%add3A_8] : memref<1060864xf32, #tpu.memory_space<hbm>> -> memref<8288xf32, #tpu.memory_space<hbm>>
      %dma_start3A_26 = tpu.memref_slice %arg4[%add3A_8] : memref<1060864xf32, #tpu.memory_space<hbm>> -> memref<8288xf32, #tpu.memory_space<hbm>>
      tpu.enqueue_dma source(%arg6 : memref<8288xf32, #tpu.memory_space<vmem>>) target(%dma_start3A_26 : memref<8288xf32, #tpu.memory_space<hbm>>) target_semaphore(%run_scoped3A : memref<!tpu.dma_semaphore, #tpu.memory_space<semaphore_mem>>)
      %dma_wait3A_27 = tpu.memref_slice %arg4[%add3A_8] : memref<1060864xf32, #tpu.memory_space<hbm>> -> memref<8288xf32, #tpu.memory_space<hbm>>
      %dma_wait3A_28 = tpu.memref_slice %arg4[%add3A_8] : memref<1060864xf32, #tpu.memory_space<hbm>> -> memref<8288xf32, #tpu.memory_space<hbm>>
      tpu.wait_dma2 semaphore(%run_scoped3A : memref<!tpu.dma_semaphore, #tpu.memory_space<semaphore_mem>>) src(%arg6 : memref<8288xf32, #tpu.memory_space<vmem>>) dst(%dma_wait3A_28 : memref<8288xf32, #tpu.memory_space<hbm>>)
      tpu.yield
    }) : () -> ()
    %add3A_13 = arith.constant 16576 : i32
    %add3A_14 = arith.addi %mul3A_2, %add3A_13 : i32
    "tpu.region"() ({
      %run_scoped3A = tpu.sem_alloc : memref<!tpu.dma_semaphore, #tpu.memory_space<semaphore_mem>>
      %dma_start3A_25 = tpu.memref_slice %arg3[%add3A_14] : memref<1060864xi32, #tpu.memory_space<hbm>> -> memref<8288xi32, #tpu.memory_space<hbm>>
      %dma_start3A_26 = tpu.memref_slice %arg3[%add3A_14] : memref<1060864xi32, #tpu.memory_space<hbm>> -> memref<8288xi32, #tpu.memory_space<hbm>>
      tpu.enqueue_dma source(%dma_start3A_26 : memref<8288xi32, #tpu.memory_space<hbm>>) target(%arg5 : memref<8288xi32, #tpu.memory_space<vmem>>) target_semaphore(%run_scoped3A : memref<!tpu.dma_semaphore, #tpu.memory_space<semaphore_mem>>)
      %dma_wait3A_27 = tpu.memref_slice %arg3[%add3A_14] : memref<1060864xi32, #tpu.memory_space<hbm>> -> memref<8288xi32, #tpu.memory_space<hbm>>
      %dma_wait3A_28 = tpu.memref_slice %arg3[%add3A_14] : memref<1060864xi32, #tpu.memory_space<hbm>> -> memref<8288xi32, #tpu.memory_space<hbm>>
      tpu.wait_dma2 semaphore(%run_scoped3A : memref<!tpu.dma_semaphore, #tpu.memory_space<semaphore_mem>>) src(%dma_wait3A_28 : memref<8288xi32, #tpu.memory_space<hbm>>) dst(%arg5 : memref<8288xi32, #tpu.memory_space<vmem>>)
      tpu.yield
    }) : () -> ()
    %dma_start3A_15 = arith.constant 0 : i32
    %dma_start3A_16 = tpu.memref_slice %arg2[%dma_start3A_15] : memref<132608xf32, #tpu.memory_space<hbm>> -> memref<132608xf32, #tpu.memory_space<hbm>>
    tpu.enqueue_indirect_dma source(%dma_start3A_16 : memref<132608xf32, #tpu.memory_space<hbm>>) target(%arg6 : memref<8288xf32, #tpu.memory_space<vmem>>) offsets(%arg5 : memref<8288xi32, #tpu.memory_space<vmem>>) semaphore(%arg7 : memref<!tpu.dma_semaphore, #tpu.memory_space<semaphore_mem>>)
    %dma_wait3A_17 = arith.constant 0 : i32
    %dma_wait3A_18 = tpu.memref_slice %arg2[%dma_wait3A_17] : memref<132608xf32, #tpu.memory_space<hbm>> -> memref<132608xf32, #tpu.memory_space<hbm>>
    tpu.wait_indirect_dma semaphore(%arg7 : memref<!tpu.dma_semaphore, #tpu.memory_space<semaphore_mem>>) src(%dma_wait3A_18 : memref<132608xf32, #tpu.memory_space<hbm>>) dst(%arg6 : memref<8288xf32, #tpu.memory_space<vmem>>)
    "tpu.region"() ({
      %run_scoped3A = tpu.sem_alloc : memref<!tpu.dma_semaphore, #tpu.memory_space<semaphore_mem>>
      %dma_start3A_25 = tpu.memref_slice %arg4[%add3A_14] : memref<1060864xf32, #tpu.memory_space<hbm>> -> memref<8288xf32, #tpu.memory_space<hbm>>
      %dma_start3A_26 = tpu.memref_slice %arg4[%add3A_14] : memref<1060864xf32, #tpu.memory_space<hbm>> -> memref<8288xf32, #tpu.memory_space<hbm>>
      tpu.enqueue_dma source(%arg6 : memref<8288xf32, #tpu.memory_space<vmem>>) target(%dma_start3A_26 : memref<8288xf32, #tpu.memory_space<hbm>>) target_semaphore(%run_scoped3A : memref<!tpu.dma_semaphore, #tpu.memory_space<semaphore_mem>>)
      %dma_wait3A_27 = tpu.memref_slice %arg4[%add3A_14] : memref<1060864xf32, #tpu.memory_space<hbm>> -> memref<8288xf32, #tpu.memory_space<hbm>>
      %dma_wait3A_28 = tpu.memref_slice %arg4[%add3A_14] : memref<1060864xf32, #tpu.memory_space<hbm>> -> memref<8288xf32, #tpu.memory_space<hbm>>
      tpu.wait_dma2 semaphore(%run_scoped3A : memref<!tpu.dma_semaphore, #tpu.memory_space<semaphore_mem>>) src(%arg6 : memref<8288xf32, #tpu.memory_space<vmem>>) dst(%dma_wait3A_28 : memref<8288xf32, #tpu.memory_space<hbm>>)
      tpu.yield
    }) : () -> ()
    %add3A_19 = arith.constant 24864 : i32
    %add3A_20 = arith.addi %mul3A_2, %add3A_19 : i32
    "tpu.region"() ({
      %run_scoped3A = tpu.sem_alloc : memref<!tpu.dma_semaphore, #tpu.memory_space<semaphore_mem>>
      %dma_start3A_25 = tpu.memref_slice %arg3[%add3A_20] : memref<1060864xi32, #tpu.memory_space<hbm>> -> memref<8288xi32, #tpu.memory_space<hbm>>
      %dma_start3A_26 = tpu.memref_slice %arg3[%add3A_20] : memref<1060864xi32, #tpu.memory_space<hbm>> -> memref<8288xi32, #tpu.memory_space<hbm>>
      tpu.enqueue_dma source(%dma_start3A_26 : memref<8288xi32, #tpu.memory_space<hbm>>) target(%arg5 : memref<8288xi32, #tpu.memory_space<vmem>>) target_semaphore(%run_scoped3A : memref<!tpu.dma_semaphore, #tpu.memory_space<semaphore_mem>>)
      %dma_wait3A_27 = tpu.memref_slice %arg3[%add3A_20] : memref<1060864xi32, #tpu.memory_space<hbm>> -> memref<8288xi32, #tpu.memory_space<hbm>>
      %dma_wait3A_28 = tpu.memref_slice %arg3[%add3A_20] : memref<1060864xi32, #tpu.memory_space<hbm>> -> memref<8288xi32, #tpu.memory_space<hbm>>
      tpu.wait_dma2 semaphore(%run_scoped3A : memref<!tpu.dma_semaphore, #tpu.memory_space<semaphore_mem>>) src(%dma_wait3A_28 : memref<8288xi32, #tpu.memory_space<hbm>>) dst(%arg5 : memref<8288xi32, #tpu.memory_space<vmem>>)
      tpu.yield
    }) : () -> ()
    %dma_start3A_21 = arith.constant 0 : i32
    %dma_start3A_22 = tpu.memref_slice %arg2[%dma_start3A_21] : memref<132608xf32, #tpu.memory_space<hbm>> -> memref<132608xf32, #tpu.memory_space<hbm>>
    tpu.enqueue_indirect_dma source(%dma_start3A_22 : memref<132608xf32, #tpu.memory_space<hbm>>) target(%arg6 : memref<8288xf32, #tpu.memory_space<vmem>>) offsets(%arg5 : memref<8288xi32, #tpu.memory_space<vmem>>) semaphore(%arg7 : memref<!tpu.dma_semaphore, #tpu.memory_space<semaphore_mem>>)
    %dma_wait3A_23 = arith.constant 0 : i32
    %dma_wait3A_24 = tpu.memref_slice %arg2[%dma_wait3A_23] : memref<132608xf32, #tpu.memory_space<hbm>> -> memref<132608xf32, #tpu.memory_space<hbm>>
    tpu.wait_indirect_dma semaphore(%arg7 : memref<!tpu.dma_semaphore, #tpu.memory_space<semaphore_mem>>) src(%dma_wait3A_24 : memref<132608xf32, #tpu.memory_space<hbm>>) dst(%arg6 : memref<8288xf32, #tpu.memory_space<vmem>>)
    "tpu.region"() ({
      %run_scoped3A = tpu.sem_alloc : memref<!tpu.dma_semaphore, #tpu.memory_space<semaphore_mem>>
      %dma_start3A_25 = tpu.memref_slice %arg4[%add3A_20] : memref<1060864xf32, #tpu.memory_space<hbm>> -> memref<8288xf32, #tpu.memory_space<hbm>>
      %dma_start3A_26 = tpu.memref_slice %arg4[%add3A_20] : memref<1060864xf32, #tpu.memory_space<hbm>> -> memref<8288xf32, #tpu.memory_space<hbm>>
      tpu.enqueue_dma source(%arg6 : memref<8288xf32, #tpu.memory_space<vmem>>) target(%dma_start3A_26 : memref<8288xf32, #tpu.memory_space<hbm>>) target_semaphore(%run_scoped3A : memref<!tpu.dma_semaphore, #tpu.memory_space<semaphore_mem>>)
      %dma_wait3A_27 = tpu.memref_slice %arg4[%add3A_20] : memref<1060864xf32, #tpu.memory_space<hbm>> -> memref<8288xf32, #tpu.memory_space<hbm>>
      %dma_wait3A_28 = tpu.memref_slice %arg4[%add3A_20] : memref<1060864xf32, #tpu.memory_space<hbm>> -> memref<8288xf32, #tpu.memory_space<hbm>>
      tpu.wait_dma2 semaphore(%run_scoped3A : memref<!tpu.dma_semaphore, #tpu.memory_space<semaphore_mem>>) src(%arg6 : memref<8288xf32, #tpu.memory_space<vmem>>) dst(%dma_wait3A_28 : memref<8288xf32, #tpu.memory_space<hbm>>)
      tpu.yield
    }) : () -> ()
    return
  }
}

#map = affine_map<(d0, d1) -> (0)>
module attributes {stable_mosaic.version = 14 : i64} {
  func.func @k(%arg0: i32, %arg1: i32, %arg2: memref<268288xf32, #tpu.memory_space<hbm>>, %arg3: memref<2146304xi32, #tpu.memory_space<hbm>>, %arg4: memref<2146304xf32, #tpu.memory_space<hbm>>, %arg5: memref<8384xi32, #tpu.memory_space<vmem>>, %arg6: memref<8384xf32, #tpu.memory_space<vmem>>, %arg7: memref<!tpu.dma_semaphore, #tpu.memory_space<semaphore_mem>>) attributes {dimension_semantics = [#tpu.dimension_semantics<core_parallel>, #tpu.dimension_semantics<subcore_parallel>], iteration_bounds = array<i64: 2, 16>, scalar_prefetch = 0 : i64, scratch_operands = 3 : i64, tpu.core_type = #tpu.core_type<sc_vector_subcore>, window_params = [{transform_indices = #map}, {transform_indices = #map}, {transform_indices = #map}]} {
    %mul3A = arith.constant 2 : i32
    %mul3A_0 = arith.muli %arg1, %mul3A : i32
    %add3A = arith.addi %mul3A_0, %arg0 : i32
    %mul3A_1 = arith.constant 67072 : i32
    %mul3A_2 = arith.muli %add3A, %mul3A_1 : i32
    %add3A_3 = arith.constant 0 : i32
    %add3A_4 = arith.addi %mul3A_2, %add3A_3 : i32
    "tpu.region"() ({
      %run_scoped3A = tpu.sem_alloc : memref<!tpu.dma_semaphore, #tpu.memory_space<semaphore_mem>>
      %dma_start3A_49 = tpu.memref_slice %arg3[%add3A_4] : memref<2146304xi32, #tpu.memory_space<hbm>> -> memref<8384xi32, #tpu.memory_space<hbm>>
      %dma_start3A_50 = tpu.memref_slice %arg3[%add3A_4] : memref<2146304xi32, #tpu.memory_space<hbm>> -> memref<8384xi32, #tpu.memory_space<hbm>>
      tpu.enqueue_dma source(%dma_start3A_50 : memref<8384xi32, #tpu.memory_space<hbm>>) target(%arg5 : memref<8384xi32, #tpu.memory_space<vmem>>) target_semaphore(%run_scoped3A : memref<!tpu.dma_semaphore, #tpu.memory_space<semaphore_mem>>)
      %dma_wait3A_51 = tpu.memref_slice %arg3[%add3A_4] : memref<2146304xi32, #tpu.memory_space<hbm>> -> memref<8384xi32, #tpu.memory_space<hbm>>
      %dma_wait3A_52 = tpu.memref_slice %arg3[%add3A_4] : memref<2146304xi32, #tpu.memory_space<hbm>> -> memref<8384xi32, #tpu.memory_space<hbm>>
      tpu.wait_dma2 semaphore(%run_scoped3A : memref<!tpu.dma_semaphore, #tpu.memory_space<semaphore_mem>>) src(%dma_wait3A_52 : memref<8384xi32, #tpu.memory_space<hbm>>) dst(%arg5 : memref<8384xi32, #tpu.memory_space<vmem>>)
      tpu.yield
    }) : () -> ()
    %dma_start3A = arith.constant 0 : i32
    %dma_start3A_5 = tpu.memref_slice %arg2[%dma_start3A] : memref<268288xf32, #tpu.memory_space<hbm>> -> memref<268288xf32, #tpu.memory_space<hbm>>
    tpu.enqueue_indirect_dma source(%dma_start3A_5 : memref<268288xf32, #tpu.memory_space<hbm>>) target(%arg6 : memref<8384xf32, #tpu.memory_space<vmem>>) offsets(%arg5 : memref<8384xi32, #tpu.memory_space<vmem>>) semaphore(%arg7 : memref<!tpu.dma_semaphore, #tpu.memory_space<semaphore_mem>>)
    %dma_wait3A = arith.constant 0 : i32
    %dma_wait3A_6 = tpu.memref_slice %arg2[%dma_wait3A] : memref<268288xf32, #tpu.memory_space<hbm>> -> memref<268288xf32, #tpu.memory_space<hbm>>
    tpu.wait_indirect_dma semaphore(%arg7 : memref<!tpu.dma_semaphore, #tpu.memory_space<semaphore_mem>>) src(%dma_wait3A_6 : memref<268288xf32, #tpu.memory_space<hbm>>) dst(%arg6 : memref<8384xf32, #tpu.memory_space<vmem>>)
    "tpu.region"() ({
      %run_scoped3A = tpu.sem_alloc : memref<!tpu.dma_semaphore, #tpu.memory_space<semaphore_mem>>
      %dma_start3A_49 = tpu.memref_slice %arg4[%add3A_4] : memref<2146304xf32, #tpu.memory_space<hbm>> -> memref<8384xf32, #tpu.memory_space<hbm>>
      %dma_start3A_50 = tpu.memref_slice %arg4[%add3A_4] : memref<2146304xf32, #tpu.memory_space<hbm>> -> memref<8384xf32, #tpu.memory_space<hbm>>
      tpu.enqueue_dma source(%arg6 : memref<8384xf32, #tpu.memory_space<vmem>>) target(%dma_start3A_50 : memref<8384xf32, #tpu.memory_space<hbm>>) target_semaphore(%run_scoped3A : memref<!tpu.dma_semaphore, #tpu.memory_space<semaphore_mem>>)
      %dma_wait3A_51 = tpu.memref_slice %arg4[%add3A_4] : memref<2146304xf32, #tpu.memory_space<hbm>> -> memref<8384xf32, #tpu.memory_space<hbm>>
      %dma_wait3A_52 = tpu.memref_slice %arg4[%add3A_4] : memref<2146304xf32, #tpu.memory_space<hbm>> -> memref<8384xf32, #tpu.memory_space<hbm>>
      tpu.wait_dma2 semaphore(%run_scoped3A : memref<!tpu.dma_semaphore, #tpu.memory_space<semaphore_mem>>) src(%arg6 : memref<8384xf32, #tpu.memory_space<vmem>>) dst(%dma_wait3A_52 : memref<8384xf32, #tpu.memory_space<hbm>>)
      tpu.yield
    }) : () -> ()
    %add3A_7 = arith.constant 8384 : i32
    %add3A_8 = arith.addi %mul3A_2, %add3A_7 : i32
    "tpu.region"() ({
      %run_scoped3A = tpu.sem_alloc : memref<!tpu.dma_semaphore, #tpu.memory_space<semaphore_mem>>
      %dma_start3A_49 = tpu.memref_slice %arg3[%add3A_8] : memref<2146304xi32, #tpu.memory_space<hbm>> -> memref<8384xi32, #tpu.memory_space<hbm>>
      %dma_start3A_50 = tpu.memref_slice %arg3[%add3A_8] : memref<2146304xi32, #tpu.memory_space<hbm>> -> memref<8384xi32, #tpu.memory_space<hbm>>
      tpu.enqueue_dma source(%dma_start3A_50 : memref<8384xi32, #tpu.memory_space<hbm>>) target(%arg5 : memref<8384xi32, #tpu.memory_space<vmem>>) target_semaphore(%run_scoped3A : memref<!tpu.dma_semaphore, #tpu.memory_space<semaphore_mem>>)
      %dma_wait3A_51 = tpu.memref_slice %arg3[%add3A_8] : memref<2146304xi32, #tpu.memory_space<hbm>> -> memref<8384xi32, #tpu.memory_space<hbm>>
      %dma_wait3A_52 = tpu.memref_slice %arg3[%add3A_8] : memref<2146304xi32, #tpu.memory_space<hbm>> -> memref<8384xi32, #tpu.memory_space<hbm>>
      tpu.wait_dma2 semaphore(%run_scoped3A : memref<!tpu.dma_semaphore, #tpu.memory_space<semaphore_mem>>) src(%dma_wait3A_52 : memref<8384xi32, #tpu.memory_space<hbm>>) dst(%arg5 : memref<8384xi32, #tpu.memory_space<vmem>>)
      tpu.yield
    }) : () -> ()
    %dma_start3A_9 = arith.constant 0 : i32
    %dma_start3A_10 = tpu.memref_slice %arg2[%dma_start3A_9] : memref<268288xf32, #tpu.memory_space<hbm>> -> memref<268288xf32, #tpu.memory_space<hbm>>
    tpu.enqueue_indirect_dma source(%dma_start3A_10 : memref<268288xf32, #tpu.memory_space<hbm>>) target(%arg6 : memref<8384xf32, #tpu.memory_space<vmem>>) offsets(%arg5 : memref<8384xi32, #tpu.memory_space<vmem>>) semaphore(%arg7 : memref<!tpu.dma_semaphore, #tpu.memory_space<semaphore_mem>>)
    %dma_wait3A_11 = arith.constant 0 : i32
    %dma_wait3A_12 = tpu.memref_slice %arg2[%dma_wait3A_11] : memref<268288xf32, #tpu.memory_space<hbm>> -> memref<268288xf32, #tpu.memory_space<hbm>>
    tpu.wait_indirect_dma semaphore(%arg7 : memref<!tpu.dma_semaphore, #tpu.memory_space<semaphore_mem>>) src(%dma_wait3A_12 : memref<268288xf32, #tpu.memory_space<hbm>>) dst(%arg6 : memref<8384xf32, #tpu.memory_space<vmem>>)
    "tpu.region"() ({
      %run_scoped3A = tpu.sem_alloc : memref<!tpu.dma_semaphore, #tpu.memory_space<semaphore_mem>>
      %dma_start3A_49 = tpu.memref_slice %arg4[%add3A_8] : memref<2146304xf32, #tpu.memory_space<hbm>> -> memref<8384xf32, #tpu.memory_space<hbm>>
      %dma_start3A_50 = tpu.memref_slice %arg4[%add3A_8] : memref<2146304xf32, #tpu.memory_space<hbm>> -> memref<8384xf32, #tpu.memory_space<hbm>>
      tpu.enqueue_dma source(%arg6 : memref<8384xf32, #tpu.memory_space<vmem>>) target(%dma_start3A_50 : memref<8384xf32, #tpu.memory_space<hbm>>) target_semaphore(%run_scoped3A : memref<!tpu.dma_semaphore, #tpu.memory_space<semaphore_mem>>)
      %dma_wait3A_51 = tpu.memref_slice %arg4[%add3A_8] : memref<2146304xf32, #tpu.memory_space<hbm>> -> memref<8384xf32, #tpu.memory_space<hbm>>
      %dma_wait3A_52 = tpu.memref_slice %arg4[%add3A_8] : memref<2146304xf32, #tpu.memory_space<hbm>> -> memref<8384xf32, #tpu.memory_space<hbm>>
      tpu.wait_dma2 semaphore(%run_scoped3A : memref<!tpu.dma_semaphore, #tpu.memory_space<semaphore_mem>>) src(%arg6 : memref<8384xf32, #tpu.memory_space<vmem>>) dst(%dma_wait3A_52 : memref<8384xf32, #tpu.memory_space<hbm>>)
      tpu.yield
    }) : () -> ()
    %add3A_13 = arith.constant 16768 : i32
    %add3A_14 = arith.addi %mul3A_2, %add3A_13 : i32
    "tpu.region"() ({
      %run_scoped3A = tpu.sem_alloc : memref<!tpu.dma_semaphore, #tpu.memory_space<semaphore_mem>>
      %dma_start3A_49 = tpu.memref_slice %arg3[%add3A_14] : memref<2146304xi32, #tpu.memory_space<hbm>> -> memref<8384xi32, #tpu.memory_space<hbm>>
      %dma_start3A_50 = tpu.memref_slice %arg3[%add3A_14] : memref<2146304xi32, #tpu.memory_space<hbm>> -> memref<8384xi32, #tpu.memory_space<hbm>>
      tpu.enqueue_dma source(%dma_start3A_50 : memref<8384xi32, #tpu.memory_space<hbm>>) target(%arg5 : memref<8384xi32, #tpu.memory_space<vmem>>) target_semaphore(%run_scoped3A : memref<!tpu.dma_semaphore, #tpu.memory_space<semaphore_mem>>)
      %dma_wait3A_51 = tpu.memref_slice %arg3[%add3A_14] : memref<2146304xi32, #tpu.memory_space<hbm>> -> memref<8384xi32, #tpu.memory_space<hbm>>
      %dma_wait3A_52 = tpu.memref_slice %arg3[%add3A_14] : memref<2146304xi32, #tpu.memory_space<hbm>> -> memref<8384xi32, #tpu.memory_space<hbm>>
      tpu.wait_dma2 semaphore(%run_scoped3A : memref<!tpu.dma_semaphore, #tpu.memory_space<semaphore_mem>>) src(%dma_wait3A_52 : memref<8384xi32, #tpu.memory_space<hbm>>) dst(%arg5 : memref<8384xi32, #tpu.memory_space<vmem>>)
      tpu.yield
    }) : () -> ()
    %dma_start3A_15 = arith.constant 0 : i32
    %dma_start3A_16 = tpu.memref_slice %arg2[%dma_start3A_15] : memref<268288xf32, #tpu.memory_space<hbm>> -> memref<268288xf32, #tpu.memory_space<hbm>>
    tpu.enqueue_indirect_dma source(%dma_start3A_16 : memref<268288xf32, #tpu.memory_space<hbm>>) target(%arg6 : memref<8384xf32, #tpu.memory_space<vmem>>) offsets(%arg5 : memref<8384xi32, #tpu.memory_space<vmem>>) semaphore(%arg7 : memref<!tpu.dma_semaphore, #tpu.memory_space<semaphore_mem>>)
    %dma_wait3A_17 = arith.constant 0 : i32
    %dma_wait3A_18 = tpu.memref_slice %arg2[%dma_wait3A_17] : memref<268288xf32, #tpu.memory_space<hbm>> -> memref<268288xf32, #tpu.memory_space<hbm>>
    tpu.wait_indirect_dma semaphore(%arg7 : memref<!tpu.dma_semaphore, #tpu.memory_space<semaphore_mem>>) src(%dma_wait3A_18 : memref<268288xf32, #tpu.memory_space<hbm>>) dst(%arg6 : memref<8384xf32, #tpu.memory_space<vmem>>)
    "tpu.region"() ({
      %run_scoped3A = tpu.sem_alloc : memref<!tpu.dma_semaphore, #tpu.memory_space<semaphore_mem>>
      %dma_start3A_49 = tpu.memref_slice %arg4[%add3A_14] : memref<2146304xf32, #tpu.memory_space<hbm>> -> memref<8384xf32, #tpu.memory_space<hbm>>
      %dma_start3A_50 = tpu.memref_slice %arg4[%add3A_14] : memref<2146304xf32, #tpu.memory_space<hbm>> -> memref<8384xf32, #tpu.memory_space<hbm>>
      tpu.enqueue_dma source(%arg6 : memref<8384xf32, #tpu.memory_space<vmem>>) target(%dma_start3A_50 : memref<8384xf32, #tpu.memory_space<hbm>>) target_semaphore(%run_scoped3A : memref<!tpu.dma_semaphore, #tpu.memory_space<semaphore_mem>>)
      %dma_wait3A_51 = tpu.memref_slice %arg4[%add3A_14] : memref<2146304xf32, #tpu.memory_space<hbm>> -> memref<8384xf32, #tpu.memory_space<hbm>>
      %dma_wait3A_52 = tpu.memref_slice %arg4[%add3A_14] : memref<2146304xf32, #tpu.memory_space<hbm>> -> memref<8384xf32, #tpu.memory_space<hbm>>
      tpu.wait_dma2 semaphore(%run_scoped3A : memref<!tpu.dma_semaphore, #tpu.memory_space<semaphore_mem>>) src(%arg6 : memref<8384xf32, #tpu.memory_space<vmem>>) dst(%dma_wait3A_52 : memref<8384xf32, #tpu.memory_space<hbm>>)
      tpu.yield
    }) : () -> ()
    %add3A_19 = arith.constant 25152 : i32
    %add3A_20 = arith.addi %mul3A_2, %add3A_19 : i32
    "tpu.region"() ({
      %run_scoped3A = tpu.sem_alloc : memref<!tpu.dma_semaphore, #tpu.memory_space<semaphore_mem>>
      %dma_start3A_49 = tpu.memref_slice %arg3[%add3A_20] : memref<2146304xi32, #tpu.memory_space<hbm>> -> memref<8384xi32, #tpu.memory_space<hbm>>
      %dma_start3A_50 = tpu.memref_slice %arg3[%add3A_20] : memref<2146304xi32, #tpu.memory_space<hbm>> -> memref<8384xi32, #tpu.memory_space<hbm>>
      tpu.enqueue_dma source(%dma_start3A_50 : memref<8384xi32, #tpu.memory_space<hbm>>) target(%arg5 : memref<8384xi32, #tpu.memory_space<vmem>>) target_semaphore(%run_scoped3A : memref<!tpu.dma_semaphore, #tpu.memory_space<semaphore_mem>>)
      %dma_wait3A_51 = tpu.memref_slice %arg3[%add3A_20] : memref<2146304xi32, #tpu.memory_space<hbm>> -> memref<8384xi32, #tpu.memory_space<hbm>>
      %dma_wait3A_52 = tpu.memref_slice %arg3[%add3A_20] : memref<2146304xi32, #tpu.memory_space<hbm>> -> memref<8384xi32, #tpu.memory_space<hbm>>
      tpu.wait_dma2 semaphore(%run_scoped3A : memref<!tpu.dma_semaphore, #tpu.memory_space<semaphore_mem>>) src(%dma_wait3A_52 : memref<8384xi32, #tpu.memory_space<hbm>>) dst(%arg5 : memref<8384xi32, #tpu.memory_space<vmem>>)
      tpu.yield
    }) : () -> ()
    %dma_start3A_21 = arith.constant 0 : i32
    %dma_start3A_22 = tpu.memref_slice %arg2[%dma_start3A_21] : memref<268288xf32, #tpu.memory_space<hbm>> -> memref<268288xf32, #tpu.memory_space<hbm>>
    tpu.enqueue_indirect_dma source(%dma_start3A_22 : memref<268288xf32, #tpu.memory_space<hbm>>) target(%arg6 : memref<8384xf32, #tpu.memory_space<vmem>>) offsets(%arg5 : memref<8384xi32, #tpu.memory_space<vmem>>) semaphore(%arg7 : memref<!tpu.dma_semaphore, #tpu.memory_space<semaphore_mem>>)
    %dma_wait3A_23 = arith.constant 0 : i32
    %dma_wait3A_24 = tpu.memref_slice %arg2[%dma_wait3A_23] : memref<268288xf32, #tpu.memory_space<hbm>> -> memref<268288xf32, #tpu.memory_space<hbm>>
    tpu.wait_indirect_dma semaphore(%arg7 : memref<!tpu.dma_semaphore, #tpu.memory_space<semaphore_mem>>) src(%dma_wait3A_24 : memref<268288xf32, #tpu.memory_space<hbm>>) dst(%arg6 : memref<8384xf32, #tpu.memory_space<vmem>>)
    "tpu.region"() ({
      %run_scoped3A = tpu.sem_alloc : memref<!tpu.dma_semaphore, #tpu.memory_space<semaphore_mem>>
      %dma_start3A_49 = tpu.memref_slice %arg4[%add3A_20] : memref<2146304xf32, #tpu.memory_space<hbm>> -> memref<8384xf32, #tpu.memory_space<hbm>>
      %dma_start3A_50 = tpu.memref_slice %arg4[%add3A_20] : memref<2146304xf32, #tpu.memory_space<hbm>> -> memref<8384xf32, #tpu.memory_space<hbm>>
      tpu.enqueue_dma source(%arg6 : memref<8384xf32, #tpu.memory_space<vmem>>) target(%dma_start3A_50 : memref<8384xf32, #tpu.memory_space<hbm>>) target_semaphore(%run_scoped3A : memref<!tpu.dma_semaphore, #tpu.memory_space<semaphore_mem>>)
      %dma_wait3A_51 = tpu.memref_slice %arg4[%add3A_20] : memref<2146304xf32, #tpu.memory_space<hbm>> -> memref<8384xf32, #tpu.memory_space<hbm>>
      %dma_wait3A_52 = tpu.memref_slice %arg4[%add3A_20] : memref<2146304xf32, #tpu.memory_space<hbm>> -> memref<8384xf32, #tpu.memory_space<hbm>>
      tpu.wait_dma2 semaphore(%run_scoped3A : memref<!tpu.dma_semaphore, #tpu.memory_space<semaphore_mem>>) src(%arg6 : memref<8384xf32, #tpu.memory_space<vmem>>) dst(%dma_wait3A_52 : memref<8384xf32, #tpu.memory_space<hbm>>)
      tpu.yield
    }) : () -> ()
    %add3A_25 = arith.constant 33536 : i32
    %add3A_26 = arith.addi %mul3A_2, %add3A_25 : i32
    "tpu.region"() ({
      %run_scoped3A = tpu.sem_alloc : memref<!tpu.dma_semaphore, #tpu.memory_space<semaphore_mem>>
      %dma_start3A_49 = tpu.memref_slice %arg3[%add3A_26] : memref<2146304xi32, #tpu.memory_space<hbm>> -> memref<8384xi32, #tpu.memory_space<hbm>>
      %dma_start3A_50 = tpu.memref_slice %arg3[%add3A_26] : memref<2146304xi32, #tpu.memory_space<hbm>> -> memref<8384xi32, #tpu.memory_space<hbm>>
      tpu.enqueue_dma source(%dma_start3A_50 : memref<8384xi32, #tpu.memory_space<hbm>>) target(%arg5 : memref<8384xi32, #tpu.memory_space<vmem>>) target_semaphore(%run_scoped3A : memref<!tpu.dma_semaphore, #tpu.memory_space<semaphore_mem>>)
      %dma_wait3A_51 = tpu.memref_slice %arg3[%add3A_26] : memref<2146304xi32, #tpu.memory_space<hbm>> -> memref<8384xi32, #tpu.memory_space<hbm>>
      %dma_wait3A_52 = tpu.memref_slice %arg3[%add3A_26] : memref<2146304xi32, #tpu.memory_space<hbm>> -> memref<8384xi32, #tpu.memory_space<hbm>>
      tpu.wait_dma2 semaphore(%run_scoped3A : memref<!tpu.dma_semaphore, #tpu.memory_space<semaphore_mem>>) src(%dma_wait3A_52 : memref<8384xi32, #tpu.memory_space<hbm>>) dst(%arg5 : memref<8384xi32, #tpu.memory_space<vmem>>)
      tpu.yield
    }) : () -> ()
    %dma_start3A_27 = arith.constant 0 : i32
    %dma_start3A_28 = tpu.memref_slice %arg2[%dma_start3A_27] : memref<268288xf32, #tpu.memory_space<hbm>> -> memref<268288xf32, #tpu.memory_space<hbm>>
    tpu.enqueue_indirect_dma source(%dma_start3A_28 : memref<268288xf32, #tpu.memory_space<hbm>>) target(%arg6 : memref<8384xf32, #tpu.memory_space<vmem>>) offsets(%arg5 : memref<8384xi32, #tpu.memory_space<vmem>>) semaphore(%arg7 : memref<!tpu.dma_semaphore, #tpu.memory_space<semaphore_mem>>)
    %dma_wait3A_29 = arith.constant 0 : i32
    %dma_wait3A_30 = tpu.memref_slice %arg2[%dma_wait3A_29] : memref<268288xf32, #tpu.memory_space<hbm>> -> memref<268288xf32, #tpu.memory_space<hbm>>
    tpu.wait_indirect_dma semaphore(%arg7 : memref<!tpu.dma_semaphore, #tpu.memory_space<semaphore_mem>>) src(%dma_wait3A_30 : memref<268288xf32, #tpu.memory_space<hbm>>) dst(%arg6 : memref<8384xf32, #tpu.memory_space<vmem>>)
    "tpu.region"() ({
      %run_scoped3A = tpu.sem_alloc : memref<!tpu.dma_semaphore, #tpu.memory_space<semaphore_mem>>
      %dma_start3A_49 = tpu.memref_slice %arg4[%add3A_26] : memref<2146304xf32, #tpu.memory_space<hbm>> -> memref<8384xf32, #tpu.memory_space<hbm>>
      %dma_start3A_50 = tpu.memref_slice %arg4[%add3A_26] : memref<2146304xf32, #tpu.memory_space<hbm>> -> memref<8384xf32, #tpu.memory_space<hbm>>
      tpu.enqueue_dma source(%arg6 : memref<8384xf32, #tpu.memory_space<vmem>>) target(%dma_start3A_50 : memref<8384xf32, #tpu.memory_space<hbm>>) target_semaphore(%run_scoped3A : memref<!tpu.dma_semaphore, #tpu.memory_space<semaphore_mem>>)
      %dma_wait3A_51 = tpu.memref_slice %arg4[%add3A_26] : memref<2146304xf32, #tpu.memory_space<hbm>> -> memref<8384xf32, #tpu.memory_space<hbm>>
      %dma_wait3A_52 = tpu.memref_slice %arg4[%add3A_26] : memref<2146304xf32, #tpu.memory_space<hbm>> -> memref<8384xf32, #tpu.memory_space<hbm>>
      tpu.wait_dma2 semaphore(%run_scoped3A : memref<!tpu.dma_semaphore, #tpu.memory_space<semaphore_mem>>) src(%arg6 : memref<8384xf32, #tpu.memory_space<vmem>>) dst(%dma_wait3A_52 : memref<8384xf32, #tpu.memory_space<hbm>>)
      tpu.yield
    }) : () -> ()
    %add3A_31 = arith.constant 41920 : i32
    %add3A_32 = arith.addi %mul3A_2, %add3A_31 : i32
    "tpu.region"() ({
      %run_scoped3A = tpu.sem_alloc : memref<!tpu.dma_semaphore, #tpu.memory_space<semaphore_mem>>
      %dma_start3A_49 = tpu.memref_slice %arg3[%add3A_32] : memref<2146304xi32, #tpu.memory_space<hbm>> -> memref<8384xi32, #tpu.memory_space<hbm>>
      %dma_start3A_50 = tpu.memref_slice %arg3[%add3A_32] : memref<2146304xi32, #tpu.memory_space<hbm>> -> memref<8384xi32, #tpu.memory_space<hbm>>
      tpu.enqueue_dma source(%dma_start3A_50 : memref<8384xi32, #tpu.memory_space<hbm>>) target(%arg5 : memref<8384xi32, #tpu.memory_space<vmem>>) target_semaphore(%run_scoped3A : memref<!tpu.dma_semaphore, #tpu.memory_space<semaphore_mem>>)
      %dma_wait3A_51 = tpu.memref_slice %arg3[%add3A_32] : memref<2146304xi32, #tpu.memory_space<hbm>> -> memref<8384xi32, #tpu.memory_space<hbm>>
      %dma_wait3A_52 = tpu.memref_slice %arg3[%add3A_32] : memref<2146304xi32, #tpu.memory_space<hbm>> -> memref<8384xi32, #tpu.memory_space<hbm>>
      tpu.wait_dma2 semaphore(%run_scoped3A : memref<!tpu.dma_semaphore, #tpu.memory_space<semaphore_mem>>) src(%dma_wait3A_52 : memref<8384xi32, #tpu.memory_space<hbm>>) dst(%arg5 : memref<8384xi32, #tpu.memory_space<vmem>>)
      tpu.yield
    }) : () -> ()
    %dma_start3A_33 = arith.constant 0 : i32
    %dma_start3A_34 = tpu.memref_slice %arg2[%dma_start3A_33] : memref<268288xf32, #tpu.memory_space<hbm>> -> memref<268288xf32, #tpu.memory_space<hbm>>
    tpu.enqueue_indirect_dma source(%dma_start3A_34 : memref<268288xf32, #tpu.memory_space<hbm>>) target(%arg6 : memref<8384xf32, #tpu.memory_space<vmem>>) offsets(%arg5 : memref<8384xi32, #tpu.memory_space<vmem>>) semaphore(%arg7 : memref<!tpu.dma_semaphore, #tpu.memory_space<semaphore_mem>>)
    %dma_wait3A_35 = arith.constant 0 : i32
    %dma_wait3A_36 = tpu.memref_slice %arg2[%dma_wait3A_35] : memref<268288xf32, #tpu.memory_space<hbm>> -> memref<268288xf32, #tpu.memory_space<hbm>>
    tpu.wait_indirect_dma semaphore(%arg7 : memref<!tpu.dma_semaphore, #tpu.memory_space<semaphore_mem>>) src(%dma_wait3A_36 : memref<268288xf32, #tpu.memory_space<hbm>>) dst(%arg6 : memref<8384xf32, #tpu.memory_space<vmem>>)
    "tpu.region"() ({
      %run_scoped3A = tpu.sem_alloc : memref<!tpu.dma_semaphore, #tpu.memory_space<semaphore_mem>>
      %dma_start3A_49 = tpu.memref_slice %arg4[%add3A_32] : memref<2146304xf32, #tpu.memory_space<hbm>> -> memref<8384xf32, #tpu.memory_space<hbm>>
      %dma_start3A_50 = tpu.memref_slice %arg4[%add3A_32] : memref<2146304xf32, #tpu.memory_space<hbm>> -> memref<8384xf32, #tpu.memory_space<hbm>>
      tpu.enqueue_dma source(%arg6 : memref<8384xf32, #tpu.memory_space<vmem>>) target(%dma_start3A_50 : memref<8384xf32, #tpu.memory_space<hbm>>) target_semaphore(%run_scoped3A : memref<!tpu.dma_semaphore, #tpu.memory_space<semaphore_mem>>)
      %dma_wait3A_51 = tpu.memref_slice %arg4[%add3A_32] : memref<2146304xf32, #tpu.memory_space<hbm>> -> memref<8384xf32, #tpu.memory_space<hbm>>
      %dma_wait3A_52 = tpu.memref_slice %arg4[%add3A_32] : memref<2146304xf32, #tpu.memory_space<hbm>> -> memref<8384xf32, #tpu.memory_space<hbm>>
      tpu.wait_dma2 semaphore(%run_scoped3A : memref<!tpu.dma_semaphore, #tpu.memory_space<semaphore_mem>>) src(%arg6 : memref<8384xf32, #tpu.memory_space<vmem>>) dst(%dma_wait3A_52 : memref<8384xf32, #tpu.memory_space<hbm>>)
      tpu.yield
    }) : () -> ()
    %add3A_37 = arith.constant 50304 : i32
    %add3A_38 = arith.addi %mul3A_2, %add3A_37 : i32
    "tpu.region"() ({
      %run_scoped3A = tpu.sem_alloc : memref<!tpu.dma_semaphore, #tpu.memory_space<semaphore_mem>>
      %dma_start3A_49 = tpu.memref_slice %arg3[%add3A_38] : memref<2146304xi32, #tpu.memory_space<hbm>> -> memref<8384xi32, #tpu.memory_space<hbm>>
      %dma_start3A_50 = tpu.memref_slice %arg3[%add3A_38] : memref<2146304xi32, #tpu.memory_space<hbm>> -> memref<8384xi32, #tpu.memory_space<hbm>>
      tpu.enqueue_dma source(%dma_start3A_50 : memref<8384xi32, #tpu.memory_space<hbm>>) target(%arg5 : memref<8384xi32, #tpu.memory_space<vmem>>) target_semaphore(%run_scoped3A : memref<!tpu.dma_semaphore, #tpu.memory_space<semaphore_mem>>)
      %dma_wait3A_51 = tpu.memref_slice %arg3[%add3A_38] : memref<2146304xi32, #tpu.memory_space<hbm>> -> memref<8384xi32, #tpu.memory_space<hbm>>
      %dma_wait3A_52 = tpu.memref_slice %arg3[%add3A_38] : memref<2146304xi32, #tpu.memory_space<hbm>> -> memref<8384xi32, #tpu.memory_space<hbm>>
      tpu.wait_dma2 semaphore(%run_scoped3A : memref<!tpu.dma_semaphore, #tpu.memory_space<semaphore_mem>>) src(%dma_wait3A_52 : memref<8384xi32, #tpu.memory_space<hbm>>) dst(%arg5 : memref<8384xi32, #tpu.memory_space<vmem>>)
      tpu.yield
    }) : () -> ()
    %dma_start3A_39 = arith.constant 0 : i32
    %dma_start3A_40 = tpu.memref_slice %arg2[%dma_start3A_39] : memref<268288xf32, #tpu.memory_space<hbm>> -> memref<268288xf32, #tpu.memory_space<hbm>>
    tpu.enqueue_indirect_dma source(%dma_start3A_40 : memref<268288xf32, #tpu.memory_space<hbm>>) target(%arg6 : memref<8384xf32, #tpu.memory_space<vmem>>) offsets(%arg5 : memref<8384xi32, #tpu.memory_space<vmem>>) semaphore(%arg7 : memref<!tpu.dma_semaphore, #tpu.memory_space<semaphore_mem>>)
    %dma_wait3A_41 = arith.constant 0 : i32
    %dma_wait3A_42 = tpu.memref_slice %arg2[%dma_wait3A_41] : memref<268288xf32, #tpu.memory_space<hbm>> -> memref<268288xf32, #tpu.memory_space<hbm>>
    tpu.wait_indirect_dma semaphore(%arg7 : memref<!tpu.dma_semaphore, #tpu.memory_space<semaphore_mem>>) src(%dma_wait3A_42 : memref<268288xf32, #tpu.memory_space<hbm>>) dst(%arg6 : memref<8384xf32, #tpu.memory_space<vmem>>)
    "tpu.region"() ({
      %run_scoped3A = tpu.sem_alloc : memref<!tpu.dma_semaphore, #tpu.memory_space<semaphore_mem>>
      %dma_start3A_49 = tpu.memref_slice %arg4[%add3A_38] : memref<2146304xf32, #tpu.memory_space<hbm>> -> memref<8384xf32, #tpu.memory_space<hbm>>
      %dma_start3A_50 = tpu.memref_slice %arg4[%add3A_38] : memref<2146304xf32, #tpu.memory_space<hbm>> -> memref<8384xf32, #tpu.memory_space<hbm>>
      tpu.enqueue_dma source(%arg6 : memref<8384xf32, #tpu.memory_space<vmem>>) target(%dma_start3A_50 : memref<8384xf32, #tpu.memory_space<hbm>>) target_semaphore(%run_scoped3A : memref<!tpu.dma_semaphore, #tpu.memory_space<semaphore_mem>>)
      %dma_wait3A_51 = tpu.memref_slice %arg4[%add3A_38] : memref<2146304xf32, #tpu.memory_space<hbm>> -> memref<8384xf32, #tpu.memory_space<hbm>>
      %dma_wait3A_52 = tpu.memref_slice %arg4[%add3A_38] : memref<2146304xf32, #tpu.memory_space<hbm>> -> memref<8384xf32, #tpu.memory_space<hbm>>
      tpu.wait_dma2 semaphore(%run_scoped3A : memref<!tpu.dma_semaphore, #tpu.memory_space<semaphore_mem>>) src(%arg6 : memref<8384xf32, #tpu.memory_space<vmem>>) dst(%dma_wait3A_52 : memref<8384xf32, #tpu.memory_space<hbm>>)
      tpu.yield
    }) : () -> ()
    %add3A_43 = arith.constant 58688 : i32
    %add3A_44 = arith.addi %mul3A_2, %add3A_43 : i32
    "tpu.region"() ({
      %run_scoped3A = tpu.sem_alloc : memref<!tpu.dma_semaphore, #tpu.memory_space<semaphore_mem>>
      %dma_start3A_49 = tpu.memref_slice %arg3[%add3A_44] : memref<2146304xi32, #tpu.memory_space<hbm>> -> memref<8384xi32, #tpu.memory_space<hbm>>
      %dma_start3A_50 = tpu.memref_slice %arg3[%add3A_44] : memref<2146304xi32, #tpu.memory_space<hbm>> -> memref<8384xi32, #tpu.memory_space<hbm>>
      tpu.enqueue_dma source(%dma_start3A_50 : memref<8384xi32, #tpu.memory_space<hbm>>) target(%arg5 : memref<8384xi32, #tpu.memory_space<vmem>>) target_semaphore(%run_scoped3A : memref<!tpu.dma_semaphore, #tpu.memory_space<semaphore_mem>>)
      %dma_wait3A_51 = tpu.memref_slice %arg3[%add3A_44] : memref<2146304xi32, #tpu.memory_space<hbm>> -> memref<8384xi32, #tpu.memory_space<hbm>>
      %dma_wait3A_52 = tpu.memref_slice %arg3[%add3A_44] : memref<2146304xi32, #tpu.memory_space<hbm>> -> memref<8384xi32, #tpu.memory_space<hbm>>
      tpu.wait_dma2 semaphore(%run_scoped3A : memref<!tpu.dma_semaphore, #tpu.memory_space<semaphore_mem>>) src(%dma_wait3A_52 : memref<8384xi32, #tpu.memory_space<hbm>>) dst(%arg5 : memref<8384xi32, #tpu.memory_space<vmem>>)
      tpu.yield
    }) : () -> ()
    %dma_start3A_45 = arith.constant 0 : i32
    %dma_start3A_46 = tpu.memref_slice %arg2[%dma_start3A_45] : memref<268288xf32, #tpu.memory_space<hbm>> -> memref<268288xf32, #tpu.memory_space<hbm>>
    tpu.enqueue_indirect_dma source(%dma_start3A_46 : memref<268288xf32, #tpu.memory_space<hbm>>) target(%arg6 : memref<8384xf32, #tpu.memory_space<vmem>>) offsets(%arg5 : memref<8384xi32, #tpu.memory_space<vmem>>) semaphore(%arg7 : memref<!tpu.dma_semaphore, #tpu.memory_space<semaphore_mem>>)
    %dma_wait3A_47 = arith.constant 0 : i32
    %dma_wait3A_48 = tpu.memref_slice %arg2[%dma_wait3A_47] : memref<268288xf32, #tpu.memory_space<hbm>> -> memref<268288xf32, #tpu.memory_space<hbm>>
    tpu.wait_indirect_dma semaphore(%arg7 : memref<!tpu.dma_semaphore, #tpu.memory_space<semaphore_mem>>) src(%dma_wait3A_48 : memref<268288xf32, #tpu.memory_space<hbm>>) dst(%arg6 : memref<8384xf32, #tpu.memory_space<vmem>>)
    "tpu.region"() ({
      %run_scoped3A = tpu.sem_alloc : memref<!tpu.dma_semaphore, #tpu.memory_space<semaphore_mem>>
      %dma_start3A_49 = tpu.memref_slice %arg4[%add3A_44] : memref<2146304xf32, #tpu.memory_space<hbm>> -> memref<8384xf32, #tpu.memory_space<hbm>>
      %dma_start3A_50 = tpu.memref_slice %arg4[%add3A_44] : memref<2146304xf32, #tpu.memory_space<hbm>> -> memref<8384xf32, #tpu.memory_space<hbm>>
      tpu.enqueue_dma source(%arg6 : memref<8384xf32, #tpu.memory_space<vmem>>) target(%dma_start3A_50 : memref<8384xf32, #tpu.memory_space<hbm>>) target_semaphore(%run_scoped3A : memref<!tpu.dma_semaphore, #tpu.memory_space<semaphore_mem>>)
      %dma_wait3A_51 = tpu.memref_slice %arg4[%add3A_44] : memref<2146304xf32, #tpu.memory_space<hbm>> -> memref<8384xf32, #tpu.memory_space<hbm>>
      %dma_wait3A_52 = tpu.memref_slice %arg4[%add3A_44] : memref<2146304xf32, #tpu.memory_space<hbm>> -> memref<8384xf32, #tpu.memory_space<hbm>>
      tpu.wait_dma2 semaphore(%run_scoped3A : memref<!tpu.dma_semaphore, #tpu.memory_space<semaphore_mem>>) src(%arg6 : memref<8384xf32, #tpu.memory_space<vmem>>) dst(%dma_wait3A_52 : memref<8384xf32, #tpu.memory_space<hbm>>)
      tpu.yield
    }) : () -> ()
    return
  }
}

module attributes {stable_mosaic.version = 14 : i64} {
  func.func @_fps_body(%arg0: memref<3x16x128xf32, #tpu.memory_space<vmem>>, %arg1: memref<2048x1xi32, #tpu.memory_space<vmem>>, %arg2: memref<2048x3xf32, #tpu.memory_space<vmem>>) attributes {dimension_semantics = [], scalar_prefetch = 0 : i64, scratch_operands = 0 : i64, tpu.core_type = #tpu.core_type<tc>} {
    %get3A = arith.constant 0 : index
    %get3A_0 = arith.constant 0 : index
    %get3A_1 = arith.constant 0 : index
    %get3A_2 = vector.load %arg0[%get3A, %get3A_0, %get3A_1] : memref<3x16x128xf32, #tpu.memory_space<vmem>>, vector<1x16x128xf32>
    %get3A_3 = vector.shape_cast %get3A_2 : vector<1x16x128xf32> to vector<16x128xf32>
    %get3A_4 = arith.constant 1 : index
    %get3A_5 = arith.constant 0 : index
    %get3A_6 = arith.constant 0 : index
    %get3A_7 = vector.load %arg0[%get3A_4, %get3A_5, %get3A_6] : memref<3x16x128xf32, #tpu.memory_space<vmem>>, vector<1x16x128xf32>
    %get3A_8 = vector.shape_cast %get3A_7 : vector<1x16x128xf32> to vector<16x128xf32>
    %get3A_9 = arith.constant 2 : index
    %get3A_10 = arith.constant 0 : index
    %get3A_11 = arith.constant 0 : index
    %get3A_12 = vector.load %arg0[%get3A_9, %get3A_10, %get3A_11] : memref<3x16x128xf32, #tpu.memory_space<vmem>>, vector<1x16x128xf32>
    %get3A_13 = vector.shape_cast %get3A_12 : vector<1x16x128xf32> to vector<16x128xf32>
    %iota3A = tpu.iota {dimensions = array<i32: 0>} : vector<16x128xi32>
    %iota3A_14 = tpu.iota {dimensions = array<i32: 1>} : vector<16x128xi32>
    %mul3A = arith.constant 128 : i32
    %mul3A_15 = vector.broadcast %mul3A : i32 to vector<16x128xi32>
    %mul3A_16 = arith.muli %iota3A, %mul3A_15 : vector<16x128xi32>
    %add3A = arith.addi %mul3A_16, %iota3A_14 : vector<16x128xi32>
    %broadcast_in_dim3A = arith.constant 1.000000e+10 : f32
    %broadcast_in_dim3A_17 = vector.broadcast %broadcast_in_dim3A : f32 to vector<16x128xf32>
    %scan3A = arith.constant 0 : i32
    %scan3A_18 = arith.constant 0 : i32
    %scan3A_19 = arith.constant 2048 : i32
    %scan3A_20 = arith.addi %scan3A_18, %scan3A_19 : i32
    %scan3A_21 = arith.constant 1 : i32
    %scan3A_22:2 = scf.for %scan3A_24 = %scan3A_18 to %scan3A_20 step %scan3A_21 iter_args(%scan3A_25 = %broadcast_in_dim3A_17, %scan3A_26 = %scan3A) -> (vector<16x128xf32>, i32)  : i32 {
      %broadcast_in_dim3A_27 = vector.broadcast %scan3A_26 : i32 to vector<1x1xi32>
      %swap3A = arith.index_cast %scan3A_24 : i32 to index
      %swap3A_28 = arith.constant 0 : index
      %swap3A_29 = vector.load %arg1[%swap3A, %swap3A_28] : memref<2048x1xi32, #tpu.memory_space<vmem>>, vector<1x1xi32>
      tpu.vector_store %arg1[%swap3A, %swap3A_28], %broadcast_in_dim3A_27 {strides = array<i32>} : memref<2048x1xi32, #tpu.memory_space<vmem>>, vector<1x1xi32>,
      %eq3A = vector.broadcast %scan3A_26 : i32 to vector<16x128xi32>
      %eq3A_30 = arith.cmpi eq, %add3A, %eq3A : vector<16x128xi32>
      %broadcast_in_dim3A_31 = arith.constant 0.000000e+00 : f32
      %broadcast_in_dim3A_32 = vector.broadcast %broadcast_in_dim3A_31 : f32 to vector<16x128xf32>
      %select_n3A = arith.select %eq3A_30, %get3A_3, %broadcast_in_dim3A_32 : vector<16x128xi1>, vector<16x128xf32>
      %reduce_sum3A = vector.shape_cast %select_n3A : vector<16x128xf32> to vector<1x16x128xf32>
      %reduce_sum3A_33 = arith.constant dense<0.000000e+00> : vector<1xf32>
      %reduce_sum3A_34 = vector.multi_reduction <add>, %reduce_sum3A, %reduce_sum3A_33 [1, 2] : vector<1x16x128xf32> to vector<1xf32>
      %reduce_sum3A_35 = vector.shape_cast %reduce_sum3A_34 : vector<1xf32> to vector<1x1x1xf32>
      %reduce_sum3A_36 = vector.extract %reduce_sum3A_35[0, 0, 0] : f32 from vector<1x1x1xf32>
      %select_n3A_37 = arith.select %eq3A_30, %get3A_8, %broadcast_in_dim3A_32 : vector<16x128xi1>, vector<16x128xf32>
      %reduce_sum3A_38 = vector.shape_cast %select_n3A_37 : vector<16x128xf32> to vector<1x16x128xf32>
      %reduce_sum3A_39 = arith.constant dense<0.000000e+00> : vector<1xf32>
      %reduce_sum3A_40 = vector.multi_reduction <add>, %reduce_sum3A_38, %reduce_sum3A_39 [1, 2] : vector<1x16x128xf32> to vector<1xf32>
      %reduce_sum3A_41 = vector.shape_cast %reduce_sum3A_40 : vector<1xf32> to vector<1x1x1xf32>
      %reduce_sum3A_42 = vector.extract %reduce_sum3A_41[0, 0, 0] : f32 from vector<1x1x1xf32>
      %select_n3A_43 = arith.select %eq3A_30, %get3A_13, %broadcast_in_dim3A_32 : vector<16x128xi1>, vector<16x128xf32>
      %reduce_sum3A_44 = vector.shape_cast %select_n3A_43 : vector<16x128xf32> to vector<1x16x128xf32>
      %reduce_sum3A_45 = arith.constant dense<0.000000e+00> : vector<1xf32>
      %reduce_sum3A_46 = vector.multi_reduction <add>, %reduce_sum3A_44, %reduce_sum3A_45 [1, 2] : vector<1x16x128xf32> to vector<1xf32>
      %reduce_sum3A_47 = vector.shape_cast %reduce_sum3A_46 : vector<1xf32> to vector<1x1x1xf32>
      %reduce_sum3A_48 = vector.extract %reduce_sum3A_47[0, 0, 0] : f32 from vector<1x1x1xf32>
      %reshape3A = vector.broadcast %reduce_sum3A_36 : f32 to vector<1x1xf32>
      %reshape3A_49 = vector.broadcast %reduce_sum3A_42 : f32 to vector<1x1xf32>
      %reshape3A_50 = vector.broadcast %reduce_sum3A_48 : f32 to vector<1x1xf32>
      %concatenate3A = tpu.concatenate %reshape3A, %reshape3A_49, %reshape3A_50 in 1 : vector<1x1xf32>, vector<1x1xf32>, vector<1x1xf32> -> vector<1x3xf32>
      %swap3A_51 = arith.index_cast %scan3A_24 : i32 to index
      %swap3A_52 = arith.constant 0 : index
      %swap3A_53 = vector.load %arg2[%swap3A_51, %swap3A_52] : memref<2048x3xf32, #tpu.memory_space<vmem>>, vector<1x3xf32>
      tpu.vector_store %arg2[%swap3A_51, %swap3A_52], %concatenate3A {strides = array<i32>} : memref<2048x3xf32, #tpu.memory_space<vmem>>, vector<1x3xf32>,
      %sub3A = vector.broadcast %reduce_sum3A_36 : f32 to vector<16x128xf32>
      %sub3A_54 = arith.subf %get3A_3, %sub3A : vector<16x128xf32>
      %sub3A_55 = vector.broadcast %reduce_sum3A_42 : f32 to vector<16x128xf32>
      %sub3A_56 = arith.subf %get3A_8, %sub3A_55 : vector<16x128xf32>
      %sub3A_57 = vector.broadcast %reduce_sum3A_48 : f32 to vector<16x128xf32>
      %sub3A_58 = arith.subf %get3A_13, %sub3A_57 : vector<16x128xf32>
      %mul3A_59 = arith.mulf %sub3A_54, %sub3A_54 : vector<16x128xf32>
      %mul3A_60 = arith.mulf %sub3A_56, %sub3A_56 : vector<16x128xf32>
      %add3A_61 = arith.addf %mul3A_59, %mul3A_60 : vector<16x128xf32>
      %mul3A_62 = arith.mulf %sub3A_58, %sub3A_58 : vector<16x128xf32>
      %add3A_63 = arith.addf %add3A_61, %mul3A_62 : vector<16x128xf32>
      %min3A = arith.minimumf %scan3A_25, %add3A_63 : vector<16x128xf32>
      %reduce_max3A = vector.shape_cast %min3A : vector<16x128xf32> to vector<1x16x128xf32>
      %reduce_max3A_64 = arith.constant dense<0xFF800000> : vector<1xf32>
      %reduce_max3A_65 = vector.multi_reduction <maximumf>, %reduce_max3A, %reduce_max3A_64 [1, 2] : vector<1x16x128xf32> to vector<1xf32>
      %reduce_max3A_66 = vector.shape_cast %reduce_max3A_65 : vector<1xf32> to vector<1x1x1xf32>
      %reduce_max3A_67 = vector.extract %reduce_max3A_66[0, 0, 0] : f32 from vector<1x1x1xf32>
      %eq3A_68 = vector.broadcast %reduce_max3A_67 : f32 to vector<16x128xf32>
      %eq3A_69 = arith.cmpf oeq, %min3A, %eq3A_68 : vector<16x128xf32>
      %broadcast_in_dim3A_70 = arith.constant 2048 : i32
      %broadcast_in_dim3A_71 = vector.broadcast %broadcast_in_dim3A_70 : i32 to vector<16x128xi32>
      %select_n3A_72 = arith.select %eq3A_69, %add3A, %broadcast_in_dim3A_71 : vector<16x128xi1>, vector<16x128xi32>
      %reduce_min3A = vector.shape_cast %select_n3A_72 : vector<16x128xi32> to vector<1x16x128xi32>
      %reduce_min3A_73 = arith.constant dense<2147483647> : vector<1xi32>
      %reduce_min3A_74 = vector.multi_reduction <minsi>, %reduce_min3A, %reduce_min3A_73 [1, 2] : vector<1x16x128xi32> to vector<1xi32>
      %reduce_min3A_75 = vector.shape_cast %reduce_min3A_74 : vector<1xi32> to vector<1x1x1xi32>
      %reduce_min3A_76 = vector.extract %reduce_min3A_75[0, 0, 0] : i32 from vector<1x1x1xi32>
      scf.yield %min3A, %reduce_min3A_76 : vector<16x128xf32>, i32
    }
    %scan3A_23 = arith.constant 2048 : i32
    return
  }
}

module attributes {stable_mosaic.version = 14 : i64} {
  func.func @_bq_body(%arg0: i32, %arg1: memref<256x3xf32, #tpu.memory_space<vmem>>, %arg2: memref<3x2048xf32, #tpu.memory_space<vmem>>, %arg3: memref<256x32xi32, #tpu.memory_space<vmem>>) attributes {dimension_semantics = [#tpu.dimension_semantics<arbitrary>], iteration_bounds = array<i64: 8>, scalar_prefetch = 0 : i64, scratch_operands = 0 : i64, tpu.core_type = #tpu.core_type<tc>, window_params = [{transform_indices = @transform_0, window_bounds = array<i64: 256, 3>}, {pipeline_mode = #tpu.pipeline_mode<synchronous>, transform_indices = @transform_1, window_bounds = array<i64: 3, 2048>}, {transform_indices = @transform_2, window_bounds = array<i64: 256, 32>}]} {
    %get3A = arith.constant 0 : index
    %get3A_0 = arith.constant 0 : index
    %get3A_1 = vector.load %arg1[%get3A, %get3A_0] : memref<256x3xf32, #tpu.memory_space<vmem>>, vector<256x1xf32>
    %get3A_2 = arith.constant 0 : index
    %get3A_3 = arith.constant 1 : index
    %get3A_4 = vector.load %arg1[%get3A_2, %get3A_3] : memref<256x3xf32, #tpu.memory_space<vmem>>, vector<256x1xf32>
    %get3A_5 = arith.constant 0 : index
    %get3A_6 = arith.constant 2 : index
    %get3A_7 = vector.load %arg1[%get3A_5, %get3A_6] : memref<256x3xf32, #tpu.memory_space<vmem>>, vector<256x1xf32>
    %get3A_8 = arith.constant 0 : index
    %get3A_9 = arith.constant 0 : index
    %get3A_10 = vector.load %arg2[%get3A_8, %get3A_9] : memref<3x2048xf32, #tpu.memory_space<vmem>>, vector<1x2048xf32>
    %sub3A = vector.broadcast %get3A_1 : vector<256x1xf32> to vector<256x2048xf32>
    %sub3A_11 = vector.broadcast %get3A_10 : vector<1x2048xf32> to vector<256x2048xf32>
    %sub3A_12 = arith.subf %sub3A, %sub3A_11 : vector<256x2048xf32>
    %get3A_13 = arith.constant 1 : index
    %get3A_14 = arith.constant 0 : index
    %get3A_15 = vector.load %arg2[%get3A_13, %get3A_14] : memref<3x2048xf32, #tpu.memory_space<vmem>>, vector<1x2048xf32>
    %sub3A_16 = vector.broadcast %get3A_4 : vector<256x1xf32> to vector<256x2048xf32>
    %sub3A_17 = vector.broadcast %get3A_15 : vector<1x2048xf32> to vector<256x2048xf32>
    %sub3A_18 = arith.subf %sub3A_16, %sub3A_17 : vector<256x2048xf32>
    %get3A_19 = arith.constant 2 : index
    %get3A_20 = arith.constant 0 : index
    %get3A_21 = vector.load %arg2[%get3A_19, %get3A_20] : memref<3x2048xf32, #tpu.memory_space<vmem>>, vector<1x2048xf32>
    %sub3A_22 = vector.broadcast %get3A_7 : vector<256x1xf32> to vector<256x2048xf32>
    %sub3A_23 = vector.broadcast %get3A_21 : vector<1x2048xf32> to vector<256x2048xf32>
    %sub3A_24 = arith.subf %sub3A_22, %sub3A_23 : vector<256x2048xf32>
    %mul3A = arith.mulf %sub3A_12, %sub3A_12 : vector<256x2048xf32>
    %mul3A_25 = arith.mulf %sub3A_18, %sub3A_18 : vector<256x2048xf32>
    %add3A = arith.addf %mul3A, %mul3A_25 : vector<256x2048xf32>
    %mul3A_26 = arith.mulf %sub3A_24, %sub3A_24 : vector<256x2048xf32>
    %add3A_27 = arith.addf %add3A, %mul3A_26 : vector<256x2048xf32>
    %le3A = arith.constant 4.000000e-02 : f32
    %le3A_28 = vector.broadcast %le3A : f32 to vector<256x2048xf32>
    %le3A_29 = arith.cmpf ole, %add3A_27, %le3A_28 : vector<256x2048xf32>
    %broadcast_in_dim3A = arith.constant 1.000000e+00 : f32
    %broadcast_in_dim3A_30 = vector.broadcast %broadcast_in_dim3A : f32 to vector<256x2048xf32>
    %broadcast_in_dim3A_31 = arith.constant 0.000000e+00 : f32
    %broadcast_in_dim3A_32 = vector.broadcast %broadcast_in_dim3A_31 : f32 to vector<256x2048xf32>
    %select_n3A = arith.select %le3A_29, %broadcast_in_dim3A_30, %broadcast_in_dim3A_32 : vector<256x2048xi1>, vector<256x2048xf32>
    %iota3A = tpu.iota {dimensions = array<i32: 1>} : vector<1x2048xi32>
    %roll3A = arith.constant 1 : i32
    %roll3A_33 = tpu.dynamic_rotate %select_n3A by %roll3A dim 1 : vector<256x2048xf32>, i32 -> vector<256x2048xf32>
    %ge3A = arith.constant 1 : i32
    %ge3A_34 = vector.broadcast %ge3A : i32 to vector<1x2048xi32>
    %ge3A_35 = arith.cmpi sge, %iota3A, %ge3A_34 : vector<1x2048xi32>
    %broadcast_in_dim3A_36 = arith.constant 0.000000e+00 : f32
    %broadcast_in_dim3A_37 = vector.broadcast %broadcast_in_dim3A_36 : f32 to vector<256x2048xf32>
    %broadcast_in_dim3A_38 = vector.shape_cast %ge3A_35 : vector<1x2048xi1> to vector<1x2048xi1>
    %broadcast_in_dim3A_39 = vector.broadcast %broadcast_in_dim3A_38 : vector<1x2048xi1> to vector<256x2048xi1>
    %select_n3A_40 = arith.select %broadcast_in_dim3A_39, %roll3A_33, %broadcast_in_dim3A_37 : vector<256x2048xi1>, vector<256x2048xf32>
    %add3A_41 = arith.addf %select_n3A, %select_n3A_40 : vector<256x2048xf32>
    %roll3A_42 = arith.constant 2 : i32
    %roll3A_43 = tpu.dynamic_rotate %add3A_41 by %roll3A_42 dim 1 : vector<256x2048xf32>, i32 -> vector<256x2048xf32>
    %ge3A_44 = arith.constant 2 : i32
    %ge3A_45 = vector.broadcast %ge3A_44 : i32 to vector<1x2048xi32>
    %ge3A_46 = arith.cmpi sge, %iota3A, %ge3A_45 : vector<1x2048xi32>
    %broadcast_in_dim3A_47 = arith.constant 0.000000e+00 : f32
    %broadcast_in_dim3A_48 = vector.broadcast %broadcast_in_dim3A_47 : f32 to vector<256x2048xf32>
    %broadcast_in_dim3A_49 = vector.shape_cast %ge3A_46 : vector<1x2048xi1> to vector<1x2048xi1>
    %broadcast_in_dim3A_50 = vector.broadcast %broadcast_in_dim3A_49 : vector<1x2048xi1> to vector<256x2048xi1>
    %select_n3A_51 = arith.select %broadcast_in_dim3A_50, %roll3A_43, %broadcast_in_dim3A_48 : vector<256x2048xi1>, vector<256x2048xf32>
    %add3A_52 = arith.addf %add3A_41, %select_n3A_51 : vector<256x2048xf32>
    %roll3A_53 = arith.constant 4 : i32
    %roll3A_54 = tpu.dynamic_rotate %add3A_52 by %roll3A_53 dim 1 : vector<256x2048xf32>, i32 -> vector<256x2048xf32>
    %ge3A_55 = arith.constant 4 : i32
    %ge3A_56 = vector.broadcast %ge3A_55 : i32 to vector<1x2048xi32>
    %ge3A_57 = arith.cmpi sge, %iota3A, %ge3A_56 : vector<1x2048xi32>
    %broadcast_in_dim3A_58 = arith.constant 0.000000e+00 : f32
    %broadcast_in_dim3A_59 = vector.broadcast %broadcast_in_dim3A_58 : f32 to vector<256x2048xf32>
    %broadcast_in_dim3A_60 = vector.shape_cast %ge3A_57 : vector<1x2048xi1> to vector<1x2048xi1>
    %broadcast_in_dim3A_61 = vector.broadcast %broadcast_in_dim3A_60 : vector<1x2048xi1> to vector<256x2048xi1>
    %select_n3A_62 = arith.select %broadcast_in_dim3A_61, %roll3A_54, %broadcast_in_dim3A_59 : vector<256x2048xi1>, vector<256x2048xf32>
    %add3A_63 = arith.addf %add3A_52, %select_n3A_62 : vector<256x2048xf32>
    %roll3A_64 = arith.constant 8 : i32
    %roll3A_65 = tpu.dynamic_rotate %add3A_63 by %roll3A_64 dim 1 : vector<256x2048xf32>, i32 -> vector<256x2048xf32>
    %ge3A_66 = arith.constant 8 : i32
    %ge3A_67 = vector.broadcast %ge3A_66 : i32 to vector<1x2048xi32>
    %ge3A_68 = arith.cmpi sge, %iota3A, %ge3A_67 : vector<1x2048xi32>
    %broadcast_in_dim3A_69 = arith.constant 0.000000e+00 : f32
    %broadcast_in_dim3A_70 = vector.broadcast %broadcast_in_dim3A_69 : f32 to vector<256x2048xf32>
    %broadcast_in_dim3A_71 = vector.shape_cast %ge3A_68 : vector<1x2048xi1> to vector<1x2048xi1>
    %broadcast_in_dim3A_72 = vector.broadcast %broadcast_in_dim3A_71 : vector<1x2048xi1> to vector<256x2048xi1>
    %select_n3A_73 = arith.select %broadcast_in_dim3A_72, %roll3A_65, %broadcast_in_dim3A_70 : vector<256x2048xi1>, vector<256x2048xf32>
    %add3A_74 = arith.addf %add3A_63, %select_n3A_73 : vector<256x2048xf32>
    %roll3A_75 = arith.constant 16 : i32
    %roll3A_76 = tpu.dynamic_rotate %add3A_74 by %roll3A_75 dim 1 : vector<256x2048xf32>, i32 -> vector<256x2048xf32>
    %ge3A_77 = arith.constant 16 : i32
    %ge3A_78 = vector.broadcast %ge3A_77 : i32 to vector<1x2048xi32>
    %ge3A_79 = arith.cmpi sge, %iota3A, %ge3A_78 : vector<1x2048xi32>
    %broadcast_in_dim3A_80 = arith.constant 0.000000e+00 : f32
    %broadcast_in_dim3A_81 = vector.broadcast %broadcast_in_dim3A_80 : f32 to vector<256x2048xf32>
    %broadcast_in_dim3A_82 = vector.shape_cast %ge3A_79 : vector<1x2048xi1> to vector<1x2048xi1>
    %broadcast_in_dim3A_83 = vector.broadcast %broadcast_in_dim3A_82 : vector<1x2048xi1> to vector<256x2048xi1>
    %select_n3A_84 = arith.select %broadcast_in_dim3A_83, %roll3A_76, %broadcast_in_dim3A_81 : vector<256x2048xi1>, vector<256x2048xf32>
    %add3A_85 = arith.addf %add3A_74, %select_n3A_84 : vector<256x2048xf32>
    %roll3A_86 = arith.constant 32 : i32
    %roll3A_87 = tpu.dynamic_rotate %add3A_85 by %roll3A_86 dim 1 : vector<256x2048xf32>, i32 -> vector<256x2048xf32>
    %ge3A_88 = arith.constant 32 : i32
    %ge3A_89 = vector.broadcast %ge3A_88 : i32 to vector<1x2048xi32>
    %ge3A_90 = arith.cmpi sge, %iota3A, %ge3A_89 : vector<1x2048xi32>
    %broadcast_in_dim3A_91 = arith.constant 0.000000e+00 : f32
    %broadcast_in_dim3A_92 = vector.broadcast %broadcast_in_dim3A_91 : f32 to vector<256x2048xf32>
    %broadcast_in_dim3A_93 = vector.shape_cast %ge3A_90 : vector<1x2048xi1> to vector<1x2048xi1>
    %broadcast_in_dim3A_94 = vector.broadcast %broadcast_in_dim3A_93 : vector<1x2048xi1> to vector<256x2048xi1>
    %select_n3A_95 = arith.select %broadcast_in_dim3A_94, %roll3A_87, %broadcast_in_dim3A_92 : vector<256x2048xi1>, vector<256x2048xf32>
    %add3A_96 = arith.addf %add3A_85, %select_n3A_95 : vector<256x2048xf32>
    %roll3A_97 = arith.constant 64 : i32
    %roll3A_98 = tpu.dynamic_rotate %add3A_96 by %roll3A_97 dim 1 : vector<256x2048xf32>, i32 -> vector<256x2048xf32>
    %ge3A_99 = arith.constant 64 : i32
    %ge3A_100 = vector.broadcast %ge3A_99 : i32 to vector<1x2048xi32>
    %ge3A_101 = arith.cmpi sge, %iota3A, %ge3A_100 : vector<1x2048xi32>
    %broadcast_in_dim3A_102 = arith.constant 0.000000e+00 : f32
    %broadcast_in_dim3A_103 = vector.broadcast %broadcast_in_dim3A_102 : f32 to vector<256x2048xf32>
    %broadcast_in_dim3A_104 = vector.shape_cast %ge3A_101 : vector<1x2048xi1> to vector<1x2048xi1>
    %broadcast_in_dim3A_105 = vector.broadcast %broadcast_in_dim3A_104 : vector<1x2048xi1> to vector<256x2048xi1>
    %select_n3A_106 = arith.select %broadcast_in_dim3A_105, %roll3A_98, %broadcast_in_dim3A_103 : vector<256x2048xi1>, vector<256x2048xf32>
    %add3A_107 = arith.addf %add3A_96, %select_n3A_106 : vector<256x2048xf32>
    %roll3A_108 = arith.constant 128 : i32
    %roll3A_109 = tpu.dynamic_rotate %add3A_107 by %roll3A_108 dim 1 : vector<256x2048xf32>, i32 -> vector<256x2048xf32>
    %ge3A_110 = arith.constant 128 : i32
    %ge3A_111 = vector.broadcast %ge3A_110 : i32 to vector<1x2048xi32>
    %ge3A_112 = arith.cmpi sge, %iota3A, %ge3A_111 : vector<1x2048xi32>
    %broadcast_in_dim3A_113 = arith.constant 0.000000e+00 : f32
    %broadcast_in_dim3A_114 = vector.broadcast %broadcast_in_dim3A_113 : f32 to vector<256x2048xf32>
    %broadcast_in_dim3A_115 = vector.shape_cast %ge3A_112 : vector<1x2048xi1> to vector<1x2048xi1>
    %broadcast_in_dim3A_116 = vector.broadcast %broadcast_in_dim3A_115 : vector<1x2048xi1> to vector<256x2048xi1>
    %select_n3A_117 = arith.select %broadcast_in_dim3A_116, %roll3A_109, %broadcast_in_dim3A_114 : vector<256x2048xi1>, vector<256x2048xf32>
    %add3A_118 = arith.addf %add3A_107, %select_n3A_117 : vector<256x2048xf32>
    %roll3A_119 = arith.constant 256 : i32
    %roll3A_120 = tpu.dynamic_rotate %add3A_118 by %roll3A_119 dim 1 : vector<256x2048xf32>, i32 -> vector<256x2048xf32>
    %ge3A_121 = arith.constant 256 : i32
    %ge3A_122 = vector.broadcast %ge3A_121 : i32 to vector<1x2048xi32>
    %ge3A_123 = arith.cmpi sge, %iota3A, %ge3A_122 : vector<1x2048xi32>
    %broadcast_in_dim3A_124 = arith.constant 0.000000e+00 : f32
    %broadcast_in_dim3A_125 = vector.broadcast %broadcast_in_dim3A_124 : f32 to vector<256x2048xf32>
    %broadcast_in_dim3A_126 = vector.shape_cast %ge3A_123 : vector<1x2048xi1> to vector<1x2048xi1>
    %broadcast_in_dim3A_127 = vector.broadcast %broadcast_in_dim3A_126 : vector<1x2048xi1> to vector<256x2048xi1>
    %select_n3A_128 = arith.select %broadcast_in_dim3A_127, %roll3A_120, %broadcast_in_dim3A_125 : vector<256x2048xi1>, vector<256x2048xf32>
    %add3A_129 = arith.addf %add3A_118, %select_n3A_128 : vector<256x2048xf32>
    %roll3A_130 = arith.constant 512 : i32
    %roll3A_131 = tpu.dynamic_rotate %add3A_129 by %roll3A_130 dim 1 : vector<256x2048xf32>, i32 -> vector<256x2048xf32>
    %ge3A_132 = arith.constant 512 : i32
    %ge3A_133 = vector.broadcast %ge3A_132 : i32 to vector<1x2048xi32>
    %ge3A_134 = arith.cmpi sge, %iota3A, %ge3A_133 : vector<1x2048xi32>
    %broadcast_in_dim3A_135 = arith.constant 0.000000e+00 : f32
    %broadcast_in_dim3A_136 = vector.broadcast %broadcast_in_dim3A_135 : f32 to vector<256x2048xf32>
    %broadcast_in_dim3A_137 = vector.shape_cast %ge3A_134 : vector<1x2048xi1> to vector<1x2048xi1>
    %broadcast_in_dim3A_138 = vector.broadcast %broadcast_in_dim3A_137 : vector<1x2048xi1> to vector<256x2048xi1>
    %select_n3A_139 = arith.select %broadcast_in_dim3A_138, %roll3A_131, %broadcast_in_dim3A_136 : vector<256x2048xi1>, vector<256x2048xf32>
    %add3A_140 = arith.addf %add3A_129, %select_n3A_139 : vector<256x2048xf32>
    %roll3A_141 = arith.constant 1024 : i32
    %roll3A_142 = tpu.dynamic_rotate %add3A_140 by %roll3A_141 dim 1 : vector<256x2048xf32>, i32 -> vector<256x2048xf32>
    %ge3A_143 = arith.constant 1024 : i32
    %ge3A_144 = vector.broadcast %ge3A_143 : i32 to vector<1x2048xi32>
    %ge3A_145 = arith.cmpi sge, %iota3A, %ge3A_144 : vector<1x2048xi32>
    %broadcast_in_dim3A_146 = arith.constant 0.000000e+00 : f32
    %broadcast_in_dim3A_147 = vector.broadcast %broadcast_in_dim3A_146 : f32 to vector<256x2048xf32>
    %broadcast_in_dim3A_148 = vector.shape_cast %ge3A_145 : vector<1x2048xi1> to vector<1x2048xi1>
    %broadcast_in_dim3A_149 = vector.broadcast %broadcast_in_dim3A_148 : vector<1x2048xi1> to vector<256x2048xi1>
    %select_n3A_150 = arith.select %broadcast_in_dim3A_149, %roll3A_142, %broadcast_in_dim3A_147 : vector<256x2048xi1>, vector<256x2048xf32>
    %add3A_151 = arith.addf %add3A_140, %select_n3A_150 : vector<256x2048xf32>
    %le3A_152 = arith.constant 0.000000e+00 : f32
    %le3A_153 = vector.broadcast %le3A_152 : f32 to vector<256x2048xf32>
    %le3A_154 = arith.cmpf ole, %add3A_151, %le3A_153 : vector<256x2048xf32>
    %broadcast_in_dim3A_155 = arith.constant 1.000000e+00 : f32
    %broadcast_in_dim3A_156 = vector.broadcast %broadcast_in_dim3A_155 : f32 to vector<256x2048xf32>
    %broadcast_in_dim3A_157 = arith.constant 0.000000e+00 : f32
    %broadcast_in_dim3A_158 = vector.broadcast %broadcast_in_dim3A_157 : f32 to vector<256x2048xf32>
    %select_n3A_159 = arith.select %le3A_154, %broadcast_in_dim3A_156, %broadcast_in_dim3A_158 : vector<256x2048xi1>, vector<256x2048xf32>
    %reduce_sum3A = arith.constant dense<0.000000e+00> : vector<256xf32>
    %reduce_sum3A_160 = vector.multi_reduction <add>, %select_n3A_159, %reduce_sum3A [1] : vector<256x2048xf32> to vector<256xf32>
    %broadcast_in_dim3A_161 = vector.shape_cast %reduce_sum3A_160 : vector<256xf32> to vector<256x1xf32>
    %le3A_162 = arith.constant 1.000000e+00 : f32
    %le3A_163 = vector.broadcast %le3A_162 : f32 to vector<256x2048xf32>
    %le3A_164 = arith.cmpf ole, %add3A_151, %le3A_163 : vector<256x2048xf32>
    %broadcast_in_dim3A_165 = arith.constant 1.000000e+00 : f32
    %broadcast_in_dim3A_166 = vector.broadcast %broadcast_in_dim3A_165 : f32 to vector<256x2048xf32>
    %broadcast_in_dim3A_167 = arith.constant 0.000000e+00 : f32
    %broadcast_in_dim3A_168 = vector.broadcast %broadcast_in_dim3A_167 : f32 to vector<256x2048xf32>
    %select_n3A_169 = arith.select %le3A_164, %broadcast_in_dim3A_166, %broadcast_in_dim3A_168 : vector<256x2048xi1>, vector<256x2048xf32>
    %reduce_sum3A_170 = arith.constant dense<0.000000e+00> : vector<256xf32>
    %reduce_sum3A_171 = vector.multi_reduction <add>, %select_n3A_169, %reduce_sum3A_170 [1] : vector<256x2048xf32> to vector<256xf32>
    %broadcast_in_dim3A_172 = vector.shape_cast %reduce_sum3A_171 : vector<256xf32> to vector<256x1xf32>
    %le3A_173 = arith.constant 2.000000e+00 : f32
    %le3A_174 = vector.broadcast %le3A_173 : f32 to vector<256x2048xf32>
    %le3A_175 = arith.cmpf ole, %add3A_151, %le3A_174 : vector<256x2048xf32>
    %broadcast_in_dim3A_176 = arith.constant 1.000000e+00 : f32
    %broadcast_in_dim3A_177 = vector.broadcast %broadcast_in_dim3A_176 : f32 to vector<256x2048xf32>
    %broadcast_in_dim3A_178 = arith.constant 0.000000e+00 : f32
    %broadcast_in_dim3A_179 = vector.broadcast %broadcast_in_dim3A_178 : f32 to vector<256x2048xf32>
    %select_n3A_180 = arith.select %le3A_175, %broadcast_in_dim3A_177, %broadcast_in_dim3A_179 : vector<256x2048xi1>, vector<256x2048xf32>
    %reduce_sum3A_181 = arith.constant dense<0.000000e+00> : vector<256xf32>
    %reduce_sum3A_182 = vector.multi_reduction <add>, %select_n3A_180, %reduce_sum3A_181 [1] : vector<256x2048xf32> to vector<256xf32>
    %broadcast_in_dim3A_183 = vector.shape_cast %reduce_sum3A_182 : vector<256xf32> to vector<256x1xf32>
    %le3A_184 = arith.constant 3.000000e+00 : f32
    %le3A_185 = vector.broadcast %le3A_184 : f32 to vector<256x2048xf32>
    %le3A_186 = arith.cmpf ole, %add3A_151, %le3A_185 : vector<256x2048xf32>
    %broadcast_in_dim3A_187 = arith.constant 1.000000e+00 : f32
    %broadcast_in_dim3A_188 = vector.broadcast %broadcast_in_dim3A_187 : f32 to vector<256x2048xf32>
    %broadcast_in_dim3A_189 = arith.constant 0.000000e+00 : f32
    %broadcast_in_dim3A_190 = vector.broadcast %broadcast_in_dim3A_189 : f32 to vector<256x2048xf32>
    %select_n3A_191 = arith.select %le3A_186, %broadcast_in_dim3A_188, %broadcast_in_dim3A_190 : vector<256x2048xi1>, vector<256x2048xf32>
    %reduce_sum3A_192 = arith.constant dense<0.000000e+00> : vector<256xf32>
    %reduce_sum3A_193 = vector.multi_reduction <add>, %select_n3A_191, %reduce_sum3A_192 [1] : vector<256x2048xf32> to vector<256xf32>
    %broadcast_in_dim3A_194 = vector.shape_cast %reduce_sum3A_193 : vector<256xf32> to vector<256x1xf32>
    %le3A_195 = arith.constant 4.000000e+00 : f32
    %le3A_196 = vector.broadcast %le3A_195 : f32 to vector<256x2048xf32>
    %le3A_197 = arith.cmpf ole, %add3A_151, %le3A_196 : vector<256x2048xf32>
    %broadcast_in_dim3A_198 = arith.constant 1.000000e+00 : f32
    %broadcast_in_dim3A_199 = vector.broadcast %broadcast_in_dim3A_198 : f32 to vector<256x2048xf32>
    %broadcast_in_dim3A_200 = arith.constant 0.000000e+00 : f32
    %broadcast_in_dim3A_201 = vector.broadcast %broadcast_in_dim3A_200 : f32 to vector<256x2048xf32>
    %select_n3A_202 = arith.select %le3A_197, %broadcast_in_dim3A_199, %broadcast_in_dim3A_201 : vector<256x2048xi1>, vector<256x2048xf32>
    %reduce_sum3A_203 = arith.constant dense<0.000000e+00> : vector<256xf32>
    %reduce_sum3A_204 = vector.multi_reduction <add>, %select_n3A_202, %reduce_sum3A_203 [1] : vector<256x2048xf32> to vector<256xf32>
    %broadcast_in_dim3A_205 = vector.shape_cast %reduce_sum3A_204 : vector<256xf32> to vector<256x1xf32>
    %le3A_206 = arith.constant 5.000000e+00 : f32
    %le3A_207 = vector.broadcast %le3A_206 : f32 to vector<256x2048xf32>
    %le3A_208 = arith.cmpf ole, %add3A_151, %le3A_207 : vector<256x2048xf32>
    %broadcast_in_dim3A_209 = arith.constant 1.000000e+00 : f32
    %broadcast_in_dim3A_210 = vector.broadcast %broadcast_in_dim3A_209 : f32 to vector<256x2048xf32>
    %broadcast_in_dim3A_211 = arith.constant 0.000000e+00 : f32
    %broadcast_in_dim3A_212 = vector.broadcast %broadcast_in_dim3A_211 : f32 to vector<256x2048xf32>
    %select_n3A_213 = arith.select %le3A_208, %broadcast_in_dim3A_210, %broadcast_in_dim3A_212 : vector<256x2048xi1>, vector<256x2048xf32>
    %reduce_sum3A_214 = arith.constant dense<0.000000e+00> : vector<256xf32>
    %reduce_sum3A_215 = vector.multi_reduction <add>, %select_n3A_213, %reduce_sum3A_214 [1] : vector<256x2048xf32> to vector<256xf32>
    %broadcast_in_dim3A_216 = vector.shape_cast %reduce_sum3A_215 : vector<256xf32> to vector<256x1xf32>
    %le3A_217 = arith.constant 6.000000e+00 : f32
    %le3A_218 = vector.broadcast %le3A_217 : f32 to vector<256x2048xf32>
    %le3A_219 = arith.cmpf ole, %add3A_151, %le3A_218 : vector<256x2048xf32>
    %broadcast_in_dim3A_220 = arith.constant 1.000000e+00 : f32
    %broadcast_in_dim3A_221 = vector.broadcast %broadcast_in_dim3A_220 : f32 to vector<256x2048xf32>
    %broadcast_in_dim3A_222 = arith.constant 0.000000e+00 : f32
    %broadcast_in_dim3A_223 = vector.broadcast %broadcast_in_dim3A_222 : f32 to vector<256x2048xf32>
    %select_n3A_224 = arith.select %le3A_219, %broadcast_in_dim3A_221, %broadcast_in_dim3A_223 : vector<256x2048xi1>, vector<256x2048xf32>
    %reduce_sum3A_225 = arith.constant dense<0.000000e+00> : vector<256xf32>
    %reduce_sum3A_226 = vector.multi_reduction <add>, %select_n3A_224, %reduce_sum3A_225 [1] : vector<256x2048xf32> to vector<256xf32>
    %broadcast_in_dim3A_227 = vector.shape_cast %reduce_sum3A_226 : vector<256xf32> to vector<256x1xf32>
    %le3A_228 = arith.constant 7.000000e+00 : f32
    %le3A_229 = vector.broadcast %le3A_228 : f32 to vector<256x2048xf32>
    %le3A_230 = arith.cmpf ole, %add3A_151, %le3A_229 : vector<256x2048xf32>
    %broadcast_in_dim3A_231 = arith.constant 1.000000e+00 : f32
    %broadcast_in_dim3A_232 = vector.broadcast %broadcast_in_dim3A_231 : f32 to vector<256x2048xf32>
    %broadcast_in_dim3A_233 = arith.constant 0.000000e+00 : f32
    %broadcast_in_dim3A_234 = vector.broadcast %broadcast_in_dim3A_233 : f32 to vector<256x2048xf32>
    %select_n3A_235 = arith.select %le3A_230, %broadcast_in_dim3A_232, %broadcast_in_dim3A_234 : vector<256x2048xi1>, vector<256x2048xf32>
    %reduce_sum3A_236 = arith.constant dense<0.000000e+00> : vector<256xf32>
    %reduce_sum3A_237 = vector.multi_reduction <add>, %select_n3A_235, %reduce_sum3A_236 [1] : vector<256x2048xf32> to vector<256xf32>
    %broadcast_in_dim3A_238 = vector.shape_cast %reduce_sum3A_237 : vector<256xf32> to vector<256x1xf32>
    %le3A_239 = arith.constant 8.000000e+00 : f32
    %le3A_240 = vector.broadcast %le3A_239 : f32 to vector<256x2048xf32>
    %le3A_241 = arith.cmpf ole, %add3A_151, %le3A_240 : vector<256x2048xf32>
    %broadcast_in_dim3A_242 = arith.constant 1.000000e+00 : f32
    %broadcast_in_dim3A_243 = vector.broadcast %broadcast_in_dim3A_242 : f32 to vector<256x2048xf32>
    %broadcast_in_dim3A_244 = arith.constant 0.000000e+00 : f32
    %broadcast_in_dim3A_245 = vector.broadcast %broadcast_in_dim3A_244 : f32 to vector<256x2048xf32>
    %select_n3A_246 = arith.select %le3A_241, %broadcast_in_dim3A_243, %broadcast_in_dim3A_245 : vector<256x2048xi1>, vector<256x2048xf32>
    %reduce_sum3A_247 = arith.constant dense<0.000000e+00> : vector<256xf32>
    %reduce_sum3A_248 = vector.multi_reduction <add>, %select_n3A_246, %reduce_sum3A_247 [1] : vector<256x2048xf32> to vector<256xf32>
    %broadcast_in_dim3A_249 = vector.shape_cast %reduce_sum3A_248 : vector<256xf32> to vector<256x1xf32>
    %le3A_250 = arith.constant 9.000000e+00 : f32
    %le3A_251 = vector.broadcast %le3A_250 : f32 to vector<256x2048xf32>
    %le3A_252 = arith.cmpf ole, %add3A_151, %le3A_251 : vector<256x2048xf32>
    %broadcast_in_dim3A_253 = arith.constant 1.000000e+00 : f32
    %broadcast_in_dim3A_254 = vector.broadcast %broadcast_in_dim3A_253 : f32 to vector<256x2048xf32>
    %broadcast_in_dim3A_255 = arith.constant 0.000000e+00 : f32
    %broadcast_in_dim3A_256 = vector.broadcast %broadcast_in_dim3A_255 : f32 to vector<256x2048xf32>
    %select_n3A_257 = arith.select %le3A_252, %broadcast_in_dim3A_254, %broadcast_in_dim3A_256 : vector<256x2048xi1>, vector<256x2048xf32>
    %reduce_sum3A_258 = arith.constant dense<0.000000e+00> : vector<256xf32>
    %reduce_sum3A_259 = vector.multi_reduction <add>, %select_n3A_257, %reduce_sum3A_258 [1] : vector<256x2048xf32> to vector<256xf32>
    %broadcast_in_dim3A_260 = vector.shape_cast %reduce_sum3A_259 : vector<256xf32> to vector<256x1xf32>
    %le3A_261 = arith.constant 1.000000e+01 : f32
    %le3A_262 = vector.broadcast %le3A_261 : f32 to vector<256x2048xf32>
    %le3A_263 = arith.cmpf ole, %add3A_151, %le3A_262 : vector<256x2048xf32>
    %broadcast_in_dim3A_264 = arith.constant 1.000000e+00 : f32
    %broadcast_in_dim3A_265 = vector.broadcast %broadcast_in_dim3A_264 : f32 to vector<256x2048xf32>
    %broadcast_in_dim3A_266 = arith.constant 0.000000e+00 : f32
    %broadcast_in_dim3A_267 = vector.broadcast %broadcast_in_dim3A_266 : f32 to vector<256x2048xf32>
    %select_n3A_268 = arith.select %le3A_263, %broadcast_in_dim3A_265, %broadcast_in_dim3A_267 : vector<256x2048xi1>, vector<256x2048xf32>
    %reduce_sum3A_269 = arith.constant dense<0.000000e+00> : vector<256xf32>
    %reduce_sum3A_270 = vector.multi_reduction <add>, %select_n3A_268, %reduce_sum3A_269 [1] : vector<256x2048xf32> to vector<256xf32>
    %broadcast_in_dim3A_271 = vector.shape_cast %reduce_sum3A_270 : vector<256xf32> to vector<256x1xf32>
    %le3A_272 = arith.constant 1.100000e+01 : f32
    %le3A_273 = vector.broadcast %le3A_272 : f32 to vector<256x2048xf32>
    %le3A_274 = arith.cmpf ole, %add3A_151, %le3A_273 : vector<256x2048xf32>
    %broadcast_in_dim3A_275 = arith.constant 1.000000e+00 : f32
    %broadcast_in_dim3A_276 = vector.broadcast %broadcast_in_dim3A_275 : f32 to vector<256x2048xf32>
    %broadcast_in_dim3A_277 = arith.constant 0.000000e+00 : f32
    %broadcast_in_dim3A_278 = vector.broadcast %broadcast_in_dim3A_277 : f32 to vector<256x2048xf32>
    %select_n3A_279 = arith.select %le3A_274, %broadcast_in_dim3A_276, %broadcast_in_dim3A_278 : vector<256x2048xi1>, vector<256x2048xf32>
    %reduce_sum3A_280 = arith.constant dense<0.000000e+00> : vector<256xf32>
    %reduce_sum3A_281 = vector.multi_reduction <add>, %select_n3A_279, %reduce_sum3A_280 [1] : vector<256x2048xf32> to vector<256xf32>
    %broadcast_in_dim3A_282 = vector.shape_cast %reduce_sum3A_281 : vector<256xf32> to vector<256x1xf32>
    %le3A_283 = arith.constant 1.200000e+01 : f32
    %le3A_284 = vector.broadcast %le3A_283 : f32 to vector<256x2048xf32>
    %le3A_285 = arith.cmpf ole, %add3A_151, %le3A_284 : vector<256x2048xf32>
    %broadcast_in_dim3A_286 = arith.constant 1.000000e+00 : f32
    %broadcast_in_dim3A_287 = vector.broadcast %broadcast_in_dim3A_286 : f32 to vector<256x2048xf32>
    %broadcast_in_dim3A_288 = arith.constant 0.000000e+00 : f32
    %broadcast_in_dim3A_289 = vector.broadcast %broadcast_in_dim3A_288 : f32 to vector<256x2048xf32>
    %select_n3A_290 = arith.select %le3A_285, %broadcast_in_dim3A_287, %broadcast_in_dim3A_289 : vector<256x2048xi1>, vector<256x2048xf32>
    %reduce_sum3A_291 = arith.constant dense<0.000000e+00> : vector<256xf32>
    %reduce_sum3A_292 = vector.multi_reduction <add>, %select_n3A_290, %reduce_sum3A_291 [1] : vector<256x2048xf32> to vector<256xf32>
    %broadcast_in_dim3A_293 = vector.shape_cast %reduce_sum3A_292 : vector<256xf32> to vector<256x1xf32>
    %le3A_294 = arith.constant 1.300000e+01 : f32
    %le3A_295 = vector.broadcast %le3A_294 : f32 to vector<256x2048xf32>
    %le3A_296 = arith.cmpf ole, %add3A_151, %le3A_295 : vector<256x2048xf32>
    %broadcast_in_dim3A_297 = arith.constant 1.000000e+00 : f32
    %broadcast_in_dim3A_298 = vector.broadcast %broadcast_in_dim3A_297 : f32 to vector<256x2048xf32>
    %broadcast_in_dim3A_299 = arith.constant 0.000000e+00 : f32
    %broadcast_in_dim3A_300 = vector.broadcast %broadcast_in_dim3A_299 : f32 to vector<256x2048xf32>
    %select_n3A_301 = arith.select %le3A_296, %broadcast_in_dim3A_298, %broadcast_in_dim3A_300 : vector<256x2048xi1>, vector<256x2048xf32>
    %reduce_sum3A_302 = arith.constant dense<0.000000e+00> : vector<256xf32>
    %reduce_sum3A_303 = vector.multi_reduction <add>, %select_n3A_301, %reduce_sum3A_302 [1] : vector<256x2048xf32> to vector<256xf32>
    %broadcast_in_dim3A_304 = vector.shape_cast %reduce_sum3A_303 : vector<256xf32> to vector<256x1xf32>
    %le3A_305 = arith.constant 1.400000e+01 : f32
    %le3A_306 = vector.broadcast %le3A_305 : f32 to vector<256x2048xf32>
    %le3A_307 = arith.cmpf ole, %add3A_151, %le3A_306 : vector<256x2048xf32>
    %broadcast_in_dim3A_308 = arith.constant 1.000000e+00 : f32
    %broadcast_in_dim3A_309 = vector.broadcast %broadcast_in_dim3A_308 : f32 to vector<256x2048xf32>
    %broadcast_in_dim3A_310 = arith.constant 0.000000e+00 : f32
    %broadcast_in_dim3A_311 = vector.broadcast %broadcast_in_dim3A_310 : f32 to vector<256x2048xf32>
    %select_n3A_312 = arith.select %le3A_307, %broadcast_in_dim3A_309, %broadcast_in_dim3A_311 : vector<256x2048xi1>, vector<256x2048xf32>
    %reduce_sum3A_313 = arith.constant dense<0.000000e+00> : vector<256xf32>
    %reduce_sum3A_314 = vector.multi_reduction <add>, %select_n3A_312, %reduce_sum3A_313 [1] : vector<256x2048xf32> to vector<256xf32>
    %broadcast_in_dim3A_315 = vector.shape_cast %reduce_sum3A_314 : vector<256xf32> to vector<256x1xf32>
    %le3A_316 = arith.constant 1.500000e+01 : f32
    %le3A_317 = vector.broadcast %le3A_316 : f32 to vector<256x2048xf32>
    %le3A_318 = arith.cmpf ole, %add3A_151, %le3A_317 : vector<256x2048xf32>
    %broadcast_in_dim3A_319 = arith.constant 1.000000e+00 : f32
    %broadcast_in_dim3A_320 = vector.broadcast %broadcast_in_dim3A_319 : f32 to vector<256x2048xf32>
    %broadcast_in_dim3A_321 = arith.constant 0.000000e+00 : f32
    %broadcast_in_dim3A_322 = vector.broadcast %broadcast_in_dim3A_321 : f32 to vector<256x2048xf32>
    %select_n3A_323 = arith.select %le3A_318, %broadcast_in_dim3A_320, %broadcast_in_dim3A_322 : vector<256x2048xi1>, vector<256x2048xf32>
    %reduce_sum3A_324 = arith.constant dense<0.000000e+00> : vector<256xf32>
    %reduce_sum3A_325 = vector.multi_reduction <add>, %select_n3A_323, %reduce_sum3A_324 [1] : vector<256x2048xf32> to vector<256xf32>
    %broadcast_in_dim3A_326 = vector.shape_cast %reduce_sum3A_325 : vector<256xf32> to vector<256x1xf32>
    %le3A_327 = arith.constant 1.600000e+01 : f32
    %le3A_328 = vector.broadcast %le3A_327 : f32 to vector<256x2048xf32>
    %le3A_329 = arith.cmpf ole, %add3A_151, %le3A_328 : vector<256x2048xf32>
    %broadcast_in_dim3A_330 = arith.constant 1.000000e+00 : f32
    %broadcast_in_dim3A_331 = vector.broadcast %broadcast_in_dim3A_330 : f32 to vector<256x2048xf32>
    %broadcast_in_dim3A_332 = arith.constant 0.000000e+00 : f32
    %broadcast_in_dim3A_333 = vector.broadcast %broadcast_in_dim3A_332 : f32 to vector<256x2048xf32>
    %select_n3A_334 = arith.select %le3A_329, %broadcast_in_dim3A_331, %broadcast_in_dim3A_333 : vector<256x2048xi1>, vector<256x2048xf32>
    %reduce_sum3A_335 = arith.constant dense<0.000000e+00> : vector<256xf32>
    %reduce_sum3A_336 = vector.multi_reduction <add>, %select_n3A_334, %reduce_sum3A_335 [1] : vector<256x2048xf32> to vector<256xf32>
    %broadcast_in_dim3A_337 = vector.shape_cast %reduce_sum3A_336 : vector<256xf32> to vector<256x1xf32>
    %le3A_338 = arith.constant 1.700000e+01 : f32
    %le3A_339 = vector.broadcast %le3A_338 : f32 to vector<256x2048xf32>
    %le3A_340 = arith.cmpf ole, %add3A_151, %le3A_339 : vector<256x2048xf32>
    %broadcast_in_dim3A_341 = arith.constant 1.000000e+00 : f32
    %broadcast_in_dim3A_342 = vector.broadcast %broadcast_in_dim3A_341 : f32 to vector<256x2048xf32>
    %broadcast_in_dim3A_343 = arith.constant 0.000000e+00 : f32
    %broadcast_in_dim3A_344 = vector.broadcast %broadcast_in_dim3A_343 : f32 to vector<256x2048xf32>
    %select_n3A_345 = arith.select %le3A_340, %broadcast_in_dim3A_342, %broadcast_in_dim3A_344 : vector<256x2048xi1>, vector<256x2048xf32>
    %reduce_sum3A_346 = arith.constant dense<0.000000e+00> : vector<256xf32>
    %reduce_sum3A_347 = vector.multi_reduction <add>, %select_n3A_345, %reduce_sum3A_346 [1] : vector<256x2048xf32> to vector<256xf32>
    %broadcast_in_dim3A_348 = vector.shape_cast %reduce_sum3A_347 : vector<256xf32> to vector<256x1xf32>
    %le3A_349 = arith.constant 1.800000e+01 : f32
    %le3A_350 = vector.broadcast %le3A_349 : f32 to vector<256x2048xf32>
    %le3A_351 = arith.cmpf ole, %add3A_151, %le3A_350 : vector<256x2048xf32>
    %broadcast_in_dim3A_352 = arith.constant 1.000000e+00 : f32
    %broadcast_in_dim3A_353 = vector.broadcast %broadcast_in_dim3A_352 : f32 to vector<256x2048xf32>
    %broadcast_in_dim3A_354 = arith.constant 0.000000e+00 : f32
    %broadcast_in_dim3A_355 = vector.broadcast %broadcast_in_dim3A_354 : f32 to vector<256x2048xf32>
    %select_n3A_356 = arith.select %le3A_351, %broadcast_in_dim3A_353, %broadcast_in_dim3A_355 : vector<256x2048xi1>, vector<256x2048xf32>
    %reduce_sum3A_357 = arith.constant dense<0.000000e+00> : vector<256xf32>
    %reduce_sum3A_358 = vector.multi_reduction <add>, %select_n3A_356, %reduce_sum3A_357 [1] : vector<256x2048xf32> to vector<256xf32>
    %broadcast_in_dim3A_359 = vector.shape_cast %reduce_sum3A_358 : vector<256xf32> to vector<256x1xf32>
    %le3A_360 = arith.constant 1.900000e+01 : f32
    %le3A_361 = vector.broadcast %le3A_360 : f32 to vector<256x2048xf32>
    %le3A_362 = arith.cmpf ole, %add3A_151, %le3A_361 : vector<256x2048xf32>
    %broadcast_in_dim3A_363 = arith.constant 1.000000e+00 : f32
    %broadcast_in_dim3A_364 = vector.broadcast %broadcast_in_dim3A_363 : f32 to vector<256x2048xf32>
    %broadcast_in_dim3A_365 = arith.constant 0.000000e+00 : f32
    %broadcast_in_dim3A_366 = vector.broadcast %broadcast_in_dim3A_365 : f32 to vector<256x2048xf32>
    %select_n3A_367 = arith.select %le3A_362, %broadcast_in_dim3A_364, %broadcast_in_dim3A_366 : vector<256x2048xi1>, vector<256x2048xf32>
    %reduce_sum3A_368 = arith.constant dense<0.000000e+00> : vector<256xf32>
    %reduce_sum3A_369 = vector.multi_reduction <add>, %select_n3A_367, %reduce_sum3A_368 [1] : vector<256x2048xf32> to vector<256xf32>
    %broadcast_in_dim3A_370 = vector.shape_cast %reduce_sum3A_369 : vector<256xf32> to vector<256x1xf32>
    %le3A_371 = arith.constant 2.000000e+01 : f32
    %le3A_372 = vector.broadcast %le3A_371 : f32 to vector<256x2048xf32>
    %le3A_373 = arith.cmpf ole, %add3A_151, %le3A_372 : vector<256x2048xf32>
    %broadcast_in_dim3A_374 = arith.constant 1.000000e+00 : f32
    %broadcast_in_dim3A_375 = vector.broadcast %broadcast_in_dim3A_374 : f32 to vector<256x2048xf32>
    %broadcast_in_dim3A_376 = arith.constant 0.000000e+00 : f32
    %broadcast_in_dim3A_377 = vector.broadcast %broadcast_in_dim3A_376 : f32 to vector<256x2048xf32>
    %select_n3A_378 = arith.select %le3A_373, %broadcast_in_dim3A_375, %broadcast_in_dim3A_377 : vector<256x2048xi1>, vector<256x2048xf32>
    %reduce_sum3A_379 = arith.constant dense<0.000000e+00> : vector<256xf32>
    %reduce_sum3A_380 = vector.multi_reduction <add>, %select_n3A_378, %reduce_sum3A_379 [1] : vector<256x2048xf32> to vector<256xf32>
    %broadcast_in_dim3A_381 = vector.shape_cast %reduce_sum3A_380 : vector<256xf32> to vector<256x1xf32>
    %le3A_382 = arith.constant 2.100000e+01 : f32
    %le3A_383 = vector.broadcast %le3A_382 : f32 to vector<256x2048xf32>
    %le3A_384 = arith.cmpf ole, %add3A_151, %le3A_383 : vector<256x2048xf32>
    %broadcast_in_dim3A_385 = arith.constant 1.000000e+00 : f32
    %broadcast_in_dim3A_386 = vector.broadcast %broadcast_in_dim3A_385 : f32 to vector<256x2048xf32>
    %broadcast_in_dim3A_387 = arith.constant 0.000000e+00 : f32
    %broadcast_in_dim3A_388 = vector.broadcast %broadcast_in_dim3A_387 : f32 to vector<256x2048xf32>
    %select_n3A_389 = arith.select %le3A_384, %broadcast_in_dim3A_386, %broadcast_in_dim3A_388 : vector<256x2048xi1>, vector<256x2048xf32>
    %reduce_sum3A_390 = arith.constant dense<0.000000e+00> : vector<256xf32>
    %reduce_sum3A_391 = vector.multi_reduction <add>, %select_n3A_389, %reduce_sum3A_390 [1] : vector<256x2048xf32> to vector<256xf32>
    %broadcast_in_dim3A_392 = vector.shape_cast %reduce_sum3A_391 : vector<256xf32> to vector<256x1xf32>
    %le3A_393 = arith.constant 2.200000e+01 : f32
    %le3A_394 = vector.broadcast %le3A_393 : f32 to vector<256x2048xf32>
    %le3A_395 = arith.cmpf ole, %add3A_151, %le3A_394 : vector<256x2048xf32>
    %broadcast_in_dim3A_396 = arith.constant 1.000000e+00 : f32
    %broadcast_in_dim3A_397 = vector.broadcast %broadcast_in_dim3A_396 : f32 to vector<256x2048xf32>
    %broadcast_in_dim3A_398 = arith.constant 0.000000e+00 : f32
    %broadcast_in_dim3A_399 = vector.broadcast %broadcast_in_dim3A_398 : f32 to vector<256x2048xf32>
    %select_n3A_400 = arith.select %le3A_395, %broadcast_in_dim3A_397, %broadcast_in_dim3A_399 : vector<256x2048xi1>, vector<256x2048xf32>
    %reduce_sum3A_401 = arith.constant dense<0.000000e+00> : vector<256xf32>
    %reduce_sum3A_402 = vector.multi_reduction <add>, %select_n3A_400, %reduce_sum3A_401 [1] : vector<256x2048xf32> to vector<256xf32>
    %broadcast_in_dim3A_403 = vector.shape_cast %reduce_sum3A_402 : vector<256xf32> to vector<256x1xf32>
    %le3A_404 = arith.constant 2.300000e+01 : f32
    %le3A_405 = vector.broadcast %le3A_404 : f32 to vector<256x2048xf32>
    %le3A_406 = arith.cmpf ole, %add3A_151, %le3A_405 : vector<256x2048xf32>
    %broadcast_in_dim3A_407 = arith.constant 1.000000e+00 : f32
    %broadcast_in_dim3A_408 = vector.broadcast %broadcast_in_dim3A_407 : f32 to vector<256x2048xf32>
    %broadcast_in_dim3A_409 = arith.constant 0.000000e+00 : f32
    %broadcast_in_dim3A_410 = vector.broadcast %broadcast_in_dim3A_409 : f32 to vector<256x2048xf32>
    %select_n3A_411 = arith.select %le3A_406, %broadcast_in_dim3A_408, %broadcast_in_dim3A_410 : vector<256x2048xi1>, vector<256x2048xf32>
    %reduce_sum3A_412 = arith.constant dense<0.000000e+00> : vector<256xf32>
    %reduce_sum3A_413 = vector.multi_reduction <add>, %select_n3A_411, %reduce_sum3A_412 [1] : vector<256x2048xf32> to vector<256xf32>
    %broadcast_in_dim3A_414 = vector.shape_cast %reduce_sum3A_413 : vector<256xf32> to vector<256x1xf32>
    %le3A_415 = arith.constant 2.400000e+01 : f32
    %le3A_416 = vector.broadcast %le3A_415 : f32 to vector<256x2048xf32>
    %le3A_417 = arith.cmpf ole, %add3A_151, %le3A_416 : vector<256x2048xf32>
    %broadcast_in_dim3A_418 = arith.constant 1.000000e+00 : f32
    %broadcast_in_dim3A_419 = vector.broadcast %broadcast_in_dim3A_418 : f32 to vector<256x2048xf32>
    %broadcast_in_dim3A_420 = arith.constant 0.000000e+00 : f32
    %broadcast_in_dim3A_421 = vector.broadcast %broadcast_in_dim3A_420 : f32 to vector<256x2048xf32>
    %select_n3A_422 = arith.select %le3A_417, %broadcast_in_dim3A_419, %broadcast_in_dim3A_421 : vector<256x2048xi1>, vector<256x2048xf32>
    %reduce_sum3A_423 = arith.constant dense<0.000000e+00> : vector<256xf32>
    %reduce_sum3A_424 = vector.multi_reduction <add>, %select_n3A_422, %reduce_sum3A_423 [1] : vector<256x2048xf32> to vector<256xf32>
    %broadcast_in_dim3A_425 = vector.shape_cast %reduce_sum3A_424 : vector<256xf32> to vector<256x1xf32>
    %le3A_426 = arith.constant 2.500000e+01 : f32
    %le3A_427 = vector.broadcast %le3A_426 : f32 to vector<256x2048xf32>
    %le3A_428 = arith.cmpf ole, %add3A_151, %le3A_427 : vector<256x2048xf32>
    %broadcast_in_dim3A_429 = arith.constant 1.000000e+00 : f32
    %broadcast_in_dim3A_430 = vector.broadcast %broadcast_in_dim3A_429 : f32 to vector<256x2048xf32>
    %broadcast_in_dim3A_431 = arith.constant 0.000000e+00 : f32
    %broadcast_in_dim3A_432 = vector.broadcast %broadcast_in_dim3A_431 : f32 to vector<256x2048xf32>
    %select_n3A_433 = arith.select %le3A_428, %broadcast_in_dim3A_430, %broadcast_in_dim3A_432 : vector<256x2048xi1>, vector<256x2048xf32>
    %reduce_sum3A_434 = arith.constant dense<0.000000e+00> : vector<256xf32>
    %reduce_sum3A_435 = vector.multi_reduction <add>, %select_n3A_433, %reduce_sum3A_434 [1] : vector<256x2048xf32> to vector<256xf32>
    %broadcast_in_dim3A_436 = vector.shape_cast %reduce_sum3A_435 : vector<256xf32> to vector<256x1xf32>
    %le3A_437 = arith.constant 2.600000e+01 : f32
    %le3A_438 = vector.broadcast %le3A_437 : f32 to vector<256x2048xf32>
    %le3A_439 = arith.cmpf ole, %add3A_151, %le3A_438 : vector<256x2048xf32>
    %broadcast_in_dim3A_440 = arith.constant 1.000000e+00 : f32
    %broadcast_in_dim3A_441 = vector.broadcast %broadcast_in_dim3A_440 : f32 to vector<256x2048xf32>
    %broadcast_in_dim3A_442 = arith.constant 0.000000e+00 : f32
    %broadcast_in_dim3A_443 = vector.broadcast %broadcast_in_dim3A_442 : f32 to vector<256x2048xf32>
    %select_n3A_444 = arith.select %le3A_439, %broadcast_in_dim3A_441, %broadcast_in_dim3A_443 : vector<256x2048xi1>, vector<256x2048xf32>
    %reduce_sum3A_445 = arith.constant dense<0.000000e+00> : vector<256xf32>
    %reduce_sum3A_446 = vector.multi_reduction <add>, %select_n3A_444, %reduce_sum3A_445 [1] : vector<256x2048xf32> to vector<256xf32>
    %broadcast_in_dim3A_447 = vector.shape_cast %reduce_sum3A_446 : vector<256xf32> to vector<256x1xf32>
    %le3A_448 = arith.constant 2.700000e+01 : f32
    %le3A_449 = vector.broadcast %le3A_448 : f32 to vector<256x2048xf32>
    %le3A_450 = arith.cmpf ole, %add3A_151, %le3A_449 : vector<256x2048xf32>
    %broadcast_in_dim3A_451 = arith.constant 1.000000e+00 : f32
    %broadcast_in_dim3A_452 = vector.broadcast %broadcast_in_dim3A_451 : f32 to vector<256x2048xf32>
    %broadcast_in_dim3A_453 = arith.constant 0.000000e+00 : f32
    %broadcast_in_dim3A_454 = vector.broadcast %broadcast_in_dim3A_453 : f32 to vector<256x2048xf32>
    %select_n3A_455 = arith.select %le3A_450, %broadcast_in_dim3A_452, %broadcast_in_dim3A_454 : vector<256x2048xi1>, vector<256x2048xf32>
    %reduce_sum3A_456 = arith.constant dense<0.000000e+00> : vector<256xf32>
    %reduce_sum3A_457 = vector.multi_reduction <add>, %select_n3A_455, %reduce_sum3A_456 [1] : vector<256x2048xf32> to vector<256xf32>
    %broadcast_in_dim3A_458 = vector.shape_cast %reduce_sum3A_457 : vector<256xf32> to vector<256x1xf32>
    %le3A_459 = arith.constant 2.800000e+01 : f32
    %le3A_460 = vector.broadcast %le3A_459 : f32 to vector<256x2048xf32>
    %le3A_461 = arith.cmpf ole, %add3A_151, %le3A_460 : vector<256x2048xf32>
    %broadcast_in_dim3A_462 = arith.constant 1.000000e+00 : f32
    %broadcast_in_dim3A_463 = vector.broadcast %broadcast_in_dim3A_462 : f32 to vector<256x2048xf32>
    %broadcast_in_dim3A_464 = arith.constant 0.000000e+00 : f32
    %broadcast_in_dim3A_465 = vector.broadcast %broadcast_in_dim3A_464 : f32 to vector<256x2048xf32>
    %select_n3A_466 = arith.select %le3A_461, %broadcast_in_dim3A_463, %broadcast_in_dim3A_465 : vector<256x2048xi1>, vector<256x2048xf32>
    %reduce_sum3A_467 = arith.constant dense<0.000000e+00> : vector<256xf32>
    %reduce_sum3A_468 = vector.multi_reduction <add>, %select_n3A_466, %reduce_sum3A_467 [1] : vector<256x2048xf32> to vector<256xf32>
    %broadcast_in_dim3A_469 = vector.shape_cast %reduce_sum3A_468 : vector<256xf32> to vector<256x1xf32>
    %le3A_470 = arith.constant 2.900000e+01 : f32
    %le3A_471 = vector.broadcast %le3A_470 : f32 to vector<256x2048xf32>
    %le3A_472 = arith.cmpf ole, %add3A_151, %le3A_471 : vector<256x2048xf32>
    %broadcast_in_dim3A_473 = arith.constant 1.000000e+00 : f32
    %broadcast_in_dim3A_474 = vector.broadcast %broadcast_in_dim3A_473 : f32 to vector<256x2048xf32>
    %broadcast_in_dim3A_475 = arith.constant 0.000000e+00 : f32
    %broadcast_in_dim3A_476 = vector.broadcast %broadcast_in_dim3A_475 : f32 to vector<256x2048xf32>
    %select_n3A_477 = arith.select %le3A_472, %broadcast_in_dim3A_474, %broadcast_in_dim3A_476 : vector<256x2048xi1>, vector<256x2048xf32>
    %reduce_sum3A_478 = arith.constant dense<0.000000e+00> : vector<256xf32>
    %reduce_sum3A_479 = vector.multi_reduction <add>, %select_n3A_477, %reduce_sum3A_478 [1] : vector<256x2048xf32> to vector<256xf32>
    %broadcast_in_dim3A_480 = vector.shape_cast %reduce_sum3A_479 : vector<256xf32> to vector<256x1xf32>
    %le3A_481 = arith.constant 3.000000e+01 : f32
    %le3A_482 = vector.broadcast %le3A_481 : f32 to vector<256x2048xf32>
    %le3A_483 = arith.cmpf ole, %add3A_151, %le3A_482 : vector<256x2048xf32>
    %broadcast_in_dim3A_484 = arith.constant 1.000000e+00 : f32
    %broadcast_in_dim3A_485 = vector.broadcast %broadcast_in_dim3A_484 : f32 to vector<256x2048xf32>
    %broadcast_in_dim3A_486 = arith.constant 0.000000e+00 : f32
    %broadcast_in_dim3A_487 = vector.broadcast %broadcast_in_dim3A_486 : f32 to vector<256x2048xf32>
    %select_n3A_488 = arith.select %le3A_483, %broadcast_in_dim3A_485, %broadcast_in_dim3A_487 : vector<256x2048xi1>, vector<256x2048xf32>
    %reduce_sum3A_489 = arith.constant dense<0.000000e+00> : vector<256xf32>
    %reduce_sum3A_490 = vector.multi_reduction <add>, %select_n3A_488, %reduce_sum3A_489 [1] : vector<256x2048xf32> to vector<256xf32>
    %broadcast_in_dim3A_491 = vector.shape_cast %reduce_sum3A_490 : vector<256xf32> to vector<256x1xf32>
    %le3A_492 = arith.constant 3.100000e+01 : f32
    %le3A_493 = vector.broadcast %le3A_492 : f32 to vector<256x2048xf32>
    %le3A_494 = arith.cmpf ole, %add3A_151, %le3A_493 : vector<256x2048xf32>
    %broadcast_in_dim3A_495 = arith.constant 1.000000e+00 : f32
    %broadcast_in_dim3A_496 = vector.broadcast %broadcast_in_dim3A_495 : f32 to vector<256x2048xf32>
    %broadcast_in_dim3A_497 = arith.constant 0.000000e+00 : f32
    %broadcast_in_dim3A_498 = vector.broadcast %broadcast_in_dim3A_497 : f32 to vector<256x2048xf32>
    %select_n3A_499 = arith.select %le3A_494, %broadcast_in_dim3A_496, %broadcast_in_dim3A_498 : vector<256x2048xi1>, vector<256x2048xf32>
    %reduce_sum3A_500 = arith.constant dense<0.000000e+00> : vector<256xf32>
    %reduce_sum3A_501 = vector.multi_reduction <add>, %select_n3A_499, %reduce_sum3A_500 [1] : vector<256x2048xf32> to vector<256xf32>
    %broadcast_in_dim3A_502 = vector.shape_cast %reduce_sum3A_501 : vector<256xf32> to vector<256x1xf32>
    %concatenate3A = tpu.concatenate %broadcast_in_dim3A_161, %broadcast_in_dim3A_172, %broadcast_in_dim3A_183, %broadcast_in_dim3A_194, %broadcast_in_dim3A_205, %broadcast_in_dim3A_216, %broadcast_in_dim3A_227, %broadcast_in_dim3A_238, %broadcast_in_dim3A_249, %broadcast_in_dim3A_260, %broadcast_in_dim3A_271, %broadcast_in_dim3A_282, %broadcast_in_dim3A_293, %broadcast_in_dim3A_304, %broadcast_in_dim3A_315, %broadcast_in_dim3A_326, %broadcast_in_dim3A_337, %broadcast_in_dim3A_348, %broadcast_in_dim3A_359, %broadcast_in_dim3A_370, %broadcast_in_dim3A_381, %broadcast_in_dim3A_392, %broadcast_in_dim3A_403, %broadcast_in_dim3A_414, %broadcast_in_dim3A_425, %broadcast_in_dim3A_436, %broadcast_in_dim3A_447, %broadcast_in_dim3A_458, %broadcast_in_dim3A_469, %broadcast_in_dim3A_480, %broadcast_in_dim3A_491, %broadcast_in_dim3A_502 in 1 : vector<256x1xf32>, vector<256x1xf32>, vector<256x1xf32>, vector<256x1xf32>, vector<256x1xf32>, vector<256x1xf32>, vector<256x1xf32>, vector<256x1xf32>, vector<256x1xf32>, vector<256x1xf32>, vector<256x1xf32>, vector<256x1xf32>, vector<256x1xf32>, vector<256x1xf32>, vector<256x1xf32>, vector<256x1xf32>, vector<256x1xf32>, vector<256x1xf32>, vector<256x1xf32>, vector<256x1xf32>, vector<256x1xf32>, vector<256x1xf32>, vector<256x1xf32>, vector<256x1xf32>, vector<256x1xf32>, vector<256x1xf32>, vector<256x1xf32>, vector<256x1xf32>, vector<256x1xf32>, vector<256x1xf32>, vector<256x1xf32>, vector<256x1xf32> -> vector<256x32xf32>
    %slice3A = vector.extract_strided_slice %concatenate3A {offsets = [0, 0], sizes = [256, 1], strides = [1, 1]} : vector<256x32xf32> to vector<256x1xf32>
    %ge3A_503 = arith.constant 2.048000e+03 : f32
    %ge3A_504 = vector.broadcast %ge3A_503 : f32 to vector<256x32xf32>
    %ge3A_505 = arith.cmpf oge, %concatenate3A, %ge3A_504 : vector<256x32xf32>
    %broadcast_in_dim3A_506 = vector.shape_cast %slice3A : vector<256x1xf32> to vector<256x1xf32>
    %broadcast_in_dim3A_507 = vector.broadcast %broadcast_in_dim3A_506 : vector<256x1xf32> to vector<256x32xf32>
    %select_n3A_508 = arith.select %ge3A_505, %broadcast_in_dim3A_507, %concatenate3A : vector<256x32xi1>, vector<256x32xf32>
    %convert_element_type3A = arith.fptosi %select_n3A_508 : vector<256x32xf32> to vector<256x32xi32>
    %swap3A = arith.constant 0 : index
    %swap3A_509 = arith.constant 0 : index
    %swap3A_510 = vector.load %arg3[%swap3A, %swap3A_509] : memref<256x32xi32, #tpu.memory_space<vmem>>, vector<256x32xi32>
    tpu.vector_store %arg3[%swap3A, %swap3A_509], %convert_element_type3A {strides = array<i32>} : memref<256x32xi32, #tpu.memory_space<vmem>>, vector<256x32xi32>,
    return
  }
  func.func @transform_0(%arg0: i32) -> (i32, i32) {
    %c0_i32 = arith.constant 0 : i32
    %c0_i32_0 = arith.constant 0 : i32
    return %arg0, %c0_i32 : i32, i32
  }
  func.func @transform_1(%arg0: i32) -> (i32, i32) {
    %c0_i32 = arith.constant 0 : i32
    %c0_i32_0 = arith.constant 0 : i32
    %c0_i32_1 = arith.constant 0 : i32
    return %c0_i32, %c0_i32_0 : i32, i32
  }
  func.func @transform_2(%arg0: i32) -> (i32, i32) {
    %c0_i32 = arith.constant 0 : i32
    %c0_i32_0 = arith.constant 0 : i32
    return %arg0, %c0_i32 : i32, i32
  }
}

module attributes {stable_mosaic.version = 14 : i64} {
  func.func @_fps_body(%arg0: memref<3x16x128xf32, #tpu.memory_space<vmem>>, %arg1: memref<512x1xi32, #tpu.memory_space<vmem>>, %arg2: memref<512x3xf32, #tpu.memory_space<vmem>>) attributes {dimension_semantics = [], scalar_prefetch = 0 : i64, scratch_operands = 0 : i64, tpu.core_type = #tpu.core_type<tc>} {
    %get3A = arith.constant 0 : index
    %get3A_0 = arith.constant 0 : index
    %get3A_1 = arith.constant 0 : index
    %get3A_2 = vector.load %arg0[%get3A, %get3A_0, %get3A_1] : memref<3x16x128xf32, #tpu.memory_space<vmem>>, vector<1x16x128xf32>
    %get3A_3 = vector.shape_cast %get3A_2 : vector<1x16x128xf32> to vector<16x128xf32>
    %get3A_4 = arith.constant 1 : index
    %get3A_5 = arith.constant 0 : index
    %get3A_6 = arith.constant 0 : index
    %get3A_7 = vector.load %arg0[%get3A_4, %get3A_5, %get3A_6] : memref<3x16x128xf32, #tpu.memory_space<vmem>>, vector<1x16x128xf32>
    %get3A_8 = vector.shape_cast %get3A_7 : vector<1x16x128xf32> to vector<16x128xf32>
    %get3A_9 = arith.constant 2 : index
    %get3A_10 = arith.constant 0 : index
    %get3A_11 = arith.constant 0 : index
    %get3A_12 = vector.load %arg0[%get3A_9, %get3A_10, %get3A_11] : memref<3x16x128xf32, #tpu.memory_space<vmem>>, vector<1x16x128xf32>
    %get3A_13 = vector.shape_cast %get3A_12 : vector<1x16x128xf32> to vector<16x128xf32>
    %iota3A = tpu.iota {dimensions = array<i32: 0>} : vector<16x128xi32>
    %iota3A_14 = tpu.iota {dimensions = array<i32: 1>} : vector<16x128xi32>
    %mul3A = arith.constant 128 : i32
    %mul3A_15 = vector.broadcast %mul3A : i32 to vector<16x128xi32>
    %mul3A_16 = arith.muli %iota3A, %mul3A_15 : vector<16x128xi32>
    %add3A = arith.addi %mul3A_16, %iota3A_14 : vector<16x128xi32>
    %broadcast_in_dim3A = arith.constant 1.000000e+10 : f32
    %broadcast_in_dim3A_17 = vector.broadcast %broadcast_in_dim3A : f32 to vector<16x128xf32>
    %scan3A = arith.constant 0 : i32
    %scan3A_18 = arith.constant 0 : i32
    %scan3A_19 = arith.constant 512 : i32
    %scan3A_20 = arith.addi %scan3A_18, %scan3A_19 : i32
    %scan3A_21 = arith.constant 1 : i32
    %scan3A_22:2 = scf.for %scan3A_24 = %scan3A_18 to %scan3A_20 step %scan3A_21 iter_args(%scan3A_25 = %broadcast_in_dim3A_17, %scan3A_26 = %scan3A) -> (vector<16x128xf32>, i32)  : i32 {
      %broadcast_in_dim3A_27 = vector.broadcast %scan3A_26 : i32 to vector<1x1xi32>
      %swap3A = arith.index_cast %scan3A_24 : i32 to index
      %swap3A_28 = arith.constant 0 : index
      %swap3A_29 = vector.load %arg1[%swap3A, %swap3A_28] : memref<512x1xi32, #tpu.memory_space<vmem>>, vector<1x1xi32>
      tpu.vector_store %arg1[%swap3A, %swap3A_28], %broadcast_in_dim3A_27 {strides = array<i32>} : memref<512x1xi32, #tpu.memory_space<vmem>>, vector<1x1xi32>,
      %eq3A = vector.broadcast %scan3A_26 : i32 to vector<16x128xi32>
      %eq3A_30 = arith.cmpi eq, %add3A, %eq3A : vector<16x128xi32>
      %broadcast_in_dim3A_31 = arith.constant 0.000000e+00 : f32
      %broadcast_in_dim3A_32 = vector.broadcast %broadcast_in_dim3A_31 : f32 to vector<16x128xf32>
      %select_n3A = arith.select %eq3A_30, %get3A_3, %broadcast_in_dim3A_32 : vector<16x128xi1>, vector<16x128xf32>
      %reduce_sum3A = vector.shape_cast %select_n3A : vector<16x128xf32> to vector<1x16x128xf32>
      %reduce_sum3A_33 = arith.constant dense<0.000000e+00> : vector<1xf32>
      %reduce_sum3A_34 = vector.multi_reduction <add>, %reduce_sum3A, %reduce_sum3A_33 [1, 2] : vector<1x16x128xf32> to vector<1xf32>
      %reduce_sum3A_35 = vector.shape_cast %reduce_sum3A_34 : vector<1xf32> to vector<1x1x1xf32>
      %reduce_sum3A_36 = vector.extract %reduce_sum3A_35[0, 0, 0] : f32 from vector<1x1x1xf32>
      %select_n3A_37 = arith.select %eq3A_30, %get3A_8, %broadcast_in_dim3A_32 : vector<16x128xi1>, vector<16x128xf32>
      %reduce_sum3A_38 = vector.shape_cast %select_n3A_37 : vector<16x128xf32> to vector<1x16x128xf32>
      %reduce_sum3A_39 = arith.constant dense<0.000000e+00> : vector<1xf32>
      %reduce_sum3A_40 = vector.multi_reduction <add>, %reduce_sum3A_38, %reduce_sum3A_39 [1, 2] : vector<1x16x128xf32> to vector<1xf32>
      %reduce_sum3A_41 = vector.shape_cast %reduce_sum3A_40 : vector<1xf32> to vector<1x1x1xf32>
      %reduce_sum3A_42 = vector.extract %reduce_sum3A_41[0, 0, 0] : f32 from vector<1x1x1xf32>
      %select_n3A_43 = arith.select %eq3A_30, %get3A_13, %broadcast_in_dim3A_32 : vector<16x128xi1>, vector<16x128xf32>
      %reduce_sum3A_44 = vector.shape_cast %select_n3A_43 : vector<16x128xf32> to vector<1x16x128xf32>
      %reduce_sum3A_45 = arith.constant dense<0.000000e+00> : vector<1xf32>
      %reduce_sum3A_46 = vector.multi_reduction <add>, %reduce_sum3A_44, %reduce_sum3A_45 [1, 2] : vector<1x16x128xf32> to vector<1xf32>
      %reduce_sum3A_47 = vector.shape_cast %reduce_sum3A_46 : vector<1xf32> to vector<1x1x1xf32>
      %reduce_sum3A_48 = vector.extract %reduce_sum3A_47[0, 0, 0] : f32 from vector<1x1x1xf32>
      %reshape3A = vector.broadcast %reduce_sum3A_36 : f32 to vector<1x1xf32>
      %reshape3A_49 = vector.broadcast %reduce_sum3A_42 : f32 to vector<1x1xf32>
      %reshape3A_50 = vector.broadcast %reduce_sum3A_48 : f32 to vector<1x1xf32>
      %concatenate3A = tpu.concatenate %reshape3A, %reshape3A_49, %reshape3A_50 in 1 : vector<1x1xf32>, vector<1x1xf32>, vector<1x1xf32> -> vector<1x3xf32>
      %swap3A_51 = arith.index_cast %scan3A_24 : i32 to index
      %swap3A_52 = arith.constant 0 : index
      %swap3A_53 = vector.load %arg2[%swap3A_51, %swap3A_52] : memref<512x3xf32, #tpu.memory_space<vmem>>, vector<1x3xf32>
      tpu.vector_store %arg2[%swap3A_51, %swap3A_52], %concatenate3A {strides = array<i32>} : memref<512x3xf32, #tpu.memory_space<vmem>>, vector<1x3xf32>,
      %sub3A = vector.broadcast %reduce_sum3A_36 : f32 to vector<16x128xf32>
      %sub3A_54 = arith.subf %get3A_3, %sub3A : vector<16x128xf32>
      %sub3A_55 = vector.broadcast %reduce_sum3A_42 : f32 to vector<16x128xf32>
      %sub3A_56 = arith.subf %get3A_8, %sub3A_55 : vector<16x128xf32>
      %sub3A_57 = vector.broadcast %reduce_sum3A_48 : f32 to vector<16x128xf32>
      %sub3A_58 = arith.subf %get3A_13, %sub3A_57 : vector<16x128xf32>
      %mul3A_59 = arith.mulf %sub3A_54, %sub3A_54 : vector<16x128xf32>
      %mul3A_60 = arith.mulf %sub3A_56, %sub3A_56 : vector<16x128xf32>
      %add3A_61 = arith.addf %mul3A_59, %mul3A_60 : vector<16x128xf32>
      %mul3A_62 = arith.mulf %sub3A_58, %sub3A_58 : vector<16x128xf32>
      %add3A_63 = arith.addf %add3A_61, %mul3A_62 : vector<16x128xf32>
      %min3A = arith.minimumf %scan3A_25, %add3A_63 : vector<16x128xf32>
      %reduce_max3A = vector.shape_cast %min3A : vector<16x128xf32> to vector<1x16x128xf32>
      %reduce_max3A_64 = arith.constant dense<0xFF800000> : vector<1xf32>
      %reduce_max3A_65 = vector.multi_reduction <maximumf>, %reduce_max3A, %reduce_max3A_64 [1, 2] : vector<1x16x128xf32> to vector<1xf32>
      %reduce_max3A_66 = vector.shape_cast %reduce_max3A_65 : vector<1xf32> to vector<1x1x1xf32>
      %reduce_max3A_67 = vector.extract %reduce_max3A_66[0, 0, 0] : f32 from vector<1x1x1xf32>
      %eq3A_68 = vector.broadcast %reduce_max3A_67 : f32 to vector<16x128xf32>
      %eq3A_69 = arith.cmpf oeq, %min3A, %eq3A_68 : vector<16x128xf32>
      %broadcast_in_dim3A_70 = arith.constant 2048 : i32
      %broadcast_in_dim3A_71 = vector.broadcast %broadcast_in_dim3A_70 : i32 to vector<16x128xi32>
      %select_n3A_72 = arith.select %eq3A_69, %add3A, %broadcast_in_dim3A_71 : vector<16x128xi1>, vector<16x128xi32>
      %reduce_min3A = vector.shape_cast %select_n3A_72 : vector<16x128xi32> to vector<1x16x128xi32>
      %reduce_min3A_73 = arith.constant dense<2147483647> : vector<1xi32>
      %reduce_min3A_74 = vector.multi_reduction <minsi>, %reduce_min3A, %reduce_min3A_73 [1, 2] : vector<1x16x128xi32> to vector<1xi32>
      %reduce_min3A_75 = vector.shape_cast %reduce_min3A_74 : vector<1xi32> to vector<1x1x1xi32>
      %reduce_min3A_76 = vector.extract %reduce_min3A_75[0, 0, 0] : i32 from vector<1x1x1xi32>
      scf.yield %min3A, %reduce_min3A_76 : vector<16x128xf32>, i32
    }
    %scan3A_23 = arith.constant 512 : i32
    return
  }
}

module attributes {stable_mosaic.version = 14 : i64} {
  func.func @_bq_body(%arg0: i32, %arg1: memref<256x3xf32, #tpu.memory_space<vmem>>, %arg2: memref<3x2048xf32, #tpu.memory_space<vmem>>, %arg3: memref<256x32xi32, #tpu.memory_space<vmem>>) attributes {dimension_semantics = [#tpu.dimension_semantics<arbitrary>], iteration_bounds = array<i64: 2>, scalar_prefetch = 0 : i64, scratch_operands = 0 : i64, tpu.core_type = #tpu.core_type<tc>, window_params = [{transform_indices = @transform_0, window_bounds = array<i64: 256, 3>}, {pipeline_mode = #tpu.pipeline_mode<synchronous>, transform_indices = @transform_1, window_bounds = array<i64: 3, 2048>}, {transform_indices = @transform_2, window_bounds = array<i64: 256, 32>}]} {
    %get3A = arith.constant 0 : index
    %get3A_0 = arith.constant 0 : index
    %get3A_1 = vector.load %arg1[%get3A, %get3A_0] : memref<256x3xf32, #tpu.memory_space<vmem>>, vector<256x1xf32>
    %get3A_2 = arith.constant 0 : index
    %get3A_3 = arith.constant 1 : index
    %get3A_4 = vector.load %arg1[%get3A_2, %get3A_3] : memref<256x3xf32, #tpu.memory_space<vmem>>, vector<256x1xf32>
    %get3A_5 = arith.constant 0 : index
    %get3A_6 = arith.constant 2 : index
    %get3A_7 = vector.load %arg1[%get3A_5, %get3A_6] : memref<256x3xf32, #tpu.memory_space<vmem>>, vector<256x1xf32>
    %get3A_8 = arith.constant 0 : index
    %get3A_9 = arith.constant 0 : index
    %get3A_10 = vector.load %arg2[%get3A_8, %get3A_9] : memref<3x2048xf32, #tpu.memory_space<vmem>>, vector<1x2048xf32>
    %sub3A = vector.broadcast %get3A_1 : vector<256x1xf32> to vector<256x2048xf32>
    %sub3A_11 = vector.broadcast %get3A_10 : vector<1x2048xf32> to vector<256x2048xf32>
    %sub3A_12 = arith.subf %sub3A, %sub3A_11 : vector<256x2048xf32>
    %get3A_13 = arith.constant 1 : index
    %get3A_14 = arith.constant 0 : index
    %get3A_15 = vector.load %arg2[%get3A_13, %get3A_14] : memref<3x2048xf32, #tpu.memory_space<vmem>>, vector<1x2048xf32>
    %sub3A_16 = vector.broadcast %get3A_4 : vector<256x1xf32> to vector<256x2048xf32>
    %sub3A_17 = vector.broadcast %get3A_15 : vector<1x2048xf32> to vector<256x2048xf32>
    %sub3A_18 = arith.subf %sub3A_16, %sub3A_17 : vector<256x2048xf32>
    %get3A_19 = arith.constant 2 : index
    %get3A_20 = arith.constant 0 : index
    %get3A_21 = vector.load %arg2[%get3A_19, %get3A_20] : memref<3x2048xf32, #tpu.memory_space<vmem>>, vector<1x2048xf32>
    %sub3A_22 = vector.broadcast %get3A_7 : vector<256x1xf32> to vector<256x2048xf32>
    %sub3A_23 = vector.broadcast %get3A_21 : vector<1x2048xf32> to vector<256x2048xf32>
    %sub3A_24 = arith.subf %sub3A_22, %sub3A_23 : vector<256x2048xf32>
    %mul3A = arith.mulf %sub3A_12, %sub3A_12 : vector<256x2048xf32>
    %mul3A_25 = arith.mulf %sub3A_18, %sub3A_18 : vector<256x2048xf32>
    %add3A = arith.addf %mul3A, %mul3A_25 : vector<256x2048xf32>
    %mul3A_26 = arith.mulf %sub3A_24, %sub3A_24 : vector<256x2048xf32>
    %add3A_27 = arith.addf %add3A, %mul3A_26 : vector<256x2048xf32>
    %le3A = arith.constant 1.600000e-01 : f32
    %le3A_28 = vector.broadcast %le3A : f32 to vector<256x2048xf32>
    %le3A_29 = arith.cmpf ole, %add3A_27, %le3A_28 : vector<256x2048xf32>
    %broadcast_in_dim3A = arith.constant 1.000000e+00 : f32
    %broadcast_in_dim3A_30 = vector.broadcast %broadcast_in_dim3A : f32 to vector<256x2048xf32>
    %broadcast_in_dim3A_31 = arith.constant 0.000000e+00 : f32
    %broadcast_in_dim3A_32 = vector.broadcast %broadcast_in_dim3A_31 : f32 to vector<256x2048xf32>
    %select_n3A = arith.select %le3A_29, %broadcast_in_dim3A_30, %broadcast_in_dim3A_32 : vector<256x2048xi1>, vector<256x2048xf32>
    %iota3A = tpu.iota {dimensions = array<i32: 1>} : vector<1x2048xi32>
    %roll3A = arith.constant 1 : i32
    %roll3A_33 = tpu.dynamic_rotate %select_n3A by %roll3A dim 1 : vector<256x2048xf32>, i32 -> vector<256x2048xf32>
    %ge3A = arith.constant 1 : i32
    %ge3A_34 = vector.broadcast %ge3A : i32 to vector<1x2048xi32>
    %ge3A_35 = arith.cmpi sge, %iota3A, %ge3A_34 : vector<1x2048xi32>
    %broadcast_in_dim3A_36 = arith.constant 0.000000e+00 : f32
    %broadcast_in_dim3A_37 = vector.broadcast %broadcast_in_dim3A_36 : f32 to vector<256x2048xf32>
    %broadcast_in_dim3A_38 = vector.shape_cast %ge3A_35 : vector<1x2048xi1> to vector<1x2048xi1>
    %broadcast_in_dim3A_39 = vector.broadcast %broadcast_in_dim3A_38 : vector<1x2048xi1> to vector<256x2048xi1>
    %select_n3A_40 = arith.select %broadcast_in_dim3A_39, %roll3A_33, %broadcast_in_dim3A_37 : vector<256x2048xi1>, vector<256x2048xf32>
    %add3A_41 = arith.addf %select_n3A, %select_n3A_40 : vector<256x2048xf32>
    %roll3A_42 = arith.constant 2 : i32
    %roll3A_43 = tpu.dynamic_rotate %add3A_41 by %roll3A_42 dim 1 : vector<256x2048xf32>, i32 -> vector<256x2048xf32>
    %ge3A_44 = arith.constant 2 : i32
    %ge3A_45 = vector.broadcast %ge3A_44 : i32 to vector<1x2048xi32>
    %ge3A_46 = arith.cmpi sge, %iota3A, %ge3A_45 : vector<1x2048xi32>
    %broadcast_in_dim3A_47 = arith.constant 0.000000e+00 : f32
    %broadcast_in_dim3A_48 = vector.broadcast %broadcast_in_dim3A_47 : f32 to vector<256x2048xf32>
    %broadcast_in_dim3A_49 = vector.shape_cast %ge3A_46 : vector<1x2048xi1> to vector<1x2048xi1>
    %broadcast_in_dim3A_50 = vector.broadcast %broadcast_in_dim3A_49 : vector<1x2048xi1> to vector<256x2048xi1>
    %select_n3A_51 = arith.select %broadcast_in_dim3A_50, %roll3A_43, %broadcast_in_dim3A_48 : vector<256x2048xi1>, vector<256x2048xf32>
    %add3A_52 = arith.addf %add3A_41, %select_n3A_51 : vector<256x2048xf32>
    %roll3A_53 = arith.constant 4 : i32
    %roll3A_54 = tpu.dynamic_rotate %add3A_52 by %roll3A_53 dim 1 : vector<256x2048xf32>, i32 -> vector<256x2048xf32>
    %ge3A_55 = arith.constant 4 : i32
    %ge3A_56 = vector.broadcast %ge3A_55 : i32 to vector<1x2048xi32>
    %ge3A_57 = arith.cmpi sge, %iota3A, %ge3A_56 : vector<1x2048xi32>
    %broadcast_in_dim3A_58 = arith.constant 0.000000e+00 : f32
    %broadcast_in_dim3A_59 = vector.broadcast %broadcast_in_dim3A_58 : f32 to vector<256x2048xf32>
    %broadcast_in_dim3A_60 = vector.shape_cast %ge3A_57 : vector<1x2048xi1> to vector<1x2048xi1>
    %broadcast_in_dim3A_61 = vector.broadcast %broadcast_in_dim3A_60 : vector<1x2048xi1> to vector<256x2048xi1>
    %select_n3A_62 = arith.select %broadcast_in_dim3A_61, %roll3A_54, %broadcast_in_dim3A_59 : vector<256x2048xi1>, vector<256x2048xf32>
    %add3A_63 = arith.addf %add3A_52, %select_n3A_62 : vector<256x2048xf32>
    %roll3A_64 = arith.constant 8 : i32
    %roll3A_65 = tpu.dynamic_rotate %add3A_63 by %roll3A_64 dim 1 : vector<256x2048xf32>, i32 -> vector<256x2048xf32>
    %ge3A_66 = arith.constant 8 : i32
    %ge3A_67 = vector.broadcast %ge3A_66 : i32 to vector<1x2048xi32>
    %ge3A_68 = arith.cmpi sge, %iota3A, %ge3A_67 : vector<1x2048xi32>
    %broadcast_in_dim3A_69 = arith.constant 0.000000e+00 : f32
    %broadcast_in_dim3A_70 = vector.broadcast %broadcast_in_dim3A_69 : f32 to vector<256x2048xf32>
    %broadcast_in_dim3A_71 = vector.shape_cast %ge3A_68 : vector<1x2048xi1> to vector<1x2048xi1>
    %broadcast_in_dim3A_72 = vector.broadcast %broadcast_in_dim3A_71 : vector<1x2048xi1> to vector<256x2048xi1>
    %select_n3A_73 = arith.select %broadcast_in_dim3A_72, %roll3A_65, %broadcast_in_dim3A_70 : vector<256x2048xi1>, vector<256x2048xf32>
    %add3A_74 = arith.addf %add3A_63, %select_n3A_73 : vector<256x2048xf32>
    %roll3A_75 = arith.constant 16 : i32
    %roll3A_76 = tpu.dynamic_rotate %add3A_74 by %roll3A_75 dim 1 : vector<256x2048xf32>, i32 -> vector<256x2048xf32>
    %ge3A_77 = arith.constant 16 : i32
    %ge3A_78 = vector.broadcast %ge3A_77 : i32 to vector<1x2048xi32>
    %ge3A_79 = arith.cmpi sge, %iota3A, %ge3A_78 : vector<1x2048xi32>
    %broadcast_in_dim3A_80 = arith.constant 0.000000e+00 : f32
    %broadcast_in_dim3A_81 = vector.broadcast %broadcast_in_dim3A_80 : f32 to vector<256x2048xf32>
    %broadcast_in_dim3A_82 = vector.shape_cast %ge3A_79 : vector<1x2048xi1> to vector<1x2048xi1>
    %broadcast_in_dim3A_83 = vector.broadcast %broadcast_in_dim3A_82 : vector<1x2048xi1> to vector<256x2048xi1>
    %select_n3A_84 = arith.select %broadcast_in_dim3A_83, %roll3A_76, %broadcast_in_dim3A_81 : vector<256x2048xi1>, vector<256x2048xf32>
    %add3A_85 = arith.addf %add3A_74, %select_n3A_84 : vector<256x2048xf32>
    %roll3A_86 = arith.constant 32 : i32
    %roll3A_87 = tpu.dynamic_rotate %add3A_85 by %roll3A_86 dim 1 : vector<256x2048xf32>, i32 -> vector<256x2048xf32>
    %ge3A_88 = arith.constant 32 : i32
    %ge3A_89 = vector.broadcast %ge3A_88 : i32 to vector<1x2048xi32>
    %ge3A_90 = arith.cmpi sge, %iota3A, %ge3A_89 : vector<1x2048xi32>
    %broadcast_in_dim3A_91 = arith.constant 0.000000e+00 : f32
    %broadcast_in_dim3A_92 = vector.broadcast %broadcast_in_dim3A_91 : f32 to vector<256x2048xf32>
    %broadcast_in_dim3A_93 = vector.shape_cast %ge3A_90 : vector<1x2048xi1> to vector<1x2048xi1>
    %broadcast_in_dim3A_94 = vector.broadcast %broadcast_in_dim3A_93 : vector<1x2048xi1> to vector<256x2048xi1>
    %select_n3A_95 = arith.select %broadcast_in_dim3A_94, %roll3A_87, %broadcast_in_dim3A_92 : vector<256x2048xi1>, vector<256x2048xf32>
    %add3A_96 = arith.addf %add3A_85, %select_n3A_95 : vector<256x2048xf32>
    %roll3A_97 = arith.constant 64 : i32
    %roll3A_98 = tpu.dynamic_rotate %add3A_96 by %roll3A_97 dim 1 : vector<256x2048xf32>, i32 -> vector<256x2048xf32>
    %ge3A_99 = arith.constant 64 : i32
    %ge3A_100 = vector.broadcast %ge3A_99 : i32 to vector<1x2048xi32>
    %ge3A_101 = arith.cmpi sge, %iota3A, %ge3A_100 : vector<1x2048xi32>
    %broadcast_in_dim3A_102 = arith.constant 0.000000e+00 : f32
    %broadcast_in_dim3A_103 = vector.broadcast %broadcast_in_dim3A_102 : f32 to vector<256x2048xf32>
    %broadcast_in_dim3A_104 = vector.shape_cast %ge3A_101 : vector<1x2048xi1> to vector<1x2048xi1>
    %broadcast_in_dim3A_105 = vector.broadcast %broadcast_in_dim3A_104 : vector<1x2048xi1> to vector<256x2048xi1>
    %select_n3A_106 = arith.select %broadcast_in_dim3A_105, %roll3A_98, %broadcast_in_dim3A_103 : vector<256x2048xi1>, vector<256x2048xf32>
    %add3A_107 = arith.addf %add3A_96, %select_n3A_106 : vector<256x2048xf32>
    %roll3A_108 = arith.constant 128 : i32
    %roll3A_109 = tpu.dynamic_rotate %add3A_107 by %roll3A_108 dim 1 : vector<256x2048xf32>, i32 -> vector<256x2048xf32>
    %ge3A_110 = arith.constant 128 : i32
    %ge3A_111 = vector.broadcast %ge3A_110 : i32 to vector<1x2048xi32>
    %ge3A_112 = arith.cmpi sge, %iota3A, %ge3A_111 : vector<1x2048xi32>
    %broadcast_in_dim3A_113 = arith.constant 0.000000e+00 : f32
    %broadcast_in_dim3A_114 = vector.broadcast %broadcast_in_dim3A_113 : f32 to vector<256x2048xf32>
    %broadcast_in_dim3A_115 = vector.shape_cast %ge3A_112 : vector<1x2048xi1> to vector<1x2048xi1>
    %broadcast_in_dim3A_116 = vector.broadcast %broadcast_in_dim3A_115 : vector<1x2048xi1> to vector<256x2048xi1>
    %select_n3A_117 = arith.select %broadcast_in_dim3A_116, %roll3A_109, %broadcast_in_dim3A_114 : vector<256x2048xi1>, vector<256x2048xf32>
    %add3A_118 = arith.addf %add3A_107, %select_n3A_117 : vector<256x2048xf32>
    %roll3A_119 = arith.constant 256 : i32
    %roll3A_120 = tpu.dynamic_rotate %add3A_118 by %roll3A_119 dim 1 : vector<256x2048xf32>, i32 -> vector<256x2048xf32>
    %ge3A_121 = arith.constant 256 : i32
    %ge3A_122 = vector.broadcast %ge3A_121 : i32 to vector<1x2048xi32>
    %ge3A_123 = arith.cmpi sge, %iota3A, %ge3A_122 : vector<1x2048xi32>
    %broadcast_in_dim3A_124 = arith.constant 0.000000e+00 : f32
    %broadcast_in_dim3A_125 = vector.broadcast %broadcast_in_dim3A_124 : f32 to vector<256x2048xf32>
    %broadcast_in_dim3A_126 = vector.shape_cast %ge3A_123 : vector<1x2048xi1> to vector<1x2048xi1>
    %broadcast_in_dim3A_127 = vector.broadcast %broadcast_in_dim3A_126 : vector<1x2048xi1> to vector<256x2048xi1>
    %select_n3A_128 = arith.select %broadcast_in_dim3A_127, %roll3A_120, %broadcast_in_dim3A_125 : vector<256x2048xi1>, vector<256x2048xf32>
    %add3A_129 = arith.addf %add3A_118, %select_n3A_128 : vector<256x2048xf32>
    %roll3A_130 = arith.constant 512 : i32
    %roll3A_131 = tpu.dynamic_rotate %add3A_129 by %roll3A_130 dim 1 : vector<256x2048xf32>, i32 -> vector<256x2048xf32>
    %ge3A_132 = arith.constant 512 : i32
    %ge3A_133 = vector.broadcast %ge3A_132 : i32 to vector<1x2048xi32>
    %ge3A_134 = arith.cmpi sge, %iota3A, %ge3A_133 : vector<1x2048xi32>
    %broadcast_in_dim3A_135 = arith.constant 0.000000e+00 : f32
    %broadcast_in_dim3A_136 = vector.broadcast %broadcast_in_dim3A_135 : f32 to vector<256x2048xf32>
    %broadcast_in_dim3A_137 = vector.shape_cast %ge3A_134 : vector<1x2048xi1> to vector<1x2048xi1>
    %broadcast_in_dim3A_138 = vector.broadcast %broadcast_in_dim3A_137 : vector<1x2048xi1> to vector<256x2048xi1>
    %select_n3A_139 = arith.select %broadcast_in_dim3A_138, %roll3A_131, %broadcast_in_dim3A_136 : vector<256x2048xi1>, vector<256x2048xf32>
    %add3A_140 = arith.addf %add3A_129, %select_n3A_139 : vector<256x2048xf32>
    %roll3A_141 = arith.constant 1024 : i32
    %roll3A_142 = tpu.dynamic_rotate %add3A_140 by %roll3A_141 dim 1 : vector<256x2048xf32>, i32 -> vector<256x2048xf32>
    %ge3A_143 = arith.constant 1024 : i32
    %ge3A_144 = vector.broadcast %ge3A_143 : i32 to vector<1x2048xi32>
    %ge3A_145 = arith.cmpi sge, %iota3A, %ge3A_144 : vector<1x2048xi32>
    %broadcast_in_dim3A_146 = arith.constant 0.000000e+00 : f32
    %broadcast_in_dim3A_147 = vector.broadcast %broadcast_in_dim3A_146 : f32 to vector<256x2048xf32>
    %broadcast_in_dim3A_148 = vector.shape_cast %ge3A_145 : vector<1x2048xi1> to vector<1x2048xi1>
    %broadcast_in_dim3A_149 = vector.broadcast %broadcast_in_dim3A_148 : vector<1x2048xi1> to vector<256x2048xi1>
    %select_n3A_150 = arith.select %broadcast_in_dim3A_149, %roll3A_142, %broadcast_in_dim3A_147 : vector<256x2048xi1>, vector<256x2048xf32>
    %add3A_151 = arith.addf %add3A_140, %select_n3A_150 : vector<256x2048xf32>
    %le3A_152 = arith.constant 0.000000e+00 : f32
    %le3A_153 = vector.broadcast %le3A_152 : f32 to vector<256x2048xf32>
    %le3A_154 = arith.cmpf ole, %add3A_151, %le3A_153 : vector<256x2048xf32>
    %broadcast_in_dim3A_155 = arith.constant 1.000000e+00 : f32
    %broadcast_in_dim3A_156 = vector.broadcast %broadcast_in_dim3A_155 : f32 to vector<256x2048xf32>
    %broadcast_in_dim3A_157 = arith.constant 0.000000e+00 : f32
    %broadcast_in_dim3A_158 = vector.broadcast %broadcast_in_dim3A_157 : f32 to vector<256x2048xf32>
    %select_n3A_159 = arith.select %le3A_154, %broadcast_in_dim3A_156, %broadcast_in_dim3A_158 : vector<256x2048xi1>, vector<256x2048xf32>
    %reduce_sum3A = arith.constant dense<0.000000e+00> : vector<256xf32>
    %reduce_sum3A_160 = vector.multi_reduction <add>, %select_n3A_159, %reduce_sum3A [1] : vector<256x2048xf32> to vector<256xf32>
    %broadcast_in_dim3A_161 = vector.shape_cast %reduce_sum3A_160 : vector<256xf32> to vector<256x1xf32>
    %le3A_162 = arith.constant 1.000000e+00 : f32
    %le3A_163 = vector.broadcast %le3A_162 : f32 to vector<256x2048xf32>
    %le3A_164 = arith.cmpf ole, %add3A_151, %le3A_163 : vector<256x2048xf32>
    %broadcast_in_dim3A_165 = arith.constant 1.000000e+00 : f32
    %broadcast_in_dim3A_166 = vector.broadcast %broadcast_in_dim3A_165 : f32 to vector<256x2048xf32>
    %broadcast_in_dim3A_167 = arith.constant 0.000000e+00 : f32
    %broadcast_in_dim3A_168 = vector.broadcast %broadcast_in_dim3A_167 : f32 to vector<256x2048xf32>
    %select_n3A_169 = arith.select %le3A_164, %broadcast_in_dim3A_166, %broadcast_in_dim3A_168 : vector<256x2048xi1>, vector<256x2048xf32>
    %reduce_sum3A_170 = arith.constant dense<0.000000e+00> : vector<256xf32>
    %reduce_sum3A_171 = vector.multi_reduction <add>, %select_n3A_169, %reduce_sum3A_170 [1] : vector<256x2048xf32> to vector<256xf32>
    %broadcast_in_dim3A_172 = vector.shape_cast %reduce_sum3A_171 : vector<256xf32> to vector<256x1xf32>
    %le3A_173 = arith.constant 2.000000e+00 : f32
    %le3A_174 = vector.broadcast %le3A_173 : f32 to vector<256x2048xf32>
    %le3A_175 = arith.cmpf ole, %add3A_151, %le3A_174 : vector<256x2048xf32>
    %broadcast_in_dim3A_176 = arith.constant 1.000000e+00 : f32
    %broadcast_in_dim3A_177 = vector.broadcast %broadcast_in_dim3A_176 : f32 to vector<256x2048xf32>
    %broadcast_in_dim3A_178 = arith.constant 0.000000e+00 : f32
    %broadcast_in_dim3A_179 = vector.broadcast %broadcast_in_dim3A_178 : f32 to vector<256x2048xf32>
    %select_n3A_180 = arith.select %le3A_175, %broadcast_in_dim3A_177, %broadcast_in_dim3A_179 : vector<256x2048xi1>, vector<256x2048xf32>
    %reduce_sum3A_181 = arith.constant dense<0.000000e+00> : vector<256xf32>
    %reduce_sum3A_182 = vector.multi_reduction <add>, %select_n3A_180, %reduce_sum3A_181 [1] : vector<256x2048xf32> to vector<256xf32>
    %broadcast_in_dim3A_183 = vector.shape_cast %reduce_sum3A_182 : vector<256xf32> to vector<256x1xf32>
    %le3A_184 = arith.constant 3.000000e+00 : f32
    %le3A_185 = vector.broadcast %le3A_184 : f32 to vector<256x2048xf32>
    %le3A_186 = arith.cmpf ole, %add3A_151, %le3A_185 : vector<256x2048xf32>
    %broadcast_in_dim3A_187 = arith.constant 1.000000e+00 : f32
    %broadcast_in_dim3A_188 = vector.broadcast %broadcast_in_dim3A_187 : f32 to vector<256x2048xf32>
    %broadcast_in_dim3A_189 = arith.constant 0.000000e+00 : f32
    %broadcast_in_dim3A_190 = vector.broadcast %broadcast_in_dim3A_189 : f32 to vector<256x2048xf32>
    %select_n3A_191 = arith.select %le3A_186, %broadcast_in_dim3A_188, %broadcast_in_dim3A_190 : vector<256x2048xi1>, vector<256x2048xf32>
    %reduce_sum3A_192 = arith.constant dense<0.000000e+00> : vector<256xf32>
    %reduce_sum3A_193 = vector.multi_reduction <add>, %select_n3A_191, %reduce_sum3A_192 [1] : vector<256x2048xf32> to vector<256xf32>
    %broadcast_in_dim3A_194 = vector.shape_cast %reduce_sum3A_193 : vector<256xf32> to vector<256x1xf32>
    %le3A_195 = arith.constant 4.000000e+00 : f32
    %le3A_196 = vector.broadcast %le3A_195 : f32 to vector<256x2048xf32>
    %le3A_197 = arith.cmpf ole, %add3A_151, %le3A_196 : vector<256x2048xf32>
    %broadcast_in_dim3A_198 = arith.constant 1.000000e+00 : f32
    %broadcast_in_dim3A_199 = vector.broadcast %broadcast_in_dim3A_198 : f32 to vector<256x2048xf32>
    %broadcast_in_dim3A_200 = arith.constant 0.000000e+00 : f32
    %broadcast_in_dim3A_201 = vector.broadcast %broadcast_in_dim3A_200 : f32 to vector<256x2048xf32>
    %select_n3A_202 = arith.select %le3A_197, %broadcast_in_dim3A_199, %broadcast_in_dim3A_201 : vector<256x2048xi1>, vector<256x2048xf32>
    %reduce_sum3A_203 = arith.constant dense<0.000000e+00> : vector<256xf32>
    %reduce_sum3A_204 = vector.multi_reduction <add>, %select_n3A_202, %reduce_sum3A_203 [1] : vector<256x2048xf32> to vector<256xf32>
    %broadcast_in_dim3A_205 = vector.shape_cast %reduce_sum3A_204 : vector<256xf32> to vector<256x1xf32>
    %le3A_206 = arith.constant 5.000000e+00 : f32
    %le3A_207 = vector.broadcast %le3A_206 : f32 to vector<256x2048xf32>
    %le3A_208 = arith.cmpf ole, %add3A_151, %le3A_207 : vector<256x2048xf32>
    %broadcast_in_dim3A_209 = arith.constant 1.000000e+00 : f32
    %broadcast_in_dim3A_210 = vector.broadcast %broadcast_in_dim3A_209 : f32 to vector<256x2048xf32>
    %broadcast_in_dim3A_211 = arith.constant 0.000000e+00 : f32
    %broadcast_in_dim3A_212 = vector.broadcast %broadcast_in_dim3A_211 : f32 to vector<256x2048xf32>
    %select_n3A_213 = arith.select %le3A_208, %broadcast_in_dim3A_210, %broadcast_in_dim3A_212 : vector<256x2048xi1>, vector<256x2048xf32>
    %reduce_sum3A_214 = arith.constant dense<0.000000e+00> : vector<256xf32>
    %reduce_sum3A_215 = vector.multi_reduction <add>, %select_n3A_213, %reduce_sum3A_214 [1] : vector<256x2048xf32> to vector<256xf32>
    %broadcast_in_dim3A_216 = vector.shape_cast %reduce_sum3A_215 : vector<256xf32> to vector<256x1xf32>
    %le3A_217 = arith.constant 6.000000e+00 : f32
    %le3A_218 = vector.broadcast %le3A_217 : f32 to vector<256x2048xf32>
    %le3A_219 = arith.cmpf ole, %add3A_151, %le3A_218 : vector<256x2048xf32>
    %broadcast_in_dim3A_220 = arith.constant 1.000000e+00 : f32
    %broadcast_in_dim3A_221 = vector.broadcast %broadcast_in_dim3A_220 : f32 to vector<256x2048xf32>
    %broadcast_in_dim3A_222 = arith.constant 0.000000e+00 : f32
    %broadcast_in_dim3A_223 = vector.broadcast %broadcast_in_dim3A_222 : f32 to vector<256x2048xf32>
    %select_n3A_224 = arith.select %le3A_219, %broadcast_in_dim3A_221, %broadcast_in_dim3A_223 : vector<256x2048xi1>, vector<256x2048xf32>
    %reduce_sum3A_225 = arith.constant dense<0.000000e+00> : vector<256xf32>
    %reduce_sum3A_226 = vector.multi_reduction <add>, %select_n3A_224, %reduce_sum3A_225 [1] : vector<256x2048xf32> to vector<256xf32>
    %broadcast_in_dim3A_227 = vector.shape_cast %reduce_sum3A_226 : vector<256xf32> to vector<256x1xf32>
    %le3A_228 = arith.constant 7.000000e+00 : f32
    %le3A_229 = vector.broadcast %le3A_228 : f32 to vector<256x2048xf32>
    %le3A_230 = arith.cmpf ole, %add3A_151, %le3A_229 : vector<256x2048xf32>
    %broadcast_in_dim3A_231 = arith.constant 1.000000e+00 : f32
    %broadcast_in_dim3A_232 = vector.broadcast %broadcast_in_dim3A_231 : f32 to vector<256x2048xf32>
    %broadcast_in_dim3A_233 = arith.constant 0.000000e+00 : f32
    %broadcast_in_dim3A_234 = vector.broadcast %broadcast_in_dim3A_233 : f32 to vector<256x2048xf32>
    %select_n3A_235 = arith.select %le3A_230, %broadcast_in_dim3A_232, %broadcast_in_dim3A_234 : vector<256x2048xi1>, vector<256x2048xf32>
    %reduce_sum3A_236 = arith.constant dense<0.000000e+00> : vector<256xf32>
    %reduce_sum3A_237 = vector.multi_reduction <add>, %select_n3A_235, %reduce_sum3A_236 [1] : vector<256x2048xf32> to vector<256xf32>
    %broadcast_in_dim3A_238 = vector.shape_cast %reduce_sum3A_237 : vector<256xf32> to vector<256x1xf32>
    %le3A_239 = arith.constant 8.000000e+00 : f32
    %le3A_240 = vector.broadcast %le3A_239 : f32 to vector<256x2048xf32>
    %le3A_241 = arith.cmpf ole, %add3A_151, %le3A_240 : vector<256x2048xf32>
    %broadcast_in_dim3A_242 = arith.constant 1.000000e+00 : f32
    %broadcast_in_dim3A_243 = vector.broadcast %broadcast_in_dim3A_242 : f32 to vector<256x2048xf32>
    %broadcast_in_dim3A_244 = arith.constant 0.000000e+00 : f32
    %broadcast_in_dim3A_245 = vector.broadcast %broadcast_in_dim3A_244 : f32 to vector<256x2048xf32>
    %select_n3A_246 = arith.select %le3A_241, %broadcast_in_dim3A_243, %broadcast_in_dim3A_245 : vector<256x2048xi1>, vector<256x2048xf32>
    %reduce_sum3A_247 = arith.constant dense<0.000000e+00> : vector<256xf32>
    %reduce_sum3A_248 = vector.multi_reduction <add>, %select_n3A_246, %reduce_sum3A_247 [1] : vector<256x2048xf32> to vector<256xf32>
    %broadcast_in_dim3A_249 = vector.shape_cast %reduce_sum3A_248 : vector<256xf32> to vector<256x1xf32>
    %le3A_250 = arith.constant 9.000000e+00 : f32
    %le3A_251 = vector.broadcast %le3A_250 : f32 to vector<256x2048xf32>
    %le3A_252 = arith.cmpf ole, %add3A_151, %le3A_251 : vector<256x2048xf32>
    %broadcast_in_dim3A_253 = arith.constant 1.000000e+00 : f32
    %broadcast_in_dim3A_254 = vector.broadcast %broadcast_in_dim3A_253 : f32 to vector<256x2048xf32>
    %broadcast_in_dim3A_255 = arith.constant 0.000000e+00 : f32
    %broadcast_in_dim3A_256 = vector.broadcast %broadcast_in_dim3A_255 : f32 to vector<256x2048xf32>
    %select_n3A_257 = arith.select %le3A_252, %broadcast_in_dim3A_254, %broadcast_in_dim3A_256 : vector<256x2048xi1>, vector<256x2048xf32>
    %reduce_sum3A_258 = arith.constant dense<0.000000e+00> : vector<256xf32>
    %reduce_sum3A_259 = vector.multi_reduction <add>, %select_n3A_257, %reduce_sum3A_258 [1] : vector<256x2048xf32> to vector<256xf32>
    %broadcast_in_dim3A_260 = vector.shape_cast %reduce_sum3A_259 : vector<256xf32> to vector<256x1xf32>
    %le3A_261 = arith.constant 1.000000e+01 : f32
    %le3A_262 = vector.broadcast %le3A_261 : f32 to vector<256x2048xf32>
    %le3A_263 = arith.cmpf ole, %add3A_151, %le3A_262 : vector<256x2048xf32>
    %broadcast_in_dim3A_264 = arith.constant 1.000000e+00 : f32
    %broadcast_in_dim3A_265 = vector.broadcast %broadcast_in_dim3A_264 : f32 to vector<256x2048xf32>
    %broadcast_in_dim3A_266 = arith.constant 0.000000e+00 : f32
    %broadcast_in_dim3A_267 = vector.broadcast %broadcast_in_dim3A_266 : f32 to vector<256x2048xf32>
    %select_n3A_268 = arith.select %le3A_263, %broadcast_in_dim3A_265, %broadcast_in_dim3A_267 : vector<256x2048xi1>, vector<256x2048xf32>
    %reduce_sum3A_269 = arith.constant dense<0.000000e+00> : vector<256xf32>
    %reduce_sum3A_270 = vector.multi_reduction <add>, %select_n3A_268, %reduce_sum3A_269 [1] : vector<256x2048xf32> to vector<256xf32>
    %broadcast_in_dim3A_271 = vector.shape_cast %reduce_sum3A_270 : vector<256xf32> to vector<256x1xf32>
    %le3A_272 = arith.constant 1.100000e+01 : f32
    %le3A_273 = vector.broadcast %le3A_272 : f32 to vector<256x2048xf32>
    %le3A_274 = arith.cmpf ole, %add3A_151, %le3A_273 : vector<256x2048xf32>
    %broadcast_in_dim3A_275 = arith.constant 1.000000e+00 : f32
    %broadcast_in_dim3A_276 = vector.broadcast %broadcast_in_dim3A_275 : f32 to vector<256x2048xf32>
    %broadcast_in_dim3A_277 = arith.constant 0.000000e+00 : f32
    %broadcast_in_dim3A_278 = vector.broadcast %broadcast_in_dim3A_277 : f32 to vector<256x2048xf32>
    %select_n3A_279 = arith.select %le3A_274, %broadcast_in_dim3A_276, %broadcast_in_dim3A_278 : vector<256x2048xi1>, vector<256x2048xf32>
    %reduce_sum3A_280 = arith.constant dense<0.000000e+00> : vector<256xf32>
    %reduce_sum3A_281 = vector.multi_reduction <add>, %select_n3A_279, %reduce_sum3A_280 [1] : vector<256x2048xf32> to vector<256xf32>
    %broadcast_in_dim3A_282 = vector.shape_cast %reduce_sum3A_281 : vector<256xf32> to vector<256x1xf32>
    %le3A_283 = arith.constant 1.200000e+01 : f32
    %le3A_284 = vector.broadcast %le3A_283 : f32 to vector<256x2048xf32>
    %le3A_285 = arith.cmpf ole, %add3A_151, %le3A_284 : vector<256x2048xf32>
    %broadcast_in_dim3A_286 = arith.constant 1.000000e+00 : f32
    %broadcast_in_dim3A_287 = vector.broadcast %broadcast_in_dim3A_286 : f32 to vector<256x2048xf32>
    %broadcast_in_dim3A_288 = arith.constant 0.000000e+00 : f32
    %broadcast_in_dim3A_289 = vector.broadcast %broadcast_in_dim3A_288 : f32 to vector<256x2048xf32>
    %select_n3A_290 = arith.select %le3A_285, %broadcast_in_dim3A_287, %broadcast_in_dim3A_289 : vector<256x2048xi1>, vector<256x2048xf32>
    %reduce_sum3A_291 = arith.constant dense<0.000000e+00> : vector<256xf32>
    %reduce_sum3A_292 = vector.multi_reduction <add>, %select_n3A_290, %reduce_sum3A_291 [1] : vector<256x2048xf32> to vector<256xf32>
    %broadcast_in_dim3A_293 = vector.shape_cast %reduce_sum3A_292 : vector<256xf32> to vector<256x1xf32>
    %le3A_294 = arith.constant 1.300000e+01 : f32
    %le3A_295 = vector.broadcast %le3A_294 : f32 to vector<256x2048xf32>
    %le3A_296 = arith.cmpf ole, %add3A_151, %le3A_295 : vector<256x2048xf32>
    %broadcast_in_dim3A_297 = arith.constant 1.000000e+00 : f32
    %broadcast_in_dim3A_298 = vector.broadcast %broadcast_in_dim3A_297 : f32 to vector<256x2048xf32>
    %broadcast_in_dim3A_299 = arith.constant 0.000000e+00 : f32
    %broadcast_in_dim3A_300 = vector.broadcast %broadcast_in_dim3A_299 : f32 to vector<256x2048xf32>
    %select_n3A_301 = arith.select %le3A_296, %broadcast_in_dim3A_298, %broadcast_in_dim3A_300 : vector<256x2048xi1>, vector<256x2048xf32>
    %reduce_sum3A_302 = arith.constant dense<0.000000e+00> : vector<256xf32>
    %reduce_sum3A_303 = vector.multi_reduction <add>, %select_n3A_301, %reduce_sum3A_302 [1] : vector<256x2048xf32> to vector<256xf32>
    %broadcast_in_dim3A_304 = vector.shape_cast %reduce_sum3A_303 : vector<256xf32> to vector<256x1xf32>
    %le3A_305 = arith.constant 1.400000e+01 : f32
    %le3A_306 = vector.broadcast %le3A_305 : f32 to vector<256x2048xf32>
    %le3A_307 = arith.cmpf ole, %add3A_151, %le3A_306 : vector<256x2048xf32>
    %broadcast_in_dim3A_308 = arith.constant 1.000000e+00 : f32
    %broadcast_in_dim3A_309 = vector.broadcast %broadcast_in_dim3A_308 : f32 to vector<256x2048xf32>
    %broadcast_in_dim3A_310 = arith.constant 0.000000e+00 : f32
    %broadcast_in_dim3A_311 = vector.broadcast %broadcast_in_dim3A_310 : f32 to vector<256x2048xf32>
    %select_n3A_312 = arith.select %le3A_307, %broadcast_in_dim3A_309, %broadcast_in_dim3A_311 : vector<256x2048xi1>, vector<256x2048xf32>
    %reduce_sum3A_313 = arith.constant dense<0.000000e+00> : vector<256xf32>
    %reduce_sum3A_314 = vector.multi_reduction <add>, %select_n3A_312, %reduce_sum3A_313 [1] : vector<256x2048xf32> to vector<256xf32>
    %broadcast_in_dim3A_315 = vector.shape_cast %reduce_sum3A_314 : vector<256xf32> to vector<256x1xf32>
    %le3A_316 = arith.constant 1.500000e+01 : f32
    %le3A_317 = vector.broadcast %le3A_316 : f32 to vector<256x2048xf32>
    %le3A_318 = arith.cmpf ole, %add3A_151, %le3A_317 : vector<256x2048xf32>
    %broadcast_in_dim3A_319 = arith.constant 1.000000e+00 : f32
    %broadcast_in_dim3A_320 = vector.broadcast %broadcast_in_dim3A_319 : f32 to vector<256x2048xf32>
    %broadcast_in_dim3A_321 = arith.constant 0.000000e+00 : f32
    %broadcast_in_dim3A_322 = vector.broadcast %broadcast_in_dim3A_321 : f32 to vector<256x2048xf32>
    %select_n3A_323 = arith.select %le3A_318, %broadcast_in_dim3A_320, %broadcast_in_dim3A_322 : vector<256x2048xi1>, vector<256x2048xf32>
    %reduce_sum3A_324 = arith.constant dense<0.000000e+00> : vector<256xf32>
    %reduce_sum3A_325 = vector.multi_reduction <add>, %select_n3A_323, %reduce_sum3A_324 [1] : vector<256x2048xf32> to vector<256xf32>
    %broadcast_in_dim3A_326 = vector.shape_cast %reduce_sum3A_325 : vector<256xf32> to vector<256x1xf32>
    %le3A_327 = arith.constant 1.600000e+01 : f32
    %le3A_328 = vector.broadcast %le3A_327 : f32 to vector<256x2048xf32>
    %le3A_329 = arith.cmpf ole, %add3A_151, %le3A_328 : vector<256x2048xf32>
    %broadcast_in_dim3A_330 = arith.constant 1.000000e+00 : f32
    %broadcast_in_dim3A_331 = vector.broadcast %broadcast_in_dim3A_330 : f32 to vector<256x2048xf32>
    %broadcast_in_dim3A_332 = arith.constant 0.000000e+00 : f32
    %broadcast_in_dim3A_333 = vector.broadcast %broadcast_in_dim3A_332 : f32 to vector<256x2048xf32>
    %select_n3A_334 = arith.select %le3A_329, %broadcast_in_dim3A_331, %broadcast_in_dim3A_333 : vector<256x2048xi1>, vector<256x2048xf32>
    %reduce_sum3A_335 = arith.constant dense<0.000000e+00> : vector<256xf32>
    %reduce_sum3A_336 = vector.multi_reduction <add>, %select_n3A_334, %reduce_sum3A_335 [1] : vector<256x2048xf32> to vector<256xf32>
    %broadcast_in_dim3A_337 = vector.shape_cast %reduce_sum3A_336 : vector<256xf32> to vector<256x1xf32>
    %le3A_338 = arith.constant 1.700000e+01 : f32
    %le3A_339 = vector.broadcast %le3A_338 : f32 to vector<256x2048xf32>
    %le3A_340 = arith.cmpf ole, %add3A_151, %le3A_339 : vector<256x2048xf32>
    %broadcast_in_dim3A_341 = arith.constant 1.000000e+00 : f32
    %broadcast_in_dim3A_342 = vector.broadcast %broadcast_in_dim3A_341 : f32 to vector<256x2048xf32>
    %broadcast_in_dim3A_343 = arith.constant 0.000000e+00 : f32
    %broadcast_in_dim3A_344 = vector.broadcast %broadcast_in_dim3A_343 : f32 to vector<256x2048xf32>
    %select_n3A_345 = arith.select %le3A_340, %broadcast_in_dim3A_342, %broadcast_in_dim3A_344 : vector<256x2048xi1>, vector<256x2048xf32>
    %reduce_sum3A_346 = arith.constant dense<0.000000e+00> : vector<256xf32>
    %reduce_sum3A_347 = vector.multi_reduction <add>, %select_n3A_345, %reduce_sum3A_346 [1] : vector<256x2048xf32> to vector<256xf32>
    %broadcast_in_dim3A_348 = vector.shape_cast %reduce_sum3A_347 : vector<256xf32> to vector<256x1xf32>
    %le3A_349 = arith.constant 1.800000e+01 : f32
    %le3A_350 = vector.broadcast %le3A_349 : f32 to vector<256x2048xf32>
    %le3A_351 = arith.cmpf ole, %add3A_151, %le3A_350 : vector<256x2048xf32>
    %broadcast_in_dim3A_352 = arith.constant 1.000000e+00 : f32
    %broadcast_in_dim3A_353 = vector.broadcast %broadcast_in_dim3A_352 : f32 to vector<256x2048xf32>
    %broadcast_in_dim3A_354 = arith.constant 0.000000e+00 : f32
    %broadcast_in_dim3A_355 = vector.broadcast %broadcast_in_dim3A_354 : f32 to vector<256x2048xf32>
    %select_n3A_356 = arith.select %le3A_351, %broadcast_in_dim3A_353, %broadcast_in_dim3A_355 : vector<256x2048xi1>, vector<256x2048xf32>
    %reduce_sum3A_357 = arith.constant dense<0.000000e+00> : vector<256xf32>
    %reduce_sum3A_358 = vector.multi_reduction <add>, %select_n3A_356, %reduce_sum3A_357 [1] : vector<256x2048xf32> to vector<256xf32>
    %broadcast_in_dim3A_359 = vector.shape_cast %reduce_sum3A_358 : vector<256xf32> to vector<256x1xf32>
    %le3A_360 = arith.constant 1.900000e+01 : f32
    %le3A_361 = vector.broadcast %le3A_360 : f32 to vector<256x2048xf32>
    %le3A_362 = arith.cmpf ole, %add3A_151, %le3A_361 : vector<256x2048xf32>
    %broadcast_in_dim3A_363 = arith.constant 1.000000e+00 : f32
    %broadcast_in_dim3A_364 = vector.broadcast %broadcast_in_dim3A_363 : f32 to vector<256x2048xf32>
    %broadcast_in_dim3A_365 = arith.constant 0.000000e+00 : f32
    %broadcast_in_dim3A_366 = vector.broadcast %broadcast_in_dim3A_365 : f32 to vector<256x2048xf32>
    %select_n3A_367 = arith.select %le3A_362, %broadcast_in_dim3A_364, %broadcast_in_dim3A_366 : vector<256x2048xi1>, vector<256x2048xf32>
    %reduce_sum3A_368 = arith.constant dense<0.000000e+00> : vector<256xf32>
    %reduce_sum3A_369 = vector.multi_reduction <add>, %select_n3A_367, %reduce_sum3A_368 [1] : vector<256x2048xf32> to vector<256xf32>
    %broadcast_in_dim3A_370 = vector.shape_cast %reduce_sum3A_369 : vector<256xf32> to vector<256x1xf32>
    %le3A_371 = arith.constant 2.000000e+01 : f32
    %le3A_372 = vector.broadcast %le3A_371 : f32 to vector<256x2048xf32>
    %le3A_373 = arith.cmpf ole, %add3A_151, %le3A_372 : vector<256x2048xf32>
    %broadcast_in_dim3A_374 = arith.constant 1.000000e+00 : f32
    %broadcast_in_dim3A_375 = vector.broadcast %broadcast_in_dim3A_374 : f32 to vector<256x2048xf32>
    %broadcast_in_dim3A_376 = arith.constant 0.000000e+00 : f32
    %broadcast_in_dim3A_377 = vector.broadcast %broadcast_in_dim3A_376 : f32 to vector<256x2048xf32>
    %select_n3A_378 = arith.select %le3A_373, %broadcast_in_dim3A_375, %broadcast_in_dim3A_377 : vector<256x2048xi1>, vector<256x2048xf32>
    %reduce_sum3A_379 = arith.constant dense<0.000000e+00> : vector<256xf32>
    %reduce_sum3A_380 = vector.multi_reduction <add>, %select_n3A_378, %reduce_sum3A_379 [1] : vector<256x2048xf32> to vector<256xf32>
    %broadcast_in_dim3A_381 = vector.shape_cast %reduce_sum3A_380 : vector<256xf32> to vector<256x1xf32>
    %le3A_382 = arith.constant 2.100000e+01 : f32
    %le3A_383 = vector.broadcast %le3A_382 : f32 to vector<256x2048xf32>
    %le3A_384 = arith.cmpf ole, %add3A_151, %le3A_383 : vector<256x2048xf32>
    %broadcast_in_dim3A_385 = arith.constant 1.000000e+00 : f32
    %broadcast_in_dim3A_386 = vector.broadcast %broadcast_in_dim3A_385 : f32 to vector<256x2048xf32>
    %broadcast_in_dim3A_387 = arith.constant 0.000000e+00 : f32
    %broadcast_in_dim3A_388 = vector.broadcast %broadcast_in_dim3A_387 : f32 to vector<256x2048xf32>
    %select_n3A_389 = arith.select %le3A_384, %broadcast_in_dim3A_386, %broadcast_in_dim3A_388 : vector<256x2048xi1>, vector<256x2048xf32>
    %reduce_sum3A_390 = arith.constant dense<0.000000e+00> : vector<256xf32>
    %reduce_sum3A_391 = vector.multi_reduction <add>, %select_n3A_389, %reduce_sum3A_390 [1] : vector<256x2048xf32> to vector<256xf32>
    %broadcast_in_dim3A_392 = vector.shape_cast %reduce_sum3A_391 : vector<256xf32> to vector<256x1xf32>
    %le3A_393 = arith.constant 2.200000e+01 : f32
    %le3A_394 = vector.broadcast %le3A_393 : f32 to vector<256x2048xf32>
    %le3A_395 = arith.cmpf ole, %add3A_151, %le3A_394 : vector<256x2048xf32>
    %broadcast_in_dim3A_396 = arith.constant 1.000000e+00 : f32
    %broadcast_in_dim3A_397 = vector.broadcast %broadcast_in_dim3A_396 : f32 to vector<256x2048xf32>
    %broadcast_in_dim3A_398 = arith.constant 0.000000e+00 : f32
    %broadcast_in_dim3A_399 = vector.broadcast %broadcast_in_dim3A_398 : f32 to vector<256x2048xf32>
    %select_n3A_400 = arith.select %le3A_395, %broadcast_in_dim3A_397, %broadcast_in_dim3A_399 : vector<256x2048xi1>, vector<256x2048xf32>
    %reduce_sum3A_401 = arith.constant dense<0.000000e+00> : vector<256xf32>
    %reduce_sum3A_402 = vector.multi_reduction <add>, %select_n3A_400, %reduce_sum3A_401 [1] : vector<256x2048xf32> to vector<256xf32>
    %broadcast_in_dim3A_403 = vector.shape_cast %reduce_sum3A_402 : vector<256xf32> to vector<256x1xf32>
    %le3A_404 = arith.constant 2.300000e+01 : f32
    %le3A_405 = vector.broadcast %le3A_404 : f32 to vector<256x2048xf32>
    %le3A_406 = arith.cmpf ole, %add3A_151, %le3A_405 : vector<256x2048xf32>
    %broadcast_in_dim3A_407 = arith.constant 1.000000e+00 : f32
    %broadcast_in_dim3A_408 = vector.broadcast %broadcast_in_dim3A_407 : f32 to vector<256x2048xf32>
    %broadcast_in_dim3A_409 = arith.constant 0.000000e+00 : f32
    %broadcast_in_dim3A_410 = vector.broadcast %broadcast_in_dim3A_409 : f32 to vector<256x2048xf32>
    %select_n3A_411 = arith.select %le3A_406, %broadcast_in_dim3A_408, %broadcast_in_dim3A_410 : vector<256x2048xi1>, vector<256x2048xf32>
    %reduce_sum3A_412 = arith.constant dense<0.000000e+00> : vector<256xf32>
    %reduce_sum3A_413 = vector.multi_reduction <add>, %select_n3A_411, %reduce_sum3A_412 [1] : vector<256x2048xf32> to vector<256xf32>
    %broadcast_in_dim3A_414 = vector.shape_cast %reduce_sum3A_413 : vector<256xf32> to vector<256x1xf32>
    %le3A_415 = arith.constant 2.400000e+01 : f32
    %le3A_416 = vector.broadcast %le3A_415 : f32 to vector<256x2048xf32>
    %le3A_417 = arith.cmpf ole, %add3A_151, %le3A_416 : vector<256x2048xf32>
    %broadcast_in_dim3A_418 = arith.constant 1.000000e+00 : f32
    %broadcast_in_dim3A_419 = vector.broadcast %broadcast_in_dim3A_418 : f32 to vector<256x2048xf32>
    %broadcast_in_dim3A_420 = arith.constant 0.000000e+00 : f32
    %broadcast_in_dim3A_421 = vector.broadcast %broadcast_in_dim3A_420 : f32 to vector<256x2048xf32>
    %select_n3A_422 = arith.select %le3A_417, %broadcast_in_dim3A_419, %broadcast_in_dim3A_421 : vector<256x2048xi1>, vector<256x2048xf32>
    %reduce_sum3A_423 = arith.constant dense<0.000000e+00> : vector<256xf32>
    %reduce_sum3A_424 = vector.multi_reduction <add>, %select_n3A_422, %reduce_sum3A_423 [1] : vector<256x2048xf32> to vector<256xf32>
    %broadcast_in_dim3A_425 = vector.shape_cast %reduce_sum3A_424 : vector<256xf32> to vector<256x1xf32>
    %le3A_426 = arith.constant 2.500000e+01 : f32
    %le3A_427 = vector.broadcast %le3A_426 : f32 to vector<256x2048xf32>
    %le3A_428 = arith.cmpf ole, %add3A_151, %le3A_427 : vector<256x2048xf32>
    %broadcast_in_dim3A_429 = arith.constant 1.000000e+00 : f32
    %broadcast_in_dim3A_430 = vector.broadcast %broadcast_in_dim3A_429 : f32 to vector<256x2048xf32>
    %broadcast_in_dim3A_431 = arith.constant 0.000000e+00 : f32
    %broadcast_in_dim3A_432 = vector.broadcast %broadcast_in_dim3A_431 : f32 to vector<256x2048xf32>
    %select_n3A_433 = arith.select %le3A_428, %broadcast_in_dim3A_430, %broadcast_in_dim3A_432 : vector<256x2048xi1>, vector<256x2048xf32>
    %reduce_sum3A_434 = arith.constant dense<0.000000e+00> : vector<256xf32>
    %reduce_sum3A_435 = vector.multi_reduction <add>, %select_n3A_433, %reduce_sum3A_434 [1] : vector<256x2048xf32> to vector<256xf32>
    %broadcast_in_dim3A_436 = vector.shape_cast %reduce_sum3A_435 : vector<256xf32> to vector<256x1xf32>
    %le3A_437 = arith.constant 2.600000e+01 : f32
    %le3A_438 = vector.broadcast %le3A_437 : f32 to vector<256x2048xf32>
    %le3A_439 = arith.cmpf ole, %add3A_151, %le3A_438 : vector<256x2048xf32>
    %broadcast_in_dim3A_440 = arith.constant 1.000000e+00 : f32
    %broadcast_in_dim3A_441 = vector.broadcast %broadcast_in_dim3A_440 : f32 to vector<256x2048xf32>
    %broadcast_in_dim3A_442 = arith.constant 0.000000e+00 : f32
    %broadcast_in_dim3A_443 = vector.broadcast %broadcast_in_dim3A_442 : f32 to vector<256x2048xf32>
    %select_n3A_444 = arith.select %le3A_439, %broadcast_in_dim3A_441, %broadcast_in_dim3A_443 : vector<256x2048xi1>, vector<256x2048xf32>
    %reduce_sum3A_445 = arith.constant dense<0.000000e+00> : vector<256xf32>
    %reduce_sum3A_446 = vector.multi_reduction <add>, %select_n3A_444, %reduce_sum3A_445 [1] : vector<256x2048xf32> to vector<256xf32>
    %broadcast_in_dim3A_447 = vector.shape_cast %reduce_sum3A_446 : vector<256xf32> to vector<256x1xf32>
    %le3A_448 = arith.constant 2.700000e+01 : f32
    %le3A_449 = vector.broadcast %le3A_448 : f32 to vector<256x2048xf32>
    %le3A_450 = arith.cmpf ole, %add3A_151, %le3A_449 : vector<256x2048xf32>
    %broadcast_in_dim3A_451 = arith.constant 1.000000e+00 : f32
    %broadcast_in_dim3A_452 = vector.broadcast %broadcast_in_dim3A_451 : f32 to vector<256x2048xf32>
    %broadcast_in_dim3A_453 = arith.constant 0.000000e+00 : f32
    %broadcast_in_dim3A_454 = vector.broadcast %broadcast_in_dim3A_453 : f32 to vector<256x2048xf32>
    %select_n3A_455 = arith.select %le3A_450, %broadcast_in_dim3A_452, %broadcast_in_dim3A_454 : vector<256x2048xi1>, vector<256x2048xf32>
    %reduce_sum3A_456 = arith.constant dense<0.000000e+00> : vector<256xf32>
    %reduce_sum3A_457 = vector.multi_reduction <add>, %select_n3A_455, %reduce_sum3A_456 [1] : vector<256x2048xf32> to vector<256xf32>
    %broadcast_in_dim3A_458 = vector.shape_cast %reduce_sum3A_457 : vector<256xf32> to vector<256x1xf32>
    %le3A_459 = arith.constant 2.800000e+01 : f32
    %le3A_460 = vector.broadcast %le3A_459 : f32 to vector<256x2048xf32>
    %le3A_461 = arith.cmpf ole, %add3A_151, %le3A_460 : vector<256x2048xf32>
    %broadcast_in_dim3A_462 = arith.constant 1.000000e+00 : f32
    %broadcast_in_dim3A_463 = vector.broadcast %broadcast_in_dim3A_462 : f32 to vector<256x2048xf32>
    %broadcast_in_dim3A_464 = arith.constant 0.000000e+00 : f32
    %broadcast_in_dim3A_465 = vector.broadcast %broadcast_in_dim3A_464 : f32 to vector<256x2048xf32>
    %select_n3A_466 = arith.select %le3A_461, %broadcast_in_dim3A_463, %broadcast_in_dim3A_465 : vector<256x2048xi1>, vector<256x2048xf32>
    %reduce_sum3A_467 = arith.constant dense<0.000000e+00> : vector<256xf32>
    %reduce_sum3A_468 = vector.multi_reduction <add>, %select_n3A_466, %reduce_sum3A_467 [1] : vector<256x2048xf32> to vector<256xf32>
    %broadcast_in_dim3A_469 = vector.shape_cast %reduce_sum3A_468 : vector<256xf32> to vector<256x1xf32>
    %le3A_470 = arith.constant 2.900000e+01 : f32
    %le3A_471 = vector.broadcast %le3A_470 : f32 to vector<256x2048xf32>
    %le3A_472 = arith.cmpf ole, %add3A_151, %le3A_471 : vector<256x2048xf32>
    %broadcast_in_dim3A_473 = arith.constant 1.000000e+00 : f32
    %broadcast_in_dim3A_474 = vector.broadcast %broadcast_in_dim3A_473 : f32 to vector<256x2048xf32>
    %broadcast_in_dim3A_475 = arith.constant 0.000000e+00 : f32
    %broadcast_in_dim3A_476 = vector.broadcast %broadcast_in_dim3A_475 : f32 to vector<256x2048xf32>
    %select_n3A_477 = arith.select %le3A_472, %broadcast_in_dim3A_474, %broadcast_in_dim3A_476 : vector<256x2048xi1>, vector<256x2048xf32>
    %reduce_sum3A_478 = arith.constant dense<0.000000e+00> : vector<256xf32>
    %reduce_sum3A_479 = vector.multi_reduction <add>, %select_n3A_477, %reduce_sum3A_478 [1] : vector<256x2048xf32> to vector<256xf32>
    %broadcast_in_dim3A_480 = vector.shape_cast %reduce_sum3A_479 : vector<256xf32> to vector<256x1xf32>
    %le3A_481 = arith.constant 3.000000e+01 : f32
    %le3A_482 = vector.broadcast %le3A_481 : f32 to vector<256x2048xf32>
    %le3A_483 = arith.cmpf ole, %add3A_151, %le3A_482 : vector<256x2048xf32>
    %broadcast_in_dim3A_484 = arith.constant 1.000000e+00 : f32
    %broadcast_in_dim3A_485 = vector.broadcast %broadcast_in_dim3A_484 : f32 to vector<256x2048xf32>
    %broadcast_in_dim3A_486 = arith.constant 0.000000e+00 : f32
    %broadcast_in_dim3A_487 = vector.broadcast %broadcast_in_dim3A_486 : f32 to vector<256x2048xf32>
    %select_n3A_488 = arith.select %le3A_483, %broadcast_in_dim3A_485, %broadcast_in_dim3A_487 : vector<256x2048xi1>, vector<256x2048xf32>
    %reduce_sum3A_489 = arith.constant dense<0.000000e+00> : vector<256xf32>
    %reduce_sum3A_490 = vector.multi_reduction <add>, %select_n3A_488, %reduce_sum3A_489 [1] : vector<256x2048xf32> to vector<256xf32>
    %broadcast_in_dim3A_491 = vector.shape_cast %reduce_sum3A_490 : vector<256xf32> to vector<256x1xf32>
    %le3A_492 = arith.constant 3.100000e+01 : f32
    %le3A_493 = vector.broadcast %le3A_492 : f32 to vector<256x2048xf32>
    %le3A_494 = arith.cmpf ole, %add3A_151, %le3A_493 : vector<256x2048xf32>
    %broadcast_in_dim3A_495 = arith.constant 1.000000e+00 : f32
    %broadcast_in_dim3A_496 = vector.broadcast %broadcast_in_dim3A_495 : f32 to vector<256x2048xf32>
    %broadcast_in_dim3A_497 = arith.constant 0.000000e+00 : f32
    %broadcast_in_dim3A_498 = vector.broadcast %broadcast_in_dim3A_497 : f32 to vector<256x2048xf32>
    %select_n3A_499 = arith.select %le3A_494, %broadcast_in_dim3A_496, %broadcast_in_dim3A_498 : vector<256x2048xi1>, vector<256x2048xf32>
    %reduce_sum3A_500 = arith.constant dense<0.000000e+00> : vector<256xf32>
    %reduce_sum3A_501 = vector.multi_reduction <add>, %select_n3A_499, %reduce_sum3A_500 [1] : vector<256x2048xf32> to vector<256xf32>
    %broadcast_in_dim3A_502 = vector.shape_cast %reduce_sum3A_501 : vector<256xf32> to vector<256x1xf32>
    %concatenate3A = tpu.concatenate %broadcast_in_dim3A_161, %broadcast_in_dim3A_172, %broadcast_in_dim3A_183, %broadcast_in_dim3A_194, %broadcast_in_dim3A_205, %broadcast_in_dim3A_216, %broadcast_in_dim3A_227, %broadcast_in_dim3A_238, %broadcast_in_dim3A_249, %broadcast_in_dim3A_260, %broadcast_in_dim3A_271, %broadcast_in_dim3A_282, %broadcast_in_dim3A_293, %broadcast_in_dim3A_304, %broadcast_in_dim3A_315, %broadcast_in_dim3A_326, %broadcast_in_dim3A_337, %broadcast_in_dim3A_348, %broadcast_in_dim3A_359, %broadcast_in_dim3A_370, %broadcast_in_dim3A_381, %broadcast_in_dim3A_392, %broadcast_in_dim3A_403, %broadcast_in_dim3A_414, %broadcast_in_dim3A_425, %broadcast_in_dim3A_436, %broadcast_in_dim3A_447, %broadcast_in_dim3A_458, %broadcast_in_dim3A_469, %broadcast_in_dim3A_480, %broadcast_in_dim3A_491, %broadcast_in_dim3A_502 in 1 : vector<256x1xf32>, vector<256x1xf32>, vector<256x1xf32>, vector<256x1xf32>, vector<256x1xf32>, vector<256x1xf32>, vector<256x1xf32>, vector<256x1xf32>, vector<256x1xf32>, vector<256x1xf32>, vector<256x1xf32>, vector<256x1xf32>, vector<256x1xf32>, vector<256x1xf32>, vector<256x1xf32>, vector<256x1xf32>, vector<256x1xf32>, vector<256x1xf32>, vector<256x1xf32>, vector<256x1xf32>, vector<256x1xf32>, vector<256x1xf32>, vector<256x1xf32>, vector<256x1xf32>, vector<256x1xf32>, vector<256x1xf32>, vector<256x1xf32>, vector<256x1xf32>, vector<256x1xf32>, vector<256x1xf32>, vector<256x1xf32>, vector<256x1xf32> -> vector<256x32xf32>
    %slice3A = vector.extract_strided_slice %concatenate3A {offsets = [0, 0], sizes = [256, 1], strides = [1, 1]} : vector<256x32xf32> to vector<256x1xf32>
    %ge3A_503 = arith.constant 2.048000e+03 : f32
    %ge3A_504 = vector.broadcast %ge3A_503 : f32 to vector<256x32xf32>
    %ge3A_505 = arith.cmpf oge, %concatenate3A, %ge3A_504 : vector<256x32xf32>
    %broadcast_in_dim3A_506 = vector.shape_cast %slice3A : vector<256x1xf32> to vector<256x1xf32>
    %broadcast_in_dim3A_507 = vector.broadcast %broadcast_in_dim3A_506 : vector<256x1xf32> to vector<256x32xf32>
    %select_n3A_508 = arith.select %ge3A_505, %broadcast_in_dim3A_507, %concatenate3A : vector<256x32xi1>, vector<256x32xf32>
    %convert_element_type3A = arith.fptosi %select_n3A_508 : vector<256x32xf32> to vector<256x32xi32>
    %swap3A = arith.constant 0 : index
    %swap3A_509 = arith.constant 0 : index
    %swap3A_510 = vector.load %arg3[%swap3A, %swap3A_509] : memref<256x32xi32, #tpu.memory_space<vmem>>, vector<256x32xi32>
    tpu.vector_store %arg3[%swap3A, %swap3A_509], %convert_element_type3A {strides = array<i32>} : memref<256x32xi32, #tpu.memory_space<vmem>>, vector<256x32xi32>,
    return
  }
  func.func @transform_0(%arg0: i32) -> (i32, i32) {
    %c0_i32 = arith.constant 0 : i32
    %c0_i32_0 = arith.constant 0 : i32
    return %arg0, %c0_i32 : i32, i32
  }
  func.func @transform_1(%arg0: i32) -> (i32, i32) {
    %c0_i32 = arith.constant 0 : i32
    %c0_i32_0 = arith.constant 0 : i32
    %c0_i32_1 = arith.constant 0 : i32
    return %c0_i32, %c0_i32_0 : i32, i32
  }
  func.func @transform_2(%arg0: i32) -> (i32, i32) {
    %c0_i32 = arith.constant 0 : i32
    %c0_i32_0 = arith.constant 0 : i32
    return %arg0, %c0_i32 : i32, i32
  }
}

module attributes {stable_mosaic.version = 14 : i64} {
  func.func @_sa1_body(%arg0: i32, %arg1: memref<256x3xf32, #tpu.memory_space<vmem>>, %arg2: memref<8x3xf32, #tpu.memory_space<vmem>>, %arg3: memref<64x128xf32, #tpu.memory_space<vmem>>, %arg4: memref<1x64xf32, #tpu.memory_space<vmem>>, %arg5: memref<256x64xf32, #tpu.memory_space<vmem>>, %arg6: memref<2x64xf32, #tpu.memory_space<vmem>>) attributes {dimension_semantics = [#tpu.dimension_semantics<arbitrary>], iteration_bounds = array<i64: 256>, scalar_prefetch = 0 : i64, scratch_operands = 0 : i64, tpu.core_type = #tpu.core_type<tc>, window_params = [{transform_indices = @transform_0, window_bounds = array<i64: 256, 3>}, {transform_indices = @transform_1, window_bounds = array<i64: 8, 3>}, {pipeline_mode = #tpu.pipeline_mode<synchronous>, transform_indices = @transform_2, window_bounds = array<i64: 64, 128>}, {pipeline_mode = #tpu.pipeline_mode<synchronous>, transform_indices = @transform_3, window_bounds = array<i64: 1, 64>}, {transform_indices = @transform_4, window_bounds = array<i64: 256, 64>}, {pipeline_mode = #tpu.pipeline_mode<synchronous>, transform_indices = @transform_5, window_bounds = array<i64: 2, 64>}]} {
    %iota3A = tpu.iota {dimensions = array<i32: 0>} : vector<256x8xi32>
    %jit3A = arith.constant 32 : i32
    %div3A = vector.broadcast %jit3A : i32 to vector<256x8xi32>
    %div3A_0 = arith.divsi %iota3A, %div3A : vector<256x8xi32>
    %sign3A = arith.constant 0 : i32
    %sign3A_1 = vector.broadcast %sign3A : i32 to vector<256x8xi32>
    %sign3A_2 = arith.cmpi sgt, %iota3A, %sign3A_1 : vector<256x8xi32>
    %sign3A_3 = arith.extui %sign3A_2 : vector<256x8xi1> to vector<256x8xi32>
    %sign3A_4 = arith.constant 0 : i32
    %sign3A_5 = vector.broadcast %sign3A_4 : i32 to vector<256x8xi32>
    %sign3A_6 = arith.cmpi slt, %iota3A, %sign3A_5 : vector<256x8xi32>
    %sign3A_7 = arith.extui %sign3A_6 : vector<256x8xi1> to vector<256x8xi32>
    %sign3A_8 = arith.subi %sign3A_3, %sign3A_7 : vector<256x8xi32>
    %sign3A_9 = arith.constant 0 : i32
    %sign3A_10 = arith.cmpi sgt, %jit3A, %sign3A_9 : i32
    %sign3A_11 = arith.extui %sign3A_10 : i1 to i32
    %sign3A_12 = arith.constant 0 : i32
    %sign3A_13 = arith.cmpi slt, %jit3A, %sign3A_12 : i32
    %sign3A_14 = arith.extui %sign3A_13 : i1 to i32
    %sign3A_15 = arith.subi %sign3A_11, %sign3A_14 : i32
    %ne3A = vector.broadcast %sign3A_15 : i32 to vector<256x8xi32>
    %ne3A_16 = arith.cmpi ne, %sign3A_8, %ne3A : vector<256x8xi32>
    %rem3A = vector.broadcast %jit3A : i32 to vector<256x8xi32>
    %rem3A_17 = arith.remsi %iota3A, %rem3A : vector<256x8xi32>
    %ne3A_18 = arith.constant 0 : i32
    %ne3A_19 = vector.broadcast %ne3A_18 : i32 to vector<256x8xi32>
    %ne3A_20 = arith.cmpi ne, %rem3A_17, %ne3A_19 : vector<256x8xi32>
    %and3A = arith.andi %ne3A_16, %ne3A_20 : vector<256x8xi1>
    %sub3A = arith.constant 1 : i32
    %sub3A_21 = vector.broadcast %sub3A : i32 to vector<256x8xi32>
    %sub3A_22 = arith.subi %div3A_0, %sub3A_21 : vector<256x8xi32>
    %select_n3A = arith.select %and3A, %sub3A_22, %div3A_0 : vector<256x8xi1>, vector<256x8xi32>
    %iota3A_23 = tpu.iota {dimensions = array<i32: 1>} : vector<256x8xi32>
    %eq3A = arith.cmpi eq, %select_n3A, %iota3A_23 : vector<256x8xi32>
    %jit3A_24 = arith.constant 1.000000e+00 : f32
    %jit3A_25 = arith.constant 0.000000e+00 : f32
    %broadcast_in_dim3A = vector.broadcast %jit3A_24 : f32 to vector<256x8xf32>
    %broadcast_in_dim3A_26 = vector.broadcast %jit3A_25 : f32 to vector<256x8xf32>
    %select_n3A_27 = arith.select %eq3A, %broadcast_in_dim3A, %broadcast_in_dim3A_26 : vector<256x8xi1>, vector<256x8xf32>
    %get3A = arith.constant 0 : index
    %get3A_28 = arith.constant 0 : index
    %get3A_29 = vector.load %arg2[%get3A, %get3A_28] : memref<8x3xf32, #tpu.memory_space<vmem>>, vector<8x3xf32>
    %dot_general3A = arith.constant dense<0.000000e+00> : vector<256x3xf32>
    %dot_general3A_30 = tpu.matmul %select_n3A_27, %get3A_29, %dot_general3A {dimension_numbers = #tpu.dot_dimension_numbers<[1], [0], [0], [1], [0, 0, 1, 1], [], []>, precision = #tpu.contract_precision<fp32>, transpose_lhs_hint = false} : vector<256x8xf32>, vector<8x3xf32>, vector<256x3xf32> -> vector<256x3xf32>
    %get3A_31 = arith.constant 0 : index
    %get3A_32 = arith.constant 0 : index
    %get3A_33 = vector.load %arg1[%get3A_31, %get3A_32] : memref<256x3xf32, #tpu.memory_space<vmem>>, vector<256x3xf32>
    %sub3A_34 = arith.subf %get3A_33, %dot_general3A_30 : vector<256x3xf32>
    %broadcast_in_dim3A_35 = arith.constant 0.000000e+00 : f32
    %broadcast_in_dim3A_36 = vector.broadcast %broadcast_in_dim3A_35 : f32 to vector<256x125xf32>
    %concatenate3A = tpu.concatenate %sub3A_34, %broadcast_in_dim3A_36 in 1 : vector<256x3xf32>, vector<256x125xf32> -> vector<256x128xf32>
    %get3A_37 = arith.constant 0 : index
    %get3A_38 = arith.constant 0 : index
    %get3A_39 = vector.load %arg3[%get3A_37, %get3A_38] : memref<64x128xf32, #tpu.memory_space<vmem>>, vector<64x128xf32>
    %dot_general3A_40 = arith.constant dense<0.000000e+00> : vector<256x64xf32>
    %dot_general3A_41 = tpu.matmul %concatenate3A, %get3A_39, %dot_general3A_40 {dimension_numbers = #tpu.dot_dimension_numbers<[1], [1], [0], [0], [0, 0, 1, 0], [], []>, transpose_lhs_hint = false} : vector<256x128xf32>, vector<64x128xf32>, vector<256x64xf32> -> vector<256x64xf32>
    %get3A_42 = arith.constant 0 : index
    %get3A_43 = arith.constant 0 : index
    %get3A_44 = vector.load %arg4[%get3A_42, %get3A_43] : memref<1x64xf32, #tpu.memory_space<vmem>>, vector<1x64xf32>
    %add3A = vector.broadcast %get3A_44 : vector<1x64xf32> to vector<256x64xf32>
    %add3A_45 = arith.addf %dot_general3A_41, %add3A : vector<256x64xf32>
    %swap3A = arith.constant 0 : index
    %swap3A_46 = arith.constant 0 : index
    %swap3A_47 = vector.load %arg5[%swap3A, %swap3A_46] : memref<256x64xf32, #tpu.memory_space<vmem>>, vector<256x64xf32>
    tpu.vector_store %arg5[%swap3A, %swap3A_46], %add3A_45 {strides = array<i32>} : memref<256x64xf32, #tpu.memory_space<vmem>>, vector<256x64xf32>,
    %reduce_sum3A = arith.constant dense<0.000000e+00> : vector<64xf32>
    %reduce_sum3A_48 = vector.multi_reduction <add>, %add3A_45, %reduce_sum3A [0] : vector<256x64xf32> to vector<64xf32>
    %broadcast_in_dim3A_49 = vector.shape_cast %reduce_sum3A_48 : vector<64xf32> to vector<1x64xf32>
    %mul3A = arith.mulf %add3A_45, %add3A_45 : vector<256x64xf32>
    %reduce_sum3A_50 = arith.constant dense<0.000000e+00> : vector<64xf32>
    %reduce_sum3A_51 = vector.multi_reduction <add>, %mul3A, %reduce_sum3A_50 [0] : vector<256x64xf32> to vector<64xf32>
    %broadcast_in_dim3A_52 = vector.shape_cast %reduce_sum3A_51 : vector<64xf32> to vector<1x64xf32>
    %concatenate3A_53 = tpu.concatenate %broadcast_in_dim3A_49, %broadcast_in_dim3A_52 in 0 : vector<1x64xf32>, vector<1x64xf32> -> vector<2x64xf32>
    %eq3A_54 = arith.constant 0 : i32
    %eq3A_55 = arith.cmpi eq, %arg0, %eq3A_54 : i32
    %convert_element_type3A = arith.extui %eq3A_55 : i1 to i32
    %cond3A = arith.constant 0 : i32
    %cond3A_56 = arith.cmpi ne, %convert_element_type3A, %cond3A : i32
    scf.if %cond3A_56 {
      %swap3A_62 = arith.constant 0 : index
      %swap3A_63 = arith.constant 0 : index
      %swap3A_64 = vector.load %arg6[%swap3A_62, %swap3A_63] : memref<2x64xf32, #tpu.memory_space<vmem>>, vector<2x64xf32>
      tpu.vector_store %arg6[%swap3A_62, %swap3A_63], %concatenate3A_53 {strides = array<i32>} : memref<2x64xf32, #tpu.memory_space<vmem>>, vector<2x64xf32>,
    } else {
    }
    %ne3A_57 = arith.constant 0 : i32
    %ne3A_58 = arith.cmpi ne, %arg0, %ne3A_57 : i32
    %convert_element_type3A_59 = arith.extui %ne3A_58 : i1 to i32
    %cond3A_60 = arith.constant 0 : i32
    %cond3A_61 = arith.cmpi ne, %convert_element_type3A_59, %cond3A_60 : i32
    scf.if %cond3A_61 {
      %get3A_62 = arith.constant 0 : index
      %get3A_63 = arith.constant 0 : index
      %get3A_64 = vector.load %arg6[%get3A_62, %get3A_63] : memref<2x64xf32, #tpu.memory_space<vmem>>, vector<2x64xf32>
      %add3A_65 = arith.addf %get3A_64, %concatenate3A_53 : vector<2x64xf32>
      %swap3A_66 = arith.constant 0 : index
      %swap3A_67 = arith.constant 0 : index
      %swap3A_68 = vector.load %arg6[%swap3A_66, %swap3A_67] : memref<2x64xf32, #tpu.memory_space<vmem>>, vector<2x64xf32>
      tpu.vector_store %arg6[%swap3A_66, %swap3A_67], %add3A_65 {strides = array<i32>} : memref<2x64xf32, #tpu.memory_space<vmem>>, vector<2x64xf32>,
    } else {
    }
    return
  }
  func.func @transform_0(%arg0: i32) -> (i32, i32) {
    %c0_i32 = arith.constant 0 : i32
    %c0_i32_0 = arith.constant 0 : i32
    return %arg0, %c0_i32 : i32, i32
  }
  func.func @transform_1(%arg0: i32) -> (i32, i32) {
    %c0_i32 = arith.constant 0 : i32
    %c0_i32_0 = arith.constant 0 : i32
    return %arg0, %c0_i32 : i32, i32
  }
  func.func @transform_2(%arg0: i32) -> (i32, i32) {
    %c0_i32 = arith.constant 0 : i32
    %c0_i32_0 = arith.constant 0 : i32
    %c0_i32_1 = arith.constant 0 : i32
    return %c0_i32, %c0_i32_0 : i32, i32
  }
  func.func @transform_3(%arg0: i32) -> (i32, i32) {
    %c0_i32 = arith.constant 0 : i32
    %c0_i32_0 = arith.constant 0 : i32
    %c0_i32_1 = arith.constant 0 : i32
    return %c0_i32, %c0_i32_0 : i32, i32
  }
  func.func @transform_4(%arg0: i32) -> (i32, i32) {
    %c0_i32 = arith.constant 0 : i32
    %c0_i32_0 = arith.constant 0 : i32
    return %arg0, %c0_i32 : i32, i32
  }
  func.func @transform_5(%arg0: i32) -> (i32, i32) {
    %c0_i32 = arith.constant 0 : i32
    %c0_i32_0 = arith.constant 0 : i32
    %c0_i32_1 = arith.constant 0 : i32
    return %c0_i32, %c0_i32_0 : i32, i32
  }
}

module attributes {stable_mosaic.version = 14 : i64} {
  func.func @_ssq_body(%arg0: i32, %arg1: memref<256x64xf32, #tpu.memory_space<vmem>>, %arg2: memref<2x64xf32, #tpu.memory_space<vmem>>, %arg3: memref<1x64xf32, #tpu.memory_space<vmem>>) attributes {dimension_semantics = [#tpu.dimension_semantics<arbitrary>], iteration_bounds = array<i64: 256>, scalar_prefetch = 0 : i64, scratch_operands = 0 : i64, tpu.core_type = #tpu.core_type<tc>, window_params = [{transform_indices = @transform_0, window_bounds = array<i64: 256, 64>}, {pipeline_mode = #tpu.pipeline_mode<synchronous>, transform_indices = @transform_1, window_bounds = array<i64: 2, 64>}, {pipeline_mode = #tpu.pipeline_mode<synchronous>, transform_indices = @transform_2, window_bounds = array<i64: 1, 64>}]} {
    %get3A = arith.constant 0 : index
    %get3A_0 = arith.constant 0 : index
    %get3A_1 = vector.load %arg2[%get3A, %get3A_0] : memref<2x64xf32, #tpu.memory_space<vmem>>, vector<1x64xf32>
    %div3A = arith.constant 6.553600e+04 : f32
    %div3A_2 = vector.broadcast %div3A : f32 to vector<1x64xf32>
    %div3A_3 = arith.divf %get3A_1, %div3A_2 : vector<1x64xf32>
    %get3A_4 = arith.constant 0 : index
    %get3A_5 = arith.constant 0 : index
    %get3A_6 = vector.load %arg1[%get3A_4, %get3A_5] : memref<256x64xf32, #tpu.memory_space<vmem>>, vector<256x64xf32>
    %sub3A = vector.broadcast %div3A_3 : vector<1x64xf32> to vector<256x64xf32>
    %sub3A_7 = arith.subf %get3A_6, %sub3A : vector<256x64xf32>
    %mul3A = arith.mulf %sub3A_7, %sub3A_7 : vector<256x64xf32>
    %reduce_sum3A = arith.constant dense<0.000000e+00> : vector<64xf32>
    %reduce_sum3A_8 = vector.multi_reduction <add>, %mul3A, %reduce_sum3A [0] : vector<256x64xf32> to vector<64xf32>
    %broadcast_in_dim3A = vector.shape_cast %reduce_sum3A_8 : vector<64xf32> to vector<1x64xf32>
    %eq3A = arith.constant 0 : i32
    %eq3A_9 = arith.cmpi eq, %arg0, %eq3A : i32
    %convert_element_type3A = arith.extui %eq3A_9 : i1 to i32
    %cond3A = arith.constant 0 : i32
    %cond3A_10 = arith.cmpi ne, %convert_element_type3A, %cond3A : i32
    scf.if %cond3A_10 {
      %swap3A = arith.constant 0 : index
      %swap3A_15 = arith.constant 0 : index
      %swap3A_16 = vector.load %arg3[%swap3A, %swap3A_15] : memref<1x64xf32, #tpu.memory_space<vmem>>, vector<1x64xf32>
      tpu.vector_store %arg3[%swap3A, %swap3A_15], %broadcast_in_dim3A {strides = array<i32>} : memref<1x64xf32, #tpu.memory_space<vmem>>, vector<1x64xf32>,
    } else {
    }
    %ne3A = arith.constant 0 : i32
    %ne3A_11 = arith.cmpi ne, %arg0, %ne3A : i32
    %convert_element_type3A_12 = arith.extui %ne3A_11 : i1 to i32
    %cond3A_13 = arith.constant 0 : i32
    %cond3A_14 = arith.cmpi ne, %convert_element_type3A_12, %cond3A_13 : i32
    scf.if %cond3A_14 {
      %get3A_15 = arith.constant 0 : index
      %get3A_16 = arith.constant 0 : index
      %get3A_17 = vector.load %arg3[%get3A_15, %get3A_16] : memref<1x64xf32, #tpu.memory_space<vmem>>, vector<1x64xf32>
      %add3A = arith.addf %get3A_17, %broadcast_in_dim3A : vector<1x64xf32>
      %swap3A = arith.constant 0 : index
      %swap3A_18 = arith.constant 0 : index
      %swap3A_19 = vector.load %arg3[%swap3A, %swap3A_18] : memref<1x64xf32, #tpu.memory_space<vmem>>, vector<1x64xf32>
      tpu.vector_store %arg3[%swap3A, %swap3A_18], %add3A {strides = array<i32>} : memref<1x64xf32, #tpu.memory_space<vmem>>, vector<1x64xf32>,
    } else {
    }
    return
  }
  func.func @transform_0(%arg0: i32) -> (i32, i32) {
    %c0_i32 = arith.constant 0 : i32
    %c0_i32_0 = arith.constant 0 : i32
    return %arg0, %c0_i32 : i32, i32
  }
  func.func @transform_1(%arg0: i32) -> (i32, i32) {
    %c0_i32 = arith.constant 0 : i32
    %c0_i32_0 = arith.constant 0 : i32
    %c0_i32_1 = arith.constant 0 : i32
    return %c0_i32, %c0_i32_0 : i32, i32
  }
  func.func @transform_2(%arg0: i32) -> (i32, i32) {
    %c0_i32 = arith.constant 0 : i32
    %c0_i32_0 = arith.constant 0 : i32
    %c0_i32_1 = arith.constant 0 : i32
    return %c0_i32, %c0_i32_0 : i32, i32
  }
}

module attributes {stable_mosaic.version = 14 : i64} {
  func.func @_sa_mid_body(%arg0: i32, %arg1: memref<256x64xf32, #tpu.memory_space<vmem>>, %arg2: memref<2x64xf32, #tpu.memory_space<vmem>>, %arg3: memref<1x64xf32, #tpu.memory_space<vmem>>, %arg4: memref<1x64xf32, #tpu.memory_space<vmem>>, %arg5: memref<1x64xf32, #tpu.memory_space<vmem>>, %arg6: memref<64x64xf32, #tpu.memory_space<vmem>>, %arg7: memref<1x64xf32, #tpu.memory_space<vmem>>, %arg8: memref<256x64xf32, #tpu.memory_space<vmem>>, %arg9: memref<2x64xf32, #tpu.memory_space<vmem>>) attributes {dimension_semantics = [#tpu.dimension_semantics<arbitrary>], iteration_bounds = array<i64: 256>, scalar_prefetch = 0 : i64, scratch_operands = 0 : i64, tpu.core_type = #tpu.core_type<tc>, window_params = [{transform_indices = @transform_0, window_bounds = array<i64: 256, 64>}, {pipeline_mode = #tpu.pipeline_mode<synchronous>, transform_indices = @transform_1, window_bounds = array<i64: 2, 64>}, {pipeline_mode = #tpu.pipeline_mode<synchronous>, transform_indices = @transform_2, window_bounds = array<i64: 1, 64>}, {pipeline_mode = #tpu.pipeline_mode<synchronous>, transform_indices = @transform_3, window_bounds = array<i64: 1, 64>}, {pipeline_mode = #tpu.pipeline_mode<synchronous>, transform_indices = @transform_4, window_bounds = array<i64: 1, 64>}, {pipeline_mode = #tpu.pipeline_mode<synchronous>, transform_indices = @transform_5, window_bounds = array<i64: 64, 64>}, {pipeline_mode = #tpu.pipeline_mode<synchronous>, transform_indices = @transform_6, window_bounds = array<i64: 1, 64>}, {transform_indices = @transform_7, window_bounds = array<i64: 256, 64>}, {pipeline_mode = #tpu.pipeline_mode<synchronous>, transform_indices = @transform_8, window_bounds = array<i64: 2, 64>}]} {
    %get3A = arith.constant 0 : index
    %get3A_0 = arith.constant 0 : index
    %get3A_1 = vector.load %arg1[%get3A, %get3A_0] : memref<256x64xf32, #tpu.memory_space<vmem>>, vector<256x64xf32>
    %get3A_2 = arith.constant 0 : index
    %get3A_3 = arith.constant 0 : index
    %get3A_4 = vector.load %arg2[%get3A_2, %get3A_3] : memref<2x64xf32, #tpu.memory_space<vmem>>, vector<1x64xf32>
    %div3A = arith.constant 6.553600e+04 : f32
    %div3A_5 = vector.broadcast %div3A : f32 to vector<1x64xf32>
    %div3A_6 = arith.divf %get3A_4, %div3A_5 : vector<1x64xf32>
    %get3A_7 = arith.constant 0 : index
    %get3A_8 = arith.constant 0 : index
    %get3A_9 = vector.load %arg3[%get3A_7, %get3A_8] : memref<1x64xf32, #tpu.memory_space<vmem>>, vector<1x64xf32>
    %div3A_10 = arith.constant 6.553600e+04 : f32
    %div3A_11 = vector.broadcast %div3A_10 : f32 to vector<1x64xf32>
    %div3A_12 = arith.divf %get3A_9, %div3A_11 : vector<1x64xf32>
    %sub3A = vector.broadcast %div3A_6 : vector<1x64xf32> to vector<256x64xf32>
    %sub3A_13 = arith.subf %get3A_1, %sub3A : vector<256x64xf32>
    %add3A = arith.constant 9.99999974E-6 : f32
    %add3A_14 = vector.broadcast %add3A : f32 to vector<1x64xf32>
    %add3A_15 = arith.addf %div3A_12, %add3A_14 : vector<1x64xf32>
    %sqrt3A = math.sqrt %add3A_15 : vector<1x64xf32>
    %div3A_16 = vector.broadcast %sqrt3A : vector<1x64xf32> to vector<256x64xf32>
    %div3A_17 = arith.divf %sub3A_13, %div3A_16 : vector<256x64xf32>
    %get3A_18 = arith.constant 0 : index
    %get3A_19 = arith.constant 0 : index
    %get3A_20 = vector.load %arg4[%get3A_18, %get3A_19] : memref<1x64xf32, #tpu.memory_space<vmem>>, vector<1x64xf32>
    %mul3A = vector.broadcast %get3A_20 : vector<1x64xf32> to vector<256x64xf32>
    %mul3A_21 = arith.mulf %div3A_17, %mul3A : vector<256x64xf32>
    %get3A_22 = arith.constant 0 : index
    %get3A_23 = arith.constant 0 : index
    %get3A_24 = vector.load %arg5[%get3A_22, %get3A_23] : memref<1x64xf32, #tpu.memory_space<vmem>>, vector<1x64xf32>
    %add3A_25 = vector.broadcast %get3A_24 : vector<1x64xf32> to vector<256x64xf32>
    %add3A_26 = arith.addf %mul3A_21, %add3A_25 : vector<256x64xf32>
    %max3A = arith.constant 0.000000e+00 : f32
    %max3A_27 = vector.broadcast %max3A : f32 to vector<256x64xf32>
    %max3A_28 = arith.maximumf %add3A_26, %max3A_27 : vector<256x64xf32>
    %get3A_29 = arith.constant 0 : index
    %get3A_30 = arith.constant 0 : index
    %get3A_31 = vector.load %arg6[%get3A_29, %get3A_30] : memref<64x64xf32, #tpu.memory_space<vmem>>, vector<64x64xf32>
    %dot_general3A = arith.constant dense<0.000000e+00> : vector<256x64xf32>
    %dot_general3A_32 = tpu.matmul %max3A_28, %get3A_31, %dot_general3A {dimension_numbers = #tpu.dot_dimension_numbers<[1], [1], [0], [0], [0, 0, 1, 0], [], []>, transpose_lhs_hint = false} : vector<256x64xf32>, vector<64x64xf32>, vector<256x64xf32> -> vector<256x64xf32>
    %get3A_33 = arith.constant 0 : index
    %get3A_34 = arith.constant 0 : index
    %get3A_35 = vector.load %arg7[%get3A_33, %get3A_34] : memref<1x64xf32, #tpu.memory_space<vmem>>, vector<1x64xf32>
    %add3A_36 = vector.broadcast %get3A_35 : vector<1x64xf32> to vector<256x64xf32>
    %add3A_37 = arith.addf %dot_general3A_32, %add3A_36 : vector<256x64xf32>
    %swap3A = arith.constant 0 : index
    %swap3A_38 = arith.constant 0 : index
    %swap3A_39 = vector.load %arg8[%swap3A, %swap3A_38] : memref<256x64xf32, #tpu.memory_space<vmem>>, vector<256x64xf32>
    tpu.vector_store %arg8[%swap3A, %swap3A_38], %add3A_37 {strides = array<i32>} : memref<256x64xf32, #tpu.memory_space<vmem>>, vector<256x64xf32>,
    %reduce_sum3A = arith.constant dense<0.000000e+00> : vector<64xf32>
    %reduce_sum3A_40 = vector.multi_reduction <add>, %add3A_37, %reduce_sum3A [0] : vector<256x64xf32> to vector<64xf32>
    %broadcast_in_dim3A = vector.shape_cast %reduce_sum3A_40 : vector<64xf32> to vector<1x64xf32>
    %mul3A_41 = arith.mulf %add3A_37, %add3A_37 : vector<256x64xf32>
    %reduce_sum3A_42 = arith.constant dense<0.000000e+00> : vector<64xf32>
    %reduce_sum3A_43 = vector.multi_reduction <add>, %mul3A_41, %reduce_sum3A_42 [0] : vector<256x64xf32> to vector<64xf32>
    %broadcast_in_dim3A_44 = vector.shape_cast %reduce_sum3A_43 : vector<64xf32> to vector<1x64xf32>
    %concatenate3A = tpu.concatenate %broadcast_in_dim3A, %broadcast_in_dim3A_44 in 0 : vector<1x64xf32>, vector<1x64xf32> -> vector<2x64xf32>
    %eq3A = arith.constant 0 : i32
    %eq3A_45 = arith.cmpi eq, %arg0, %eq3A : i32
    %convert_element_type3A = arith.extui %eq3A_45 : i1 to i32
    %cond3A = arith.constant 0 : i32
    %cond3A_46 = arith.cmpi ne, %convert_element_type3A, %cond3A : i32
    scf.if %cond3A_46 {
      %swap3A_51 = arith.constant 0 : index
      %swap3A_52 = arith.constant 0 : index
      %swap3A_53 = vector.load %arg9[%swap3A_51, %swap3A_52] : memref<2x64xf32, #tpu.memory_space<vmem>>, vector<2x64xf32>
      tpu.vector_store %arg9[%swap3A_51, %swap3A_52], %concatenate3A {strides = array<i32>} : memref<2x64xf32, #tpu.memory_space<vmem>>, vector<2x64xf32>,
    } else {
    }
    %ne3A = arith.constant 0 : i32
    %ne3A_47 = arith.cmpi ne, %arg0, %ne3A : i32
    %convert_element_type3A_48 = arith.extui %ne3A_47 : i1 to i32
    %cond3A_49 = arith.constant 0 : i32
    %cond3A_50 = arith.cmpi ne, %convert_element_type3A_48, %cond3A_49 : i32
    scf.if %cond3A_50 {
      %get3A_51 = arith.constant 0 : index
      %get3A_52 = arith.constant 0 : index
      %get3A_53 = vector.load %arg9[%get3A_51, %get3A_52] : memref<2x64xf32, #tpu.memory_space<vmem>>, vector<2x64xf32>
      %add3A_54 = arith.addf %get3A_53, %concatenate3A : vector<2x64xf32>
      %swap3A_55 = arith.constant 0 : index
      %swap3A_56 = arith.constant 0 : index
      %swap3A_57 = vector.load %arg9[%swap3A_55, %swap3A_56] : memref<2x64xf32, #tpu.memory_space<vmem>>, vector<2x64xf32>
      tpu.vector_store %arg9[%swap3A_55, %swap3A_56], %add3A_54 {strides = array<i32>} : memref<2x64xf32, #tpu.memory_space<vmem>>, vector<2x64xf32>,
    } else {
    }
    return
  }
  func.func @transform_0(%arg0: i32) -> (i32, i32) {
    %c0_i32 = arith.constant 0 : i32
    %c0_i32_0 = arith.constant 0 : i32
    return %arg0, %c0_i32 : i32, i32
  }
  func.func @transform_1(%arg0: i32) -> (i32, i32) {
    %c0_i32 = arith.constant 0 : i32
    %c0_i32_0 = arith.constant 0 : i32
    %c0_i32_1 = arith.constant 0 : i32
    return %c0_i32, %c0_i32_0 : i32, i32
  }
  func.func @transform_2(%arg0: i32) -> (i32, i32) {
    %c0_i32 = arith.constant 0 : i32
    %c0_i32_0 = arith.constant 0 : i32
    %c0_i32_1 = arith.constant 0 : i32
    return %c0_i32, %c0_i32_0 : i32, i32
  }
  func.func @transform_3(%arg0: i32) -> (i32, i32) {
    %c0_i32 = arith.constant 0 : i32
    %c0_i32_0 = arith.constant 0 : i32
    %c0_i32_1 = arith.constant 0 : i32
    return %c0_i32, %c0_i32_0 : i32, i32
  }
  func.func @transform_4(%arg0: i32) -> (i32, i32) {
    %c0_i32 = arith.constant 0 : i32
    %c0_i32_0 = arith.constant 0 : i32
    %c0_i32_1 = arith.constant 0 : i32
    return %c0_i32, %c0_i32_0 : i32, i32
  }
  func.func @transform_5(%arg0: i32) -> (i32, i32) {
    %c0_i32 = arith.constant 0 : i32
    %c0_i32_0 = arith.constant 0 : i32
    %c0_i32_1 = arith.constant 0 : i32
    return %c0_i32, %c0_i32_0 : i32, i32
  }
  func.func @transform_6(%arg0: i32) -> (i32, i32) {
    %c0_i32 = arith.constant 0 : i32
    %c0_i32_0 = arith.constant 0 : i32
    %c0_i32_1 = arith.constant 0 : i32
    return %c0_i32, %c0_i32_0 : i32, i32
  }
  func.func @transform_7(%arg0: i32) -> (i32, i32) {
    %c0_i32 = arith.constant 0 : i32
    %c0_i32_0 = arith.constant 0 : i32
    return %arg0, %c0_i32 : i32, i32
  }
  func.func @transform_8(%arg0: i32) -> (i32, i32) {
    %c0_i32 = arith.constant 0 : i32
    %c0_i32_0 = arith.constant 0 : i32
    %c0_i32_1 = arith.constant 0 : i32
    return %c0_i32, %c0_i32_0 : i32, i32
  }
}

module attributes {stable_mosaic.version = 14 : i64} {
  func.func @_sa_mid_body(%arg0: i32, %arg1: memref<256x64xf32, #tpu.memory_space<vmem>>, %arg2: memref<2x64xf32, #tpu.memory_space<vmem>>, %arg3: memref<1x64xf32, #tpu.memory_space<vmem>>, %arg4: memref<1x64xf32, #tpu.memory_space<vmem>>, %arg5: memref<1x64xf32, #tpu.memory_space<vmem>>, %arg6: memref<128x64xf32, #tpu.memory_space<vmem>>, %arg7: memref<1x128xf32, #tpu.memory_space<vmem>>, %arg8: memref<256x128xf32, #tpu.memory_space<vmem>>, %arg9: memref<2x128xf32, #tpu.memory_space<vmem>>) attributes {dimension_semantics = [#tpu.dimension_semantics<arbitrary>], iteration_bounds = array<i64: 256>, scalar_prefetch = 0 : i64, scratch_operands = 0 : i64, tpu.core_type = #tpu.core_type<tc>, window_params = [{transform_indices = @transform_0, window_bounds = array<i64: 256, 64>}, {pipeline_mode = #tpu.pipeline_mode<synchronous>, transform_indices = @transform_1, window_bounds = array<i64: 2, 64>}, {pipeline_mode = #tpu.pipeline_mode<synchronous>, transform_indices = @transform_2, window_bounds = array<i64: 1, 64>}, {pipeline_mode = #tpu.pipeline_mode<synchronous>, transform_indices = @transform_3, window_bounds = array<i64: 1, 64>}, {pipeline_mode = #tpu.pipeline_mode<synchronous>, transform_indices = @transform_4, window_bounds = array<i64: 1, 64>}, {pipeline_mode = #tpu.pipeline_mode<synchronous>, transform_indices = @transform_5, window_bounds = array<i64: 128, 64>}, {pipeline_mode = #tpu.pipeline_mode<synchronous>, transform_indices = @transform_6, window_bounds = array<i64: 1, 128>}, {transform_indices = @transform_7, window_bounds = array<i64: 256, 128>}, {pipeline_mode = #tpu.pipeline_mode<synchronous>, transform_indices = @transform_8, window_bounds = array<i64: 2, 128>}]} {
    %get3A = arith.constant 0 : index
    %get3A_0 = arith.constant 0 : index
    %get3A_1 = vector.load %arg1[%get3A, %get3A_0] : memref<256x64xf32, #tpu.memory_space<vmem>>, vector<256x64xf32>
    %get3A_2 = arith.constant 0 : index
    %get3A_3 = arith.constant 0 : index
    %get3A_4 = vector.load %arg2[%get3A_2, %get3A_3] : memref<2x64xf32, #tpu.memory_space<vmem>>, vector<1x64xf32>
    %div3A = arith.constant 6.553600e+04 : f32
    %div3A_5 = vector.broadcast %div3A : f32 to vector<1x64xf32>
    %div3A_6 = arith.divf %get3A_4, %div3A_5 : vector<1x64xf32>
    %get3A_7 = arith.constant 0 : index
    %get3A_8 = arith.constant 0 : index
    %get3A_9 = vector.load %arg3[%get3A_7, %get3A_8] : memref<1x64xf32, #tpu.memory_space<vmem>>, vector<1x64xf32>
    %div3A_10 = arith.constant 6.553600e+04 : f32
    %div3A_11 = vector.broadcast %div3A_10 : f32 to vector<1x64xf32>
    %div3A_12 = arith.divf %get3A_9, %div3A_11 : vector<1x64xf32>
    %sub3A = vector.broadcast %div3A_6 : vector<1x64xf32> to vector<256x64xf32>
    %sub3A_13 = arith.subf %get3A_1, %sub3A : vector<256x64xf32>
    %add3A = arith.constant 9.99999974E-6 : f32
    %add3A_14 = vector.broadcast %add3A : f32 to vector<1x64xf32>
    %add3A_15 = arith.addf %div3A_12, %add3A_14 : vector<1x64xf32>
    %sqrt3A = math.sqrt %add3A_15 : vector<1x64xf32>
    %div3A_16 = vector.broadcast %sqrt3A : vector<1x64xf32> to vector<256x64xf32>
    %div3A_17 = arith.divf %sub3A_13, %div3A_16 : vector<256x64xf32>
    %get3A_18 = arith.constant 0 : index
    %get3A_19 = arith.constant 0 : index
    %get3A_20 = vector.load %arg4[%get3A_18, %get3A_19] : memref<1x64xf32, #tpu.memory_space<vmem>>, vector<1x64xf32>
    %mul3A = vector.broadcast %get3A_20 : vector<1x64xf32> to vector<256x64xf32>
    %mul3A_21 = arith.mulf %div3A_17, %mul3A : vector<256x64xf32>
    %get3A_22 = arith.constant 0 : index
    %get3A_23 = arith.constant 0 : index
    %get3A_24 = vector.load %arg5[%get3A_22, %get3A_23] : memref<1x64xf32, #tpu.memory_space<vmem>>, vector<1x64xf32>
    %add3A_25 = vector.broadcast %get3A_24 : vector<1x64xf32> to vector<256x64xf32>
    %add3A_26 = arith.addf %mul3A_21, %add3A_25 : vector<256x64xf32>
    %max3A = arith.constant 0.000000e+00 : f32
    %max3A_27 = vector.broadcast %max3A : f32 to vector<256x64xf32>
    %max3A_28 = arith.maximumf %add3A_26, %max3A_27 : vector<256x64xf32>
    %get3A_29 = arith.constant 0 : index
    %get3A_30 = arith.constant 0 : index
    %get3A_31 = vector.load %arg6[%get3A_29, %get3A_30] : memref<128x64xf32, #tpu.memory_space<vmem>>, vector<128x64xf32>
    %dot_general3A = arith.constant dense<0.000000e+00> : vector<256x128xf32>
    %dot_general3A_32 = tpu.matmul %max3A_28, %get3A_31, %dot_general3A {dimension_numbers = #tpu.dot_dimension_numbers<[1], [1], [0], [0], [0, 0, 1, 0], [], []>, transpose_lhs_hint = false} : vector<256x64xf32>, vector<128x64xf32>, vector<256x128xf32> -> vector<256x128xf32>
    %get3A_33 = arith.constant 0 : index
    %get3A_34 = arith.constant 0 : index
    %get3A_35 = vector.load %arg7[%get3A_33, %get3A_34] : memref<1x128xf32, #tpu.memory_space<vmem>>, vector<1x128xf32>
    %add3A_36 = vector.broadcast %get3A_35 : vector<1x128xf32> to vector<256x128xf32>
    %add3A_37 = arith.addf %dot_general3A_32, %add3A_36 : vector<256x128xf32>
    %swap3A = arith.constant 0 : index
    %swap3A_38 = arith.constant 0 : index
    %swap3A_39 = vector.load %arg8[%swap3A, %swap3A_38] : memref<256x128xf32, #tpu.memory_space<vmem>>, vector<256x128xf32>
    tpu.vector_store %arg8[%swap3A, %swap3A_38], %add3A_37 {strides = array<i32>} : memref<256x128xf32, #tpu.memory_space<vmem>>, vector<256x128xf32>,
    %reduce_sum3A = arith.constant dense<0.000000e+00> : vector<128xf32>
    %reduce_sum3A_40 = vector.multi_reduction <add>, %add3A_37, %reduce_sum3A [0] : vector<256x128xf32> to vector<128xf32>
    %broadcast_in_dim3A = vector.shape_cast %reduce_sum3A_40 : vector<128xf32> to vector<1x128xf32>
    %mul3A_41 = arith.mulf %add3A_37, %add3A_37 : vector<256x128xf32>
    %reduce_sum3A_42 = arith.constant dense<0.000000e+00> : vector<128xf32>
    %reduce_sum3A_43 = vector.multi_reduction <add>, %mul3A_41, %reduce_sum3A_42 [0] : vector<256x128xf32> to vector<128xf32>
    %broadcast_in_dim3A_44 = vector.shape_cast %reduce_sum3A_43 : vector<128xf32> to vector<1x128xf32>
    %concatenate3A = tpu.concatenate %broadcast_in_dim3A, %broadcast_in_dim3A_44 in 0 : vector<1x128xf32>, vector<1x128xf32> -> vector<2x128xf32>
    %eq3A = arith.constant 0 : i32
    %eq3A_45 = arith.cmpi eq, %arg0, %eq3A : i32
    %convert_element_type3A = arith.extui %eq3A_45 : i1 to i32
    %cond3A = arith.constant 0 : i32
    %cond3A_46 = arith.cmpi ne, %convert_element_type3A, %cond3A : i32
    scf.if %cond3A_46 {
      %swap3A_51 = arith.constant 0 : index
      %swap3A_52 = arith.constant 0 : index
      %swap3A_53 = vector.load %arg9[%swap3A_51, %swap3A_52] : memref<2x128xf32, #tpu.memory_space<vmem>>, vector<2x128xf32>
      tpu.vector_store %arg9[%swap3A_51, %swap3A_52], %concatenate3A {strides = array<i32>} : memref<2x128xf32, #tpu.memory_space<vmem>>, vector<2x128xf32>,
    } else {
    }
    %ne3A = arith.constant 0 : i32
    %ne3A_47 = arith.cmpi ne, %arg0, %ne3A : i32
    %convert_element_type3A_48 = arith.extui %ne3A_47 : i1 to i32
    %cond3A_49 = arith.constant 0 : i32
    %cond3A_50 = arith.cmpi ne, %convert_element_type3A_48, %cond3A_49 : i32
    scf.if %cond3A_50 {
      %get3A_51 = arith.constant 0 : index
      %get3A_52 = arith.constant 0 : index
      %get3A_53 = vector.load %arg9[%get3A_51, %get3A_52] : memref<2x128xf32, #tpu.memory_space<vmem>>, vector<2x128xf32>
      %add3A_54 = arith.addf %get3A_53, %concatenate3A : vector<2x128xf32>
      %swap3A_55 = arith.constant 0 : index
      %swap3A_56 = arith.constant 0 : index
      %swap3A_57 = vector.load %arg9[%swap3A_55, %swap3A_56] : memref<2x128xf32, #tpu.memory_space<vmem>>, vector<2x128xf32>
      tpu.vector_store %arg9[%swap3A_55, %swap3A_56], %add3A_54 {strides = array<i32>} : memref<2x128xf32, #tpu.memory_space<vmem>>, vector<2x128xf32>,
    } else {
    }
    return
  }
  func.func @transform_0(%arg0: i32) -> (i32, i32) {
    %c0_i32 = arith.constant 0 : i32
    %c0_i32_0 = arith.constant 0 : i32
    return %arg0, %c0_i32 : i32, i32
  }
  func.func @transform_1(%arg0: i32) -> (i32, i32) {
    %c0_i32 = arith.constant 0 : i32
    %c0_i32_0 = arith.constant 0 : i32
    %c0_i32_1 = arith.constant 0 : i32
    return %c0_i32, %c0_i32_0 : i32, i32
  }
  func.func @transform_2(%arg0: i32) -> (i32, i32) {
    %c0_i32 = arith.constant 0 : i32
    %c0_i32_0 = arith.constant 0 : i32
    %c0_i32_1 = arith.constant 0 : i32
    return %c0_i32, %c0_i32_0 : i32, i32
  }
  func.func @transform_3(%arg0: i32) -> (i32, i32) {
    %c0_i32 = arith.constant 0 : i32
    %c0_i32_0 = arith.constant 0 : i32
    %c0_i32_1 = arith.constant 0 : i32
    return %c0_i32, %c0_i32_0 : i32, i32
  }
  func.func @transform_4(%arg0: i32) -> (i32, i32) {
    %c0_i32 = arith.constant 0 : i32
    %c0_i32_0 = arith.constant 0 : i32
    %c0_i32_1 = arith.constant 0 : i32
    return %c0_i32, %c0_i32_0 : i32, i32
  }
  func.func @transform_5(%arg0: i32) -> (i32, i32) {
    %c0_i32 = arith.constant 0 : i32
    %c0_i32_0 = arith.constant 0 : i32
    %c0_i32_1 = arith.constant 0 : i32
    return %c0_i32, %c0_i32_0 : i32, i32
  }
  func.func @transform_6(%arg0: i32) -> (i32, i32) {
    %c0_i32 = arith.constant 0 : i32
    %c0_i32_0 = arith.constant 0 : i32
    %c0_i32_1 = arith.constant 0 : i32
    return %c0_i32, %c0_i32_0 : i32, i32
  }
  func.func @transform_7(%arg0: i32) -> (i32, i32) {
    %c0_i32 = arith.constant 0 : i32
    %c0_i32_0 = arith.constant 0 : i32
    return %arg0, %c0_i32 : i32, i32
  }
  func.func @transform_8(%arg0: i32) -> (i32, i32) {
    %c0_i32 = arith.constant 0 : i32
    %c0_i32_0 = arith.constant 0 : i32
    %c0_i32_1 = arith.constant 0 : i32
    return %c0_i32, %c0_i32_0 : i32, i32
  }
}

module attributes {stable_mosaic.version = 14 : i64} {
  func.func @_ssq_body(%arg0: i32, %arg1: memref<256x128xf32, #tpu.memory_space<vmem>>, %arg2: memref<2x128xf32, #tpu.memory_space<vmem>>, %arg3: memref<1x128xf32, #tpu.memory_space<vmem>>) attributes {dimension_semantics = [#tpu.dimension_semantics<arbitrary>], iteration_bounds = array<i64: 256>, scalar_prefetch = 0 : i64, scratch_operands = 0 : i64, tpu.core_type = #tpu.core_type<tc>, window_params = [{transform_indices = @transform_0, window_bounds = array<i64: 256, 128>}, {pipeline_mode = #tpu.pipeline_mode<synchronous>, transform_indices = @transform_1, window_bounds = array<i64: 2, 128>}, {pipeline_mode = #tpu.pipeline_mode<synchronous>, transform_indices = @transform_2, window_bounds = array<i64: 1, 128>}]} {
    %get3A = arith.constant 0 : index
    %get3A_0 = arith.constant 0 : index
    %get3A_1 = vector.load %arg2[%get3A, %get3A_0] : memref<2x128xf32, #tpu.memory_space<vmem>>, vector<1x128xf32>
    %div3A = arith.constant 6.553600e+04 : f32
    %div3A_2 = vector.broadcast %div3A : f32 to vector<1x128xf32>
    %div3A_3 = arith.divf %get3A_1, %div3A_2 : vector<1x128xf32>
    %get3A_4 = arith.constant 0 : index
    %get3A_5 = arith.constant 0 : index
    %get3A_6 = vector.load %arg1[%get3A_4, %get3A_5] : memref<256x128xf32, #tpu.memory_space<vmem>>, vector<256x128xf32>
    %sub3A = vector.broadcast %div3A_3 : vector<1x128xf32> to vector<256x128xf32>
    %sub3A_7 = arith.subf %get3A_6, %sub3A : vector<256x128xf32>
    %mul3A = arith.mulf %sub3A_7, %sub3A_7 : vector<256x128xf32>
    %reduce_sum3A = arith.constant dense<0.000000e+00> : vector<128xf32>
    %reduce_sum3A_8 = vector.multi_reduction <add>, %mul3A, %reduce_sum3A [0] : vector<256x128xf32> to vector<128xf32>
    %broadcast_in_dim3A = vector.shape_cast %reduce_sum3A_8 : vector<128xf32> to vector<1x128xf32>
    %eq3A = arith.constant 0 : i32
    %eq3A_9 = arith.cmpi eq, %arg0, %eq3A : i32
    %convert_element_type3A = arith.extui %eq3A_9 : i1 to i32
    %cond3A = arith.constant 0 : i32
    %cond3A_10 = arith.cmpi ne, %convert_element_type3A, %cond3A : i32
    scf.if %cond3A_10 {
      %swap3A = arith.constant 0 : index
      %swap3A_15 = arith.constant 0 : index
      %swap3A_16 = vector.load %arg3[%swap3A, %swap3A_15] : memref<1x128xf32, #tpu.memory_space<vmem>>, vector<1x128xf32>
      tpu.vector_store %arg3[%swap3A, %swap3A_15], %broadcast_in_dim3A {strides = array<i32>} : memref<1x128xf32, #tpu.memory_space<vmem>>, vector<1x128xf32>,
    } else {
    }
    %ne3A = arith.constant 0 : i32
    %ne3A_11 = arith.cmpi ne, %arg0, %ne3A : i32
    %convert_element_type3A_12 = arith.extui %ne3A_11 : i1 to i32
    %cond3A_13 = arith.constant 0 : i32
    %cond3A_14 = arith.cmpi ne, %convert_element_type3A_12, %cond3A_13 : i32
    scf.if %cond3A_14 {
      %get3A_15 = arith.constant 0 : index
      %get3A_16 = arith.constant 0 : index
      %get3A_17 = vector.load %arg3[%get3A_15, %get3A_16] : memref<1x128xf32, #tpu.memory_space<vmem>>, vector<1x128xf32>
      %add3A = arith.addf %get3A_17, %broadcast_in_dim3A : vector<1x128xf32>
      %swap3A = arith.constant 0 : index
      %swap3A_18 = arith.constant 0 : index
      %swap3A_19 = vector.load %arg3[%swap3A, %swap3A_18] : memref<1x128xf32, #tpu.memory_space<vmem>>, vector<1x128xf32>
      tpu.vector_store %arg3[%swap3A, %swap3A_18], %add3A {strides = array<i32>} : memref<1x128xf32, #tpu.memory_space<vmem>>, vector<1x128xf32>,
    } else {
    }
    return
  }
  func.func @transform_0(%arg0: i32) -> (i32, i32) {
    %c0_i32 = arith.constant 0 : i32
    %c0_i32_0 = arith.constant 0 : i32
    return %arg0, %c0_i32 : i32, i32
  }
  func.func @transform_1(%arg0: i32) -> (i32, i32) {
    %c0_i32 = arith.constant 0 : i32
    %c0_i32_0 = arith.constant 0 : i32
    %c0_i32_1 = arith.constant 0 : i32
    return %c0_i32, %c0_i32_0 : i32, i32
  }
  func.func @transform_2(%arg0: i32) -> (i32, i32) {
    %c0_i32 = arith.constant 0 : i32
    %c0_i32_0 = arith.constant 0 : i32
    %c0_i32_1 = arith.constant 0 : i32
    return %c0_i32, %c0_i32_0 : i32, i32
  }
}

module attributes {stable_mosaic.version = 14 : i64} {
  func.func @_sa_last_body(%arg0: i32, %arg1: memref<256x128xf32, #tpu.memory_space<vmem>>, %arg2: memref<2x128xf32, #tpu.memory_space<vmem>>, %arg3: memref<1x128xf32, #tpu.memory_space<vmem>>, %arg4: memref<1x128xf32, #tpu.memory_space<vmem>>, %arg5: memref<1x128xf32, #tpu.memory_space<vmem>>, %arg6: memref<8x128xf32, #tpu.memory_space<vmem>>) attributes {dimension_semantics = [#tpu.dimension_semantics<arbitrary>], iteration_bounds = array<i64: 256>, scalar_prefetch = 0 : i64, scratch_operands = 0 : i64, tpu.core_type = #tpu.core_type<tc>, window_params = [{transform_indices = @transform_0, window_bounds = array<i64: 256, 128>}, {pipeline_mode = #tpu.pipeline_mode<synchronous>, transform_indices = @transform_1, window_bounds = array<i64: 2, 128>}, {pipeline_mode = #tpu.pipeline_mode<synchronous>, transform_indices = @transform_2, window_bounds = array<i64: 1, 128>}, {pipeline_mode = #tpu.pipeline_mode<synchronous>, transform_indices = @transform_3, window_bounds = array<i64: 1, 128>}, {pipeline_mode = #tpu.pipeline_mode<synchronous>, transform_indices = @transform_4, window_bounds = array<i64: 1, 128>}, {transform_indices = @transform_5, window_bounds = array<i64: 8, 128>}]} {
    %get3A = arith.constant 0 : index
    %get3A_0 = arith.constant 0 : index
    %get3A_1 = vector.load %arg1[%get3A, %get3A_0] : memref<256x128xf32, #tpu.memory_space<vmem>>, vector<256x128xf32>
    %get3A_2 = arith.constant 0 : index
    %get3A_3 = arith.constant 0 : index
    %get3A_4 = vector.load %arg2[%get3A_2, %get3A_3] : memref<2x128xf32, #tpu.memory_space<vmem>>, vector<1x128xf32>
    %div3A = arith.constant 6.553600e+04 : f32
    %div3A_5 = vector.broadcast %div3A : f32 to vector<1x128xf32>
    %div3A_6 = arith.divf %get3A_4, %div3A_5 : vector<1x128xf32>
    %get3A_7 = arith.constant 0 : index
    %get3A_8 = arith.constant 0 : index
    %get3A_9 = vector.load %arg3[%get3A_7, %get3A_8] : memref<1x128xf32, #tpu.memory_space<vmem>>, vector<1x128xf32>
    %div3A_10 = arith.constant 6.553600e+04 : f32
    %div3A_11 = vector.broadcast %div3A_10 : f32 to vector<1x128xf32>
    %div3A_12 = arith.divf %get3A_9, %div3A_11 : vector<1x128xf32>
    %sub3A = vector.broadcast %div3A_6 : vector<1x128xf32> to vector<256x128xf32>
    %sub3A_13 = arith.subf %get3A_1, %sub3A : vector<256x128xf32>
    %add3A = arith.constant 9.99999974E-6 : f32
    %add3A_14 = vector.broadcast %add3A : f32 to vector<1x128xf32>
    %add3A_15 = arith.addf %div3A_12, %add3A_14 : vector<1x128xf32>
    %sqrt3A = math.sqrt %add3A_15 : vector<1x128xf32>
    %div3A_16 = vector.broadcast %sqrt3A : vector<1x128xf32> to vector<256x128xf32>
    %div3A_17 = arith.divf %sub3A_13, %div3A_16 : vector<256x128xf32>
    %get3A_18 = arith.constant 0 : index
    %get3A_19 = arith.constant 0 : index
    %get3A_20 = vector.load %arg4[%get3A_18, %get3A_19] : memref<1x128xf32, #tpu.memory_space<vmem>>, vector<1x128xf32>
    %mul3A = vector.broadcast %get3A_20 : vector<1x128xf32> to vector<256x128xf32>
    %mul3A_21 = arith.mulf %div3A_17, %mul3A : vector<256x128xf32>
    %get3A_22 = arith.constant 0 : index
    %get3A_23 = arith.constant 0 : index
    %get3A_24 = vector.load %arg5[%get3A_22, %get3A_23] : memref<1x128xf32, #tpu.memory_space<vmem>>, vector<1x128xf32>
    %add3A_25 = vector.broadcast %get3A_24 : vector<1x128xf32> to vector<256x128xf32>
    %add3A_26 = arith.addf %mul3A_21, %add3A_25 : vector<256x128xf32>
    %max3A = arith.constant 0.000000e+00 : f32
    %max3A_27 = vector.broadcast %max3A : f32 to vector<256x128xf32>
    %max3A_28 = arith.maximumf %add3A_26, %max3A_27 : vector<256x128xf32>
    %reshape3A = vector.shape_cast %max3A_28 : vector<256x128xf32> to vector<8x32x128xf32>
    %reduce_max3A = arith.constant dense<0xFF800000> : vector<8x128xf32>
    %reduce_max3A_29 = vector.multi_reduction <maximumf>, %reshape3A, %reduce_max3A [1] : vector<8x32x128xf32> to vector<8x128xf32>
    %swap3A = arith.constant 0 : index
    %swap3A_30 = arith.constant 0 : index
    %swap3A_31 = vector.load %arg6[%swap3A, %swap3A_30] : memref<8x128xf32, #tpu.memory_space<vmem>>, vector<8x128xf32>
    tpu.vector_store %arg6[%swap3A, %swap3A_30], %reduce_max3A_29 {strides = array<i32>} : memref<8x128xf32, #tpu.memory_space<vmem>>, vector<8x128xf32>,
    return
  }
  func.func @transform_0(%arg0: i32) -> (i32, i32) {
    %c0_i32 = arith.constant 0 : i32
    %c0_i32_0 = arith.constant 0 : i32
    return %arg0, %c0_i32 : i32, i32
  }
  func.func @transform_1(%arg0: i32) -> (i32, i32) {
    %c0_i32 = arith.constant 0 : i32
    %c0_i32_0 = arith.constant 0 : i32
    %c0_i32_1 = arith.constant 0 : i32
    return %c0_i32, %c0_i32_0 : i32, i32
  }
  func.func @transform_2(%arg0: i32) -> (i32, i32) {
    %c0_i32 = arith.constant 0 : i32
    %c0_i32_0 = arith.constant 0 : i32
    %c0_i32_1 = arith.constant 0 : i32
    return %c0_i32, %c0_i32_0 : i32, i32
  }
  func.func @transform_3(%arg0: i32) -> (i32, i32) {
    %c0_i32 = arith.constant 0 : i32
    %c0_i32_0 = arith.constant 0 : i32
    %c0_i32_1 = arith.constant 0 : i32
    return %c0_i32, %c0_i32_0 : i32, i32
  }
  func.func @transform_4(%arg0: i32) -> (i32, i32) {
    %c0_i32 = arith.constant 0 : i32
    %c0_i32_0 = arith.constant 0 : i32
    %c0_i32_1 = arith.constant 0 : i32
    return %c0_i32, %c0_i32_0 : i32, i32
  }
  func.func @transform_5(%arg0: i32) -> (i32, i32) {
    %c0_i32 = arith.constant 0 : i32
    %c0_i32_0 = arith.constant 0 : i32
    return %arg0, %c0_i32 : i32, i32
  }
}

module attributes {stable_mosaic.version = 14 : i64} {
  func.func @_fps_body(%arg0: memref<3x4x128xf32, #tpu.memory_space<vmem>>, %arg1: memref<128x1xi32, #tpu.memory_space<vmem>>, %arg2: memref<128x3xf32, #tpu.memory_space<vmem>>) attributes {dimension_semantics = [], scalar_prefetch = 0 : i64, scratch_operands = 0 : i64, tpu.core_type = #tpu.core_type<tc>} {
    %get3A = arith.constant 0 : index
    %get3A_0 = arith.constant 0 : index
    %get3A_1 = arith.constant 0 : index
    %get3A_2 = vector.load %arg0[%get3A, %get3A_0, %get3A_1] : memref<3x4x128xf32, #tpu.memory_space<vmem>>, vector<1x4x128xf32>
    %get3A_3 = vector.shape_cast %get3A_2 : vector<1x4x128xf32> to vector<4x128xf32>
    %get3A_4 = arith.constant 1 : index
    %get3A_5 = arith.constant 0 : index
    %get3A_6 = arith.constant 0 : index
    %get3A_7 = vector.load %arg0[%get3A_4, %get3A_5, %get3A_6] : memref<3x4x128xf32, #tpu.memory_space<vmem>>, vector<1x4x128xf32>
    %get3A_8 = vector.shape_cast %get3A_7 : vector<1x4x128xf32> to vector<4x128xf32>
    %get3A_9 = arith.constant 2 : index
    %get3A_10 = arith.constant 0 : index
    %get3A_11 = arith.constant 0 : index
    %get3A_12 = vector.load %arg0[%get3A_9, %get3A_10, %get3A_11] : memref<3x4x128xf32, #tpu.memory_space<vmem>>, vector<1x4x128xf32>
    %get3A_13 = vector.shape_cast %get3A_12 : vector<1x4x128xf32> to vector<4x128xf32>
    %iota3A = tpu.iota {dimensions = array<i32: 0>} : vector<4x128xi32>
    %iota3A_14 = tpu.iota {dimensions = array<i32: 1>} : vector<4x128xi32>
    %mul3A = arith.constant 128 : i32
    %mul3A_15 = vector.broadcast %mul3A : i32 to vector<4x128xi32>
    %mul3A_16 = arith.muli %iota3A, %mul3A_15 : vector<4x128xi32>
    %add3A = arith.addi %mul3A_16, %iota3A_14 : vector<4x128xi32>
    %broadcast_in_dim3A = arith.constant 1.000000e+10 : f32
    %broadcast_in_dim3A_17 = vector.broadcast %broadcast_in_dim3A : f32 to vector<4x128xf32>
    %scan3A = arith.constant 0 : i32
    %scan3A_18 = arith.constant 0 : i32
    %scan3A_19 = arith.constant 128 : i32
    %scan3A_20 = arith.addi %scan3A_18, %scan3A_19 : i32
    %scan3A_21 = arith.constant 1 : i32
    %scan3A_22:2 = scf.for %scan3A_24 = %scan3A_18 to %scan3A_20 step %scan3A_21 iter_args(%scan3A_25 = %broadcast_in_dim3A_17, %scan3A_26 = %scan3A) -> (vector<4x128xf32>, i32)  : i32 {
      %broadcast_in_dim3A_27 = vector.broadcast %scan3A_26 : i32 to vector<1x1xi32>
      %swap3A = arith.index_cast %scan3A_24 : i32 to index
      %swap3A_28 = arith.constant 0 : index
      %swap3A_29 = vector.load %arg1[%swap3A, %swap3A_28] : memref<128x1xi32, #tpu.memory_space<vmem>>, vector<1x1xi32>
      tpu.vector_store %arg1[%swap3A, %swap3A_28], %broadcast_in_dim3A_27 {strides = array<i32>} : memref<128x1xi32, #tpu.memory_space<vmem>>, vector<1x1xi32>,
      %eq3A = vector.broadcast %scan3A_26 : i32 to vector<4x128xi32>
      %eq3A_30 = arith.cmpi eq, %add3A, %eq3A : vector<4x128xi32>
      %broadcast_in_dim3A_31 = arith.constant 0.000000e+00 : f32
      %broadcast_in_dim3A_32 = vector.broadcast %broadcast_in_dim3A_31 : f32 to vector<4x128xf32>
      %select_n3A = arith.select %eq3A_30, %get3A_3, %broadcast_in_dim3A_32 : vector<4x128xi1>, vector<4x128xf32>
      %reduce_sum3A = vector.shape_cast %select_n3A : vector<4x128xf32> to vector<1x4x128xf32>
      %reduce_sum3A_33 = arith.constant dense<0.000000e+00> : vector<1xf32>
      %reduce_sum3A_34 = vector.multi_reduction <add>, %reduce_sum3A, %reduce_sum3A_33 [1, 2] : vector<1x4x128xf32> to vector<1xf32>
      %reduce_sum3A_35 = vector.shape_cast %reduce_sum3A_34 : vector<1xf32> to vector<1x1x1xf32>
      %reduce_sum3A_36 = vector.extract %reduce_sum3A_35[0, 0, 0] : f32 from vector<1x1x1xf32>
      %select_n3A_37 = arith.select %eq3A_30, %get3A_8, %broadcast_in_dim3A_32 : vector<4x128xi1>, vector<4x128xf32>
      %reduce_sum3A_38 = vector.shape_cast %select_n3A_37 : vector<4x128xf32> to vector<1x4x128xf32>
      %reduce_sum3A_39 = arith.constant dense<0.000000e+00> : vector<1xf32>
      %reduce_sum3A_40 = vector.multi_reduction <add>, %reduce_sum3A_38, %reduce_sum3A_39 [1, 2] : vector<1x4x128xf32> to vector<1xf32>
      %reduce_sum3A_41 = vector.shape_cast %reduce_sum3A_40 : vector<1xf32> to vector<1x1x1xf32>
      %reduce_sum3A_42 = vector.extract %reduce_sum3A_41[0, 0, 0] : f32 from vector<1x1x1xf32>
      %select_n3A_43 = arith.select %eq3A_30, %get3A_13, %broadcast_in_dim3A_32 : vector<4x128xi1>, vector<4x128xf32>
      %reduce_sum3A_44 = vector.shape_cast %select_n3A_43 : vector<4x128xf32> to vector<1x4x128xf32>
      %reduce_sum3A_45 = arith.constant dense<0.000000e+00> : vector<1xf32>
      %reduce_sum3A_46 = vector.multi_reduction <add>, %reduce_sum3A_44, %reduce_sum3A_45 [1, 2] : vector<1x4x128xf32> to vector<1xf32>
      %reduce_sum3A_47 = vector.shape_cast %reduce_sum3A_46 : vector<1xf32> to vector<1x1x1xf32>
      %reduce_sum3A_48 = vector.extract %reduce_sum3A_47[0, 0, 0] : f32 from vector<1x1x1xf32>
      %reshape3A = vector.broadcast %reduce_sum3A_36 : f32 to vector<1x1xf32>
      %reshape3A_49 = vector.broadcast %reduce_sum3A_42 : f32 to vector<1x1xf32>
      %reshape3A_50 = vector.broadcast %reduce_sum3A_48 : f32 to vector<1x1xf32>
      %concatenate3A = tpu.concatenate %reshape3A, %reshape3A_49, %reshape3A_50 in 1 : vector<1x1xf32>, vector<1x1xf32>, vector<1x1xf32> -> vector<1x3xf32>
      %swap3A_51 = arith.index_cast %scan3A_24 : i32 to index
      %swap3A_52 = arith.constant 0 : index
      %swap3A_53 = vector.load %arg2[%swap3A_51, %swap3A_52] : memref<128x3xf32, #tpu.memory_space<vmem>>, vector<1x3xf32>
      tpu.vector_store %arg2[%swap3A_51, %swap3A_52], %concatenate3A {strides = array<i32>} : memref<128x3xf32, #tpu.memory_space<vmem>>, vector<1x3xf32>,
      %sub3A = vector.broadcast %reduce_sum3A_36 : f32 to vector<4x128xf32>
      %sub3A_54 = arith.subf %get3A_3, %sub3A : vector<4x128xf32>
      %sub3A_55 = vector.broadcast %reduce_sum3A_42 : f32 to vector<4x128xf32>
      %sub3A_56 = arith.subf %get3A_8, %sub3A_55 : vector<4x128xf32>
      %sub3A_57 = vector.broadcast %reduce_sum3A_48 : f32 to vector<4x128xf32>
      %sub3A_58 = arith.subf %get3A_13, %sub3A_57 : vector<4x128xf32>
      %mul3A_59 = arith.mulf %sub3A_54, %sub3A_54 : vector<4x128xf32>
      %mul3A_60 = arith.mulf %sub3A_56, %sub3A_56 : vector<4x128xf32>
      %add3A_61 = arith.addf %mul3A_59, %mul3A_60 : vector<4x128xf32>
      %mul3A_62 = arith.mulf %sub3A_58, %sub3A_58 : vector<4x128xf32>
      %add3A_63 = arith.addf %add3A_61, %mul3A_62 : vector<4x128xf32>
      %min3A = arith.minimumf %scan3A_25, %add3A_63 : vector<4x128xf32>
      %reduce_max3A = vector.shape_cast %min3A : vector<4x128xf32> to vector<1x4x128xf32>
      %reduce_max3A_64 = arith.constant dense<0xFF800000> : vector<1xf32>
      %reduce_max3A_65 = vector.multi_reduction <maximumf>, %reduce_max3A, %reduce_max3A_64 [1, 2] : vector<1x4x128xf32> to vector<1xf32>
      %reduce_max3A_66 = vector.shape_cast %reduce_max3A_65 : vector<1xf32> to vector<1x1x1xf32>
      %reduce_max3A_67 = vector.extract %reduce_max3A_66[0, 0, 0] : f32 from vector<1x1x1xf32>
      %eq3A_68 = vector.broadcast %reduce_max3A_67 : f32 to vector<4x128xf32>
      %eq3A_69 = arith.cmpf oeq, %min3A, %eq3A_68 : vector<4x128xf32>
      %broadcast_in_dim3A_70 = arith.constant 512 : i32
      %broadcast_in_dim3A_71 = vector.broadcast %broadcast_in_dim3A_70 : i32 to vector<4x128xi32>
      %select_n3A_72 = arith.select %eq3A_69, %add3A, %broadcast_in_dim3A_71 : vector<4x128xi1>, vector<4x128xi32>
      %reduce_min3A = vector.shape_cast %select_n3A_72 : vector<4x128xi32> to vector<1x4x128xi32>
      %reduce_min3A_73 = arith.constant dense<2147483647> : vector<1xi32>
      %reduce_min3A_74 = vector.multi_reduction <minsi>, %reduce_min3A, %reduce_min3A_73 [1, 2] : vector<1x4x128xi32> to vector<1xi32>
      %reduce_min3A_75 = vector.shape_cast %reduce_min3A_74 : vector<1xi32> to vector<1x1x1xi32>
      %reduce_min3A_76 = vector.extract %reduce_min3A_75[0, 0, 0] : i32 from vector<1x1x1xi32>
      scf.yield %min3A, %reduce_min3A_76 : vector<4x128xf32>, i32
    }
    %scan3A_23 = arith.constant 128 : i32
    return
  }
}

module attributes {stable_mosaic.version = 14 : i64} {
  func.func @_bq_body(%arg0: i32, %arg1: memref<128x3xf32, #tpu.memory_space<vmem>>, %arg2: memref<3x512xf32, #tpu.memory_space<vmem>>, %arg3: memref<128x32xi32, #tpu.memory_space<vmem>>) attributes {dimension_semantics = [#tpu.dimension_semantics<arbitrary>], iteration_bounds = array<i64: 1>, scalar_prefetch = 0 : i64, scratch_operands = 0 : i64, tpu.core_type = #tpu.core_type<tc>, window_params = [{transform_indices = @transform_0, window_bounds = array<i64: 128, 3>}, {pipeline_mode = #tpu.pipeline_mode<synchronous>, transform_indices = @transform_1, window_bounds = array<i64: 3, 512>}, {transform_indices = @transform_2, window_bounds = array<i64: 128, 32>}]} {
    %get3A = arith.constant 0 : index
    %get3A_0 = arith.constant 0 : index
    %get3A_1 = vector.load %arg1[%get3A, %get3A_0] : memref<128x3xf32, #tpu.memory_space<vmem>>, vector<128x1xf32>
    %get3A_2 = arith.constant 0 : index
    %get3A_3 = arith.constant 1 : index
    %get3A_4 = vector.load %arg1[%get3A_2, %get3A_3] : memref<128x3xf32, #tpu.memory_space<vmem>>, vector<128x1xf32>
    %get3A_5 = arith.constant 0 : index
    %get3A_6 = arith.constant 2 : index
    %get3A_7 = vector.load %arg1[%get3A_5, %get3A_6] : memref<128x3xf32, #tpu.memory_space<vmem>>, vector<128x1xf32>
    %get3A_8 = arith.constant 0 : index
    %get3A_9 = arith.constant 0 : index
    %get3A_10 = vector.load %arg2[%get3A_8, %get3A_9] : memref<3x512xf32, #tpu.memory_space<vmem>>, vector<1x512xf32>
    %sub3A = vector.broadcast %get3A_1 : vector<128x1xf32> to vector<128x512xf32>
    %sub3A_11 = vector.broadcast %get3A_10 : vector<1x512xf32> to vector<128x512xf32>
    %sub3A_12 = arith.subf %sub3A, %sub3A_11 : vector<128x512xf32>
    %get3A_13 = arith.constant 1 : index
    %get3A_14 = arith.constant 0 : index
    %get3A_15 = vector.load %arg2[%get3A_13, %get3A_14] : memref<3x512xf32, #tpu.memory_space<vmem>>, vector<1x512xf32>
    %sub3A_16 = vector.broadcast %get3A_4 : vector<128x1xf32> to vector<128x512xf32>
    %sub3A_17 = vector.broadcast %get3A_15 : vector<1x512xf32> to vector<128x512xf32>
    %sub3A_18 = arith.subf %sub3A_16, %sub3A_17 : vector<128x512xf32>
    %get3A_19 = arith.constant 2 : index
    %get3A_20 = arith.constant 0 : index
    %get3A_21 = vector.load %arg2[%get3A_19, %get3A_20] : memref<3x512xf32, #tpu.memory_space<vmem>>, vector<1x512xf32>
    %sub3A_22 = vector.broadcast %get3A_7 : vector<128x1xf32> to vector<128x512xf32>
    %sub3A_23 = vector.broadcast %get3A_21 : vector<1x512xf32> to vector<128x512xf32>
    %sub3A_24 = arith.subf %sub3A_22, %sub3A_23 : vector<128x512xf32>
    %mul3A = arith.mulf %sub3A_12, %sub3A_12 : vector<128x512xf32>
    %mul3A_25 = arith.mulf %sub3A_18, %sub3A_18 : vector<128x512xf32>
    %add3A = arith.addf %mul3A, %mul3A_25 : vector<128x512xf32>
    %mul3A_26 = arith.mulf %sub3A_24, %sub3A_24 : vector<128x512xf32>
    %add3A_27 = arith.addf %add3A, %mul3A_26 : vector<128x512xf32>
    %le3A = arith.constant 6.400000e-01 : f32
    %le3A_28 = vector.broadcast %le3A : f32 to vector<128x512xf32>
    %le3A_29 = arith.cmpf ole, %add3A_27, %le3A_28 : vector<128x512xf32>
    %broadcast_in_dim3A = arith.constant 1.000000e+00 : f32
    %broadcast_in_dim3A_30 = vector.broadcast %broadcast_in_dim3A : f32 to vector<128x512xf32>
    %broadcast_in_dim3A_31 = arith.constant 0.000000e+00 : f32
    %broadcast_in_dim3A_32 = vector.broadcast %broadcast_in_dim3A_31 : f32 to vector<128x512xf32>
    %select_n3A = arith.select %le3A_29, %broadcast_in_dim3A_30, %broadcast_in_dim3A_32 : vector<128x512xi1>, vector<128x512xf32>
    %iota3A = tpu.iota {dimensions = array<i32: 1>} : vector<1x512xi32>
    %roll3A = arith.constant 1 : i32
    %roll3A_33 = tpu.dynamic_rotate %select_n3A by %roll3A dim 1 : vector<128x512xf32>, i32 -> vector<128x512xf32>
    %ge3A = arith.constant 1 : i32
    %ge3A_34 = vector.broadcast %ge3A : i32 to vector<1x512xi32>
    %ge3A_35 = arith.cmpi sge, %iota3A, %ge3A_34 : vector<1x512xi32>
    %broadcast_in_dim3A_36 = arith.constant 0.000000e+00 : f32
    %broadcast_in_dim3A_37 = vector.broadcast %broadcast_in_dim3A_36 : f32 to vector<128x512xf32>
    %broadcast_in_dim3A_38 = vector.shape_cast %ge3A_35 : vector<1x512xi1> to vector<1x512xi1>
    %broadcast_in_dim3A_39 = vector.broadcast %broadcast_in_dim3A_38 : vector<1x512xi1> to vector<128x512xi1>
    %select_n3A_40 = arith.select %broadcast_in_dim3A_39, %roll3A_33, %broadcast_in_dim3A_37 : vector<128x512xi1>, vector<128x512xf32>
    %add3A_41 = arith.addf %select_n3A, %select_n3A_40 : vector<128x512xf32>
    %roll3A_42 = arith.constant 2 : i32
    %roll3A_43 = tpu.dynamic_rotate %add3A_41 by %roll3A_42 dim 1 : vector<128x512xf32>, i32 -> vector<128x512xf32>
    %ge3A_44 = arith.constant 2 : i32
    %ge3A_45 = vector.broadcast %ge3A_44 : i32 to vector<1x512xi32>
    %ge3A_46 = arith.cmpi sge, %iota3A, %ge3A_45 : vector<1x512xi32>
    %broadcast_in_dim3A_47 = arith.constant 0.000000e+00 : f32
    %broadcast_in_dim3A_48 = vector.broadcast %broadcast_in_dim3A_47 : f32 to vector<128x512xf32>
    %broadcast_in_dim3A_49 = vector.shape_cast %ge3A_46 : vector<1x512xi1> to vector<1x512xi1>
    %broadcast_in_dim3A_50 = vector.broadcast %broadcast_in_dim3A_49 : vector<1x512xi1> to vector<128x512xi1>
    %select_n3A_51 = arith.select %broadcast_in_dim3A_50, %roll3A_43, %broadcast_in_dim3A_48 : vector<128x512xi1>, vector<128x512xf32>
    %add3A_52 = arith.addf %add3A_41, %select_n3A_51 : vector<128x512xf32>
    %roll3A_53 = arith.constant 4 : i32
    %roll3A_54 = tpu.dynamic_rotate %add3A_52 by %roll3A_53 dim 1 : vector<128x512xf32>, i32 -> vector<128x512xf32>
    %ge3A_55 = arith.constant 4 : i32
    %ge3A_56 = vector.broadcast %ge3A_55 : i32 to vector<1x512xi32>
    %ge3A_57 = arith.cmpi sge, %iota3A, %ge3A_56 : vector<1x512xi32>
    %broadcast_in_dim3A_58 = arith.constant 0.000000e+00 : f32
    %broadcast_in_dim3A_59 = vector.broadcast %broadcast_in_dim3A_58 : f32 to vector<128x512xf32>
    %broadcast_in_dim3A_60 = vector.shape_cast %ge3A_57 : vector<1x512xi1> to vector<1x512xi1>
    %broadcast_in_dim3A_61 = vector.broadcast %broadcast_in_dim3A_60 : vector<1x512xi1> to vector<128x512xi1>
    %select_n3A_62 = arith.select %broadcast_in_dim3A_61, %roll3A_54, %broadcast_in_dim3A_59 : vector<128x512xi1>, vector<128x512xf32>
    %add3A_63 = arith.addf %add3A_52, %select_n3A_62 : vector<128x512xf32>
    %roll3A_64 = arith.constant 8 : i32
    %roll3A_65 = tpu.dynamic_rotate %add3A_63 by %roll3A_64 dim 1 : vector<128x512xf32>, i32 -> vector<128x512xf32>
    %ge3A_66 = arith.constant 8 : i32
    %ge3A_67 = vector.broadcast %ge3A_66 : i32 to vector<1x512xi32>
    %ge3A_68 = arith.cmpi sge, %iota3A, %ge3A_67 : vector<1x512xi32>
    %broadcast_in_dim3A_69 = arith.constant 0.000000e+00 : f32
    %broadcast_in_dim3A_70 = vector.broadcast %broadcast_in_dim3A_69 : f32 to vector<128x512xf32>
    %broadcast_in_dim3A_71 = vector.shape_cast %ge3A_68 : vector<1x512xi1> to vector<1x512xi1>
    %broadcast_in_dim3A_72 = vector.broadcast %broadcast_in_dim3A_71 : vector<1x512xi1> to vector<128x512xi1>
    %select_n3A_73 = arith.select %broadcast_in_dim3A_72, %roll3A_65, %broadcast_in_dim3A_70 : vector<128x512xi1>, vector<128x512xf32>
    %add3A_74 = arith.addf %add3A_63, %select_n3A_73 : vector<128x512xf32>
    %roll3A_75 = arith.constant 16 : i32
    %roll3A_76 = tpu.dynamic_rotate %add3A_74 by %roll3A_75 dim 1 : vector<128x512xf32>, i32 -> vector<128x512xf32>
    %ge3A_77 = arith.constant 16 : i32
    %ge3A_78 = vector.broadcast %ge3A_77 : i32 to vector<1x512xi32>
    %ge3A_79 = arith.cmpi sge, %iota3A, %ge3A_78 : vector<1x512xi32>
    %broadcast_in_dim3A_80 = arith.constant 0.000000e+00 : f32
    %broadcast_in_dim3A_81 = vector.broadcast %broadcast_in_dim3A_80 : f32 to vector<128x512xf32>
    %broadcast_in_dim3A_82 = vector.shape_cast %ge3A_79 : vector<1x512xi1> to vector<1x512xi1>
    %broadcast_in_dim3A_83 = vector.broadcast %broadcast_in_dim3A_82 : vector<1x512xi1> to vector<128x512xi1>
    %select_n3A_84 = arith.select %broadcast_in_dim3A_83, %roll3A_76, %broadcast_in_dim3A_81 : vector<128x512xi1>, vector<128x512xf32>
    %add3A_85 = arith.addf %add3A_74, %select_n3A_84 : vector<128x512xf32>
    %roll3A_86 = arith.constant 32 : i32
    %roll3A_87 = tpu.dynamic_rotate %add3A_85 by %roll3A_86 dim 1 : vector<128x512xf32>, i32 -> vector<128x512xf32>
    %ge3A_88 = arith.constant 32 : i32
    %ge3A_89 = vector.broadcast %ge3A_88 : i32 to vector<1x512xi32>
    %ge3A_90 = arith.cmpi sge, %iota3A, %ge3A_89 : vector<1x512xi32>
    %broadcast_in_dim3A_91 = arith.constant 0.000000e+00 : f32
    %broadcast_in_dim3A_92 = vector.broadcast %broadcast_in_dim3A_91 : f32 to vector<128x512xf32>
    %broadcast_in_dim3A_93 = vector.shape_cast %ge3A_90 : vector<1x512xi1> to vector<1x512xi1>
    %broadcast_in_dim3A_94 = vector.broadcast %broadcast_in_dim3A_93 : vector<1x512xi1> to vector<128x512xi1>
    %select_n3A_95 = arith.select %broadcast_in_dim3A_94, %roll3A_87, %broadcast_in_dim3A_92 : vector<128x512xi1>, vector<128x512xf32>
    %add3A_96 = arith.addf %add3A_85, %select_n3A_95 : vector<128x512xf32>
    %roll3A_97 = arith.constant 64 : i32
    %roll3A_98 = tpu.dynamic_rotate %add3A_96 by %roll3A_97 dim 1 : vector<128x512xf32>, i32 -> vector<128x512xf32>
    %ge3A_99 = arith.constant 64 : i32
    %ge3A_100 = vector.broadcast %ge3A_99 : i32 to vector<1x512xi32>
    %ge3A_101 = arith.cmpi sge, %iota3A, %ge3A_100 : vector<1x512xi32>
    %broadcast_in_dim3A_102 = arith.constant 0.000000e+00 : f32
    %broadcast_in_dim3A_103 = vector.broadcast %broadcast_in_dim3A_102 : f32 to vector<128x512xf32>
    %broadcast_in_dim3A_104 = vector.shape_cast %ge3A_101 : vector<1x512xi1> to vector<1x512xi1>
    %broadcast_in_dim3A_105 = vector.broadcast %broadcast_in_dim3A_104 : vector<1x512xi1> to vector<128x512xi1>
    %select_n3A_106 = arith.select %broadcast_in_dim3A_105, %roll3A_98, %broadcast_in_dim3A_103 : vector<128x512xi1>, vector<128x512xf32>
    %add3A_107 = arith.addf %add3A_96, %select_n3A_106 : vector<128x512xf32>
    %roll3A_108 = arith.constant 128 : i32
    %roll3A_109 = tpu.dynamic_rotate %add3A_107 by %roll3A_108 dim 1 : vector<128x512xf32>, i32 -> vector<128x512xf32>
    %ge3A_110 = arith.constant 128 : i32
    %ge3A_111 = vector.broadcast %ge3A_110 : i32 to vector<1x512xi32>
    %ge3A_112 = arith.cmpi sge, %iota3A, %ge3A_111 : vector<1x512xi32>
    %broadcast_in_dim3A_113 = arith.constant 0.000000e+00 : f32
    %broadcast_in_dim3A_114 = vector.broadcast %broadcast_in_dim3A_113 : f32 to vector<128x512xf32>
    %broadcast_in_dim3A_115 = vector.shape_cast %ge3A_112 : vector<1x512xi1> to vector<1x512xi1>
    %broadcast_in_dim3A_116 = vector.broadcast %broadcast_in_dim3A_115 : vector<1x512xi1> to vector<128x512xi1>
    %select_n3A_117 = arith.select %broadcast_in_dim3A_116, %roll3A_109, %broadcast_in_dim3A_114 : vector<128x512xi1>, vector<128x512xf32>
    %add3A_118 = arith.addf %add3A_107, %select_n3A_117 : vector<128x512xf32>
    %roll3A_119 = arith.constant 256 : i32
    %roll3A_120 = tpu.dynamic_rotate %add3A_118 by %roll3A_119 dim 1 : vector<128x512xf32>, i32 -> vector<128x512xf32>
    %ge3A_121 = arith.constant 256 : i32
    %ge3A_122 = vector.broadcast %ge3A_121 : i32 to vector<1x512xi32>
    %ge3A_123 = arith.cmpi sge, %iota3A, %ge3A_122 : vector<1x512xi32>
    %broadcast_in_dim3A_124 = arith.constant 0.000000e+00 : f32
    %broadcast_in_dim3A_125 = vector.broadcast %broadcast_in_dim3A_124 : f32 to vector<128x512xf32>
    %broadcast_in_dim3A_126 = vector.shape_cast %ge3A_123 : vector<1x512xi1> to vector<1x512xi1>
    %broadcast_in_dim3A_127 = vector.broadcast %broadcast_in_dim3A_126 : vector<1x512xi1> to vector<128x512xi1>
    %select_n3A_128 = arith.select %broadcast_in_dim3A_127, %roll3A_120, %broadcast_in_dim3A_125 : vector<128x512xi1>, vector<128x512xf32>
    %add3A_129 = arith.addf %add3A_118, %select_n3A_128 : vector<128x512xf32>
    %le3A_130 = arith.constant 0.000000e+00 : f32
    %le3A_131 = vector.broadcast %le3A_130 : f32 to vector<128x512xf32>
    %le3A_132 = arith.cmpf ole, %add3A_129, %le3A_131 : vector<128x512xf32>
    %broadcast_in_dim3A_133 = arith.constant 1.000000e+00 : f32
    %broadcast_in_dim3A_134 = vector.broadcast %broadcast_in_dim3A_133 : f32 to vector<128x512xf32>
    %broadcast_in_dim3A_135 = arith.constant 0.000000e+00 : f32
    %broadcast_in_dim3A_136 = vector.broadcast %broadcast_in_dim3A_135 : f32 to vector<128x512xf32>
    %select_n3A_137 = arith.select %le3A_132, %broadcast_in_dim3A_134, %broadcast_in_dim3A_136 : vector<128x512xi1>, vector<128x512xf32>
    %reduce_sum3A = arith.constant dense<0.000000e+00> : vector<128xf32>
    %reduce_sum3A_138 = vector.multi_reduction <add>, %select_n3A_137, %reduce_sum3A [1] : vector<128x512xf32> to vector<128xf32>
    %broadcast_in_dim3A_139 = vector.shape_cast %reduce_sum3A_138 : vector<128xf32> to vector<128x1xf32>
    %le3A_140 = arith.constant 1.000000e+00 : f32
    %le3A_141 = vector.broadcast %le3A_140 : f32 to vector<128x512xf32>
    %le3A_142 = arith.cmpf ole, %add3A_129, %le3A_141 : vector<128x512xf32>
    %broadcast_in_dim3A_143 = arith.constant 1.000000e+00 : f32
    %broadcast_in_dim3A_144 = vector.broadcast %broadcast_in_dim3A_143 : f32 to vector<128x512xf32>
    %broadcast_in_dim3A_145 = arith.constant 0.000000e+00 : f32
    %broadcast_in_dim3A_146 = vector.broadcast %broadcast_in_dim3A_145 : f32 to vector<128x512xf32>
    %select_n3A_147 = arith.select %le3A_142, %broadcast_in_dim3A_144, %broadcast_in_dim3A_146 : vector<128x512xi1>, vector<128x512xf32>
    %reduce_sum3A_148 = arith.constant dense<0.000000e+00> : vector<128xf32>
    %reduce_sum3A_149 = vector.multi_reduction <add>, %select_n3A_147, %reduce_sum3A_148 [1] : vector<128x512xf32> to vector<128xf32>
    %broadcast_in_dim3A_150 = vector.shape_cast %reduce_sum3A_149 : vector<128xf32> to vector<128x1xf32>
    %le3A_151 = arith.constant 2.000000e+00 : f32
    %le3A_152 = vector.broadcast %le3A_151 : f32 to vector<128x512xf32>
    %le3A_153 = arith.cmpf ole, %add3A_129, %le3A_152 : vector<128x512xf32>
    %broadcast_in_dim3A_154 = arith.constant 1.000000e+00 : f32
    %broadcast_in_dim3A_155 = vector.broadcast %broadcast_in_dim3A_154 : f32 to vector<128x512xf32>
    %broadcast_in_dim3A_156 = arith.constant 0.000000e+00 : f32
    %broadcast_in_dim3A_157 = vector.broadcast %broadcast_in_dim3A_156 : f32 to vector<128x512xf32>
    %select_n3A_158 = arith.select %le3A_153, %broadcast_in_dim3A_155, %broadcast_in_dim3A_157 : vector<128x512xi1>, vector<128x512xf32>
    %reduce_sum3A_159 = arith.constant dense<0.000000e+00> : vector<128xf32>
    %reduce_sum3A_160 = vector.multi_reduction <add>, %select_n3A_158, %reduce_sum3A_159 [1] : vector<128x512xf32> to vector<128xf32>
    %broadcast_in_dim3A_161 = vector.shape_cast %reduce_sum3A_160 : vector<128xf32> to vector<128x1xf32>
    %le3A_162 = arith.constant 3.000000e+00 : f32
    %le3A_163 = vector.broadcast %le3A_162 : f32 to vector<128x512xf32>
    %le3A_164 = arith.cmpf ole, %add3A_129, %le3A_163 : vector<128x512xf32>
    %broadcast_in_dim3A_165 = arith.constant 1.000000e+00 : f32
    %broadcast_in_dim3A_166 = vector.broadcast %broadcast_in_dim3A_165 : f32 to vector<128x512xf32>
    %broadcast_in_dim3A_167 = arith.constant 0.000000e+00 : f32
    %broadcast_in_dim3A_168 = vector.broadcast %broadcast_in_dim3A_167 : f32 to vector<128x512xf32>
    %select_n3A_169 = arith.select %le3A_164, %broadcast_in_dim3A_166, %broadcast_in_dim3A_168 : vector<128x512xi1>, vector<128x512xf32>
    %reduce_sum3A_170 = arith.constant dense<0.000000e+00> : vector<128xf32>
    %reduce_sum3A_171 = vector.multi_reduction <add>, %select_n3A_169, %reduce_sum3A_170 [1] : vector<128x512xf32> to vector<128xf32>
    %broadcast_in_dim3A_172 = vector.shape_cast %reduce_sum3A_171 : vector<128xf32> to vector<128x1xf32>
    %le3A_173 = arith.constant 4.000000e+00 : f32
    %le3A_174 = vector.broadcast %le3A_173 : f32 to vector<128x512xf32>
    %le3A_175 = arith.cmpf ole, %add3A_129, %le3A_174 : vector<128x512xf32>
    %broadcast_in_dim3A_176 = arith.constant 1.000000e+00 : f32
    %broadcast_in_dim3A_177 = vector.broadcast %broadcast_in_dim3A_176 : f32 to vector<128x512xf32>
    %broadcast_in_dim3A_178 = arith.constant 0.000000e+00 : f32
    %broadcast_in_dim3A_179 = vector.broadcast %broadcast_in_dim3A_178 : f32 to vector<128x512xf32>
    %select_n3A_180 = arith.select %le3A_175, %broadcast_in_dim3A_177, %broadcast_in_dim3A_179 : vector<128x512xi1>, vector<128x512xf32>
    %reduce_sum3A_181 = arith.constant dense<0.000000e+00> : vector<128xf32>
    %reduce_sum3A_182 = vector.multi_reduction <add>, %select_n3A_180, %reduce_sum3A_181 [1] : vector<128x512xf32> to vector<128xf32>
    %broadcast_in_dim3A_183 = vector.shape_cast %reduce_sum3A_182 : vector<128xf32> to vector<128x1xf32>
    %le3A_184 = arith.constant 5.000000e+00 : f32
    %le3A_185 = vector.broadcast %le3A_184 : f32 to vector<128x512xf32>
    %le3A_186 = arith.cmpf ole, %add3A_129, %le3A_185 : vector<128x512xf32>
    %broadcast_in_dim3A_187 = arith.constant 1.000000e+00 : f32
    %broadcast_in_dim3A_188 = vector.broadcast %broadcast_in_dim3A_187 : f32 to vector<128x512xf32>
    %broadcast_in_dim3A_189 = arith.constant 0.000000e+00 : f32
    %broadcast_in_dim3A_190 = vector.broadcast %broadcast_in_dim3A_189 : f32 to vector<128x512xf32>
    %select_n3A_191 = arith.select %le3A_186, %broadcast_in_dim3A_188, %broadcast_in_dim3A_190 : vector<128x512xi1>, vector<128x512xf32>
    %reduce_sum3A_192 = arith.constant dense<0.000000e+00> : vector<128xf32>
    %reduce_sum3A_193 = vector.multi_reduction <add>, %select_n3A_191, %reduce_sum3A_192 [1] : vector<128x512xf32> to vector<128xf32>
    %broadcast_in_dim3A_194 = vector.shape_cast %reduce_sum3A_193 : vector<128xf32> to vector<128x1xf32>
    %le3A_195 = arith.constant 6.000000e+00 : f32
    %le3A_196 = vector.broadcast %le3A_195 : f32 to vector<128x512xf32>
    %le3A_197 = arith.cmpf ole, %add3A_129, %le3A_196 : vector<128x512xf32>
    %broadcast_in_dim3A_198 = arith.constant 1.000000e+00 : f32
    %broadcast_in_dim3A_199 = vector.broadcast %broadcast_in_dim3A_198 : f32 to vector<128x512xf32>
    %broadcast_in_dim3A_200 = arith.constant 0.000000e+00 : f32
    %broadcast_in_dim3A_201 = vector.broadcast %broadcast_in_dim3A_200 : f32 to vector<128x512xf32>
    %select_n3A_202 = arith.select %le3A_197, %broadcast_in_dim3A_199, %broadcast_in_dim3A_201 : vector<128x512xi1>, vector<128x512xf32>
    %reduce_sum3A_203 = arith.constant dense<0.000000e+00> : vector<128xf32>
    %reduce_sum3A_204 = vector.multi_reduction <add>, %select_n3A_202, %reduce_sum3A_203 [1] : vector<128x512xf32> to vector<128xf32>
    %broadcast_in_dim3A_205 = vector.shape_cast %reduce_sum3A_204 : vector<128xf32> to vector<128x1xf32>
    %le3A_206 = arith.constant 7.000000e+00 : f32
    %le3A_207 = vector.broadcast %le3A_206 : f32 to vector<128x512xf32>
    %le3A_208 = arith.cmpf ole, %add3A_129, %le3A_207 : vector<128x512xf32>
    %broadcast_in_dim3A_209 = arith.constant 1.000000e+00 : f32
    %broadcast_in_dim3A_210 = vector.broadcast %broadcast_in_dim3A_209 : f32 to vector<128x512xf32>
    %broadcast_in_dim3A_211 = arith.constant 0.000000e+00 : f32
    %broadcast_in_dim3A_212 = vector.broadcast %broadcast_in_dim3A_211 : f32 to vector<128x512xf32>
    %select_n3A_213 = arith.select %le3A_208, %broadcast_in_dim3A_210, %broadcast_in_dim3A_212 : vector<128x512xi1>, vector<128x512xf32>
    %reduce_sum3A_214 = arith.constant dense<0.000000e+00> : vector<128xf32>
    %reduce_sum3A_215 = vector.multi_reduction <add>, %select_n3A_213, %reduce_sum3A_214 [1] : vector<128x512xf32> to vector<128xf32>
    %broadcast_in_dim3A_216 = vector.shape_cast %reduce_sum3A_215 : vector<128xf32> to vector<128x1xf32>
    %le3A_217 = arith.constant 8.000000e+00 : f32
    %le3A_218 = vector.broadcast %le3A_217 : f32 to vector<128x512xf32>
    %le3A_219 = arith.cmpf ole, %add3A_129, %le3A_218 : vector<128x512xf32>
    %broadcast_in_dim3A_220 = arith.constant 1.000000e+00 : f32
    %broadcast_in_dim3A_221 = vector.broadcast %broadcast_in_dim3A_220 : f32 to vector<128x512xf32>
    %broadcast_in_dim3A_222 = arith.constant 0.000000e+00 : f32
    %broadcast_in_dim3A_223 = vector.broadcast %broadcast_in_dim3A_222 : f32 to vector<128x512xf32>
    %select_n3A_224 = arith.select %le3A_219, %broadcast_in_dim3A_221, %broadcast_in_dim3A_223 : vector<128x512xi1>, vector<128x512xf32>
    %reduce_sum3A_225 = arith.constant dense<0.000000e+00> : vector<128xf32>
    %reduce_sum3A_226 = vector.multi_reduction <add>, %select_n3A_224, %reduce_sum3A_225 [1] : vector<128x512xf32> to vector<128xf32>
    %broadcast_in_dim3A_227 = vector.shape_cast %reduce_sum3A_226 : vector<128xf32> to vector<128x1xf32>
    %le3A_228 = arith.constant 9.000000e+00 : f32
    %le3A_229 = vector.broadcast %le3A_228 : f32 to vector<128x512xf32>
    %le3A_230 = arith.cmpf ole, %add3A_129, %le3A_229 : vector<128x512xf32>
    %broadcast_in_dim3A_231 = arith.constant 1.000000e+00 : f32
    %broadcast_in_dim3A_232 = vector.broadcast %broadcast_in_dim3A_231 : f32 to vector<128x512xf32>
    %broadcast_in_dim3A_233 = arith.constant 0.000000e+00 : f32
    %broadcast_in_dim3A_234 = vector.broadcast %broadcast_in_dim3A_233 : f32 to vector<128x512xf32>
    %select_n3A_235 = arith.select %le3A_230, %broadcast_in_dim3A_232, %broadcast_in_dim3A_234 : vector<128x512xi1>, vector<128x512xf32>
    %reduce_sum3A_236 = arith.constant dense<0.000000e+00> : vector<128xf32>
    %reduce_sum3A_237 = vector.multi_reduction <add>, %select_n3A_235, %reduce_sum3A_236 [1] : vector<128x512xf32> to vector<128xf32>
    %broadcast_in_dim3A_238 = vector.shape_cast %reduce_sum3A_237 : vector<128xf32> to vector<128x1xf32>
    %le3A_239 = arith.constant 1.000000e+01 : f32
    %le3A_240 = vector.broadcast %le3A_239 : f32 to vector<128x512xf32>
    %le3A_241 = arith.cmpf ole, %add3A_129, %le3A_240 : vector<128x512xf32>
    %broadcast_in_dim3A_242 = arith.constant 1.000000e+00 : f32
    %broadcast_in_dim3A_243 = vector.broadcast %broadcast_in_dim3A_242 : f32 to vector<128x512xf32>
    %broadcast_in_dim3A_244 = arith.constant 0.000000e+00 : f32
    %broadcast_in_dim3A_245 = vector.broadcast %broadcast_in_dim3A_244 : f32 to vector<128x512xf32>
    %select_n3A_246 = arith.select %le3A_241, %broadcast_in_dim3A_243, %broadcast_in_dim3A_245 : vector<128x512xi1>, vector<128x512xf32>
    %reduce_sum3A_247 = arith.constant dense<0.000000e+00> : vector<128xf32>
    %reduce_sum3A_248 = vector.multi_reduction <add>, %select_n3A_246, %reduce_sum3A_247 [1] : vector<128x512xf32> to vector<128xf32>
    %broadcast_in_dim3A_249 = vector.shape_cast %reduce_sum3A_248 : vector<128xf32> to vector<128x1xf32>
    %le3A_250 = arith.constant 1.100000e+01 : f32
    %le3A_251 = vector.broadcast %le3A_250 : f32 to vector<128x512xf32>
    %le3A_252 = arith.cmpf ole, %add3A_129, %le3A_251 : vector<128x512xf32>
    %broadcast_in_dim3A_253 = arith.constant 1.000000e+00 : f32
    %broadcast_in_dim3A_254 = vector.broadcast %broadcast_in_dim3A_253 : f32 to vector<128x512xf32>
    %broadcast_in_dim3A_255 = arith.constant 0.000000e+00 : f32
    %broadcast_in_dim3A_256 = vector.broadcast %broadcast_in_dim3A_255 : f32 to vector<128x512xf32>
    %select_n3A_257 = arith.select %le3A_252, %broadcast_in_dim3A_254, %broadcast_in_dim3A_256 : vector<128x512xi1>, vector<128x512xf32>
    %reduce_sum3A_258 = arith.constant dense<0.000000e+00> : vector<128xf32>
    %reduce_sum3A_259 = vector.multi_reduction <add>, %select_n3A_257, %reduce_sum3A_258 [1] : vector<128x512xf32> to vector<128xf32>
    %broadcast_in_dim3A_260 = vector.shape_cast %reduce_sum3A_259 : vector<128xf32> to vector<128x1xf32>
    %le3A_261 = arith.constant 1.200000e+01 : f32
    %le3A_262 = vector.broadcast %le3A_261 : f32 to vector<128x512xf32>
    %le3A_263 = arith.cmpf ole, %add3A_129, %le3A_262 : vector<128x512xf32>
    %broadcast_in_dim3A_264 = arith.constant 1.000000e+00 : f32
    %broadcast_in_dim3A_265 = vector.broadcast %broadcast_in_dim3A_264 : f32 to vector<128x512xf32>
    %broadcast_in_dim3A_266 = arith.constant 0.000000e+00 : f32
    %broadcast_in_dim3A_267 = vector.broadcast %broadcast_in_dim3A_266 : f32 to vector<128x512xf32>
    %select_n3A_268 = arith.select %le3A_263, %broadcast_in_dim3A_265, %broadcast_in_dim3A_267 : vector<128x512xi1>, vector<128x512xf32>
    %reduce_sum3A_269 = arith.constant dense<0.000000e+00> : vector<128xf32>
    %reduce_sum3A_270 = vector.multi_reduction <add>, %select_n3A_268, %reduce_sum3A_269 [1] : vector<128x512xf32> to vector<128xf32>
    %broadcast_in_dim3A_271 = vector.shape_cast %reduce_sum3A_270 : vector<128xf32> to vector<128x1xf32>
    %le3A_272 = arith.constant 1.300000e+01 : f32
    %le3A_273 = vector.broadcast %le3A_272 : f32 to vector<128x512xf32>
    %le3A_274 = arith.cmpf ole, %add3A_129, %le3A_273 : vector<128x512xf32>
    %broadcast_in_dim3A_275 = arith.constant 1.000000e+00 : f32
    %broadcast_in_dim3A_276 = vector.broadcast %broadcast_in_dim3A_275 : f32 to vector<128x512xf32>
    %broadcast_in_dim3A_277 = arith.constant 0.000000e+00 : f32
    %broadcast_in_dim3A_278 = vector.broadcast %broadcast_in_dim3A_277 : f32 to vector<128x512xf32>
    %select_n3A_279 = arith.select %le3A_274, %broadcast_in_dim3A_276, %broadcast_in_dim3A_278 : vector<128x512xi1>, vector<128x512xf32>
    %reduce_sum3A_280 = arith.constant dense<0.000000e+00> : vector<128xf32>
    %reduce_sum3A_281 = vector.multi_reduction <add>, %select_n3A_279, %reduce_sum3A_280 [1] : vector<128x512xf32> to vector<128xf32>
    %broadcast_in_dim3A_282 = vector.shape_cast %reduce_sum3A_281 : vector<128xf32> to vector<128x1xf32>
    %le3A_283 = arith.constant 1.400000e+01 : f32
    %le3A_284 = vector.broadcast %le3A_283 : f32 to vector<128x512xf32>
    %le3A_285 = arith.cmpf ole, %add3A_129, %le3A_284 : vector<128x512xf32>
    %broadcast_in_dim3A_286 = arith.constant 1.000000e+00 : f32
    %broadcast_in_dim3A_287 = vector.broadcast %broadcast_in_dim3A_286 : f32 to vector<128x512xf32>
    %broadcast_in_dim3A_288 = arith.constant 0.000000e+00 : f32
    %broadcast_in_dim3A_289 = vector.broadcast %broadcast_in_dim3A_288 : f32 to vector<128x512xf32>
    %select_n3A_290 = arith.select %le3A_285, %broadcast_in_dim3A_287, %broadcast_in_dim3A_289 : vector<128x512xi1>, vector<128x512xf32>
    %reduce_sum3A_291 = arith.constant dense<0.000000e+00> : vector<128xf32>
    %reduce_sum3A_292 = vector.multi_reduction <add>, %select_n3A_290, %reduce_sum3A_291 [1] : vector<128x512xf32> to vector<128xf32>
    %broadcast_in_dim3A_293 = vector.shape_cast %reduce_sum3A_292 : vector<128xf32> to vector<128x1xf32>
    %le3A_294 = arith.constant 1.500000e+01 : f32
    %le3A_295 = vector.broadcast %le3A_294 : f32 to vector<128x512xf32>
    %le3A_296 = arith.cmpf ole, %add3A_129, %le3A_295 : vector<128x512xf32>
    %broadcast_in_dim3A_297 = arith.constant 1.000000e+00 : f32
    %broadcast_in_dim3A_298 = vector.broadcast %broadcast_in_dim3A_297 : f32 to vector<128x512xf32>
    %broadcast_in_dim3A_299 = arith.constant 0.000000e+00 : f32
    %broadcast_in_dim3A_300 = vector.broadcast %broadcast_in_dim3A_299 : f32 to vector<128x512xf32>
    %select_n3A_301 = arith.select %le3A_296, %broadcast_in_dim3A_298, %broadcast_in_dim3A_300 : vector<128x512xi1>, vector<128x512xf32>
    %reduce_sum3A_302 = arith.constant dense<0.000000e+00> : vector<128xf32>
    %reduce_sum3A_303 = vector.multi_reduction <add>, %select_n3A_301, %reduce_sum3A_302 [1] : vector<128x512xf32> to vector<128xf32>
    %broadcast_in_dim3A_304 = vector.shape_cast %reduce_sum3A_303 : vector<128xf32> to vector<128x1xf32>
    %le3A_305 = arith.constant 1.600000e+01 : f32
    %le3A_306 = vector.broadcast %le3A_305 : f32 to vector<128x512xf32>
    %le3A_307 = arith.cmpf ole, %add3A_129, %le3A_306 : vector<128x512xf32>
    %broadcast_in_dim3A_308 = arith.constant 1.000000e+00 : f32
    %broadcast_in_dim3A_309 = vector.broadcast %broadcast_in_dim3A_308 : f32 to vector<128x512xf32>
    %broadcast_in_dim3A_310 = arith.constant 0.000000e+00 : f32
    %broadcast_in_dim3A_311 = vector.broadcast %broadcast_in_dim3A_310 : f32 to vector<128x512xf32>
    %select_n3A_312 = arith.select %le3A_307, %broadcast_in_dim3A_309, %broadcast_in_dim3A_311 : vector<128x512xi1>, vector<128x512xf32>
    %reduce_sum3A_313 = arith.constant dense<0.000000e+00> : vector<128xf32>
    %reduce_sum3A_314 = vector.multi_reduction <add>, %select_n3A_312, %reduce_sum3A_313 [1] : vector<128x512xf32> to vector<128xf32>
    %broadcast_in_dim3A_315 = vector.shape_cast %reduce_sum3A_314 : vector<128xf32> to vector<128x1xf32>
    %le3A_316 = arith.constant 1.700000e+01 : f32
    %le3A_317 = vector.broadcast %le3A_316 : f32 to vector<128x512xf32>
    %le3A_318 = arith.cmpf ole, %add3A_129, %le3A_317 : vector<128x512xf32>
    %broadcast_in_dim3A_319 = arith.constant 1.000000e+00 : f32
    %broadcast_in_dim3A_320 = vector.broadcast %broadcast_in_dim3A_319 : f32 to vector<128x512xf32>
    %broadcast_in_dim3A_321 = arith.constant 0.000000e+00 : f32
    %broadcast_in_dim3A_322 = vector.broadcast %broadcast_in_dim3A_321 : f32 to vector<128x512xf32>
    %select_n3A_323 = arith.select %le3A_318, %broadcast_in_dim3A_320, %broadcast_in_dim3A_322 : vector<128x512xi1>, vector<128x512xf32>
    %reduce_sum3A_324 = arith.constant dense<0.000000e+00> : vector<128xf32>
    %reduce_sum3A_325 = vector.multi_reduction <add>, %select_n3A_323, %reduce_sum3A_324 [1] : vector<128x512xf32> to vector<128xf32>
    %broadcast_in_dim3A_326 = vector.shape_cast %reduce_sum3A_325 : vector<128xf32> to vector<128x1xf32>
    %le3A_327 = arith.constant 1.800000e+01 : f32
    %le3A_328 = vector.broadcast %le3A_327 : f32 to vector<128x512xf32>
    %le3A_329 = arith.cmpf ole, %add3A_129, %le3A_328 : vector<128x512xf32>
    %broadcast_in_dim3A_330 = arith.constant 1.000000e+00 : f32
    %broadcast_in_dim3A_331 = vector.broadcast %broadcast_in_dim3A_330 : f32 to vector<128x512xf32>
    %broadcast_in_dim3A_332 = arith.constant 0.000000e+00 : f32
    %broadcast_in_dim3A_333 = vector.broadcast %broadcast_in_dim3A_332 : f32 to vector<128x512xf32>
    %select_n3A_334 = arith.select %le3A_329, %broadcast_in_dim3A_331, %broadcast_in_dim3A_333 : vector<128x512xi1>, vector<128x512xf32>
    %reduce_sum3A_335 = arith.constant dense<0.000000e+00> : vector<128xf32>
    %reduce_sum3A_336 = vector.multi_reduction <add>, %select_n3A_334, %reduce_sum3A_335 [1] : vector<128x512xf32> to vector<128xf32>
    %broadcast_in_dim3A_337 = vector.shape_cast %reduce_sum3A_336 : vector<128xf32> to vector<128x1xf32>
    %le3A_338 = arith.constant 1.900000e+01 : f32
    %le3A_339 = vector.broadcast %le3A_338 : f32 to vector<128x512xf32>
    %le3A_340 = arith.cmpf ole, %add3A_129, %le3A_339 : vector<128x512xf32>
    %broadcast_in_dim3A_341 = arith.constant 1.000000e+00 : f32
    %broadcast_in_dim3A_342 = vector.broadcast %broadcast_in_dim3A_341 : f32 to vector<128x512xf32>
    %broadcast_in_dim3A_343 = arith.constant 0.000000e+00 : f32
    %broadcast_in_dim3A_344 = vector.broadcast %broadcast_in_dim3A_343 : f32 to vector<128x512xf32>
    %select_n3A_345 = arith.select %le3A_340, %broadcast_in_dim3A_342, %broadcast_in_dim3A_344 : vector<128x512xi1>, vector<128x512xf32>
    %reduce_sum3A_346 = arith.constant dense<0.000000e+00> : vector<128xf32>
    %reduce_sum3A_347 = vector.multi_reduction <add>, %select_n3A_345, %reduce_sum3A_346 [1] : vector<128x512xf32> to vector<128xf32>
    %broadcast_in_dim3A_348 = vector.shape_cast %reduce_sum3A_347 : vector<128xf32> to vector<128x1xf32>
    %le3A_349 = arith.constant 2.000000e+01 : f32
    %le3A_350 = vector.broadcast %le3A_349 : f32 to vector<128x512xf32>
    %le3A_351 = arith.cmpf ole, %add3A_129, %le3A_350 : vector<128x512xf32>
    %broadcast_in_dim3A_352 = arith.constant 1.000000e+00 : f32
    %broadcast_in_dim3A_353 = vector.broadcast %broadcast_in_dim3A_352 : f32 to vector<128x512xf32>
    %broadcast_in_dim3A_354 = arith.constant 0.000000e+00 : f32
    %broadcast_in_dim3A_355 = vector.broadcast %broadcast_in_dim3A_354 : f32 to vector<128x512xf32>
    %select_n3A_356 = arith.select %le3A_351, %broadcast_in_dim3A_353, %broadcast_in_dim3A_355 : vector<128x512xi1>, vector<128x512xf32>
    %reduce_sum3A_357 = arith.constant dense<0.000000e+00> : vector<128xf32>
    %reduce_sum3A_358 = vector.multi_reduction <add>, %select_n3A_356, %reduce_sum3A_357 [1] : vector<128x512xf32> to vector<128xf32>
    %broadcast_in_dim3A_359 = vector.shape_cast %reduce_sum3A_358 : vector<128xf32> to vector<128x1xf32>
    %le3A_360 = arith.constant 2.100000e+01 : f32
    %le3A_361 = vector.broadcast %le3A_360 : f32 to vector<128x512xf32>
    %le3A_362 = arith.cmpf ole, %add3A_129, %le3A_361 : vector<128x512xf32>
    %broadcast_in_dim3A_363 = arith.constant 1.000000e+00 : f32
    %broadcast_in_dim3A_364 = vector.broadcast %broadcast_in_dim3A_363 : f32 to vector<128x512xf32>
    %broadcast_in_dim3A_365 = arith.constant 0.000000e+00 : f32
    %broadcast_in_dim3A_366 = vector.broadcast %broadcast_in_dim3A_365 : f32 to vector<128x512xf32>
    %select_n3A_367 = arith.select %le3A_362, %broadcast_in_dim3A_364, %broadcast_in_dim3A_366 : vector<128x512xi1>, vector<128x512xf32>
    %reduce_sum3A_368 = arith.constant dense<0.000000e+00> : vector<128xf32>
    %reduce_sum3A_369 = vector.multi_reduction <add>, %select_n3A_367, %reduce_sum3A_368 [1] : vector<128x512xf32> to vector<128xf32>
    %broadcast_in_dim3A_370 = vector.shape_cast %reduce_sum3A_369 : vector<128xf32> to vector<128x1xf32>
    %le3A_371 = arith.constant 2.200000e+01 : f32
    %le3A_372 = vector.broadcast %le3A_371 : f32 to vector<128x512xf32>
    %le3A_373 = arith.cmpf ole, %add3A_129, %le3A_372 : vector<128x512xf32>
    %broadcast_in_dim3A_374 = arith.constant 1.000000e+00 : f32
    %broadcast_in_dim3A_375 = vector.broadcast %broadcast_in_dim3A_374 : f32 to vector<128x512xf32>
    %broadcast_in_dim3A_376 = arith.constant 0.000000e+00 : f32
    %broadcast_in_dim3A_377 = vector.broadcast %broadcast_in_dim3A_376 : f32 to vector<128x512xf32>
    %select_n3A_378 = arith.select %le3A_373, %broadcast_in_dim3A_375, %broadcast_in_dim3A_377 : vector<128x512xi1>, vector<128x512xf32>
    %reduce_sum3A_379 = arith.constant dense<0.000000e+00> : vector<128xf32>
    %reduce_sum3A_380 = vector.multi_reduction <add>, %select_n3A_378, %reduce_sum3A_379 [1] : vector<128x512xf32> to vector<128xf32>
    %broadcast_in_dim3A_381 = vector.shape_cast %reduce_sum3A_380 : vector<128xf32> to vector<128x1xf32>
    %le3A_382 = arith.constant 2.300000e+01 : f32
    %le3A_383 = vector.broadcast %le3A_382 : f32 to vector<128x512xf32>
    %le3A_384 = arith.cmpf ole, %add3A_129, %le3A_383 : vector<128x512xf32>
    %broadcast_in_dim3A_385 = arith.constant 1.000000e+00 : f32
    %broadcast_in_dim3A_386 = vector.broadcast %broadcast_in_dim3A_385 : f32 to vector<128x512xf32>
    %broadcast_in_dim3A_387 = arith.constant 0.000000e+00 : f32
    %broadcast_in_dim3A_388 = vector.broadcast %broadcast_in_dim3A_387 : f32 to vector<128x512xf32>
    %select_n3A_389 = arith.select %le3A_384, %broadcast_in_dim3A_386, %broadcast_in_dim3A_388 : vector<128x512xi1>, vector<128x512xf32>
    %reduce_sum3A_390 = arith.constant dense<0.000000e+00> : vector<128xf32>
    %reduce_sum3A_391 = vector.multi_reduction <add>, %select_n3A_389, %reduce_sum3A_390 [1] : vector<128x512xf32> to vector<128xf32>
    %broadcast_in_dim3A_392 = vector.shape_cast %reduce_sum3A_391 : vector<128xf32> to vector<128x1xf32>
    %le3A_393 = arith.constant 2.400000e+01 : f32
    %le3A_394 = vector.broadcast %le3A_393 : f32 to vector<128x512xf32>
    %le3A_395 = arith.cmpf ole, %add3A_129, %le3A_394 : vector<128x512xf32>
    %broadcast_in_dim3A_396 = arith.constant 1.000000e+00 : f32
    %broadcast_in_dim3A_397 = vector.broadcast %broadcast_in_dim3A_396 : f32 to vector<128x512xf32>
    %broadcast_in_dim3A_398 = arith.constant 0.000000e+00 : f32
    %broadcast_in_dim3A_399 = vector.broadcast %broadcast_in_dim3A_398 : f32 to vector<128x512xf32>
    %select_n3A_400 = arith.select %le3A_395, %broadcast_in_dim3A_397, %broadcast_in_dim3A_399 : vector<128x512xi1>, vector<128x512xf32>
    %reduce_sum3A_401 = arith.constant dense<0.000000e+00> : vector<128xf32>
    %reduce_sum3A_402 = vector.multi_reduction <add>, %select_n3A_400, %reduce_sum3A_401 [1] : vector<128x512xf32> to vector<128xf32>
    %broadcast_in_dim3A_403 = vector.shape_cast %reduce_sum3A_402 : vector<128xf32> to vector<128x1xf32>
    %le3A_404 = arith.constant 2.500000e+01 : f32
    %le3A_405 = vector.broadcast %le3A_404 : f32 to vector<128x512xf32>
    %le3A_406 = arith.cmpf ole, %add3A_129, %le3A_405 : vector<128x512xf32>
    %broadcast_in_dim3A_407 = arith.constant 1.000000e+00 : f32
    %broadcast_in_dim3A_408 = vector.broadcast %broadcast_in_dim3A_407 : f32 to vector<128x512xf32>
    %broadcast_in_dim3A_409 = arith.constant 0.000000e+00 : f32
    %broadcast_in_dim3A_410 = vector.broadcast %broadcast_in_dim3A_409 : f32 to vector<128x512xf32>
    %select_n3A_411 = arith.select %le3A_406, %broadcast_in_dim3A_408, %broadcast_in_dim3A_410 : vector<128x512xi1>, vector<128x512xf32>
    %reduce_sum3A_412 = arith.constant dense<0.000000e+00> : vector<128xf32>
    %reduce_sum3A_413 = vector.multi_reduction <add>, %select_n3A_411, %reduce_sum3A_412 [1] : vector<128x512xf32> to vector<128xf32>
    %broadcast_in_dim3A_414 = vector.shape_cast %reduce_sum3A_413 : vector<128xf32> to vector<128x1xf32>
    %le3A_415 = arith.constant 2.600000e+01 : f32
    %le3A_416 = vector.broadcast %le3A_415 : f32 to vector<128x512xf32>
    %le3A_417 = arith.cmpf ole, %add3A_129, %le3A_416 : vector<128x512xf32>
    %broadcast_in_dim3A_418 = arith.constant 1.000000e+00 : f32
    %broadcast_in_dim3A_419 = vector.broadcast %broadcast_in_dim3A_418 : f32 to vector<128x512xf32>
    %broadcast_in_dim3A_420 = arith.constant 0.000000e+00 : f32
    %broadcast_in_dim3A_421 = vector.broadcast %broadcast_in_dim3A_420 : f32 to vector<128x512xf32>
    %select_n3A_422 = arith.select %le3A_417, %broadcast_in_dim3A_419, %broadcast_in_dim3A_421 : vector<128x512xi1>, vector<128x512xf32>
    %reduce_sum3A_423 = arith.constant dense<0.000000e+00> : vector<128xf32>
    %reduce_sum3A_424 = vector.multi_reduction <add>, %select_n3A_422, %reduce_sum3A_423 [1] : vector<128x512xf32> to vector<128xf32>
    %broadcast_in_dim3A_425 = vector.shape_cast %reduce_sum3A_424 : vector<128xf32> to vector<128x1xf32>
    %le3A_426 = arith.constant 2.700000e+01 : f32
    %le3A_427 = vector.broadcast %le3A_426 : f32 to vector<128x512xf32>
    %le3A_428 = arith.cmpf ole, %add3A_129, %le3A_427 : vector<128x512xf32>
    %broadcast_in_dim3A_429 = arith.constant 1.000000e+00 : f32
    %broadcast_in_dim3A_430 = vector.broadcast %broadcast_in_dim3A_429 : f32 to vector<128x512xf32>
    %broadcast_in_dim3A_431 = arith.constant 0.000000e+00 : f32
    %broadcast_in_dim3A_432 = vector.broadcast %broadcast_in_dim3A_431 : f32 to vector<128x512xf32>
    %select_n3A_433 = arith.select %le3A_428, %broadcast_in_dim3A_430, %broadcast_in_dim3A_432 : vector<128x512xi1>, vector<128x512xf32>
    %reduce_sum3A_434 = arith.constant dense<0.000000e+00> : vector<128xf32>
    %reduce_sum3A_435 = vector.multi_reduction <add>, %select_n3A_433, %reduce_sum3A_434 [1] : vector<128x512xf32> to vector<128xf32>
    %broadcast_in_dim3A_436 = vector.shape_cast %reduce_sum3A_435 : vector<128xf32> to vector<128x1xf32>
    %le3A_437 = arith.constant 2.800000e+01 : f32
    %le3A_438 = vector.broadcast %le3A_437 : f32 to vector<128x512xf32>
    %le3A_439 = arith.cmpf ole, %add3A_129, %le3A_438 : vector<128x512xf32>
    %broadcast_in_dim3A_440 = arith.constant 1.000000e+00 : f32
    %broadcast_in_dim3A_441 = vector.broadcast %broadcast_in_dim3A_440 : f32 to vector<128x512xf32>
    %broadcast_in_dim3A_442 = arith.constant 0.000000e+00 : f32
    %broadcast_in_dim3A_443 = vector.broadcast %broadcast_in_dim3A_442 : f32 to vector<128x512xf32>
    %select_n3A_444 = arith.select %le3A_439, %broadcast_in_dim3A_441, %broadcast_in_dim3A_443 : vector<128x512xi1>, vector<128x512xf32>
    %reduce_sum3A_445 = arith.constant dense<0.000000e+00> : vector<128xf32>
    %reduce_sum3A_446 = vector.multi_reduction <add>, %select_n3A_444, %reduce_sum3A_445 [1] : vector<128x512xf32> to vector<128xf32>
    %broadcast_in_dim3A_447 = vector.shape_cast %reduce_sum3A_446 : vector<128xf32> to vector<128x1xf32>
    %le3A_448 = arith.constant 2.900000e+01 : f32
    %le3A_449 = vector.broadcast %le3A_448 : f32 to vector<128x512xf32>
    %le3A_450 = arith.cmpf ole, %add3A_129, %le3A_449 : vector<128x512xf32>
    %broadcast_in_dim3A_451 = arith.constant 1.000000e+00 : f32
    %broadcast_in_dim3A_452 = vector.broadcast %broadcast_in_dim3A_451 : f32 to vector<128x512xf32>
    %broadcast_in_dim3A_453 = arith.constant 0.000000e+00 : f32
    %broadcast_in_dim3A_454 = vector.broadcast %broadcast_in_dim3A_453 : f32 to vector<128x512xf32>
    %select_n3A_455 = arith.select %le3A_450, %broadcast_in_dim3A_452, %broadcast_in_dim3A_454 : vector<128x512xi1>, vector<128x512xf32>
    %reduce_sum3A_456 = arith.constant dense<0.000000e+00> : vector<128xf32>
    %reduce_sum3A_457 = vector.multi_reduction <add>, %select_n3A_455, %reduce_sum3A_456 [1] : vector<128x512xf32> to vector<128xf32>
    %broadcast_in_dim3A_458 = vector.shape_cast %reduce_sum3A_457 : vector<128xf32> to vector<128x1xf32>
    %le3A_459 = arith.constant 3.000000e+01 : f32
    %le3A_460 = vector.broadcast %le3A_459 : f32 to vector<128x512xf32>
    %le3A_461 = arith.cmpf ole, %add3A_129, %le3A_460 : vector<128x512xf32>
    %broadcast_in_dim3A_462 = arith.constant 1.000000e+00 : f32
    %broadcast_in_dim3A_463 = vector.broadcast %broadcast_in_dim3A_462 : f32 to vector<128x512xf32>
    %broadcast_in_dim3A_464 = arith.constant 0.000000e+00 : f32
    %broadcast_in_dim3A_465 = vector.broadcast %broadcast_in_dim3A_464 : f32 to vector<128x512xf32>
    %select_n3A_466 = arith.select %le3A_461, %broadcast_in_dim3A_463, %broadcast_in_dim3A_465 : vector<128x512xi1>, vector<128x512xf32>
    %reduce_sum3A_467 = arith.constant dense<0.000000e+00> : vector<128xf32>
    %reduce_sum3A_468 = vector.multi_reduction <add>, %select_n3A_466, %reduce_sum3A_467 [1] : vector<128x512xf32> to vector<128xf32>
    %broadcast_in_dim3A_469 = vector.shape_cast %reduce_sum3A_468 : vector<128xf32> to vector<128x1xf32>
    %le3A_470 = arith.constant 3.100000e+01 : f32
    %le3A_471 = vector.broadcast %le3A_470 : f32 to vector<128x512xf32>
    %le3A_472 = arith.cmpf ole, %add3A_129, %le3A_471 : vector<128x512xf32>
    %broadcast_in_dim3A_473 = arith.constant 1.000000e+00 : f32
    %broadcast_in_dim3A_474 = vector.broadcast %broadcast_in_dim3A_473 : f32 to vector<128x512xf32>
    %broadcast_in_dim3A_475 = arith.constant 0.000000e+00 : f32
    %broadcast_in_dim3A_476 = vector.broadcast %broadcast_in_dim3A_475 : f32 to vector<128x512xf32>
    %select_n3A_477 = arith.select %le3A_472, %broadcast_in_dim3A_474, %broadcast_in_dim3A_476 : vector<128x512xi1>, vector<128x512xf32>
    %reduce_sum3A_478 = arith.constant dense<0.000000e+00> : vector<128xf32>
    %reduce_sum3A_479 = vector.multi_reduction <add>, %select_n3A_477, %reduce_sum3A_478 [1] : vector<128x512xf32> to vector<128xf32>
    %broadcast_in_dim3A_480 = vector.shape_cast %reduce_sum3A_479 : vector<128xf32> to vector<128x1xf32>
    %concatenate3A = tpu.concatenate %broadcast_in_dim3A_139, %broadcast_in_dim3A_150, %broadcast_in_dim3A_161, %broadcast_in_dim3A_172, %broadcast_in_dim3A_183, %broadcast_in_dim3A_194, %broadcast_in_dim3A_205, %broadcast_in_dim3A_216, %broadcast_in_dim3A_227, %broadcast_in_dim3A_238, %broadcast_in_dim3A_249, %broadcast_in_dim3A_260, %broadcast_in_dim3A_271, %broadcast_in_dim3A_282, %broadcast_in_dim3A_293, %broadcast_in_dim3A_304, %broadcast_in_dim3A_315, %broadcast_in_dim3A_326, %broadcast_in_dim3A_337, %broadcast_in_dim3A_348, %broadcast_in_dim3A_359, %broadcast_in_dim3A_370, %broadcast_in_dim3A_381, %broadcast_in_dim3A_392, %broadcast_in_dim3A_403, %broadcast_in_dim3A_414, %broadcast_in_dim3A_425, %broadcast_in_dim3A_436, %broadcast_in_dim3A_447, %broadcast_in_dim3A_458, %broadcast_in_dim3A_469, %broadcast_in_dim3A_480 in 1 : vector<128x1xf32>, vector<128x1xf32>, vector<128x1xf32>, vector<128x1xf32>, vector<128x1xf32>, vector<128x1xf32>, vector<128x1xf32>, vector<128x1xf32>, vector<128x1xf32>, vector<128x1xf32>, vector<128x1xf32>, vector<128x1xf32>, vector<128x1xf32>, vector<128x1xf32>, vector<128x1xf32>, vector<128x1xf32>, vector<128x1xf32>, vector<128x1xf32>, vector<128x1xf32>, vector<128x1xf32>, vector<128x1xf32>, vector<128x1xf32>, vector<128x1xf32>, vector<128x1xf32>, vector<128x1xf32>, vector<128x1xf32>, vector<128x1xf32>, vector<128x1xf32>, vector<128x1xf32>, vector<128x1xf32>, vector<128x1xf32>, vector<128x1xf32> -> vector<128x32xf32>
    %slice3A = vector.extract_strided_slice %concatenate3A {offsets = [0, 0], sizes = [128, 1], strides = [1, 1]} : vector<128x32xf32> to vector<128x1xf32>
    %ge3A_481 = arith.constant 5.120000e+02 : f32
    %ge3A_482 = vector.broadcast %ge3A_481 : f32 to vector<128x32xf32>
    %ge3A_483 = arith.cmpf oge, %concatenate3A, %ge3A_482 : vector<128x32xf32>
    %broadcast_in_dim3A_484 = vector.shape_cast %slice3A : vector<128x1xf32> to vector<128x1xf32>
    %broadcast_in_dim3A_485 = vector.broadcast %broadcast_in_dim3A_484 : vector<128x1xf32> to vector<128x32xf32>
    %select_n3A_486 = arith.select %ge3A_483, %broadcast_in_dim3A_485, %concatenate3A : vector<128x32xi1>, vector<128x32xf32>
    %convert_element_type3A = arith.fptosi %select_n3A_486 : vector<128x32xf32> to vector<128x32xi32>
    %swap3A = arith.constant 0 : index
    %swap3A_487 = arith.constant 0 : index
    %swap3A_488 = vector.load %arg3[%swap3A, %swap3A_487] : memref<128x32xi32, #tpu.memory_space<vmem>>, vector<128x32xi32>
    tpu.vector_store %arg3[%swap3A, %swap3A_487], %convert_element_type3A {strides = array<i32>} : memref<128x32xi32, #tpu.memory_space<vmem>>, vector<128x32xi32>,
    return
  }
  func.func @transform_0(%arg0: i32) -> (i32, i32) {
    %c0_i32 = arith.constant 0 : i32
    %c0_i32_0 = arith.constant 0 : i32
    return %arg0, %c0_i32 : i32, i32
  }
  func.func @transform_1(%arg0: i32) -> (i32, i32) {
    %c0_i32 = arith.constant 0 : i32
    %c0_i32_0 = arith.constant 0 : i32
    %c0_i32_1 = arith.constant 0 : i32
    return %c0_i32, %c0_i32_0 : i32, i32
  }
  func.func @transform_2(%arg0: i32) -> (i32, i32) {
    %c0_i32 = arith.constant 0 : i32
    %c0_i32_0 = arith.constant 0 : i32
    return %arg0, %c0_i32 : i32, i32
  }
}

module attributes {stable_mosaic.version = 14 : i64} {
  func.func @_sa1_body(%arg0: i32, %arg1: memref<256x131xf32, #tpu.memory_space<vmem>>, %arg2: memref<8x3xf32, #tpu.memory_space<vmem>>, %arg3: memref<128x256xf32, #tpu.memory_space<vmem>>, %arg4: memref<1x128xf32, #tpu.memory_space<vmem>>, %arg5: memref<256x128xf32, #tpu.memory_space<vmem>>, %arg6: memref<2x128xf32, #tpu.memory_space<vmem>>) attributes {dimension_semantics = [#tpu.dimension_semantics<arbitrary>], iteration_bounds = array<i64: 64>, scalar_prefetch = 0 : i64, scratch_operands = 0 : i64, tpu.core_type = #tpu.core_type<tc>, window_params = [{transform_indices = @transform_0, window_bounds = array<i64: 256, 131>}, {transform_indices = @transform_1, window_bounds = array<i64: 8, 3>}, {pipeline_mode = #tpu.pipeline_mode<synchronous>, transform_indices = @transform_2, window_bounds = array<i64: 128, 256>}, {pipeline_mode = #tpu.pipeline_mode<synchronous>, transform_indices = @transform_3, window_bounds = array<i64: 1, 128>}, {transform_indices = @transform_4, window_bounds = array<i64: 256, 128>}, {pipeline_mode = #tpu.pipeline_mode<synchronous>, transform_indices = @transform_5, window_bounds = array<i64: 2, 128>}]} {
    %iota3A = tpu.iota {dimensions = array<i32: 0>} : vector<256x8xi32>
    %jit3A = arith.constant 32 : i32
    %div3A = vector.broadcast %jit3A : i32 to vector<256x8xi32>
    %div3A_0 = arith.divsi %iota3A, %div3A : vector<256x8xi32>
    %sign3A = arith.constant 0 : i32
    %sign3A_1 = vector.broadcast %sign3A : i32 to vector<256x8xi32>
    %sign3A_2 = arith.cmpi sgt, %iota3A, %sign3A_1 : vector<256x8xi32>
    %sign3A_3 = arith.extui %sign3A_2 : vector<256x8xi1> to vector<256x8xi32>
    %sign3A_4 = arith.constant 0 : i32
    %sign3A_5 = vector.broadcast %sign3A_4 : i32 to vector<256x8xi32>
    %sign3A_6 = arith.cmpi slt, %iota3A, %sign3A_5 : vector<256x8xi32>
    %sign3A_7 = arith.extui %sign3A_6 : vector<256x8xi1> to vector<256x8xi32>
    %sign3A_8 = arith.subi %sign3A_3, %sign3A_7 : vector<256x8xi32>
    %sign3A_9 = arith.constant 0 : i32
    %sign3A_10 = arith.cmpi sgt, %jit3A, %sign3A_9 : i32
    %sign3A_11 = arith.extui %sign3A_10 : i1 to i32
    %sign3A_12 = arith.constant 0 : i32
    %sign3A_13 = arith.cmpi slt, %jit3A, %sign3A_12 : i32
    %sign3A_14 = arith.extui %sign3A_13 : i1 to i32
    %sign3A_15 = arith.subi %sign3A_11, %sign3A_14 : i32
    %ne3A = vector.broadcast %sign3A_15 : i32 to vector<256x8xi32>
    %ne3A_16 = arith.cmpi ne, %sign3A_8, %ne3A : vector<256x8xi32>
    %rem3A = vector.broadcast %jit3A : i32 to vector<256x8xi32>
    %rem3A_17 = arith.remsi %iota3A, %rem3A : vector<256x8xi32>
    %ne3A_18 = arith.constant 0 : i32
    %ne3A_19 = vector.broadcast %ne3A_18 : i32 to vector<256x8xi32>
    %ne3A_20 = arith.cmpi ne, %rem3A_17, %ne3A_19 : vector<256x8xi32>
    %and3A = arith.andi %ne3A_16, %ne3A_20 : vector<256x8xi1>
    %sub3A = arith.constant 1 : i32
    %sub3A_21 = vector.broadcast %sub3A : i32 to vector<256x8xi32>
    %sub3A_22 = arith.subi %div3A_0, %sub3A_21 : vector<256x8xi32>
    %select_n3A = arith.select %and3A, %sub3A_22, %div3A_0 : vector<256x8xi1>, vector<256x8xi32>
    %iota3A_23 = tpu.iota {dimensions = array<i32: 1>} : vector<256x8xi32>
    %eq3A = arith.cmpi eq, %select_n3A, %iota3A_23 : vector<256x8xi32>
    %jit3A_24 = arith.constant 1.000000e+00 : f32
    %jit3A_25 = arith.constant 0.000000e+00 : f32
    %broadcast_in_dim3A = vector.broadcast %jit3A_24 : f32 to vector<256x8xf32>
    %broadcast_in_dim3A_26 = vector.broadcast %jit3A_25 : f32 to vector<256x8xf32>
    %select_n3A_27 = arith.select %eq3A, %broadcast_in_dim3A, %broadcast_in_dim3A_26 : vector<256x8xi1>, vector<256x8xf32>
    %get3A = arith.constant 0 : index
    %get3A_28 = arith.constant 0 : index
    %get3A_29 = vector.load %arg2[%get3A, %get3A_28] : memref<8x3xf32, #tpu.memory_space<vmem>>, vector<8x3xf32>
    %dot_general3A = arith.constant dense<0.000000e+00> : vector<256x3xf32>
    %dot_general3A_30 = tpu.matmul %select_n3A_27, %get3A_29, %dot_general3A {dimension_numbers = #tpu.dot_dimension_numbers<[1], [0], [0], [1], [0, 0, 1, 1], [], []>, precision = #tpu.contract_precision<fp32>, transpose_lhs_hint = false} : vector<256x8xf32>, vector<8x3xf32>, vector<256x3xf32> -> vector<256x3xf32>
    %get3A_31 = arith.constant 0 : index
    %get3A_32 = arith.constant 128 : index
    %get3A_33 = vector.load %arg1[%get3A_31, %get3A_32] : memref<256x131xf32, #tpu.memory_space<vmem>>, vector<256x3xf32>
    %sub3A_34 = arith.subf %get3A_33, %dot_general3A_30 : vector<256x3xf32>
    %broadcast_in_dim3A_35 = arith.constant 0.000000e+00 : f32
    %broadcast_in_dim3A_36 = vector.broadcast %broadcast_in_dim3A_35 : f32 to vector<256x125xf32>
    %get3A_37 = arith.constant 0 : index
    %get3A_38 = arith.constant 0 : index
    %get3A_39 = vector.load %arg1[%get3A_37, %get3A_38] : memref<256x131xf32, #tpu.memory_space<vmem>>, vector<256x128xf32>
    %concatenate3A = tpu.concatenate %sub3A_34, %get3A_39, %broadcast_in_dim3A_36 in 1 : vector<256x3xf32>, vector<256x128xf32>, vector<256x125xf32> -> vector<256x256xf32>
    %get3A_40 = arith.constant 0 : index
    %get3A_41 = arith.constant 0 : index
    %get3A_42 = vector.load %arg3[%get3A_40, %get3A_41] : memref<128x256xf32, #tpu.memory_space<vmem>>, vector<128x256xf32>
    %dot_general3A_43 = arith.constant dense<0.000000e+00> : vector<256x128xf32>
    %dot_general3A_44 = tpu.matmul %concatenate3A, %get3A_42, %dot_general3A_43 {dimension_numbers = #tpu.dot_dimension_numbers<[1], [1], [0], [0], [0, 0, 1, 0], [], []>, transpose_lhs_hint = false} : vector<256x256xf32>, vector<128x256xf32>, vector<256x128xf32> -> vector<256x128xf32>
    %get3A_45 = arith.constant 0 : index
    %get3A_46 = arith.constant 0 : index
    %get3A_47 = vector.load %arg4[%get3A_45, %get3A_46] : memref<1x128xf32, #tpu.memory_space<vmem>>, vector<1x128xf32>
    %add3A = vector.broadcast %get3A_47 : vector<1x128xf32> to vector<256x128xf32>
    %add3A_48 = arith.addf %dot_general3A_44, %add3A : vector<256x128xf32>
    %swap3A = arith.constant 0 : index
    %swap3A_49 = arith.constant 0 : index
    %swap3A_50 = vector.load %arg5[%swap3A, %swap3A_49] : memref<256x128xf32, #tpu.memory_space<vmem>>, vector<256x128xf32>
    tpu.vector_store %arg5[%swap3A, %swap3A_49], %add3A_48 {strides = array<i32>} : memref<256x128xf32, #tpu.memory_space<vmem>>, vector<256x128xf32>,
    %reduce_sum3A = arith.constant dense<0.000000e+00> : vector<128xf32>
    %reduce_sum3A_51 = vector.multi_reduction <add>, %add3A_48, %reduce_sum3A [0] : vector<256x128xf32> to vector<128xf32>
    %broadcast_in_dim3A_52 = vector.shape_cast %reduce_sum3A_51 : vector<128xf32> to vector<1x128xf32>
    %mul3A = arith.mulf %add3A_48, %add3A_48 : vector<256x128xf32>
    %reduce_sum3A_53 = arith.constant dense<0.000000e+00> : vector<128xf32>
    %reduce_sum3A_54 = vector.multi_reduction <add>, %mul3A, %reduce_sum3A_53 [0] : vector<256x128xf32> to vector<128xf32>
    %broadcast_in_dim3A_55 = vector.shape_cast %reduce_sum3A_54 : vector<128xf32> to vector<1x128xf32>
    %concatenate3A_56 = tpu.concatenate %broadcast_in_dim3A_52, %broadcast_in_dim3A_55 in 0 : vector<1x128xf32>, vector<1x128xf32> -> vector<2x128xf32>
    %eq3A_57 = arith.constant 0 : i32
    %eq3A_58 = arith.cmpi eq, %arg0, %eq3A_57 : i32
    %convert_element_type3A = arith.extui %eq3A_58 : i1 to i32
    %cond3A = arith.constant 0 : i32
    %cond3A_59 = arith.cmpi ne, %convert_element_type3A, %cond3A : i32
    scf.if %cond3A_59 {
      %swap3A_65 = arith.constant 0 : index
      %swap3A_66 = arith.constant 0 : index
      %swap3A_67 = vector.load %arg6[%swap3A_65, %swap3A_66] : memref<2x128xf32, #tpu.memory_space<vmem>>, vector<2x128xf32>
      tpu.vector_store %arg6[%swap3A_65, %swap3A_66], %concatenate3A_56 {strides = array<i32>} : memref<2x128xf32, #tpu.memory_space<vmem>>, vector<2x128xf32>,
    } else {
    }
    %ne3A_60 = arith.constant 0 : i32
    %ne3A_61 = arith.cmpi ne, %arg0, %ne3A_60 : i32
    %convert_element_type3A_62 = arith.extui %ne3A_61 : i1 to i32
    %cond3A_63 = arith.constant 0 : i32
    %cond3A_64 = arith.cmpi ne, %convert_element_type3A_62, %cond3A_63 : i32
    scf.if %cond3A_64 {
      %get3A_65 = arith.constant 0 : index
      %get3A_66 = arith.constant 0 : index
      %get3A_67 = vector.load %arg6[%get3A_65, %get3A_66] : memref<2x128xf32, #tpu.memory_space<vmem>>, vector<2x128xf32>
      %add3A_68 = arith.addf %get3A_67, %concatenate3A_56 : vector<2x128xf32>
      %swap3A_69 = arith.constant 0 : index
      %swap3A_70 = arith.constant 0 : index
      %swap3A_71 = vector.load %arg6[%swap3A_69, %swap3A_70] : memref<2x128xf32, #tpu.memory_space<vmem>>, vector<2x128xf32>
      tpu.vector_store %arg6[%swap3A_69, %swap3A_70], %add3A_68 {strides = array<i32>} : memref<2x128xf32, #tpu.memory_space<vmem>>, vector<2x128xf32>,
    } else {
    }
    return
  }
  func.func @transform_0(%arg0: i32) -> (i32, i32) {
    %c0_i32 = arith.constant 0 : i32
    %c0_i32_0 = arith.constant 0 : i32
    return %arg0, %c0_i32 : i32, i32
  }
  func.func @transform_1(%arg0: i32) -> (i32, i32) {
    %c0_i32 = arith.constant 0 : i32
    %c0_i32_0 = arith.constant 0 : i32
    return %arg0, %c0_i32 : i32, i32
  }
  func.func @transform_2(%arg0: i32) -> (i32, i32) {
    %c0_i32 = arith.constant 0 : i32
    %c0_i32_0 = arith.constant 0 : i32
    %c0_i32_1 = arith.constant 0 : i32
    return %c0_i32, %c0_i32_0 : i32, i32
  }
  func.func @transform_3(%arg0: i32) -> (i32, i32) {
    %c0_i32 = arith.constant 0 : i32
    %c0_i32_0 = arith.constant 0 : i32
    %c0_i32_1 = arith.constant 0 : i32
    return %c0_i32, %c0_i32_0 : i32, i32
  }
  func.func @transform_4(%arg0: i32) -> (i32, i32) {
    %c0_i32 = arith.constant 0 : i32
    %c0_i32_0 = arith.constant 0 : i32
    return %arg0, %c0_i32 : i32, i32
  }
  func.func @transform_5(%arg0: i32) -> (i32, i32) {
    %c0_i32 = arith.constant 0 : i32
    %c0_i32_0 = arith.constant 0 : i32
    %c0_i32_1 = arith.constant 0 : i32
    return %c0_i32, %c0_i32_0 : i32, i32
  }
}

module attributes {stable_mosaic.version = 14 : i64} {
  func.func @_ssq_body(%arg0: i32, %arg1: memref<256x128xf32, #tpu.memory_space<vmem>>, %arg2: memref<2x128xf32, #tpu.memory_space<vmem>>, %arg3: memref<1x128xf32, #tpu.memory_space<vmem>>) attributes {dimension_semantics = [#tpu.dimension_semantics<arbitrary>], iteration_bounds = array<i64: 64>, scalar_prefetch = 0 : i64, scratch_operands = 0 : i64, tpu.core_type = #tpu.core_type<tc>, window_params = [{transform_indices = @transform_0, window_bounds = array<i64: 256, 128>}, {pipeline_mode = #tpu.pipeline_mode<synchronous>, transform_indices = @transform_1, window_bounds = array<i64: 2, 128>}, {pipeline_mode = #tpu.pipeline_mode<synchronous>, transform_indices = @transform_2, window_bounds = array<i64: 1, 128>}]} {
    %get3A = arith.constant 0 : index
    %get3A_0 = arith.constant 0 : index
    %get3A_1 = vector.load %arg2[%get3A, %get3A_0] : memref<2x128xf32, #tpu.memory_space<vmem>>, vector<1x128xf32>
    %div3A = arith.constant 1.638400e+04 : f32
    %div3A_2 = vector.broadcast %div3A : f32 to vector<1x128xf32>
    %div3A_3 = arith.divf %get3A_1, %div3A_2 : vector<1x128xf32>
    %get3A_4 = arith.constant 0 : index
    %get3A_5 = arith.constant 0 : index
    %get3A_6 = vector.load %arg1[%get3A_4, %get3A_5] : memref<256x128xf32, #tpu.memory_space<vmem>>, vector<256x128xf32>
    %sub3A = vector.broadcast %div3A_3 : vector<1x128xf32> to vector<256x128xf32>
    %sub3A_7 = arith.subf %get3A_6, %sub3A : vector<256x128xf32>
    %mul3A = arith.mulf %sub3A_7, %sub3A_7 : vector<256x128xf32>
    %reduce_sum3A = arith.constant dense<0.000000e+00> : vector<128xf32>
    %reduce_sum3A_8 = vector.multi_reduction <add>, %mul3A, %reduce_sum3A [0] : vector<256x128xf32> to vector<128xf32>
    %broadcast_in_dim3A = vector.shape_cast %reduce_sum3A_8 : vector<128xf32> to vector<1x128xf32>
    %eq3A = arith.constant 0 : i32
    %eq3A_9 = arith.cmpi eq, %arg0, %eq3A : i32
    %convert_element_type3A = arith.extui %eq3A_9 : i1 to i32
    %cond3A = arith.constant 0 : i32
    %cond3A_10 = arith.cmpi ne, %convert_element_type3A, %cond3A : i32
    scf.if %cond3A_10 {
      %swap3A = arith.constant 0 : index
      %swap3A_15 = arith.constant 0 : index
      %swap3A_16 = vector.load %arg3[%swap3A, %swap3A_15] : memref<1x128xf32, #tpu.memory_space<vmem>>, vector<1x128xf32>
      tpu.vector_store %arg3[%swap3A, %swap3A_15], %broadcast_in_dim3A {strides = array<i32>} : memref<1x128xf32, #tpu.memory_space<vmem>>, vector<1x128xf32>,
    } else {
    }
    %ne3A = arith.constant 0 : i32
    %ne3A_11 = arith.cmpi ne, %arg0, %ne3A : i32
    %convert_element_type3A_12 = arith.extui %ne3A_11 : i1 to i32
    %cond3A_13 = arith.constant 0 : i32
    %cond3A_14 = arith.cmpi ne, %convert_element_type3A_12, %cond3A_13 : i32
    scf.if %cond3A_14 {
      %get3A_15 = arith.constant 0 : index
      %get3A_16 = arith.constant 0 : index
      %get3A_17 = vector.load %arg3[%get3A_15, %get3A_16] : memref<1x128xf32, #tpu.memory_space<vmem>>, vector<1x128xf32>
      %add3A = arith.addf %get3A_17, %broadcast_in_dim3A : vector<1x128xf32>
      %swap3A = arith.constant 0 : index
      %swap3A_18 = arith.constant 0 : index
      %swap3A_19 = vector.load %arg3[%swap3A, %swap3A_18] : memref<1x128xf32, #tpu.memory_space<vmem>>, vector<1x128xf32>
      tpu.vector_store %arg3[%swap3A, %swap3A_18], %add3A {strides = array<i32>} : memref<1x128xf32, #tpu.memory_space<vmem>>, vector<1x128xf32>,
    } else {
    }
    return
  }
  func.func @transform_0(%arg0: i32) -> (i32, i32) {
    %c0_i32 = arith.constant 0 : i32
    %c0_i32_0 = arith.constant 0 : i32
    return %arg0, %c0_i32 : i32, i32
  }
  func.func @transform_1(%arg0: i32) -> (i32, i32) {
    %c0_i32 = arith.constant 0 : i32
    %c0_i32_0 = arith.constant 0 : i32
    %c0_i32_1 = arith.constant 0 : i32
    return %c0_i32, %c0_i32_0 : i32, i32
  }
  func.func @transform_2(%arg0: i32) -> (i32, i32) {
    %c0_i32 = arith.constant 0 : i32
    %c0_i32_0 = arith.constant 0 : i32
    %c0_i32_1 = arith.constant 0 : i32
    return %c0_i32, %c0_i32_0 : i32, i32
  }
}

module attributes {stable_mosaic.version = 14 : i64} {
  func.func @_sa_mid_body(%arg0: i32, %arg1: memref<256x128xf32, #tpu.memory_space<vmem>>, %arg2: memref<2x128xf32, #tpu.memory_space<vmem>>, %arg3: memref<1x128xf32, #tpu.memory_space<vmem>>, %arg4: memref<1x128xf32, #tpu.memory_space<vmem>>, %arg5: memref<1x128xf32, #tpu.memory_space<vmem>>, %arg6: memref<128x128xf32, #tpu.memory_space<vmem>>, %arg7: memref<1x128xf32, #tpu.memory_space<vmem>>, %arg8: memref<256x128xf32, #tpu.memory_space<vmem>>, %arg9: memref<2x128xf32, #tpu.memory_space<vmem>>) attributes {dimension_semantics = [#tpu.dimension_semantics<arbitrary>], iteration_bounds = array<i64: 64>, scalar_prefetch = 0 : i64, scratch_operands = 0 : i64, tpu.core_type = #tpu.core_type<tc>, window_params = [{transform_indices = @transform_0, window_bounds = array<i64: 256, 128>}, {pipeline_mode = #tpu.pipeline_mode<synchronous>, transform_indices = @transform_1, window_bounds = array<i64: 2, 128>}, {pipeline_mode = #tpu.pipeline_mode<synchronous>, transform_indices = @transform_2, window_bounds = array<i64: 1, 128>}, {pipeline_mode = #tpu.pipeline_mode<synchronous>, transform_indices = @transform_3, window_bounds = array<i64: 1, 128>}, {pipeline_mode = #tpu.pipeline_mode<synchronous>, transform_indices = @transform_4, window_bounds = array<i64: 1, 128>}, {pipeline_mode = #tpu.pipeline_mode<synchronous>, transform_indices = @transform_5, window_bounds = array<i64: 128, 128>}, {pipeline_mode = #tpu.pipeline_mode<synchronous>, transform_indices = @transform_6, window_bounds = array<i64: 1, 128>}, {transform_indices = @transform_7, window_bounds = array<i64: 256, 128>}, {pipeline_mode = #tpu.pipeline_mode<synchronous>, transform_indices = @transform_8, window_bounds = array<i64: 2, 128>}]} {
    %get3A = arith.constant 0 : index
    %get3A_0 = arith.constant 0 : index
    %get3A_1 = vector.load %arg1[%get3A, %get3A_0] : memref<256x128xf32, #tpu.memory_space<vmem>>, vector<256x128xf32>
    %get3A_2 = arith.constant 0 : index
    %get3A_3 = arith.constant 0 : index
    %get3A_4 = vector.load %arg2[%get3A_2, %get3A_3] : memref<2x128xf32, #tpu.memory_space<vmem>>, vector<1x128xf32>
    %div3A = arith.constant 1.638400e+04 : f32
    %div3A_5 = vector.broadcast %div3A : f32 to vector<1x128xf32>
    %div3A_6 = arith.divf %get3A_4, %div3A_5 : vector<1x128xf32>
    %get3A_7 = arith.constant 0 : index
    %get3A_8 = arith.constant 0 : index
    %get3A_9 = vector.load %arg3[%get3A_7, %get3A_8] : memref<1x128xf32, #tpu.memory_space<vmem>>, vector<1x128xf32>
    %div3A_10 = arith.constant 1.638400e+04 : f32
    %div3A_11 = vector.broadcast %div3A_10 : f32 to vector<1x128xf32>
    %div3A_12 = arith.divf %get3A_9, %div3A_11 : vector<1x128xf32>
    %sub3A = vector.broadcast %div3A_6 : vector<1x128xf32> to vector<256x128xf32>
    %sub3A_13 = arith.subf %get3A_1, %sub3A : vector<256x128xf32>
    %add3A = arith.constant 9.99999974E-6 : f32
    %add3A_14 = vector.broadcast %add3A : f32 to vector<1x128xf32>
    %add3A_15 = arith.addf %div3A_12, %add3A_14 : vector<1x128xf32>
    %sqrt3A = math.sqrt %add3A_15 : vector<1x128xf32>
    %div3A_16 = vector.broadcast %sqrt3A : vector<1x128xf32> to vector<256x128xf32>
    %div3A_17 = arith.divf %sub3A_13, %div3A_16 : vector<256x128xf32>
    %get3A_18 = arith.constant 0 : index
    %get3A_19 = arith.constant 0 : index
    %get3A_20 = vector.load %arg4[%get3A_18, %get3A_19] : memref<1x128xf32, #tpu.memory_space<vmem>>, vector<1x128xf32>
    %mul3A = vector.broadcast %get3A_20 : vector<1x128xf32> to vector<256x128xf32>
    %mul3A_21 = arith.mulf %div3A_17, %mul3A : vector<256x128xf32>
    %get3A_22 = arith.constant 0 : index
    %get3A_23 = arith.constant 0 : index
    %get3A_24 = vector.load %arg5[%get3A_22, %get3A_23] : memref<1x128xf32, #tpu.memory_space<vmem>>, vector<1x128xf32>
    %add3A_25 = vector.broadcast %get3A_24 : vector<1x128xf32> to vector<256x128xf32>
    %add3A_26 = arith.addf %mul3A_21, %add3A_25 : vector<256x128xf32>
    %max3A = arith.constant 0.000000e+00 : f32
    %max3A_27 = vector.broadcast %max3A : f32 to vector<256x128xf32>
    %max3A_28 = arith.maximumf %add3A_26, %max3A_27 : vector<256x128xf32>
    %get3A_29 = arith.constant 0 : index
    %get3A_30 = arith.constant 0 : index
    %get3A_31 = vector.load %arg6[%get3A_29, %get3A_30] : memref<128x128xf32, #tpu.memory_space<vmem>>, vector<128x128xf32>
    %dot_general3A = arith.constant dense<0.000000e+00> : vector<256x128xf32>
    %dot_general3A_32 = tpu.matmul %max3A_28, %get3A_31, %dot_general3A {dimension_numbers = #tpu.dot_dimension_numbers<[1], [1], [0], [0], [0, 0, 1, 0], [], []>, transpose_lhs_hint = false} : vector<256x128xf32>, vector<128x128xf32>, vector<256x128xf32> -> vector<256x128xf32>
    %get3A_33 = arith.constant 0 : index
    %get3A_34 = arith.constant 0 : index
    %get3A_35 = vector.load %arg7[%get3A_33, %get3A_34] : memref<1x128xf32, #tpu.memory_space<vmem>>, vector<1x128xf32>
    %add3A_36 = vector.broadcast %get3A_35 : vector<1x128xf32> to vector<256x128xf32>
    %add3A_37 = arith.addf %dot_general3A_32, %add3A_36 : vector<256x128xf32>
    %swap3A = arith.constant 0 : index
    %swap3A_38 = arith.constant 0 : index
    %swap3A_39 = vector.load %arg8[%swap3A, %swap3A_38] : memref<256x128xf32, #tpu.memory_space<vmem>>, vector<256x128xf32>
    tpu.vector_store %arg8[%swap3A, %swap3A_38], %add3A_37 {strides = array<i32>} : memref<256x128xf32, #tpu.memory_space<vmem>>, vector<256x128xf32>,
    %reduce_sum3A = arith.constant dense<0.000000e+00> : vector<128xf32>
    %reduce_sum3A_40 = vector.multi_reduction <add>, %add3A_37, %reduce_sum3A [0] : vector<256x128xf32> to vector<128xf32>
    %broadcast_in_dim3A = vector.shape_cast %reduce_sum3A_40 : vector<128xf32> to vector<1x128xf32>
    %mul3A_41 = arith.mulf %add3A_37, %add3A_37 : vector<256x128xf32>
    %reduce_sum3A_42 = arith.constant dense<0.000000e+00> : vector<128xf32>
    %reduce_sum3A_43 = vector.multi_reduction <add>, %mul3A_41, %reduce_sum3A_42 [0] : vector<256x128xf32> to vector<128xf32>
    %broadcast_in_dim3A_44 = vector.shape_cast %reduce_sum3A_43 : vector<128xf32> to vector<1x128xf32>
    %concatenate3A = tpu.concatenate %broadcast_in_dim3A, %broadcast_in_dim3A_44 in 0 : vector<1x128xf32>, vector<1x128xf32> -> vector<2x128xf32>
    %eq3A = arith.constant 0 : i32
    %eq3A_45 = arith.cmpi eq, %arg0, %eq3A : i32
    %convert_element_type3A = arith.extui %eq3A_45 : i1 to i32
    %cond3A = arith.constant 0 : i32
    %cond3A_46 = arith.cmpi ne, %convert_element_type3A, %cond3A : i32
    scf.if %cond3A_46 {
      %swap3A_51 = arith.constant 0 : index
      %swap3A_52 = arith.constant 0 : index
      %swap3A_53 = vector.load %arg9[%swap3A_51, %swap3A_52] : memref<2x128xf32, #tpu.memory_space<vmem>>, vector<2x128xf32>
      tpu.vector_store %arg9[%swap3A_51, %swap3A_52], %concatenate3A {strides = array<i32>} : memref<2x128xf32, #tpu.memory_space<vmem>>, vector<2x128xf32>,
    } else {
    }
    %ne3A = arith.constant 0 : i32
    %ne3A_47 = arith.cmpi ne, %arg0, %ne3A : i32
    %convert_element_type3A_48 = arith.extui %ne3A_47 : i1 to i32
    %cond3A_49 = arith.constant 0 : i32
    %cond3A_50 = arith.cmpi ne, %convert_element_type3A_48, %cond3A_49 : i32
    scf.if %cond3A_50 {
      %get3A_51 = arith.constant 0 : index
      %get3A_52 = arith.constant 0 : index
      %get3A_53 = vector.load %arg9[%get3A_51, %get3A_52] : memref<2x128xf32, #tpu.memory_space<vmem>>, vector<2x128xf32>
      %add3A_54 = arith.addf %get3A_53, %concatenate3A : vector<2x128xf32>
      %swap3A_55 = arith.constant 0 : index
      %swap3A_56 = arith.constant 0 : index
      %swap3A_57 = vector.load %arg9[%swap3A_55, %swap3A_56] : memref<2x128xf32, #tpu.memory_space<vmem>>, vector<2x128xf32>
      tpu.vector_store %arg9[%swap3A_55, %swap3A_56], %add3A_54 {strides = array<i32>} : memref<2x128xf32, #tpu.memory_space<vmem>>, vector<2x128xf32>,
    } else {
    }
    return
  }
  func.func @transform_0(%arg0: i32) -> (i32, i32) {
    %c0_i32 = arith.constant 0 : i32
    %c0_i32_0 = arith.constant 0 : i32
    return %arg0, %c0_i32 : i32, i32
  }
  func.func @transform_1(%arg0: i32) -> (i32, i32) {
    %c0_i32 = arith.constant 0 : i32
    %c0_i32_0 = arith.constant 0 : i32
    %c0_i32_1 = arith.constant 0 : i32
    return %c0_i32, %c0_i32_0 : i32, i32
  }
  func.func @transform_2(%arg0: i32) -> (i32, i32) {
    %c0_i32 = arith.constant 0 : i32
    %c0_i32_0 = arith.constant 0 : i32
    %c0_i32_1 = arith.constant 0 : i32
    return %c0_i32, %c0_i32_0 : i32, i32
  }
  func.func @transform_3(%arg0: i32) -> (i32, i32) {
    %c0_i32 = arith.constant 0 : i32
    %c0_i32_0 = arith.constant 0 : i32
    %c0_i32_1 = arith.constant 0 : i32
    return %c0_i32, %c0_i32_0 : i32, i32
  }
  func.func @transform_4(%arg0: i32) -> (i32, i32) {
    %c0_i32 = arith.constant 0 : i32
    %c0_i32_0 = arith.constant 0 : i32
    %c0_i32_1 = arith.constant 0 : i32
    return %c0_i32, %c0_i32_0 : i32, i32
  }
  func.func @transform_5(%arg0: i32) -> (i32, i32) {
    %c0_i32 = arith.constant 0 : i32
    %c0_i32_0 = arith.constant 0 : i32
    %c0_i32_1 = arith.constant 0 : i32
    return %c0_i32, %c0_i32_0 : i32, i32
  }
  func.func @transform_6(%arg0: i32) -> (i32, i32) {
    %c0_i32 = arith.constant 0 : i32
    %c0_i32_0 = arith.constant 0 : i32
    %c0_i32_1 = arith.constant 0 : i32
    return %c0_i32, %c0_i32_0 : i32, i32
  }
  func.func @transform_7(%arg0: i32) -> (i32, i32) {
    %c0_i32 = arith.constant 0 : i32
    %c0_i32_0 = arith.constant 0 : i32
    return %arg0, %c0_i32 : i32, i32
  }
  func.func @transform_8(%arg0: i32) -> (i32, i32) {
    %c0_i32 = arith.constant 0 : i32
    %c0_i32_0 = arith.constant 0 : i32
    %c0_i32_1 = arith.constant 0 : i32
    return %c0_i32, %c0_i32_0 : i32, i32
  }
}

module attributes {stable_mosaic.version = 14 : i64} {
  func.func @_sa_mid_body(%arg0: i32, %arg1: memref<256x128xf32, #tpu.memory_space<vmem>>, %arg2: memref<2x128xf32, #tpu.memory_space<vmem>>, %arg3: memref<1x128xf32, #tpu.memory_space<vmem>>, %arg4: memref<1x128xf32, #tpu.memory_space<vmem>>, %arg5: memref<1x128xf32, #tpu.memory_space<vmem>>, %arg6: memref<256x128xf32, #tpu.memory_space<vmem>>, %arg7: memref<1x256xf32, #tpu.memory_space<vmem>>, %arg8: memref<256x256xf32, #tpu.memory_space<vmem>>, %arg9: memref<2x256xf32, #tpu.memory_space<vmem>>) attributes {dimension_semantics = [#tpu.dimension_semantics<arbitrary>], iteration_bounds = array<i64: 64>, scalar_prefetch = 0 : i64, scratch_operands = 0 : i64, tpu.core_type = #tpu.core_type<tc>, window_params = [{transform_indices = @transform_0, window_bounds = array<i64: 256, 128>}, {pipeline_mode = #tpu.pipeline_mode<synchronous>, transform_indices = @transform_1, window_bounds = array<i64: 2, 128>}, {pipeline_mode = #tpu.pipeline_mode<synchronous>, transform_indices = @transform_2, window_bounds = array<i64: 1, 128>}, {pipeline_mode = #tpu.pipeline_mode<synchronous>, transform_indices = @transform_3, window_bounds = array<i64: 1, 128>}, {pipeline_mode = #tpu.pipeline_mode<synchronous>, transform_indices = @transform_4, window_bounds = array<i64: 1, 128>}, {pipeline_mode = #tpu.pipeline_mode<synchronous>, transform_indices = @transform_5, window_bounds = array<i64: 256, 128>}, {pipeline_mode = #tpu.pipeline_mode<synchronous>, transform_indices = @transform_6, window_bounds = array<i64: 1, 256>}, {transform_indices = @transform_7, window_bounds = array<i64: 256, 256>}, {pipeline_mode = #tpu.pipeline_mode<synchronous>, transform_indices = @transform_8, window_bounds = array<i64: 2, 256>}]} {
    %get3A = arith.constant 0 : index
    %get3A_0 = arith.constant 0 : index
    %get3A_1 = vector.load %arg1[%get3A, %get3A_0] : memref<256x128xf32, #tpu.memory_space<vmem>>, vector<256x128xf32>
    %get3A_2 = arith.constant 0 : index
    %get3A_3 = arith.constant 0 : index
    %get3A_4 = vector.load %arg2[%get3A_2, %get3A_3] : memref<2x128xf32, #tpu.memory_space<vmem>>, vector<1x128xf32>
    %div3A = arith.constant 1.638400e+04 : f32
    %div3A_5 = vector.broadcast %div3A : f32 to vector<1x128xf32>
    %div3A_6 = arith.divf %get3A_4, %div3A_5 : vector<1x128xf32>
    %get3A_7 = arith.constant 0 : index
    %get3A_8 = arith.constant 0 : index
    %get3A_9 = vector.load %arg3[%get3A_7, %get3A_8] : memref<1x128xf32, #tpu.memory_space<vmem>>, vector<1x128xf32>
    %div3A_10 = arith.constant 1.638400e+04 : f32
    %div3A_11 = vector.broadcast %div3A_10 : f32 to vector<1x128xf32>
    %div3A_12 = arith.divf %get3A_9, %div3A_11 : vector<1x128xf32>
    %sub3A = vector.broadcast %div3A_6 : vector<1x128xf32> to vector<256x128xf32>
    %sub3A_13 = arith.subf %get3A_1, %sub3A : vector<256x128xf32>
    %add3A = arith.constant 9.99999974E-6 : f32
    %add3A_14 = vector.broadcast %add3A : f32 to vector<1x128xf32>
    %add3A_15 = arith.addf %div3A_12, %add3A_14 : vector<1x128xf32>
    %sqrt3A = math.sqrt %add3A_15 : vector<1x128xf32>
    %div3A_16 = vector.broadcast %sqrt3A : vector<1x128xf32> to vector<256x128xf32>
    %div3A_17 = arith.divf %sub3A_13, %div3A_16 : vector<256x128xf32>
    %get3A_18 = arith.constant 0 : index
    %get3A_19 = arith.constant 0 : index
    %get3A_20 = vector.load %arg4[%get3A_18, %get3A_19] : memref<1x128xf32, #tpu.memory_space<vmem>>, vector<1x128xf32>
    %mul3A = vector.broadcast %get3A_20 : vector<1x128xf32> to vector<256x128xf32>
    %mul3A_21 = arith.mulf %div3A_17, %mul3A : vector<256x128xf32>
    %get3A_22 = arith.constant 0 : index
    %get3A_23 = arith.constant 0 : index
    %get3A_24 = vector.load %arg5[%get3A_22, %get3A_23] : memref<1x128xf32, #tpu.memory_space<vmem>>, vector<1x128xf32>
    %add3A_25 = vector.broadcast %get3A_24 : vector<1x128xf32> to vector<256x128xf32>
    %add3A_26 = arith.addf %mul3A_21, %add3A_25 : vector<256x128xf32>
    %max3A = arith.constant 0.000000e+00 : f32
    %max3A_27 = vector.broadcast %max3A : f32 to vector<256x128xf32>
    %max3A_28 = arith.maximumf %add3A_26, %max3A_27 : vector<256x128xf32>
    %get3A_29 = arith.constant 0 : index
    %get3A_30 = arith.constant 0 : index
    %get3A_31 = vector.load %arg6[%get3A_29, %get3A_30] : memref<256x128xf32, #tpu.memory_space<vmem>>, vector<256x128xf32>
    %dot_general3A = arith.constant dense<0.000000e+00> : vector<256x256xf32>
    %dot_general3A_32 = tpu.matmul %max3A_28, %get3A_31, %dot_general3A {dimension_numbers = #tpu.dot_dimension_numbers<[1], [1], [0], [0], [0, 0, 1, 0], [], []>, transpose_lhs_hint = false} : vector<256x128xf32>, vector<256x128xf32>, vector<256x256xf32> -> vector<256x256xf32>
    %get3A_33 = arith.constant 0 : index
    %get3A_34 = arith.constant 0 : index
    %get3A_35 = vector.load %arg7[%get3A_33, %get3A_34] : memref<1x256xf32, #tpu.memory_space<vmem>>, vector<1x256xf32>
    %add3A_36 = vector.broadcast %get3A_35 : vector<1x256xf32> to vector<256x256xf32>
    %add3A_37 = arith.addf %dot_general3A_32, %add3A_36 : vector<256x256xf32>
    %swap3A = arith.constant 0 : index
    %swap3A_38 = arith.constant 0 : index
    %swap3A_39 = vector.load %arg8[%swap3A, %swap3A_38] : memref<256x256xf32, #tpu.memory_space<vmem>>, vector<256x256xf32>
    tpu.vector_store %arg8[%swap3A, %swap3A_38], %add3A_37 {strides = array<i32>} : memref<256x256xf32, #tpu.memory_space<vmem>>, vector<256x256xf32>,
    %reduce_sum3A = arith.constant dense<0.000000e+00> : vector<256xf32>
    %reduce_sum3A_40 = vector.multi_reduction <add>, %add3A_37, %reduce_sum3A [0] : vector<256x256xf32> to vector<256xf32>
    %broadcast_in_dim3A = vector.shape_cast %reduce_sum3A_40 : vector<256xf32> to vector<1x256xf32>
    %mul3A_41 = arith.mulf %add3A_37, %add3A_37 : vector<256x256xf32>
    %reduce_sum3A_42 = arith.constant dense<0.000000e+00> : vector<256xf32>
    %reduce_sum3A_43 = vector.multi_reduction <add>, %mul3A_41, %reduce_sum3A_42 [0] : vector<256x256xf32> to vector<256xf32>
    %broadcast_in_dim3A_44 = vector.shape_cast %reduce_sum3A_43 : vector<256xf32> to vector<1x256xf32>
    %concatenate3A = tpu.concatenate %broadcast_in_dim3A, %broadcast_in_dim3A_44 in 0 : vector<1x256xf32>, vector<1x256xf32> -> vector<2x256xf32>
    %eq3A = arith.constant 0 : i32
    %eq3A_45 = arith.cmpi eq, %arg0, %eq3A : i32
    %convert_element_type3A = arith.extui %eq3A_45 : i1 to i32
    %cond3A = arith.constant 0 : i32
    %cond3A_46 = arith.cmpi ne, %convert_element_type3A, %cond3A : i32
    scf.if %cond3A_46 {
      %swap3A_51 = arith.constant 0 : index
      %swap3A_52 = arith.constant 0 : index
      %swap3A_53 = vector.load %arg9[%swap3A_51, %swap3A_52] : memref<2x256xf32, #tpu.memory_space<vmem>>, vector<2x256xf32>
      tpu.vector_store %arg9[%swap3A_51, %swap3A_52], %concatenate3A {strides = array<i32>} : memref<2x256xf32, #tpu.memory_space<vmem>>, vector<2x256xf32>,
    } else {
    }
    %ne3A = arith.constant 0 : i32
    %ne3A_47 = arith.cmpi ne, %arg0, %ne3A : i32
    %convert_element_type3A_48 = arith.extui %ne3A_47 : i1 to i32
    %cond3A_49 = arith.constant 0 : i32
    %cond3A_50 = arith.cmpi ne, %convert_element_type3A_48, %cond3A_49 : i32
    scf.if %cond3A_50 {
      %get3A_51 = arith.constant 0 : index
      %get3A_52 = arith.constant 0 : index
      %get3A_53 = vector.load %arg9[%get3A_51, %get3A_52] : memref<2x256xf32, #tpu.memory_space<vmem>>, vector<2x256xf32>
      %add3A_54 = arith.addf %get3A_53, %concatenate3A : vector<2x256xf32>
      %swap3A_55 = arith.constant 0 : index
      %swap3A_56 = arith.constant 0 : index
      %swap3A_57 = vector.load %arg9[%swap3A_55, %swap3A_56] : memref<2x256xf32, #tpu.memory_space<vmem>>, vector<2x256xf32>
      tpu.vector_store %arg9[%swap3A_55, %swap3A_56], %add3A_54 {strides = array<i32>} : memref<2x256xf32, #tpu.memory_space<vmem>>, vector<2x256xf32>,
    } else {
    }
    return
  }
  func.func @transform_0(%arg0: i32) -> (i32, i32) {
    %c0_i32 = arith.constant 0 : i32
    %c0_i32_0 = arith.constant 0 : i32
    return %arg0, %c0_i32 : i32, i32
  }
  func.func @transform_1(%arg0: i32) -> (i32, i32) {
    %c0_i32 = arith.constant 0 : i32
    %c0_i32_0 = arith.constant 0 : i32
    %c0_i32_1 = arith.constant 0 : i32
    return %c0_i32, %c0_i32_0 : i32, i32
  }
  func.func @transform_2(%arg0: i32) -> (i32, i32) {
    %c0_i32 = arith.constant 0 : i32
    %c0_i32_0 = arith.constant 0 : i32
    %c0_i32_1 = arith.constant 0 : i32
    return %c0_i32, %c0_i32_0 : i32, i32
  }
  func.func @transform_3(%arg0: i32) -> (i32, i32) {
    %c0_i32 = arith.constant 0 : i32
    %c0_i32_0 = arith.constant 0 : i32
    %c0_i32_1 = arith.constant 0 : i32
    return %c0_i32, %c0_i32_0 : i32, i32
  }
  func.func @transform_4(%arg0: i32) -> (i32, i32) {
    %c0_i32 = arith.constant 0 : i32
    %c0_i32_0 = arith.constant 0 : i32
    %c0_i32_1 = arith.constant 0 : i32
    return %c0_i32, %c0_i32_0 : i32, i32
  }
  func.func @transform_5(%arg0: i32) -> (i32, i32) {
    %c0_i32 = arith.constant 0 : i32
    %c0_i32_0 = arith.constant 0 : i32
    %c0_i32_1 = arith.constant 0 : i32
    return %c0_i32, %c0_i32_0 : i32, i32
  }
  func.func @transform_6(%arg0: i32) -> (i32, i32) {
    %c0_i32 = arith.constant 0 : i32
    %c0_i32_0 = arith.constant 0 : i32
    %c0_i32_1 = arith.constant 0 : i32
    return %c0_i32, %c0_i32_0 : i32, i32
  }
  func.func @transform_7(%arg0: i32) -> (i32, i32) {
    %c0_i32 = arith.constant 0 : i32
    %c0_i32_0 = arith.constant 0 : i32
    return %arg0, %c0_i32 : i32, i32
  }
  func.func @transform_8(%arg0: i32) -> (i32, i32) {
    %c0_i32 = arith.constant 0 : i32
    %c0_i32_0 = arith.constant 0 : i32
    %c0_i32_1 = arith.constant 0 : i32
    return %c0_i32, %c0_i32_0 : i32, i32
  }
}

module attributes {stable_mosaic.version = 14 : i64} {
  func.func @_ssq_body(%arg0: i32, %arg1: memref<256x256xf32, #tpu.memory_space<vmem>>, %arg2: memref<2x256xf32, #tpu.memory_space<vmem>>, %arg3: memref<1x256xf32, #tpu.memory_space<vmem>>) attributes {dimension_semantics = [#tpu.dimension_semantics<arbitrary>], iteration_bounds = array<i64: 64>, scalar_prefetch = 0 : i64, scratch_operands = 0 : i64, tpu.core_type = #tpu.core_type<tc>, window_params = [{transform_indices = @transform_0, window_bounds = array<i64: 256, 256>}, {pipeline_mode = #tpu.pipeline_mode<synchronous>, transform_indices = @transform_1, window_bounds = array<i64: 2, 256>}, {pipeline_mode = #tpu.pipeline_mode<synchronous>, transform_indices = @transform_2, window_bounds = array<i64: 1, 256>}]} {
    %get3A = arith.constant 0 : index
    %get3A_0 = arith.constant 0 : index
    %get3A_1 = vector.load %arg2[%get3A, %get3A_0] : memref<2x256xf32, #tpu.memory_space<vmem>>, vector<1x256xf32>
    %div3A = arith.constant 1.638400e+04 : f32
    %div3A_2 = vector.broadcast %div3A : f32 to vector<1x256xf32>
    %div3A_3 = arith.divf %get3A_1, %div3A_2 : vector<1x256xf32>
    %get3A_4 = arith.constant 0 : index
    %get3A_5 = arith.constant 0 : index
    %get3A_6 = vector.load %arg1[%get3A_4, %get3A_5] : memref<256x256xf32, #tpu.memory_space<vmem>>, vector<256x256xf32>
    %sub3A = vector.broadcast %div3A_3 : vector<1x256xf32> to vector<256x256xf32>
    %sub3A_7 = arith.subf %get3A_6, %sub3A : vector<256x256xf32>
    %mul3A = arith.mulf %sub3A_7, %sub3A_7 : vector<256x256xf32>
    %reduce_sum3A = arith.constant dense<0.000000e+00> : vector<256xf32>
    %reduce_sum3A_8 = vector.multi_reduction <add>, %mul3A, %reduce_sum3A [0] : vector<256x256xf32> to vector<256xf32>
    %broadcast_in_dim3A = vector.shape_cast %reduce_sum3A_8 : vector<256xf32> to vector<1x256xf32>
    %eq3A = arith.constant 0 : i32
    %eq3A_9 = arith.cmpi eq, %arg0, %eq3A : i32
    %convert_element_type3A = arith.extui %eq3A_9 : i1 to i32
    %cond3A = arith.constant 0 : i32
    %cond3A_10 = arith.cmpi ne, %convert_element_type3A, %cond3A : i32
    scf.if %cond3A_10 {
      %swap3A = arith.constant 0 : index
      %swap3A_15 = arith.constant 0 : index
      %swap3A_16 = vector.load %arg3[%swap3A, %swap3A_15] : memref<1x256xf32, #tpu.memory_space<vmem>>, vector<1x256xf32>
      tpu.vector_store %arg3[%swap3A, %swap3A_15], %broadcast_in_dim3A {strides = array<i32>} : memref<1x256xf32, #tpu.memory_space<vmem>>, vector<1x256xf32>,
    } else {
    }
    %ne3A = arith.constant 0 : i32
    %ne3A_11 = arith.cmpi ne, %arg0, %ne3A : i32
    %convert_element_type3A_12 = arith.extui %ne3A_11 : i1 to i32
    %cond3A_13 = arith.constant 0 : i32
    %cond3A_14 = arith.cmpi ne, %convert_element_type3A_12, %cond3A_13 : i32
    scf.if %cond3A_14 {
      %get3A_15 = arith.constant 0 : index
      %get3A_16 = arith.constant 0 : index
      %get3A_17 = vector.load %arg3[%get3A_15, %get3A_16] : memref<1x256xf32, #tpu.memory_space<vmem>>, vector<1x256xf32>
      %add3A = arith.addf %get3A_17, %broadcast_in_dim3A : vector<1x256xf32>
      %swap3A = arith.constant 0 : index
      %swap3A_18 = arith.constant 0 : index
      %swap3A_19 = vector.load %arg3[%swap3A, %swap3A_18] : memref<1x256xf32, #tpu.memory_space<vmem>>, vector<1x256xf32>
      tpu.vector_store %arg3[%swap3A, %swap3A_18], %add3A {strides = array<i32>} : memref<1x256xf32, #tpu.memory_space<vmem>>, vector<1x256xf32>,
    } else {
    }
    return
  }
  func.func @transform_0(%arg0: i32) -> (i32, i32) {
    %c0_i32 = arith.constant 0 : i32
    %c0_i32_0 = arith.constant 0 : i32
    return %arg0, %c0_i32 : i32, i32
  }
  func.func @transform_1(%arg0: i32) -> (i32, i32) {
    %c0_i32 = arith.constant 0 : i32
    %c0_i32_0 = arith.constant 0 : i32
    %c0_i32_1 = arith.constant 0 : i32
    return %c0_i32, %c0_i32_0 : i32, i32
  }
  func.func @transform_2(%arg0: i32) -> (i32, i32) {
    %c0_i32 = arith.constant 0 : i32
    %c0_i32_0 = arith.constant 0 : i32
    %c0_i32_1 = arith.constant 0 : i32
    return %c0_i32, %c0_i32_0 : i32, i32
  }
}

module attributes {stable_mosaic.version = 14 : i64} {
  func.func @_sa_last_body(%arg0: i32, %arg1: memref<256x256xf32, #tpu.memory_space<vmem>>, %arg2: memref<2x256xf32, #tpu.memory_space<vmem>>, %arg3: memref<1x256xf32, #tpu.memory_space<vmem>>, %arg4: memref<1x256xf32, #tpu.memory_space<vmem>>, %arg5: memref<1x256xf32, #tpu.memory_space<vmem>>, %arg6: memref<8x256xf32, #tpu.memory_space<vmem>>) attributes {dimension_semantics = [#tpu.dimension_semantics<arbitrary>], iteration_bounds = array<i64: 64>, scalar_prefetch = 0 : i64, scratch_operands = 0 : i64, tpu.core_type = #tpu.core_type<tc>, window_params = [{transform_indices = @transform_0, window_bounds = array<i64: 256, 256>}, {pipeline_mode = #tpu.pipeline_mode<synchronous>, transform_indices = @transform_1, window_bounds = array<i64: 2, 256>}, {pipeline_mode = #tpu.pipeline_mode<synchronous>, transform_indices = @transform_2, window_bounds = array<i64: 1, 256>}, {pipeline_mode = #tpu.pipeline_mode<synchronous>, transform_indices = @transform_3, window_bounds = array<i64: 1, 256>}, {pipeline_mode = #tpu.pipeline_mode<synchronous>, transform_indices = @transform_4, window_bounds = array<i64: 1, 256>}, {transform_indices = @transform_5, window_bounds = array<i64: 8, 256>}]} {
    %get3A = arith.constant 0 : index
    %get3A_0 = arith.constant 0 : index
    %get3A_1 = vector.load %arg1[%get3A, %get3A_0] : memref<256x256xf32, #tpu.memory_space<vmem>>, vector<256x256xf32>
    %get3A_2 = arith.constant 0 : index
    %get3A_3 = arith.constant 0 : index
    %get3A_4 = vector.load %arg2[%get3A_2, %get3A_3] : memref<2x256xf32, #tpu.memory_space<vmem>>, vector<1x256xf32>
    %div3A = arith.constant 1.638400e+04 : f32
    %div3A_5 = vector.broadcast %div3A : f32 to vector<1x256xf32>
    %div3A_6 = arith.divf %get3A_4, %div3A_5 : vector<1x256xf32>
    %get3A_7 = arith.constant 0 : index
    %get3A_8 = arith.constant 0 : index
    %get3A_9 = vector.load %arg3[%get3A_7, %get3A_8] : memref<1x256xf32, #tpu.memory_space<vmem>>, vector<1x256xf32>
    %div3A_10 = arith.constant 1.638400e+04 : f32
    %div3A_11 = vector.broadcast %div3A_10 : f32 to vector<1x256xf32>
    %div3A_12 = arith.divf %get3A_9, %div3A_11 : vector<1x256xf32>
    %sub3A = vector.broadcast %div3A_6 : vector<1x256xf32> to vector<256x256xf32>
    %sub3A_13 = arith.subf %get3A_1, %sub3A : vector<256x256xf32>
    %add3A = arith.constant 9.99999974E-6 : f32
    %add3A_14 = vector.broadcast %add3A : f32 to vector<1x256xf32>
    %add3A_15 = arith.addf %div3A_12, %add3A_14 : vector<1x256xf32>
    %sqrt3A = math.sqrt %add3A_15 : vector<1x256xf32>
    %div3A_16 = vector.broadcast %sqrt3A : vector<1x256xf32> to vector<256x256xf32>
    %div3A_17 = arith.divf %sub3A_13, %div3A_16 : vector<256x256xf32>
    %get3A_18 = arith.constant 0 : index
    %get3A_19 = arith.constant 0 : index
    %get3A_20 = vector.load %arg4[%get3A_18, %get3A_19] : memref<1x256xf32, #tpu.memory_space<vmem>>, vector<1x256xf32>
    %mul3A = vector.broadcast %get3A_20 : vector<1x256xf32> to vector<256x256xf32>
    %mul3A_21 = arith.mulf %div3A_17, %mul3A : vector<256x256xf32>
    %get3A_22 = arith.constant 0 : index
    %get3A_23 = arith.constant 0 : index
    %get3A_24 = vector.load %arg5[%get3A_22, %get3A_23] : memref<1x256xf32, #tpu.memory_space<vmem>>, vector<1x256xf32>
    %add3A_25 = vector.broadcast %get3A_24 : vector<1x256xf32> to vector<256x256xf32>
    %add3A_26 = arith.addf %mul3A_21, %add3A_25 : vector<256x256xf32>
    %max3A = arith.constant 0.000000e+00 : f32
    %max3A_27 = vector.broadcast %max3A : f32 to vector<256x256xf32>
    %max3A_28 = arith.maximumf %add3A_26, %max3A_27 : vector<256x256xf32>
    %reshape3A = vector.shape_cast %max3A_28 : vector<256x256xf32> to vector<8x32x256xf32>
    %reduce_max3A = arith.constant dense<0xFF800000> : vector<8x256xf32>
    %reduce_max3A_29 = vector.multi_reduction <maximumf>, %reshape3A, %reduce_max3A [1] : vector<8x32x256xf32> to vector<8x256xf32>
    %swap3A = arith.constant 0 : index
    %swap3A_30 = arith.constant 0 : index
    %swap3A_31 = vector.load %arg6[%swap3A, %swap3A_30] : memref<8x256xf32, #tpu.memory_space<vmem>>, vector<8x256xf32>
    tpu.vector_store %arg6[%swap3A, %swap3A_30], %reduce_max3A_29 {strides = array<i32>} : memref<8x256xf32, #tpu.memory_space<vmem>>, vector<8x256xf32>,
    return
  }
  func.func @transform_0(%arg0: i32) -> (i32, i32) {
    %c0_i32 = arith.constant 0 : i32
    %c0_i32_0 = arith.constant 0 : i32
    return %arg0, %c0_i32 : i32, i32
  }
  func.func @transform_1(%arg0: i32) -> (i32, i32) {
    %c0_i32 = arith.constant 0 : i32
    %c0_i32_0 = arith.constant 0 : i32
    %c0_i32_1 = arith.constant 0 : i32
    return %c0_i32, %c0_i32_0 : i32, i32
  }
  func.func @transform_2(%arg0: i32) -> (i32, i32) {
    %c0_i32 = arith.constant 0 : i32
    %c0_i32_0 = arith.constant 0 : i32
    %c0_i32_1 = arith.constant 0 : i32
    return %c0_i32, %c0_i32_0 : i32, i32
  }
  func.func @transform_3(%arg0: i32) -> (i32, i32) {
    %c0_i32 = arith.constant 0 : i32
    %c0_i32_0 = arith.constant 0 : i32
    %c0_i32_1 = arith.constant 0 : i32
    return %c0_i32, %c0_i32_0 : i32, i32
  }
  func.func @transform_4(%arg0: i32) -> (i32, i32) {
    %c0_i32 = arith.constant 0 : i32
    %c0_i32_0 = arith.constant 0 : i32
    %c0_i32_1 = arith.constant 0 : i32
    return %c0_i32, %c0_i32_0 : i32, i32
  }
  func.func @transform_5(%arg0: i32) -> (i32, i32) {
    %c0_i32 = arith.constant 0 : i32
    %c0_i32_0 = arith.constant 0 : i32
    return %arg0, %c0_i32 : i32, i32
  }
}

module attributes {stable_mosaic.version = 14 : i64} {
  func.func @_embed_body(%arg0: i32, %arg1: memref<256x3xf32, #tpu.memory_space<vmem>>, %arg2: memref<1x10xf32, #tpu.memory_space<vmem>>, %arg3: memref<512x60xf32, #tpu.memory_space<vmem>>, %arg4: memref<1x512xf32, #tpu.memory_space<vmem>>, %arg5: memref<512x3xf32, #tpu.memory_space<vmem>>, %arg6: memref<1x512xf32, #tpu.memory_space<vmem>>, %arg7: memref<256x512xf32, #tpu.memory_space<vmem>>, %arg8: memref<256x512xf32, #tpu.memory_space<vmem>>) attributes {dimension_semantics = [#tpu.dimension_semantics<arbitrary>], iteration_bounds = array<i64: 8>, scalar_prefetch = 0 : i64, scratch_operands = 0 : i64, tpu.core_type = #tpu.core_type<tc>, window_params = [{transform_indices = @transform_0, window_bounds = array<i64: 256, 3>}, {pipeline_mode = #tpu.pipeline_mode<synchronous>, transform_indices = @transform_1, window_bounds = array<i64: 1, 10>}, {pipeline_mode = #tpu.pipeline_mode<synchronous>, transform_indices = @transform_2, window_bounds = array<i64: 512, 60>}, {pipeline_mode = #tpu.pipeline_mode<synchronous>, transform_indices = @transform_3, window_bounds = array<i64: 1, 512>}, {pipeline_mode = #tpu.pipeline_mode<synchronous>, transform_indices = @transform_4, window_bounds = array<i64: 512, 3>}, {pipeline_mode = #tpu.pipeline_mode<synchronous>, transform_indices = @transform_5, window_bounds = array<i64: 1, 512>}, {transform_indices = @transform_6, window_bounds = array<i64: 256, 512>}, {transform_indices = @transform_7, window_bounds = array<i64: 256, 512>}]} {
    %get3A = arith.constant 0 : index
    %get3A_0 = arith.constant 0 : index
    %get3A_1 = vector.load %arg1[%get3A, %get3A_0] : memref<256x3xf32, #tpu.memory_space<vmem>>, vector<256x3xf32>
    %get3A_2 = arith.constant 0 : index
    %get3A_3 = arith.constant 0 : index
    %get3A_4 = vector.load %arg2[%get3A_2, %get3A_3] : memref<1x10xf32, #tpu.memory_space<vmem>>, vector<1x10xf32>
    %slice3A = vector.extract_strided_slice %get3A_1 {offsets = [0, 0], sizes = [256, 1], strides = [1, 1]} : vector<256x3xf32> to vector<256x1xf32>
    %mul3A = vector.broadcast %slice3A : vector<256x1xf32> to vector<256x10xf32>
    %mul3A_5 = vector.broadcast %get3A_4 : vector<1x10xf32> to vector<256x10xf32>
    %mul3A_6 = arith.mulf %mul3A, %mul3A_5 : vector<256x10xf32>
    %slice3A_7 = vector.extract_strided_slice %get3A_1 {offsets = [0, 1], sizes = [256, 1], strides = [1, 1]} : vector<256x3xf32> to vector<256x1xf32>
    %mul3A_8 = vector.broadcast %slice3A_7 : vector<256x1xf32> to vector<256x10xf32>
    %mul3A_9 = vector.broadcast %get3A_4 : vector<1x10xf32> to vector<256x10xf32>
    %mul3A_10 = arith.mulf %mul3A_8, %mul3A_9 : vector<256x10xf32>
    %slice3A_11 = vector.extract_strided_slice %get3A_1 {offsets = [0, 2], sizes = [256, 1], strides = [1, 1]} : vector<256x3xf32> to vector<256x1xf32>
    %mul3A_12 = vector.broadcast %slice3A_11 : vector<256x1xf32> to vector<256x10xf32>
    %mul3A_13 = vector.broadcast %get3A_4 : vector<1x10xf32> to vector<256x10xf32>
    %mul3A_14 = arith.mulf %mul3A_12, %mul3A_13 : vector<256x10xf32>
    %concatenate3A = tpu.concatenate %mul3A_6, %mul3A_10, %mul3A_14 in 1 : vector<256x10xf32>, vector<256x10xf32>, vector<256x10xf32> -> vector<256x30xf32>
    %sin3A = math.sin %concatenate3A : vector<256x30xf32>
    %cos3A = math.cos %concatenate3A : vector<256x30xf32>
    %concatenate3A_15 = tpu.concatenate %sin3A, %cos3A in 1 : vector<256x30xf32>, vector<256x30xf32> -> vector<256x60xf32>
    %get3A_16 = arith.constant 0 : index
    %get3A_17 = arith.constant 0 : index
    %get3A_18 = vector.load %arg3[%get3A_16, %get3A_17] : memref<512x60xf32, #tpu.memory_space<vmem>>, vector<512x60xf32>
    %dot_general3A = arith.constant dense<0.000000e+00> : vector<256x512xf32>
    %dot_general3A_19 = tpu.matmul %concatenate3A_15, %get3A_18, %dot_general3A {dimension_numbers = #tpu.dot_dimension_numbers<[1], [1], [0], [0], [0, 0, 1, 0], [], []>, transpose_lhs_hint = false} : vector<256x60xf32>, vector<512x60xf32>, vector<256x512xf32> -> vector<256x512xf32>
    %get3A_20 = arith.constant 0 : index
    %get3A_21 = arith.constant 0 : index
    %get3A_22 = vector.load %arg4[%get3A_20, %get3A_21] : memref<1x512xf32, #tpu.memory_space<vmem>>, vector<1x512xf32>
    %add3A = vector.broadcast %get3A_22 : vector<1x512xf32> to vector<256x512xf32>
    %add3A_23 = arith.addf %dot_general3A_19, %add3A : vector<256x512xf32>
    %swap3A = arith.constant 0 : index
    %swap3A_24 = arith.constant 0 : index
    %swap3A_25 = vector.load %arg7[%swap3A, %swap3A_24] : memref<256x512xf32, #tpu.memory_space<vmem>>, vector<256x512xf32>
    tpu.vector_store %arg7[%swap3A, %swap3A_24], %add3A_23 {strides = array<i32>} : memref<256x512xf32, #tpu.memory_space<vmem>>, vector<256x512xf32>,
    %get3A_26 = arith.constant 0 : index
    %get3A_27 = arith.constant 0 : index
    %get3A_28 = vector.load %arg5[%get3A_26, %get3A_27] : memref<512x3xf32, #tpu.memory_space<vmem>>, vector<512x3xf32>
    %dot_general3A_29 = arith.constant dense<0.000000e+00> : vector<256x512xf32>
    %dot_general3A_30 = tpu.matmul %get3A_1, %get3A_28, %dot_general3A_29 {dimension_numbers = #tpu.dot_dimension_numbers<[1], [1], [0], [0], [0, 0, 1, 0], [], []>, transpose_lhs_hint = false} : vector<256x3xf32>, vector<512x3xf32>, vector<256x512xf32> -> vector<256x512xf32>
    %get3A_31 = arith.constant 0 : index
    %get3A_32 = arith.constant 0 : index
    %get3A_33 = vector.load %arg6[%get3A_31, %get3A_32] : memref<1x512xf32, #tpu.memory_space<vmem>>, vector<1x512xf32>
    %add3A_34 = vector.broadcast %get3A_33 : vector<1x512xf32> to vector<256x512xf32>
    %add3A_35 = arith.addf %dot_general3A_30, %add3A_34 : vector<256x512xf32>
    %swap3A_36 = arith.constant 0 : index
    %swap3A_37 = arith.constant 0 : index
    %swap3A_38 = vector.load %arg8[%swap3A_36, %swap3A_37] : memref<256x512xf32, #tpu.memory_space<vmem>>, vector<256x512xf32>
    tpu.vector_store %arg8[%swap3A_36, %swap3A_37], %add3A_35 {strides = array<i32>} : memref<256x512xf32, #tpu.memory_space<vmem>>, vector<256x512xf32>,
    return
  }
  func.func @transform_0(%arg0: i32) -> (i32, i32) {
    %c0_i32 = arith.constant 0 : i32
    %c0_i32_0 = arith.constant 0 : i32
    return %arg0, %c0_i32 : i32, i32
  }
  func.func @transform_1(%arg0: i32) -> (i32, i32) {
    %c0_i32 = arith.constant 0 : i32
    %c0_i32_0 = arith.constant 0 : i32
    %c0_i32_1 = arith.constant 0 : i32
    return %c0_i32, %c0_i32_0 : i32, i32
  }
  func.func @transform_2(%arg0: i32) -> (i32, i32) {
    %c0_i32 = arith.constant 0 : i32
    %c0_i32_0 = arith.constant 0 : i32
    %c0_i32_1 = arith.constant 0 : i32
    return %c0_i32, %c0_i32_0 : i32, i32
  }
  func.func @transform_3(%arg0: i32) -> (i32, i32) {
    %c0_i32 = arith.constant 0 : i32
    %c0_i32_0 = arith.constant 0 : i32
    %c0_i32_1 = arith.constant 0 : i32
    return %c0_i32, %c0_i32_0 : i32, i32
  }
  func.func @transform_4(%arg0: i32) -> (i32, i32) {
    %c0_i32 = arith.constant 0 : i32
    %c0_i32_0 = arith.constant 0 : i32
    %c0_i32_1 = arith.constant 0 : i32
    return %c0_i32, %c0_i32_0 : i32, i32
  }
  func.func @transform_5(%arg0: i32) -> (i32, i32) {
    %c0_i32 = arith.constant 0 : i32
    %c0_i32_0 = arith.constant 0 : i32
    %c0_i32_1 = arith.constant 0 : i32
    return %c0_i32, %c0_i32_0 : i32, i32
  }
  func.func @transform_6(%arg0: i32) -> (i32, i32) {
    %c0_i32 = arith.constant 0 : i32
    %c0_i32_0 = arith.constant 0 : i32
    return %arg0, %c0_i32 : i32, i32
  }
  func.func @transform_7(%arg0: i32) -> (i32, i32) {
    %c0_i32 = arith.constant 0 : i32
    %c0_i32_0 = arith.constant 0 : i32
    return %arg0, %c0_i32 : i32, i32
  }
}

module attributes {stable_mosaic.version = 14 : i64} {
  func.func @_qkv_body(%arg0: i32, %arg1: memref<256x512xf32, #tpu.memory_space<vmem>>, %arg2: memref<256x512xf32, #tpu.memory_space<vmem>>, %arg3: memref<1536x512xf32, #tpu.memory_space<vmem>>, %arg4: memref<1x1536xf32, #tpu.memory_space<vmem>>, %arg5: memref<256x1536xf32, #tpu.memory_space<vmem>>) attributes {dimension_semantics = [#tpu.dimension_semantics<arbitrary>], iteration_bounds = array<i64: 8>, scalar_prefetch = 0 : i64, scratch_operands = 0 : i64, tpu.core_type = #tpu.core_type<tc>, window_params = [{transform_indices = @transform_0, window_bounds = array<i64: 256, 512>}, {transform_indices = @transform_1, window_bounds = array<i64: 256, 512>}, {pipeline_mode = #tpu.pipeline_mode<synchronous>, transform_indices = @transform_2, window_bounds = array<i64: 1536, 512>}, {pipeline_mode = #tpu.pipeline_mode<synchronous>, transform_indices = @transform_3, window_bounds = array<i64: 1, 1536>}, {transform_indices = @transform_4, window_bounds = array<i64: 256, 1536>}]} {
    %get3A = arith.constant 0 : index
    %get3A_0 = arith.constant 0 : index
    %get3A_1 = vector.load %arg1[%get3A, %get3A_0] : memref<256x512xf32, #tpu.memory_space<vmem>>, vector<256x512xf32>
    %get3A_2 = arith.constant 0 : index
    %get3A_3 = arith.constant 0 : index
    %get3A_4 = vector.load %arg2[%get3A_2, %get3A_3] : memref<256x512xf32, #tpu.memory_space<vmem>>, vector<256x512xf32>
    %add3A = arith.addf %get3A_1, %get3A_4 : vector<256x512xf32>
    %get3A_5 = arith.constant 0 : index
    %get3A_6 = arith.constant 0 : index
    %get3A_7 = vector.load %arg3[%get3A_5, %get3A_6] : memref<1536x512xf32, #tpu.memory_space<vmem>>, vector<1536x512xf32>
    %slice3A = vector.extract_strided_slice %get3A_7 {offsets = [0, 0], sizes = [512, 512], strides = [1, 1]} : vector<1536x512xf32> to vector<512x512xf32>
    %dot_general3A = arith.constant dense<0.000000e+00> : vector<256x512xf32>
    %dot_general3A_8 = tpu.matmul %add3A, %slice3A, %dot_general3A {dimension_numbers = #tpu.dot_dimension_numbers<[1], [1], [0], [0], [0, 0, 1, 0], [], []>, transpose_lhs_hint = false} : vector<256x512xf32>, vector<512x512xf32>, vector<256x512xf32> -> vector<256x512xf32>
    %slice3A_9 = vector.extract_strided_slice %get3A_7 {offsets = [512, 0], sizes = [512, 512], strides = [1, 1]} : vector<1536x512xf32> to vector<512x512xf32>
    %dot_general3A_10 = arith.constant dense<0.000000e+00> : vector<256x512xf32>
    %dot_general3A_11 = tpu.matmul %add3A, %slice3A_9, %dot_general3A_10 {dimension_numbers = #tpu.dot_dimension_numbers<[1], [1], [0], [0], [0, 0, 1, 0], [], []>, transpose_lhs_hint = false} : vector<256x512xf32>, vector<512x512xf32>, vector<256x512xf32> -> vector<256x512xf32>
    %get3A_12 = arith.constant 0 : index
    %get3A_13 = arith.constant 0 : index
    %get3A_14 = vector.load %arg1[%get3A_12, %get3A_13] : memref<256x512xf32, #tpu.memory_space<vmem>>, vector<256x512xf32>
    %slice3A_15 = vector.extract_strided_slice %get3A_7 {offsets = [1024, 0], sizes = [512, 512], strides = [1, 1]} : vector<1536x512xf32> to vector<512x512xf32>
    %dot_general3A_16 = arith.constant dense<0.000000e+00> : vector<256x512xf32>
    %dot_general3A_17 = tpu.matmul %get3A_14, %slice3A_15, %dot_general3A_16 {dimension_numbers = #tpu.dot_dimension_numbers<[1], [1], [0], [0], [0, 0, 1, 0], [], []>, transpose_lhs_hint = false} : vector<256x512xf32>, vector<512x512xf32>, vector<256x512xf32> -> vector<256x512xf32>
    %concatenate3A = tpu.concatenate %dot_general3A_8, %dot_general3A_11, %dot_general3A_17 in 1 : vector<256x512xf32>, vector<256x512xf32>, vector<256x512xf32> -> vector<256x1536xf32>
    %get3A_18 = arith.constant 0 : index
    %get3A_19 = arith.constant 0 : index
    %get3A_20 = vector.load %arg4[%get3A_18, %get3A_19] : memref<1x1536xf32, #tpu.memory_space<vmem>>, vector<1x1536xf32>
    %add3A_21 = vector.broadcast %get3A_20 : vector<1x1536xf32> to vector<256x1536xf32>
    %add3A_22 = arith.addf %concatenate3A, %add3A_21 : vector<256x1536xf32>
    %swap3A = arith.constant 0 : index
    %swap3A_23 = arith.constant 0 : index
    %swap3A_24 = vector.load %arg5[%swap3A, %swap3A_23] : memref<256x1536xf32, #tpu.memory_space<vmem>>, vector<256x1536xf32>
    tpu.vector_store %arg5[%swap3A, %swap3A_23], %add3A_22 {strides = array<i32>} : memref<256x1536xf32, #tpu.memory_space<vmem>>, vector<256x1536xf32>,
    return
  }
  func.func @transform_0(%arg0: i32) -> (i32, i32) {
    %c0_i32 = arith.constant 0 : i32
    %c0_i32_0 = arith.constant 0 : i32
    return %arg0, %c0_i32 : i32, i32
  }
  func.func @transform_1(%arg0: i32) -> (i32, i32) {
    %c0_i32 = arith.constant 0 : i32
    %c0_i32_0 = arith.constant 0 : i32
    return %arg0, %c0_i32 : i32, i32
  }
  func.func @transform_2(%arg0: i32) -> (i32, i32) {
    %c0_i32 = arith.constant 0 : i32
    %c0_i32_0 = arith.constant 0 : i32
    %c0_i32_1 = arith.constant 0 : i32
    return %c0_i32, %c0_i32_0 : i32, i32
  }
  func.func @transform_3(%arg0: i32) -> (i32, i32) {
    %c0_i32 = arith.constant 0 : i32
    %c0_i32_0 = arith.constant 0 : i32
    %c0_i32_1 = arith.constant 0 : i32
    return %c0_i32, %c0_i32_0 : i32, i32
  }
  func.func @transform_4(%arg0: i32) -> (i32, i32) {
    %c0_i32 = arith.constant 0 : i32
    %c0_i32_0 = arith.constant 0 : i32
    return %arg0, %c0_i32 : i32, i32
  }
}

module attributes {stable_mosaic.version = 14 : i64} {
  func.func @_attn_body(%arg0: i32, %arg1: i32, %arg2: memref<256x128xf32, #tpu.memory_space<vmem>>, %arg3: memref<2048x128xf32, #tpu.memory_space<vmem>>, %arg4: memref<2048x128xf32, #tpu.memory_space<vmem>>, %arg5: memref<256x128xf32, #tpu.memory_space<vmem>>) attributes {dimension_semantics = [#tpu.dimension_semantics<arbitrary>, #tpu.dimension_semantics<arbitrary>], iteration_bounds = array<i64: 4, 8>, scalar_prefetch = 0 : i64, scratch_operands = 0 : i64, tpu.core_type = #tpu.core_type<tc>, window_params = [{transform_indices = @transform_0, window_bounds = array<i64: 256, 128>}, {transform_indices = @transform_1, window_bounds = array<i64: 2048, 128>}, {transform_indices = @transform_2, window_bounds = array<i64: 2048, 128>}, {transform_indices = @transform_3, window_bounds = array<i64: 256, 128>}]} {
    %get3A = arith.constant 0 : index
    %get3A_0 = arith.constant 0 : index
    %get3A_1 = vector.load %arg2[%get3A, %get3A_0] : memref<256x128xf32, #tpu.memory_space<vmem>>, vector<256x64xf32>
    %get3A_2 = arith.constant 0 : index
    %get3A_3 = arith.constant 0 : index
    %get3A_4 = vector.load %arg3[%get3A_2, %get3A_3] : memref<2048x128xf32, #tpu.memory_space<vmem>>, vector<2048x64xf32>
    %get3A_5 = arith.constant 0 : index
    %get3A_6 = arith.constant 0 : index
    %get3A_7 = vector.load %arg4[%get3A_5, %get3A_6] : memref<2048x128xf32, #tpu.memory_space<vmem>>, vector<2048x64xf32>
    %transpose3A = tpu.transpose %get3A_4, [1, 0] : vector<2048x64xf32> -> vector<64x2048xf32>
    %dot_general3A = arith.constant dense<0.000000e+00> : vector<256x2048xf32>
    %dot_general3A_8 = tpu.matmul %get3A_1, %transpose3A, %dot_general3A {dimension_numbers = #tpu.dot_dimension_numbers<[1], [0], [0], [1], [0, 0, 1, 1], [], []>, transpose_lhs_hint = false} : vector<256x64xf32>, vector<64x2048xf32>, vector<256x2048xf32> -> vector<256x2048xf32>
    %mul3A = arith.constant 1.250000e-01 : f32
    %mul3A_9 = vector.broadcast %mul3A : f32 to vector<256x2048xf32>
    %mul3A_10 = arith.mulf %dot_general3A_8, %mul3A_9 : vector<256x2048xf32>
    %reduce_max3A = arith.constant dense<0xFF800000> : vector<256xf32>
    %reduce_max3A_11 = vector.multi_reduction <maximumf>, %mul3A_10, %reduce_max3A [1] : vector<256x2048xf32> to vector<256xf32>
    %broadcast_in_dim3A = vector.shape_cast %reduce_max3A_11 : vector<256xf32> to vector<256x1xf32>
    %sub3A = vector.broadcast %broadcast_in_dim3A : vector<256x1xf32> to vector<256x2048xf32>
    %sub3A_12 = arith.subf %mul3A_10, %sub3A : vector<256x2048xf32>
    %exp3A = math.exp %sub3A_12 : vector<256x2048xf32>
    %reduce_sum3A = arith.constant dense<0.000000e+00> : vector<256xf32>
    %reduce_sum3A_13 = vector.multi_reduction <add>, %exp3A, %reduce_sum3A [1] : vector<256x2048xf32> to vector<256xf32>
    %broadcast_in_dim3A_14 = vector.shape_cast %reduce_sum3A_13 : vector<256xf32> to vector<256x1xf32>
    %div3A = vector.broadcast %broadcast_in_dim3A_14 : vector<256x1xf32> to vector<256x2048xf32>
    %div3A_15 = arith.divf %exp3A, %div3A : vector<256x2048xf32>
    %dot_general3A_16 = arith.constant dense<0.000000e+00> : vector<256x64xf32>
    %dot_general3A_17 = tpu.matmul %div3A_15, %get3A_7, %dot_general3A_16 {dimension_numbers = #tpu.dot_dimension_numbers<[1], [0], [0], [1], [0, 0, 1, 1], [], []>, transpose_lhs_hint = false} : vector<256x2048xf32>, vector<2048x64xf32>, vector<256x64xf32> -> vector<256x64xf32>
    %get3A_18 = arith.constant 0 : index
    %get3A_19 = arith.constant 64 : index
    %get3A_20 = vector.load %arg2[%get3A_18, %get3A_19] : memref<256x128xf32, #tpu.memory_space<vmem>>, vector<256x64xf32>
    %get3A_21 = arith.constant 0 : index
    %get3A_22 = arith.constant 64 : index
    %get3A_23 = vector.load %arg3[%get3A_21, %get3A_22] : memref<2048x128xf32, #tpu.memory_space<vmem>>, vector<2048x64xf32>
    %get3A_24 = arith.constant 0 : index
    %get3A_25 = arith.constant 64 : index
    %get3A_26 = vector.load %arg4[%get3A_24, %get3A_25] : memref<2048x128xf32, #tpu.memory_space<vmem>>, vector<2048x64xf32>
    %transpose3A_27 = tpu.transpose %get3A_23, [1, 0] : vector<2048x64xf32> -> vector<64x2048xf32>
    %dot_general3A_28 = arith.constant dense<0.000000e+00> : vector<256x2048xf32>
    %dot_general3A_29 = tpu.matmul %get3A_20, %transpose3A_27, %dot_general3A_28 {dimension_numbers = #tpu.dot_dimension_numbers<[1], [0], [0], [1], [0, 0, 1, 1], [], []>, transpose_lhs_hint = false} : vector<256x64xf32>, vector<64x2048xf32>, vector<256x2048xf32> -> vector<256x2048xf32>
    %mul3A_30 = arith.constant 1.250000e-01 : f32
    %mul3A_31 = vector.broadcast %mul3A_30 : f32 to vector<256x2048xf32>
    %mul3A_32 = arith.mulf %dot_general3A_29, %mul3A_31 : vector<256x2048xf32>
    %reduce_max3A_33 = arith.constant dense<0xFF800000> : vector<256xf32>
    %reduce_max3A_34 = vector.multi_reduction <maximumf>, %mul3A_32, %reduce_max3A_33 [1] : vector<256x2048xf32> to vector<256xf32>
    %broadcast_in_dim3A_35 = vector.shape_cast %reduce_max3A_34 : vector<256xf32> to vector<256x1xf32>
    %sub3A_36 = vector.broadcast %broadcast_in_dim3A_35 : vector<256x1xf32> to vector<256x2048xf32>
    %sub3A_37 = arith.subf %mul3A_32, %sub3A_36 : vector<256x2048xf32>
    %exp3A_38 = math.exp %sub3A_37 : vector<256x2048xf32>
    %reduce_sum3A_39 = arith.constant dense<0.000000e+00> : vector<256xf32>
    %reduce_sum3A_40 = vector.multi_reduction <add>, %exp3A_38, %reduce_sum3A_39 [1] : vector<256x2048xf32> to vector<256xf32>
    %broadcast_in_dim3A_41 = vector.shape_cast %reduce_sum3A_40 : vector<256xf32> to vector<256x1xf32>
    %div3A_42 = vector.broadcast %broadcast_in_dim3A_41 : vector<256x1xf32> to vector<256x2048xf32>
    %div3A_43 = arith.divf %exp3A_38, %div3A_42 : vector<256x2048xf32>
    %dot_general3A_44 = arith.constant dense<0.000000e+00> : vector<256x64xf32>
    %dot_general3A_45 = tpu.matmul %div3A_43, %get3A_26, %dot_general3A_44 {dimension_numbers = #tpu.dot_dimension_numbers<[1], [0], [0], [1], [0, 0, 1, 1], [], []>, transpose_lhs_hint = false} : vector<256x2048xf32>, vector<2048x64xf32>, vector<256x64xf32> -> vector<256x64xf32>
    %concatenate3A = tpu.concatenate %dot_general3A_17, %dot_general3A_45 in 1 : vector<256x64xf32>, vector<256x64xf32> -> vector<256x128xf32>
    %swap3A = arith.constant 0 : index
    %swap3A_46 = arith.constant 0 : index
    %swap3A_47 = vector.load %arg5[%swap3A, %swap3A_46] : memref<256x128xf32, #tpu.memory_space<vmem>>, vector<256x128xf32>
    tpu.vector_store %arg5[%swap3A, %swap3A_46], %concatenate3A {strides = array<i32>} : memref<256x128xf32, #tpu.memory_space<vmem>>, vector<256x128xf32>,
    return
  }
  func.func @transform_0(%arg0: i32, %arg1: i32) -> (i32, i32) {
    %c0_i32 = arith.constant 0 : i32
    return %arg1, %arg0 : i32, i32
  }
  func.func @transform_1(%arg0: i32, %arg1: i32) -> (i32, i32) {
    %add3A = arith.constant 4 : i32
    %add3A_0 = arith.addi %add3A, %arg0 : i32
    %c0_i32 = arith.constant 0 : i32
    %c0_i32_1 = arith.constant 0 : i32
    return %c0_i32, %add3A_0 : i32, i32
  }
  func.func @transform_2(%arg0: i32, %arg1: i32) -> (i32, i32) {
    %add3A = arith.constant 8 : i32
    %add3A_0 = arith.addi %add3A, %arg0 : i32
    %c0_i32 = arith.constant 0 : i32
    %c0_i32_1 = arith.constant 0 : i32
    return %c0_i32, %add3A_0 : i32, i32
  }
  func.func @transform_3(%arg0: i32, %arg1: i32) -> (i32, i32) {
    %c0_i32 = arith.constant 0 : i32
    return %arg1, %arg0 : i32, i32
  }
}

module attributes {stable_mosaic.version = 14 : i64} {
  func.func @_post_body(%arg0: i32, %arg1: memref<256x512xf32, #tpu.memory_space<vmem>>, %arg2: memref<256x512xf32, #tpu.memory_space<vmem>>, %arg3: memref<512x512xf32, #tpu.memory_space<vmem>>, %arg4: memref<1x512xf32, #tpu.memory_space<vmem>>, %arg5: memref<1x512xf32, #tpu.memory_space<vmem>>, %arg6: memref<1x512xf32, #tpu.memory_space<vmem>>, %arg7: memref<2048x512xf32, #tpu.memory_space<vmem>>, %arg8: memref<1x2048xf32, #tpu.memory_space<vmem>>, %arg9: memref<512x2048xf32, #tpu.memory_space<vmem>>, %arg10: memref<1x512xf32, #tpu.memory_space<vmem>>, %arg11: memref<1x512xf32, #tpu.memory_space<vmem>>, %arg12: memref<1x512xf32, #tpu.memory_space<vmem>>, %arg13: memref<256x512xf32, #tpu.memory_space<vmem>>) attributes {dimension_semantics = [#tpu.dimension_semantics<arbitrary>], iteration_bounds = array<i64: 8>, scalar_prefetch = 0 : i64, scratch_operands = 0 : i64, tpu.core_type = #tpu.core_type<tc>, window_params = [{transform_indices = @transform_0, window_bounds = array<i64: 256, 512>}, {transform_indices = @transform_1, window_bounds = array<i64: 256, 512>}, {pipeline_mode = #tpu.pipeline_mode<synchronous>, transform_indices = @transform_2, window_bounds = array<i64: 512, 512>}, {pipeline_mode = #tpu.pipeline_mode<synchronous>, transform_indices = @transform_3, window_bounds = array<i64: 1, 512>}, {pipeline_mode = #tpu.pipeline_mode<synchronous>, transform_indices = @transform_4, window_bounds = array<i64: 1, 512>}, {pipeline_mode = #tpu.pipeline_mode<synchronous>, transform_indices = @transform_5, window_bounds = array<i64: 1, 512>}, {pipeline_mode = #tpu.pipeline_mode<synchronous>, transform_indices = @transform_6, window_bounds = array<i64: 2048, 512>}, {pipeline_mode = #tpu.pipeline_mode<synchronous>, transform_indices = @transform_7, window_bounds = array<i64: 1, 2048>}, {pipeline_mode = #tpu.pipeline_mode<synchronous>, transform_indices = @transform_8, window_bounds = array<i64: 512, 2048>}, {pipeline_mode = #tpu.pipeline_mode<synchronous>, transform_indices = @transform_9, window_bounds = array<i64: 1, 512>}, {pipeline_mode = #tpu.pipeline_mode<synchronous>, transform_indices = @transform_10, window_bounds = array<i64: 1, 512>}, {pipeline_mode = #tpu.pipeline_mode<synchronous>, transform_indices = @transform_11, window_bounds = array<i64: 1, 512>}, {transform_indices = @transform_12, window_bounds = array<i64: 256, 512>}]} {
    %get3A = arith.constant 0 : index
    %get3A_0 = arith.constant 0 : index
    %get3A_1 = vector.load %arg1[%get3A, %get3A_0] : memref<256x512xf32, #tpu.memory_space<vmem>>, vector<256x512xf32>
    %get3A_2 = arith.constant 0 : index
    %get3A_3 = arith.constant 0 : index
    %get3A_4 = vector.load %arg3[%get3A_2, %get3A_3] : memref<512x512xf32, #tpu.memory_space<vmem>>, vector<512x512xf32>
    %dot_general3A = arith.constant dense<0.000000e+00> : vector<256x512xf32>
    %dot_general3A_5 = tpu.matmul %get3A_1, %get3A_4, %dot_general3A {dimension_numbers = #tpu.dot_dimension_numbers<[1], [1], [0], [0], [0, 0, 1, 0], [], []>, transpose_lhs_hint = false} : vector<256x512xf32>, vector<512x512xf32>, vector<256x512xf32> -> vector<256x512xf32>
    %get3A_6 = arith.constant 0 : index
    %get3A_7 = arith.constant 0 : index
    %get3A_8 = vector.load %arg4[%get3A_6, %get3A_7] : memref<1x512xf32, #tpu.memory_space<vmem>>, vector<1x512xf32>
    %add3A = vector.broadcast %get3A_8 : vector<1x512xf32> to vector<256x512xf32>
    %add3A_9 = arith.addf %dot_general3A_5, %add3A : vector<256x512xf32>
    %get3A_10 = arith.constant 0 : index
    %get3A_11 = arith.constant 0 : index
    %get3A_12 = vector.load %arg2[%get3A_10, %get3A_11] : memref<256x512xf32, #tpu.memory_space<vmem>>, vector<256x512xf32>
    %add3A_13 = arith.addf %get3A_12, %add3A_9 : vector<256x512xf32>
    %get3A_14 = arith.constant 0 : index
    %get3A_15 = arith.constant 0 : index
    %get3A_16 = vector.load %arg5[%get3A_14, %get3A_15] : memref<1x512xf32, #tpu.memory_space<vmem>>, vector<1x512xf32>
    %get3A_17 = arith.constant 0 : index
    %get3A_18 = arith.constant 0 : index
    %get3A_19 = vector.load %arg6[%get3A_17, %get3A_18] : memref<1x512xf32, #tpu.memory_space<vmem>>, vector<1x512xf32>
    %reduce_sum3A = arith.constant dense<0.000000e+00> : vector<256xf32>
    %reduce_sum3A_20 = vector.multi_reduction <add>, %add3A_13, %reduce_sum3A [1] : vector<256x512xf32> to vector<256xf32>
    %broadcast_in_dim3A = vector.shape_cast %reduce_sum3A_20 : vector<256xf32> to vector<256x1xf32>
    %div3A = arith.constant 5.120000e+02 : f32
    %div3A_21 = vector.broadcast %div3A : f32 to vector<256x1xf32>
    %div3A_22 = arith.divf %broadcast_in_dim3A, %div3A_21 : vector<256x1xf32>
    %sub3A = vector.broadcast %div3A_22 : vector<256x1xf32> to vector<256x512xf32>
    %sub3A_23 = arith.subf %add3A_13, %sub3A : vector<256x512xf32>
    %mul3A = arith.mulf %sub3A_23, %sub3A_23 : vector<256x512xf32>
    %reduce_sum3A_24 = arith.constant dense<0.000000e+00> : vector<256xf32>
    %reduce_sum3A_25 = vector.multi_reduction <add>, %mul3A, %reduce_sum3A_24 [1] : vector<256x512xf32> to vector<256xf32>
    %broadcast_in_dim3A_26 = vector.shape_cast %reduce_sum3A_25 : vector<256xf32> to vector<256x1xf32>
    %div3A_27 = arith.constant 5.120000e+02 : f32
    %div3A_28 = vector.broadcast %div3A_27 : f32 to vector<256x1xf32>
    %div3A_29 = arith.divf %broadcast_in_dim3A_26, %div3A_28 : vector<256x1xf32>
    %add3A_30 = arith.constant 9.99999974E-6 : f32
    %add3A_31 = vector.broadcast %add3A_30 : f32 to vector<256x1xf32>
    %add3A_32 = arith.addf %div3A_29, %add3A_31 : vector<256x1xf32>
    %sqrt3A = math.sqrt %add3A_32 : vector<256x1xf32>
    %div3A_33 = vector.broadcast %sqrt3A : vector<256x1xf32> to vector<256x512xf32>
    %div3A_34 = arith.divf %sub3A_23, %div3A_33 : vector<256x512xf32>
    %mul3A_35 = vector.broadcast %get3A_16 : vector<1x512xf32> to vector<256x512xf32>
    %mul3A_36 = arith.mulf %div3A_34, %mul3A_35 : vector<256x512xf32>
    %add3A_37 = vector.broadcast %get3A_19 : vector<1x512xf32> to vector<256x512xf32>
    %add3A_38 = arith.addf %mul3A_36, %add3A_37 : vector<256x512xf32>
    %get3A_39 = arith.constant 0 : index
    %get3A_40 = arith.constant 0 : index
    %get3A_41 = vector.load %arg7[%get3A_39, %get3A_40] : memref<2048x512xf32, #tpu.memory_space<vmem>>, vector<2048x512xf32>
    %dot_general3A_42 = arith.constant dense<0.000000e+00> : vector<256x2048xf32>
    %dot_general3A_43 = tpu.matmul %add3A_38, %get3A_41, %dot_general3A_42 {dimension_numbers = #tpu.dot_dimension_numbers<[1], [1], [0], [0], [0, 0, 1, 0], [], []>, transpose_lhs_hint = false} : vector<256x512xf32>, vector<2048x512xf32>, vector<256x2048xf32> -> vector<256x2048xf32>
    %get3A_44 = arith.constant 0 : index
    %get3A_45 = arith.constant 0 : index
    %get3A_46 = vector.load %arg8[%get3A_44, %get3A_45] : memref<1x2048xf32, #tpu.memory_space<vmem>>, vector<1x2048xf32>
    %add3A_47 = vector.broadcast %get3A_46 : vector<1x2048xf32> to vector<256x2048xf32>
    %add3A_48 = arith.addf %dot_general3A_43, %add3A_47 : vector<256x2048xf32>
    %max3A = arith.constant 0.000000e+00 : f32
    %max3A_49 = vector.broadcast %max3A : f32 to vector<256x2048xf32>
    %max3A_50 = arith.maximumf %add3A_48, %max3A_49 : vector<256x2048xf32>
    %get3A_51 = arith.constant 0 : index
    %get3A_52 = arith.constant 0 : index
    %get3A_53 = vector.load %arg9[%get3A_51, %get3A_52] : memref<512x2048xf32, #tpu.memory_space<vmem>>, vector<512x2048xf32>
    %dot_general3A_54 = arith.constant dense<0.000000e+00> : vector<256x512xf32>
    %dot_general3A_55 = tpu.matmul %max3A_50, %get3A_53, %dot_general3A_54 {dimension_numbers = #tpu.dot_dimension_numbers<[1], [1], [0], [0], [0, 0, 1, 0], [], []>, transpose_lhs_hint = false} : vector<256x2048xf32>, vector<512x2048xf32>, vector<256x512xf32> -> vector<256x512xf32>
    %get3A_56 = arith.constant 0 : index
    %get3A_57 = arith.constant 0 : index
    %get3A_58 = vector.load %arg10[%get3A_56, %get3A_57] : memref<1x512xf32, #tpu.memory_space<vmem>>, vector<1x512xf32>
    %add3A_59 = vector.broadcast %get3A_58 : vector<1x512xf32> to vector<256x512xf32>
    %add3A_60 = arith.addf %dot_general3A_55, %add3A_59 : vector<256x512xf32>
    %add3A_61 = arith.addf %add3A_38, %add3A_60 : vector<256x512xf32>
    %get3A_62 = arith.constant 0 : index
    %get3A_63 = arith.constant 0 : index
    %get3A_64 = vector.load %arg11[%get3A_62, %get3A_63] : memref<1x512xf32, #tpu.memory_space<vmem>>, vector<1x512xf32>
    %get3A_65 = arith.constant 0 : index
    %get3A_66 = arith.constant 0 : index
    %get3A_67 = vector.load %arg12[%get3A_65, %get3A_66] : memref<1x512xf32, #tpu.memory_space<vmem>>, vector<1x512xf32>
    %reduce_sum3A_68 = arith.constant dense<0.000000e+00> : vector<256xf32>
    %reduce_sum3A_69 = vector.multi_reduction <add>, %add3A_61, %reduce_sum3A_68 [1] : vector<256x512xf32> to vector<256xf32>
    %broadcast_in_dim3A_70 = vector.shape_cast %reduce_sum3A_69 : vector<256xf32> to vector<256x1xf32>
    %div3A_71 = arith.constant 5.120000e+02 : f32
    %div3A_72 = vector.broadcast %div3A_71 : f32 to vector<256x1xf32>
    %div3A_73 = arith.divf %broadcast_in_dim3A_70, %div3A_72 : vector<256x1xf32>
    %sub3A_74 = vector.broadcast %div3A_73 : vector<256x1xf32> to vector<256x512xf32>
    %sub3A_75 = arith.subf %add3A_61, %sub3A_74 : vector<256x512xf32>
    %mul3A_76 = arith.mulf %sub3A_75, %sub3A_75 : vector<256x512xf32>
    %reduce_sum3A_77 = arith.constant dense<0.000000e+00> : vector<256xf32>
    %reduce_sum3A_78 = vector.multi_reduction <add>, %mul3A_76, %reduce_sum3A_77 [1] : vector<256x512xf32> to vector<256xf32>
    %broadcast_in_dim3A_79 = vector.shape_cast %reduce_sum3A_78 : vector<256xf32> to vector<256x1xf32>
    %div3A_80 = arith.constant 5.120000e+02 : f32
    %div3A_81 = vector.broadcast %div3A_80 : f32 to vector<256x1xf32>
    %div3A_82 = arith.divf %broadcast_in_dim3A_79, %div3A_81 : vector<256x1xf32>
    %add3A_83 = arith.constant 9.99999974E-6 : f32
    %add3A_84 = vector.broadcast %add3A_83 : f32 to vector<256x1xf32>
    %add3A_85 = arith.addf %div3A_82, %add3A_84 : vector<256x1xf32>
    %sqrt3A_86 = math.sqrt %add3A_85 : vector<256x1xf32>
    %div3A_87 = vector.broadcast %sqrt3A_86 : vector<256x1xf32> to vector<256x512xf32>
    %div3A_88 = arith.divf %sub3A_75, %div3A_87 : vector<256x512xf32>
    %mul3A_89 = vector.broadcast %get3A_64 : vector<1x512xf32> to vector<256x512xf32>
    %mul3A_90 = arith.mulf %div3A_88, %mul3A_89 : vector<256x512xf32>
    %add3A_91 = vector.broadcast %get3A_67 : vector<1x512xf32> to vector<256x512xf32>
    %add3A_92 = arith.addf %mul3A_90, %add3A_91 : vector<256x512xf32>
    %swap3A = arith.constant 0 : index
    %swap3A_93 = arith.constant 0 : index
    %swap3A_94 = vector.load %arg13[%swap3A, %swap3A_93] : memref<256x512xf32, #tpu.memory_space<vmem>>, vector<256x512xf32>
    tpu.vector_store %arg13[%swap3A, %swap3A_93], %add3A_92 {strides = array<i32>} : memref<256x512xf32, #tpu.memory_space<vmem>>, vector<256x512xf32>,
    return
  }
  func.func @transform_0(%arg0: i32) -> (i32, i32) {
    %c0_i32 = arith.constant 0 : i32
    %c0_i32_0 = arith.constant 0 : i32
    return %arg0, %c0_i32 : i32, i32
  }
  func.func @transform_1(%arg0: i32) -> (i32, i32) {
    %c0_i32 = arith.constant 0 : i32
    %c0_i32_0 = arith.constant 0 : i32
    return %arg0, %c0_i32 : i32, i32
  }
  func.func @transform_2(%arg0: i32) -> (i32, i32) {
    %c0_i32 = arith.constant 0 : i32
    %c0_i32_0 = arith.constant 0 : i32
    %c0_i32_1 = arith.constant 0 : i32
    return %c0_i32, %c0_i32_0 : i32, i32
  }
  func.func @transform_3(%arg0: i32) -> (i32, i32) {
    %c0_i32 = arith.constant 0 : i32
    %c0_i32_0 = arith.constant 0 : i32
    %c0_i32_1 = arith.constant 0 : i32
    return %c0_i32, %c0_i32_0 : i32, i32
  }
  func.func @transform_4(%arg0: i32) -> (i32, i32) {
    %c0_i32 = arith.constant 0 : i32
    %c0_i32_0 = arith.constant 0 : i32
    %c0_i32_1 = arith.constant 0 : i32
    return %c0_i32, %c0_i32_0 : i32, i32
  }
  func.func @transform_5(%arg0: i32) -> (i32, i32) {
    %c0_i32 = arith.constant 0 : i32
    %c0_i32_0 = arith.constant 0 : i32
    %c0_i32_1 = arith.constant 0 : i32
    return %c0_i32, %c0_i32_0 : i32, i32
  }
  func.func @transform_6(%arg0: i32) -> (i32, i32) {
    %c0_i32 = arith.constant 0 : i32
    %c0_i32_0 = arith.constant 0 : i32
    %c0_i32_1 = arith.constant 0 : i32
    return %c0_i32, %c0_i32_0 : i32, i32
  }
  func.func @transform_7(%arg0: i32) -> (i32, i32) {
    %c0_i32 = arith.constant 0 : i32
    %c0_i32_0 = arith.constant 0 : i32
    %c0_i32_1 = arith.constant 0 : i32
    return %c0_i32, %c0_i32_0 : i32, i32
  }
  func.func @transform_8(%arg0: i32) -> (i32, i32) {
    %c0_i32 = arith.constant 0 : i32
    %c0_i32_0 = arith.constant 0 : i32
    %c0_i32_1 = arith.constant 0 : i32
    return %c0_i32, %c0_i32_0 : i32, i32
  }
  func.func @transform_9(%arg0: i32) -> (i32, i32) {
    %c0_i32 = arith.constant 0 : i32
    %c0_i32_0 = arith.constant 0 : i32
    %c0_i32_1 = arith.constant 0 : i32
    return %c0_i32, %c0_i32_0 : i32, i32
  }
  func.func @transform_10(%arg0: i32) -> (i32, i32) {
    %c0_i32 = arith.constant 0 : i32
    %c0_i32_0 = arith.constant 0 : i32
    %c0_i32_1 = arith.constant 0 : i32
    return %c0_i32, %c0_i32_0 : i32, i32
  }
  func.func @transform_11(%arg0: i32) -> (i32, i32) {
    %c0_i32 = arith.constant 0 : i32
    %c0_i32_0 = arith.constant 0 : i32
    %c0_i32_1 = arith.constant 0 : i32
    return %c0_i32, %c0_i32_0 : i32, i32
  }
  func.func @transform_12(%arg0: i32) -> (i32, i32) {
    %c0_i32 = arith.constant 0 : i32
    %c0_i32_0 = arith.constant 0 : i32
    return %arg0, %c0_i32 : i32, i32
  }
}

module attributes {stable_mosaic.version = 14 : i64} {
  func.func @_pool_body(%arg0: i32, %arg1: memref<256x512xf32, #tpu.memory_space<vmem>>, %arg2: memref<512x512xf32, #tpu.memory_space<vmem>>, %arg3: memref<1x512xf32, #tpu.memory_space<vmem>>, %arg4: memref<1024x512xf32, #tpu.memory_space<vmem>>, %arg5: memref<1x1024xf32, #tpu.memory_space<vmem>>, %arg6: memref<1x1024xf32, #tpu.memory_space<vmem>>) attributes {dimension_semantics = [#tpu.dimension_semantics<arbitrary>], iteration_bounds = array<i64: 8>, scalar_prefetch = 0 : i64, scratch_operands = 0 : i64, tpu.core_type = #tpu.core_type<tc>, window_params = [{transform_indices = @transform_0, window_bounds = array<i64: 256, 512>}, {pipeline_mode = #tpu.pipeline_mode<synchronous>, transform_indices = @transform_1, window_bounds = array<i64: 512, 512>}, {pipeline_mode = #tpu.pipeline_mode<synchronous>, transform_indices = @transform_2, window_bounds = array<i64: 1, 512>}, {pipeline_mode = #tpu.pipeline_mode<synchronous>, transform_indices = @transform_3, window_bounds = array<i64: 1024, 512>}, {pipeline_mode = #tpu.pipeline_mode<synchronous>, transform_indices = @transform_4, window_bounds = array<i64: 1, 1024>}, {pipeline_mode = #tpu.pipeline_mode<synchronous>, transform_indices = @transform_5, window_bounds = array<i64: 1, 1024>}]} {
    %get3A = arith.constant 0 : index
    %get3A_0 = arith.constant 0 : index
    %get3A_1 = vector.load %arg1[%get3A, %get3A_0] : memref<256x512xf32, #tpu.memory_space<vmem>>, vector<256x512xf32>
    %get3A_2 = arith.constant 0 : index
    %get3A_3 = arith.constant 0 : index
    %get3A_4 = vector.load %arg2[%get3A_2, %get3A_3] : memref<512x512xf32, #tpu.memory_space<vmem>>, vector<512x512xf32>
    %dot_general3A = arith.constant dense<0.000000e+00> : vector<256x512xf32>
    %dot_general3A_5 = tpu.matmul %get3A_1, %get3A_4, %dot_general3A {dimension_numbers = #tpu.dot_dimension_numbers<[1], [1], [0], [0], [0, 0, 1, 0], [], []>, transpose_lhs_hint = false} : vector<256x512xf32>, vector<512x512xf32>, vector<256x512xf32> -> vector<256x512xf32>
    %get3A_6 = arith.constant 0 : index
    %get3A_7 = arith.constant 0 : index
    %get3A_8 = vector.load %arg3[%get3A_6, %get3A_7] : memref<1x512xf32, #tpu.memory_space<vmem>>, vector<1x512xf32>
    %add3A = vector.broadcast %get3A_8 : vector<1x512xf32> to vector<256x512xf32>
    %add3A_9 = arith.addf %dot_general3A_5, %add3A : vector<256x512xf32>
    %max3A = arith.constant 0.000000e+00 : f32
    %max3A_10 = vector.broadcast %max3A : f32 to vector<256x512xf32>
    %max3A_11 = arith.maximumf %add3A_9, %max3A_10 : vector<256x512xf32>
    %get3A_12 = arith.constant 0 : index
    %get3A_13 = arith.constant 0 : index
    %get3A_14 = vector.load %arg4[%get3A_12, %get3A_13] : memref<1024x512xf32, #tpu.memory_space<vmem>>, vector<1024x512xf32>
    %dot_general3A_15 = arith.constant dense<0.000000e+00> : vector<256x1024xf32>
    %dot_general3A_16 = tpu.matmul %max3A_11, %get3A_14, %dot_general3A_15 {dimension_numbers = #tpu.dot_dimension_numbers<[1], [1], [0], [0], [0, 0, 1, 0], [], []>, transpose_lhs_hint = false} : vector<256x512xf32>, vector<1024x512xf32>, vector<256x1024xf32> -> vector<256x1024xf32>
    %get3A_17 = arith.constant 0 : index
    %get3A_18 = arith.constant 0 : index
    %get3A_19 = vector.load %arg5[%get3A_17, %get3A_18] : memref<1x1024xf32, #tpu.memory_space<vmem>>, vector<1x1024xf32>
    %add3A_20 = vector.broadcast %get3A_19 : vector<1x1024xf32> to vector<256x1024xf32>
    %add3A_21 = arith.addf %dot_general3A_16, %add3A_20 : vector<256x1024xf32>
    %reduce_max3A = arith.constant dense<0xFF800000> : vector<1024xf32>
    %reduce_max3A_22 = vector.multi_reduction <maximumf>, %add3A_21, %reduce_max3A [0] : vector<256x1024xf32> to vector<1024xf32>
    %broadcast_in_dim3A = vector.shape_cast %reduce_max3A_22 : vector<1024xf32> to vector<1x1024xf32>
    %eq3A = arith.constant 0 : i32
    %eq3A_23 = arith.cmpi eq, %arg0, %eq3A : i32
    %convert_element_type3A = arith.extui %eq3A_23 : i1 to i32
    %cond3A = arith.constant 0 : i32
    %cond3A_24 = arith.cmpi ne, %convert_element_type3A, %cond3A : i32
    scf.if %cond3A_24 {
      %swap3A = arith.constant 0 : index
      %swap3A_29 = arith.constant 0 : index
      %swap3A_30 = vector.load %arg6[%swap3A, %swap3A_29] : memref<1x1024xf32, #tpu.memory_space<vmem>>, vector<1x1024xf32>
      tpu.vector_store %arg6[%swap3A, %swap3A_29], %broadcast_in_dim3A {strides = array<i32>} : memref<1x1024xf32, #tpu.memory_space<vmem>>, vector<1x1024xf32>,
    } else {
    }
    %ne3A = arith.constant 0 : i32
    %ne3A_25 = arith.cmpi ne, %arg0, %ne3A : i32
    %convert_element_type3A_26 = arith.extui %ne3A_25 : i1 to i32
    %cond3A_27 = arith.constant 0 : i32
    %cond3A_28 = arith.cmpi ne, %convert_element_type3A_26, %cond3A_27 : i32
    scf.if %cond3A_28 {
      %get3A_29 = arith.constant 0 : index
      %get3A_30 = arith.constant 0 : index
      %get3A_31 = vector.load %arg6[%get3A_29, %get3A_30] : memref<1x1024xf32, #tpu.memory_space<vmem>>, vector<1x1024xf32>
      %max3A_32 = arith.maximumf %get3A_31, %broadcast_in_dim3A : vector<1x1024xf32>
      %swap3A = arith.constant 0 : index
      %swap3A_33 = arith.constant 0 : index
      %swap3A_34 = vector.load %arg6[%swap3A, %swap3A_33] : memref<1x1024xf32, #tpu.memory_space<vmem>>, vector<1x1024xf32>
      tpu.vector_store %arg6[%swap3A, %swap3A_33], %max3A_32 {strides = array<i32>} : memref<1x1024xf32, #tpu.memory_space<vmem>>, vector<1x1024xf32>,
    } else {
    }
    return
  }
  func.func @transform_0(%arg0: i32) -> (i32, i32) {
    %c0_i32 = arith.constant 0 : i32
    %c0_i32_0 = arith.constant 0 : i32
    return %arg0, %c0_i32 : i32, i32
  }
  func.func @transform_1(%arg0: i32) -> (i32, i32) {
    %c0_i32 = arith.constant 0 : i32
    %c0_i32_0 = arith.constant 0 : i32
    %c0_i32_1 = arith.constant 0 : i32
    return %c0_i32, %c0_i32_0 : i32, i32
  }
  func.func @transform_2(%arg0: i32) -> (i32, i32) {
    %c0_i32 = arith.constant 0 : i32
    %c0_i32_0 = arith.constant 0 : i32
    %c0_i32_1 = arith.constant 0 : i32
    return %c0_i32, %c0_i32_0 : i32, i32
  }
  func.func @transform_3(%arg0: i32) -> (i32, i32) {
    %c0_i32 = arith.constant 0 : i32
    %c0_i32_0 = arith.constant 0 : i32
    %c0_i32_1 = arith.constant 0 : i32
    return %c0_i32, %c0_i32_0 : i32, i32
  }
  func.func @transform_4(%arg0: i32) -> (i32, i32) {
    %c0_i32 = arith.constant 0 : i32
    %c0_i32_0 = arith.constant 0 : i32
    %c0_i32_1 = arith.constant 0 : i32
    return %c0_i32, %c0_i32_0 : i32, i32
  }
  func.func @transform_5(%arg0: i32) -> (i32, i32) {
    %c0_i32 = arith.constant 0 : i32
    %c0_i32_0 = arith.constant 0 : i32
    %c0_i32_1 = arith.constant 0 : i32
    return %c0_i32, %c0_i32_0 : i32, i32
  }
}

module attributes {stable_mosaic.version = 14 : i64} {
  func.func @_sa1_body(%arg0: i32, %arg1: memref<256x259xf32, #tpu.memory_space<vmem>>, %arg2: memref<8x3xf32, #tpu.memory_space<vmem>>, %arg3: memref<256x384xf32, #tpu.memory_space<vmem>>, %arg4: memref<1x256xf32, #tpu.memory_space<vmem>>, %arg5: memref<256x256xf32, #tpu.memory_space<vmem>>, %arg6: memref<2x256xf32, #tpu.memory_space<vmem>>) attributes {dimension_semantics = [#tpu.dimension_semantics<arbitrary>], iteration_bounds = array<i64: 16>, scalar_prefetch = 0 : i64, scratch_operands = 0 : i64, tpu.core_type = #tpu.core_type<tc>, window_params = [{transform_indices = @transform_0, window_bounds = array<i64: 256, 259>}, {transform_indices = @transform_1, window_bounds = array<i64: 8, 3>}, {pipeline_mode = #tpu.pipeline_mode<synchronous>, transform_indices = @transform_2, window_bounds = array<i64: 256, 384>}, {pipeline_mode = #tpu.pipeline_mode<synchronous>, transform_indices = @transform_3, window_bounds = array<i64: 1, 256>}, {transform_indices = @transform_4, window_bounds = array<i64: 256, 256>}, {pipeline_mode = #tpu.pipeline_mode<synchronous>, transform_indices = @transform_5, window_bounds = array<i64: 2, 256>}]} {
    %iota3A = tpu.iota {dimensions = array<i32: 0>} : vector<256x8xi32>
    %jit3A = arith.constant 32 : i32
    %div3A = vector.broadcast %jit3A : i32 to vector<256x8xi32>
    %div3A_0 = arith.divsi %iota3A, %div3A : vector<256x8xi32>
    %sign3A = arith.constant 0 : i32
    %sign3A_1 = vector.broadcast %sign3A : i32 to vector<256x8xi32>
    %sign3A_2 = arith.cmpi sgt, %iota3A, %sign3A_1 : vector<256x8xi32>
    %sign3A_3 = arith.extui %sign3A_2 : vector<256x8xi1> to vector<256x8xi32>
    %sign3A_4 = arith.constant 0 : i32
    %sign3A_5 = vector.broadcast %sign3A_4 : i32 to vector<256x8xi32>
    %sign3A_6 = arith.cmpi slt, %iota3A, %sign3A_5 : vector<256x8xi32>
    %sign3A_7 = arith.extui %sign3A_6 : vector<256x8xi1> to vector<256x8xi32>
    %sign3A_8 = arith.subi %sign3A_3, %sign3A_7 : vector<256x8xi32>
    %sign3A_9 = arith.constant 0 : i32
    %sign3A_10 = arith.cmpi sgt, %jit3A, %sign3A_9 : i32
    %sign3A_11 = arith.extui %sign3A_10 : i1 to i32
    %sign3A_12 = arith.constant 0 : i32
    %sign3A_13 = arith.cmpi slt, %jit3A, %sign3A_12 : i32
    %sign3A_14 = arith.extui %sign3A_13 : i1 to i32
    %sign3A_15 = arith.subi %sign3A_11, %sign3A_14 : i32
    %ne3A = vector.broadcast %sign3A_15 : i32 to vector<256x8xi32>
    %ne3A_16 = arith.cmpi ne, %sign3A_8, %ne3A : vector<256x8xi32>
    %rem3A = vector.broadcast %jit3A : i32 to vector<256x8xi32>
    %rem3A_17 = arith.remsi %iota3A, %rem3A : vector<256x8xi32>
    %ne3A_18 = arith.constant 0 : i32
    %ne3A_19 = vector.broadcast %ne3A_18 : i32 to vector<256x8xi32>
    %ne3A_20 = arith.cmpi ne, %rem3A_17, %ne3A_19 : vector<256x8xi32>
    %and3A = arith.andi %ne3A_16, %ne3A_20 : vector<256x8xi1>
    %sub3A = arith.constant 1 : i32
    %sub3A_21 = vector.broadcast %sub3A : i32 to vector<256x8xi32>
    %sub3A_22 = arith.subi %div3A_0, %sub3A_21 : vector<256x8xi32>
    %select_n3A = arith.select %and3A, %sub3A_22, %div3A_0 : vector<256x8xi1>, vector<256x8xi32>
    %iota3A_23 = tpu.iota {dimensions = array<i32: 1>} : vector<256x8xi32>
    %eq3A = arith.cmpi eq, %select_n3A, %iota3A_23 : vector<256x8xi32>
    %jit3A_24 = arith.constant 1.000000e+00 : f32
    %jit3A_25 = arith.constant 0.000000e+00 : f32
    %broadcast_in_dim3A = vector.broadcast %jit3A_24 : f32 to vector<256x8xf32>
    %broadcast_in_dim3A_26 = vector.broadcast %jit3A_25 : f32 to vector<256x8xf32>
    %select_n3A_27 = arith.select %eq3A, %broadcast_in_dim3A, %broadcast_in_dim3A_26 : vector<256x8xi1>, vector<256x8xf32>
    %get3A = arith.constant 0 : index
    %get3A_28 = arith.constant 0 : index
    %get3A_29 = vector.load %arg2[%get3A, %get3A_28] : memref<8x3xf32, #tpu.memory_space<vmem>>, vector<8x3xf32>
    %dot_general3A = arith.constant dense<0.000000e+00> : vector<256x3xf32>
    %dot_general3A_30 = tpu.matmul %select_n3A_27, %get3A_29, %dot_general3A {dimension_numbers = #tpu.dot_dimension_numbers<[1], [0], [0], [1], [0, 0, 1, 1], [], []>, precision = #tpu.contract_precision<fp32>, transpose_lhs_hint = false} : vector<256x8xf32>, vector<8x3xf32>, vector<256x3xf32> -> vector<256x3xf32>
    %get3A_31 = arith.constant 0 : index
    %get3A_32 = arith.constant 256 : index
    %get3A_33 = vector.load %arg1[%get3A_31, %get3A_32] : memref<256x259xf32, #tpu.memory_space<vmem>>, vector<256x3xf32>
    %sub3A_34 = arith.subf %get3A_33, %dot_general3A_30 : vector<256x3xf32>
    %broadcast_in_dim3A_35 = arith.constant 0.000000e+00 : f32
    %broadcast_in_dim3A_36 = vector.broadcast %broadcast_in_dim3A_35 : f32 to vector<256x125xf32>
    %get3A_37 = arith.constant 0 : index
    %get3A_38 = arith.constant 0 : index
    %get3A_39 = vector.load %arg1[%get3A_37, %get3A_38] : memref<256x259xf32, #tpu.memory_space<vmem>>, vector<256x256xf32>
    %concatenate3A = tpu.concatenate %sub3A_34, %get3A_39, %broadcast_in_dim3A_36 in 1 : vector<256x3xf32>, vector<256x256xf32>, vector<256x125xf32> -> vector<256x384xf32>
    %get3A_40 = arith.constant 0 : index
    %get3A_41 = arith.constant 0 : index
    %get3A_42 = vector.load %arg3[%get3A_40, %get3A_41] : memref<256x384xf32, #tpu.memory_space<vmem>>, vector<256x384xf32>
    %dot_general3A_43 = arith.constant dense<0.000000e+00> : vector<256x256xf32>
    %dot_general3A_44 = tpu.matmul %concatenate3A, %get3A_42, %dot_general3A_43 {dimension_numbers = #tpu.dot_dimension_numbers<[1], [1], [0], [0], [0, 0, 1, 0], [], []>, transpose_lhs_hint = false} : vector<256x384xf32>, vector<256x384xf32>, vector<256x256xf32> -> vector<256x256xf32>
    %get3A_45 = arith.constant 0 : index
    %get3A_46 = arith.constant 0 : index
    %get3A_47 = vector.load %arg4[%get3A_45, %get3A_46] : memref<1x256xf32, #tpu.memory_space<vmem>>, vector<1x256xf32>
    %add3A = vector.broadcast %get3A_47 : vector<1x256xf32> to vector<256x256xf32>
    %add3A_48 = arith.addf %dot_general3A_44, %add3A : vector<256x256xf32>
    %swap3A = arith.constant 0 : index
    %swap3A_49 = arith.constant 0 : index
    %swap3A_50 = vector.load %arg5[%swap3A, %swap3A_49] : memref<256x256xf32, #tpu.memory_space<vmem>>, vector<256x256xf32>
    tpu.vector_store %arg5[%swap3A, %swap3A_49], %add3A_48 {strides = array<i32>} : memref<256x256xf32, #tpu.memory_space<vmem>>, vector<256x256xf32>,
    %reduce_sum3A = arith.constant dense<0.000000e+00> : vector<256xf32>
    %reduce_sum3A_51 = vector.multi_reduction <add>, %add3A_48, %reduce_sum3A [0] : vector<256x256xf32> to vector<256xf32>
    %broadcast_in_dim3A_52 = vector.shape_cast %reduce_sum3A_51 : vector<256xf32> to vector<1x256xf32>
    %mul3A = arith.mulf %add3A_48, %add3A_48 : vector<256x256xf32>
    %reduce_sum3A_53 = arith.constant dense<0.000000e+00> : vector<256xf32>
    %reduce_sum3A_54 = vector.multi_reduction <add>, %mul3A, %reduce_sum3A_53 [0] : vector<256x256xf32> to vector<256xf32>
    %broadcast_in_dim3A_55 = vector.shape_cast %reduce_sum3A_54 : vector<256xf32> to vector<1x256xf32>
    %concatenate3A_56 = tpu.concatenate %broadcast_in_dim3A_52, %broadcast_in_dim3A_55 in 0 : vector<1x256xf32>, vector<1x256xf32> -> vector<2x256xf32>
    %eq3A_57 = arith.constant 0 : i32
    %eq3A_58 = arith.cmpi eq, %arg0, %eq3A_57 : i32
    %convert_element_type3A = arith.extui %eq3A_58 : i1 to i32
    %cond3A = arith.constant 0 : i32
    %cond3A_59 = arith.cmpi ne, %convert_element_type3A, %cond3A : i32
    scf.if %cond3A_59 {
      %swap3A_65 = arith.constant 0 : index
      %swap3A_66 = arith.constant 0 : index
      %swap3A_67 = vector.load %arg6[%swap3A_65, %swap3A_66] : memref<2x256xf32, #tpu.memory_space<vmem>>, vector<2x256xf32>
      tpu.vector_store %arg6[%swap3A_65, %swap3A_66], %concatenate3A_56 {strides = array<i32>} : memref<2x256xf32, #tpu.memory_space<vmem>>, vector<2x256xf32>,
    } else {
    }
    %ne3A_60 = arith.constant 0 : i32
    %ne3A_61 = arith.cmpi ne, %arg0, %ne3A_60 : i32
    %convert_element_type3A_62 = arith.extui %ne3A_61 : i1 to i32
    %cond3A_63 = arith.constant 0 : i32
    %cond3A_64 = arith.cmpi ne, %convert_element_type3A_62, %cond3A_63 : i32
    scf.if %cond3A_64 {
      %get3A_65 = arith.constant 0 : index
      %get3A_66 = arith.constant 0 : index
      %get3A_67 = vector.load %arg6[%get3A_65, %get3A_66] : memref<2x256xf32, #tpu.memory_space<vmem>>, vector<2x256xf32>
      %add3A_68 = arith.addf %get3A_67, %concatenate3A_56 : vector<2x256xf32>
      %swap3A_69 = arith.constant 0 : index
      %swap3A_70 = arith.constant 0 : index
      %swap3A_71 = vector.load %arg6[%swap3A_69, %swap3A_70] : memref<2x256xf32, #tpu.memory_space<vmem>>, vector<2x256xf32>
      tpu.vector_store %arg6[%swap3A_69, %swap3A_70], %add3A_68 {strides = array<i32>} : memref<2x256xf32, #tpu.memory_space<vmem>>, vector<2x256xf32>,
    } else {
    }
    return
  }
  func.func @transform_0(%arg0: i32) -> (i32, i32) {
    %c0_i32 = arith.constant 0 : i32
    %c0_i32_0 = arith.constant 0 : i32
    return %arg0, %c0_i32 : i32, i32
  }
  func.func @transform_1(%arg0: i32) -> (i32, i32) {
    %c0_i32 = arith.constant 0 : i32
    %c0_i32_0 = arith.constant 0 : i32
    return %arg0, %c0_i32 : i32, i32
  }
  func.func @transform_2(%arg0: i32) -> (i32, i32) {
    %c0_i32 = arith.constant 0 : i32
    %c0_i32_0 = arith.constant 0 : i32
    %c0_i32_1 = arith.constant 0 : i32
    return %c0_i32, %c0_i32_0 : i32, i32
  }
  func.func @transform_3(%arg0: i32) -> (i32, i32) {
    %c0_i32 = arith.constant 0 : i32
    %c0_i32_0 = arith.constant 0 : i32
    %c0_i32_1 = arith.constant 0 : i32
    return %c0_i32, %c0_i32_0 : i32, i32
  }
  func.func @transform_4(%arg0: i32) -> (i32, i32) {
    %c0_i32 = arith.constant 0 : i32
    %c0_i32_0 = arith.constant 0 : i32
    return %arg0, %c0_i32 : i32, i32
  }
  func.func @transform_5(%arg0: i32) -> (i32, i32) {
    %c0_i32 = arith.constant 0 : i32
    %c0_i32_0 = arith.constant 0 : i32
    %c0_i32_1 = arith.constant 0 : i32
    return %c0_i32, %c0_i32_0 : i32, i32
  }
}

module attributes {stable_mosaic.version = 14 : i64} {
  func.func @_ssq_body(%arg0: i32, %arg1: memref<256x256xf32, #tpu.memory_space<vmem>>, %arg2: memref<2x256xf32, #tpu.memory_space<vmem>>, %arg3: memref<1x256xf32, #tpu.memory_space<vmem>>) attributes {dimension_semantics = [#tpu.dimension_semantics<arbitrary>], iteration_bounds = array<i64: 16>, scalar_prefetch = 0 : i64, scratch_operands = 0 : i64, tpu.core_type = #tpu.core_type<tc>, window_params = [{transform_indices = @transform_0, window_bounds = array<i64: 256, 256>}, {pipeline_mode = #tpu.pipeline_mode<synchronous>, transform_indices = @transform_1, window_bounds = array<i64: 2, 256>}, {pipeline_mode = #tpu.pipeline_mode<synchronous>, transform_indices = @transform_2, window_bounds = array<i64: 1, 256>}]} {
    %get3A = arith.constant 0 : index
    %get3A_0 = arith.constant 0 : index
    %get3A_1 = vector.load %arg2[%get3A, %get3A_0] : memref<2x256xf32, #tpu.memory_space<vmem>>, vector<1x256xf32>
    %div3A = arith.constant 4.096000e+03 : f32
    %div3A_2 = vector.broadcast %div3A : f32 to vector<1x256xf32>
    %div3A_3 = arith.divf %get3A_1, %div3A_2 : vector<1x256xf32>
    %get3A_4 = arith.constant 0 : index
    %get3A_5 = arith.constant 0 : index
    %get3A_6 = vector.load %arg1[%get3A_4, %get3A_5] : memref<256x256xf32, #tpu.memory_space<vmem>>, vector<256x256xf32>
    %sub3A = vector.broadcast %div3A_3 : vector<1x256xf32> to vector<256x256xf32>
    %sub3A_7 = arith.subf %get3A_6, %sub3A : vector<256x256xf32>
    %mul3A = arith.mulf %sub3A_7, %sub3A_7 : vector<256x256xf32>
    %reduce_sum3A = arith.constant dense<0.000000e+00> : vector<256xf32>
    %reduce_sum3A_8 = vector.multi_reduction <add>, %mul3A, %reduce_sum3A [0] : vector<256x256xf32> to vector<256xf32>
    %broadcast_in_dim3A = vector.shape_cast %reduce_sum3A_8 : vector<256xf32> to vector<1x256xf32>
    %eq3A = arith.constant 0 : i32
    %eq3A_9 = arith.cmpi eq, %arg0, %eq3A : i32
    %convert_element_type3A = arith.extui %eq3A_9 : i1 to i32
    %cond3A = arith.constant 0 : i32
    %cond3A_10 = arith.cmpi ne, %convert_element_type3A, %cond3A : i32
    scf.if %cond3A_10 {
      %swap3A = arith.constant 0 : index
      %swap3A_15 = arith.constant 0 : index
      %swap3A_16 = vector.load %arg3[%swap3A, %swap3A_15] : memref<1x256xf32, #tpu.memory_space<vmem>>, vector<1x256xf32>
      tpu.vector_store %arg3[%swap3A, %swap3A_15], %broadcast_in_dim3A {strides = array<i32>} : memref<1x256xf32, #tpu.memory_space<vmem>>, vector<1x256xf32>,
    } else {
    }
    %ne3A = arith.constant 0 : i32
    %ne3A_11 = arith.cmpi ne, %arg0, %ne3A : i32
    %convert_element_type3A_12 = arith.extui %ne3A_11 : i1 to i32
    %cond3A_13 = arith.constant 0 : i32
    %cond3A_14 = arith.cmpi ne, %convert_element_type3A_12, %cond3A_13 : i32
    scf.if %cond3A_14 {
      %get3A_15 = arith.constant 0 : index
      %get3A_16 = arith.constant 0 : index
      %get3A_17 = vector.load %arg3[%get3A_15, %get3A_16] : memref<1x256xf32, #tpu.memory_space<vmem>>, vector<1x256xf32>
      %add3A = arith.addf %get3A_17, %broadcast_in_dim3A : vector<1x256xf32>
      %swap3A = arith.constant 0 : index
      %swap3A_18 = arith.constant 0 : index
      %swap3A_19 = vector.load %arg3[%swap3A, %swap3A_18] : memref<1x256xf32, #tpu.memory_space<vmem>>, vector<1x256xf32>
      tpu.vector_store %arg3[%swap3A, %swap3A_18], %add3A {strides = array<i32>} : memref<1x256xf32, #tpu.memory_space<vmem>>, vector<1x256xf32>,
    } else {
    }
    return
  }
  func.func @transform_0(%arg0: i32) -> (i32, i32) {
    %c0_i32 = arith.constant 0 : i32
    %c0_i32_0 = arith.constant 0 : i32
    return %arg0, %c0_i32 : i32, i32
  }
  func.func @transform_1(%arg0: i32) -> (i32, i32) {
    %c0_i32 = arith.constant 0 : i32
    %c0_i32_0 = arith.constant 0 : i32
    %c0_i32_1 = arith.constant 0 : i32
    return %c0_i32, %c0_i32_0 : i32, i32
  }
  func.func @transform_2(%arg0: i32) -> (i32, i32) {
    %c0_i32 = arith.constant 0 : i32
    %c0_i32_0 = arith.constant 0 : i32
    %c0_i32_1 = arith.constant 0 : i32
    return %c0_i32, %c0_i32_0 : i32, i32
  }
}

module attributes {stable_mosaic.version = 14 : i64} {
  func.func @_sa_mid_body(%arg0: i32, %arg1: memref<256x256xf32, #tpu.memory_space<vmem>>, %arg2: memref<2x256xf32, #tpu.memory_space<vmem>>, %arg3: memref<1x256xf32, #tpu.memory_space<vmem>>, %arg4: memref<1x256xf32, #tpu.memory_space<vmem>>, %arg5: memref<1x256xf32, #tpu.memory_space<vmem>>, %arg6: memref<256x256xf32, #tpu.memory_space<vmem>>, %arg7: memref<1x256xf32, #tpu.memory_space<vmem>>, %arg8: memref<256x256xf32, #tpu.memory_space<vmem>>, %arg9: memref<2x256xf32, #tpu.memory_space<vmem>>) attributes {dimension_semantics = [#tpu.dimension_semantics<arbitrary>], iteration_bounds = array<i64: 16>, scalar_prefetch = 0 : i64, scratch_operands = 0 : i64, tpu.core_type = #tpu.core_type<tc>, window_params = [{transform_indices = @transform_0, window_bounds = array<i64: 256, 256>}, {pipeline_mode = #tpu.pipeline_mode<synchronous>, transform_indices = @transform_1, window_bounds = array<i64: 2, 256>}, {pipeline_mode = #tpu.pipeline_mode<synchronous>, transform_indices = @transform_2, window_bounds = array<i64: 1, 256>}, {pipeline_mode = #tpu.pipeline_mode<synchronous>, transform_indices = @transform_3, window_bounds = array<i64: 1, 256>}, {pipeline_mode = #tpu.pipeline_mode<synchronous>, transform_indices = @transform_4, window_bounds = array<i64: 1, 256>}, {pipeline_mode = #tpu.pipeline_mode<synchronous>, transform_indices = @transform_5, window_bounds = array<i64: 256, 256>}, {pipeline_mode = #tpu.pipeline_mode<synchronous>, transform_indices = @transform_6, window_bounds = array<i64: 1, 256>}, {transform_indices = @transform_7, window_bounds = array<i64: 256, 256>}, {pipeline_mode = #tpu.pipeline_mode<synchronous>, transform_indices = @transform_8, window_bounds = array<i64: 2, 256>}]} {
    %get3A = arith.constant 0 : index
    %get3A_0 = arith.constant 0 : index
    %get3A_1 = vector.load %arg1[%get3A, %get3A_0] : memref<256x256xf32, #tpu.memory_space<vmem>>, vector<256x256xf32>
    %get3A_2 = arith.constant 0 : index
    %get3A_3 = arith.constant 0 : index
    %get3A_4 = vector.load %arg2[%get3A_2, %get3A_3] : memref<2x256xf32, #tpu.memory_space<vmem>>, vector<1x256xf32>
    %div3A = arith.constant 4.096000e+03 : f32
    %div3A_5 = vector.broadcast %div3A : f32 to vector<1x256xf32>
    %div3A_6 = arith.divf %get3A_4, %div3A_5 : vector<1x256xf32>
    %get3A_7 = arith.constant 0 : index
    %get3A_8 = arith.constant 0 : index
    %get3A_9 = vector.load %arg3[%get3A_7, %get3A_8] : memref<1x256xf32, #tpu.memory_space<vmem>>, vector<1x256xf32>
    %div3A_10 = arith.constant 4.096000e+03 : f32
    %div3A_11 = vector.broadcast %div3A_10 : f32 to vector<1x256xf32>
    %div3A_12 = arith.divf %get3A_9, %div3A_11 : vector<1x256xf32>
    %sub3A = vector.broadcast %div3A_6 : vector<1x256xf32> to vector<256x256xf32>
    %sub3A_13 = arith.subf %get3A_1, %sub3A : vector<256x256xf32>
    %add3A = arith.constant 9.99999974E-6 : f32
    %add3A_14 = vector.broadcast %add3A : f32 to vector<1x256xf32>
    %add3A_15 = arith.addf %div3A_12, %add3A_14 : vector<1x256xf32>
    %sqrt3A = math.sqrt %add3A_15 : vector<1x256xf32>
    %div3A_16 = vector.broadcast %sqrt3A : vector<1x256xf32> to vector<256x256xf32>
    %div3A_17 = arith.divf %sub3A_13, %div3A_16 : vector<256x256xf32>
    %get3A_18 = arith.constant 0 : index
    %get3A_19 = arith.constant 0 : index
    %get3A_20 = vector.load %arg4[%get3A_18, %get3A_19] : memref<1x256xf32, #tpu.memory_space<vmem>>, vector<1x256xf32>
    %mul3A = vector.broadcast %get3A_20 : vector<1x256xf32> to vector<256x256xf32>
    %mul3A_21 = arith.mulf %div3A_17, %mul3A : vector<256x256xf32>
    %get3A_22 = arith.constant 0 : index
    %get3A_23 = arith.constant 0 : index
    %get3A_24 = vector.load %arg5[%get3A_22, %get3A_23] : memref<1x256xf32, #tpu.memory_space<vmem>>, vector<1x256xf32>
    %add3A_25 = vector.broadcast %get3A_24 : vector<1x256xf32> to vector<256x256xf32>
    %add3A_26 = arith.addf %mul3A_21, %add3A_25 : vector<256x256xf32>
    %max3A = arith.constant 0.000000e+00 : f32
    %max3A_27 = vector.broadcast %max3A : f32 to vector<256x256xf32>
    %max3A_28 = arith.maximumf %add3A_26, %max3A_27 : vector<256x256xf32>
    %get3A_29 = arith.constant 0 : index
    %get3A_30 = arith.constant 0 : index
    %get3A_31 = vector.load %arg6[%get3A_29, %get3A_30] : memref<256x256xf32, #tpu.memory_space<vmem>>, vector<256x256xf32>
    %dot_general3A = arith.constant dense<0.000000e+00> : vector<256x256xf32>
    %dot_general3A_32 = tpu.matmul %max3A_28, %get3A_31, %dot_general3A {dimension_numbers = #tpu.dot_dimension_numbers<[1], [1], [0], [0], [0, 0, 1, 0], [], []>, transpose_lhs_hint = false} : vector<256x256xf32>, vector<256x256xf32>, vector<256x256xf32> -> vector<256x256xf32>
    %get3A_33 = arith.constant 0 : index
    %get3A_34 = arith.constant 0 : index
    %get3A_35 = vector.load %arg7[%get3A_33, %get3A_34] : memref<1x256xf32, #tpu.memory_space<vmem>>, vector<1x256xf32>
    %add3A_36 = vector.broadcast %get3A_35 : vector<1x256xf32> to vector<256x256xf32>
    %add3A_37 = arith.addf %dot_general3A_32, %add3A_36 : vector<256x256xf32>
    %swap3A = arith.constant 0 : index
    %swap3A_38 = arith.constant 0 : index
    %swap3A_39 = vector.load %arg8[%swap3A, %swap3A_38] : memref<256x256xf32, #tpu.memory_space<vmem>>, vector<256x256xf32>
    tpu.vector_store %arg8[%swap3A, %swap3A_38], %add3A_37 {strides = array<i32>} : memref<256x256xf32, #tpu.memory_space<vmem>>, vector<256x256xf32>,
    %reduce_sum3A = arith.constant dense<0.000000e+00> : vector<256xf32>
    %reduce_sum3A_40 = vector.multi_reduction <add>, %add3A_37, %reduce_sum3A [0] : vector<256x256xf32> to vector<256xf32>
    %broadcast_in_dim3A = vector.shape_cast %reduce_sum3A_40 : vector<256xf32> to vector<1x256xf32>
    %mul3A_41 = arith.mulf %add3A_37, %add3A_37 : vector<256x256xf32>
    %reduce_sum3A_42 = arith.constant dense<0.000000e+00> : vector<256xf32>
    %reduce_sum3A_43 = vector.multi_reduction <add>, %mul3A_41, %reduce_sum3A_42 [0] : vector<256x256xf32> to vector<256xf32>
    %broadcast_in_dim3A_44 = vector.shape_cast %reduce_sum3A_43 : vector<256xf32> to vector<1x256xf32>
    %concatenate3A = tpu.concatenate %broadcast_in_dim3A, %broadcast_in_dim3A_44 in 0 : vector<1x256xf32>, vector<1x256xf32> -> vector<2x256xf32>
    %eq3A = arith.constant 0 : i32
    %eq3A_45 = arith.cmpi eq, %arg0, %eq3A : i32
    %convert_element_type3A = arith.extui %eq3A_45 : i1 to i32
    %cond3A = arith.constant 0 : i32
    %cond3A_46 = arith.cmpi ne, %convert_element_type3A, %cond3A : i32
    scf.if %cond3A_46 {
      %swap3A_51 = arith.constant 0 : index
      %swap3A_52 = arith.constant 0 : index
      %swap3A_53 = vector.load %arg9[%swap3A_51, %swap3A_52] : memref<2x256xf32, #tpu.memory_space<vmem>>, vector<2x256xf32>
      tpu.vector_store %arg9[%swap3A_51, %swap3A_52], %concatenate3A {strides = array<i32>} : memref<2x256xf32, #tpu.memory_space<vmem>>, vector<2x256xf32>,
    } else {
    }
    %ne3A = arith.constant 0 : i32
    %ne3A_47 = arith.cmpi ne, %arg0, %ne3A : i32
    %convert_element_type3A_48 = arith.extui %ne3A_47 : i1 to i32
    %cond3A_49 = arith.constant 0 : i32
    %cond3A_50 = arith.cmpi ne, %convert_element_type3A_48, %cond3A_49 : i32
    scf.if %cond3A_50 {
      %get3A_51 = arith.constant 0 : index
      %get3A_52 = arith.constant 0 : index
      %get3A_53 = vector.load %arg9[%get3A_51, %get3A_52] : memref<2x256xf32, #tpu.memory_space<vmem>>, vector<2x256xf32>
      %add3A_54 = arith.addf %get3A_53, %concatenate3A : vector<2x256xf32>
      %swap3A_55 = arith.constant 0 : index
      %swap3A_56 = arith.constant 0 : index
      %swap3A_57 = vector.load %arg9[%swap3A_55, %swap3A_56] : memref<2x256xf32, #tpu.memory_space<vmem>>, vector<2x256xf32>
      tpu.vector_store %arg9[%swap3A_55, %swap3A_56], %add3A_54 {strides = array<i32>} : memref<2x256xf32, #tpu.memory_space<vmem>>, vector<2x256xf32>,
    } else {
    }
    return
  }
  func.func @transform_0(%arg0: i32) -> (i32, i32) {
    %c0_i32 = arith.constant 0 : i32
    %c0_i32_0 = arith.constant 0 : i32
    return %arg0, %c0_i32 : i32, i32
  }
  func.func @transform_1(%arg0: i32) -> (i32, i32) {
    %c0_i32 = arith.constant 0 : i32
    %c0_i32_0 = arith.constant 0 : i32
    %c0_i32_1 = arith.constant 0 : i32
    return %c0_i32, %c0_i32_0 : i32, i32
  }
  func.func @transform_2(%arg0: i32) -> (i32, i32) {
    %c0_i32 = arith.constant 0 : i32
    %c0_i32_0 = arith.constant 0 : i32
    %c0_i32_1 = arith.constant 0 : i32
    return %c0_i32, %c0_i32_0 : i32, i32
  }
  func.func @transform_3(%arg0: i32) -> (i32, i32) {
    %c0_i32 = arith.constant 0 : i32
    %c0_i32_0 = arith.constant 0 : i32
    %c0_i32_1 = arith.constant 0 : i32
    return %c0_i32, %c0_i32_0 : i32, i32
  }
  func.func @transform_4(%arg0: i32) -> (i32, i32) {
    %c0_i32 = arith.constant 0 : i32
    %c0_i32_0 = arith.constant 0 : i32
    %c0_i32_1 = arith.constant 0 : i32
    return %c0_i32, %c0_i32_0 : i32, i32
  }
  func.func @transform_5(%arg0: i32) -> (i32, i32) {
    %c0_i32 = arith.constant 0 : i32
    %c0_i32_0 = arith.constant 0 : i32
    %c0_i32_1 = arith.constant 0 : i32
    return %c0_i32, %c0_i32_0 : i32, i32
  }
  func.func @transform_6(%arg0: i32) -> (i32, i32) {
    %c0_i32 = arith.constant 0 : i32
    %c0_i32_0 = arith.constant 0 : i32
    %c0_i32_1 = arith.constant 0 : i32
    return %c0_i32, %c0_i32_0 : i32, i32
  }
  func.func @transform_7(%arg0: i32) -> (i32, i32) {
    %c0_i32 = arith.constant 0 : i32
    %c0_i32_0 = arith.constant 0 : i32
    return %arg0, %c0_i32 : i32, i32
  }
  func.func @transform_8(%arg0: i32) -> (i32, i32) {
    %c0_i32 = arith.constant 0 : i32
    %c0_i32_0 = arith.constant 0 : i32
    %c0_i32_1 = arith.constant 0 : i32
    return %c0_i32, %c0_i32_0 : i32, i32
  }
}

module attributes {stable_mosaic.version = 14 : i64} {
  func.func @_sa_mid_body(%arg0: i32, %arg1: memref<256x256xf32, #tpu.memory_space<vmem>>, %arg2: memref<2x256xf32, #tpu.memory_space<vmem>>, %arg3: memref<1x256xf32, #tpu.memory_space<vmem>>, %arg4: memref<1x256xf32, #tpu.memory_space<vmem>>, %arg5: memref<1x256xf32, #tpu.memory_space<vmem>>, %arg6: memref<512x256xf32, #tpu.memory_space<vmem>>, %arg7: memref<1x512xf32, #tpu.memory_space<vmem>>, %arg8: memref<256x512xf32, #tpu.memory_space<vmem>>, %arg9: memref<2x512xf32, #tpu.memory_space<vmem>>) attributes {dimension_semantics = [#tpu.dimension_semantics<arbitrary>], iteration_bounds = array<i64: 16>, scalar_prefetch = 0 : i64, scratch_operands = 0 : i64, tpu.core_type = #tpu.core_type<tc>, window_params = [{transform_indices = @transform_0, window_bounds = array<i64: 256, 256>}, {pipeline_mode = #tpu.pipeline_mode<synchronous>, transform_indices = @transform_1, window_bounds = array<i64: 2, 256>}, {pipeline_mode = #tpu.pipeline_mode<synchronous>, transform_indices = @transform_2, window_bounds = array<i64: 1, 256>}, {pipeline_mode = #tpu.pipeline_mode<synchronous>, transform_indices = @transform_3, window_bounds = array<i64: 1, 256>}, {pipeline_mode = #tpu.pipeline_mode<synchronous>, transform_indices = @transform_4, window_bounds = array<i64: 1, 256>}, {pipeline_mode = #tpu.pipeline_mode<synchronous>, transform_indices = @transform_5, window_bounds = array<i64: 512, 256>}, {pipeline_mode = #tpu.pipeline_mode<synchronous>, transform_indices = @transform_6, window_bounds = array<i64: 1, 512>}, {transform_indices = @transform_7, window_bounds = array<i64: 256, 512>}, {pipeline_mode = #tpu.pipeline_mode<synchronous>, transform_indices = @transform_8, window_bounds = array<i64: 2, 512>}]} {
    %get3A = arith.constant 0 : index
    %get3A_0 = arith.constant 0 : index
    %get3A_1 = vector.load %arg1[%get3A, %get3A_0] : memref<256x256xf32, #tpu.memory_space<vmem>>, vector<256x256xf32>
    %get3A_2 = arith.constant 0 : index
    %get3A_3 = arith.constant 0 : index
    %get3A_4 = vector.load %arg2[%get3A_2, %get3A_3] : memref<2x256xf32, #tpu.memory_space<vmem>>, vector<1x256xf32>
    %div3A = arith.constant 4.096000e+03 : f32
    %div3A_5 = vector.broadcast %div3A : f32 to vector<1x256xf32>
    %div3A_6 = arith.divf %get3A_4, %div3A_5 : vector<1x256xf32>
    %get3A_7 = arith.constant 0 : index
    %get3A_8 = arith.constant 0 : index
    %get3A_9 = vector.load %arg3[%get3A_7, %get3A_8] : memref<1x256xf32, #tpu.memory_space<vmem>>, vector<1x256xf32>
    %div3A_10 = arith.constant 4.096000e+03 : f32
    %div3A_11 = vector.broadcast %div3A_10 : f32 to vector<1x256xf32>
    %div3A_12 = arith.divf %get3A_9, %div3A_11 : vector<1x256xf32>
    %sub3A = vector.broadcast %div3A_6 : vector<1x256xf32> to vector<256x256xf32>
    %sub3A_13 = arith.subf %get3A_1, %sub3A : vector<256x256xf32>
    %add3A = arith.constant 9.99999974E-6 : f32
    %add3A_14 = vector.broadcast %add3A : f32 to vector<1x256xf32>
    %add3A_15 = arith.addf %div3A_12, %add3A_14 : vector<1x256xf32>
    %sqrt3A = math.sqrt %add3A_15 : vector<1x256xf32>
    %div3A_16 = vector.broadcast %sqrt3A : vector<1x256xf32> to vector<256x256xf32>
    %div3A_17 = arith.divf %sub3A_13, %div3A_16 : vector<256x256xf32>
    %get3A_18 = arith.constant 0 : index
    %get3A_19 = arith.constant 0 : index
    %get3A_20 = vector.load %arg4[%get3A_18, %get3A_19] : memref<1x256xf32, #tpu.memory_space<vmem>>, vector<1x256xf32>
    %mul3A = vector.broadcast %get3A_20 : vector<1x256xf32> to vector<256x256xf32>
    %mul3A_21 = arith.mulf %div3A_17, %mul3A : vector<256x256xf32>
    %get3A_22 = arith.constant 0 : index
    %get3A_23 = arith.constant 0 : index
    %get3A_24 = vector.load %arg5[%get3A_22, %get3A_23] : memref<1x256xf32, #tpu.memory_space<vmem>>, vector<1x256xf32>
    %add3A_25 = vector.broadcast %get3A_24 : vector<1x256xf32> to vector<256x256xf32>
    %add3A_26 = arith.addf %mul3A_21, %add3A_25 : vector<256x256xf32>
    %max3A = arith.constant 0.000000e+00 : f32
    %max3A_27 = vector.broadcast %max3A : f32 to vector<256x256xf32>
    %max3A_28 = arith.maximumf %add3A_26, %max3A_27 : vector<256x256xf32>
    %get3A_29 = arith.constant 0 : index
    %get3A_30 = arith.constant 0 : index
    %get3A_31 = vector.load %arg6[%get3A_29, %get3A_30] : memref<512x256xf32, #tpu.memory_space<vmem>>, vector<512x256xf32>
    %dot_general3A = arith.constant dense<0.000000e+00> : vector<256x512xf32>
    %dot_general3A_32 = tpu.matmul %max3A_28, %get3A_31, %dot_general3A {dimension_numbers = #tpu.dot_dimension_numbers<[1], [1], [0], [0], [0, 0, 1, 0], [], []>, transpose_lhs_hint = false} : vector<256x256xf32>, vector<512x256xf32>, vector<256x512xf32> -> vector<256x512xf32>
    %get3A_33 = arith.constant 0 : index
    %get3A_34 = arith.constant 0 : index
    %get3A_35 = vector.load %arg7[%get3A_33, %get3A_34] : memref<1x512xf32, #tpu.memory_space<vmem>>, vector<1x512xf32>
    %add3A_36 = vector.broadcast %get3A_35 : vector<1x512xf32> to vector<256x512xf32>
    %add3A_37 = arith.addf %dot_general3A_32, %add3A_36 : vector<256x512xf32>
    %swap3A = arith.constant 0 : index
    %swap3A_38 = arith.constant 0 : index
    %swap3A_39 = vector.load %arg8[%swap3A, %swap3A_38] : memref<256x512xf32, #tpu.memory_space<vmem>>, vector<256x512xf32>
    tpu.vector_store %arg8[%swap3A, %swap3A_38], %add3A_37 {strides = array<i32>} : memref<256x512xf32, #tpu.memory_space<vmem>>, vector<256x512xf32>,
    %reduce_sum3A = arith.constant dense<0.000000e+00> : vector<512xf32>
    %reduce_sum3A_40 = vector.multi_reduction <add>, %add3A_37, %reduce_sum3A [0] : vector<256x512xf32> to vector<512xf32>
    %broadcast_in_dim3A = vector.shape_cast %reduce_sum3A_40 : vector<512xf32> to vector<1x512xf32>
    %mul3A_41 = arith.mulf %add3A_37, %add3A_37 : vector<256x512xf32>
    %reduce_sum3A_42 = arith.constant dense<0.000000e+00> : vector<512xf32>
    %reduce_sum3A_43 = vector.multi_reduction <add>, %mul3A_41, %reduce_sum3A_42 [0] : vector<256x512xf32> to vector<512xf32>
    %broadcast_in_dim3A_44 = vector.shape_cast %reduce_sum3A_43 : vector<512xf32> to vector<1x512xf32>
    %concatenate3A = tpu.concatenate %broadcast_in_dim3A, %broadcast_in_dim3A_44 in 0 : vector<1x512xf32>, vector<1x512xf32> -> vector<2x512xf32>
    %eq3A = arith.constant 0 : i32
    %eq3A_45 = arith.cmpi eq, %arg0, %eq3A : i32
    %convert_element_type3A = arith.extui %eq3A_45 : i1 to i32
    %cond3A = arith.constant 0 : i32
    %cond3A_46 = arith.cmpi ne, %convert_element_type3A, %cond3A : i32
    scf.if %cond3A_46 {
      %swap3A_51 = arith.constant 0 : index
      %swap3A_52 = arith.constant 0 : index
      %swap3A_53 = vector.load %arg9[%swap3A_51, %swap3A_52] : memref<2x512xf32, #tpu.memory_space<vmem>>, vector<2x512xf32>
      tpu.vector_store %arg9[%swap3A_51, %swap3A_52], %concatenate3A {strides = array<i32>} : memref<2x512xf32, #tpu.memory_space<vmem>>, vector<2x512xf32>,
    } else {
    }
    %ne3A = arith.constant 0 : i32
    %ne3A_47 = arith.cmpi ne, %arg0, %ne3A : i32
    %convert_element_type3A_48 = arith.extui %ne3A_47 : i1 to i32
    %cond3A_49 = arith.constant 0 : i32
    %cond3A_50 = arith.cmpi ne, %convert_element_type3A_48, %cond3A_49 : i32
    scf.if %cond3A_50 {
      %get3A_51 = arith.constant 0 : index
      %get3A_52 = arith.constant 0 : index
      %get3A_53 = vector.load %arg9[%get3A_51, %get3A_52] : memref<2x512xf32, #tpu.memory_space<vmem>>, vector<2x512xf32>
      %add3A_54 = arith.addf %get3A_53, %concatenate3A : vector<2x512xf32>
      %swap3A_55 = arith.constant 0 : index
      %swap3A_56 = arith.constant 0 : index
      %swap3A_57 = vector.load %arg9[%swap3A_55, %swap3A_56] : memref<2x512xf32, #tpu.memory_space<vmem>>, vector<2x512xf32>
      tpu.vector_store %arg9[%swap3A_55, %swap3A_56], %add3A_54 {strides = array<i32>} : memref<2x512xf32, #tpu.memory_space<vmem>>, vector<2x512xf32>,
    } else {
    }
    return
  }
  func.func @transform_0(%arg0: i32) -> (i32, i32) {
    %c0_i32 = arith.constant 0 : i32
    %c0_i32_0 = arith.constant 0 : i32
    return %arg0, %c0_i32 : i32, i32
  }
  func.func @transform_1(%arg0: i32) -> (i32, i32) {
    %c0_i32 = arith.constant 0 : i32
    %c0_i32_0 = arith.constant 0 : i32
    %c0_i32_1 = arith.constant 0 : i32
    return %c0_i32, %c0_i32_0 : i32, i32
  }
  func.func @transform_2(%arg0: i32) -> (i32, i32) {
    %c0_i32 = arith.constant 0 : i32
    %c0_i32_0 = arith.constant 0 : i32
    %c0_i32_1 = arith.constant 0 : i32
    return %c0_i32, %c0_i32_0 : i32, i32
  }
  func.func @transform_3(%arg0: i32) -> (i32, i32) {
    %c0_i32 = arith.constant 0 : i32
    %c0_i32_0 = arith.constant 0 : i32
    %c0_i32_1 = arith.constant 0 : i32
    return %c0_i32, %c0_i32_0 : i32, i32
  }
  func.func @transform_4(%arg0: i32) -> (i32, i32) {
    %c0_i32 = arith.constant 0 : i32
    %c0_i32_0 = arith.constant 0 : i32
    %c0_i32_1 = arith.constant 0 : i32
    return %c0_i32, %c0_i32_0 : i32, i32
  }
  func.func @transform_5(%arg0: i32) -> (i32, i32) {
    %c0_i32 = arith.constant 0 : i32
    %c0_i32_0 = arith.constant 0 : i32
    %c0_i32_1 = arith.constant 0 : i32
    return %c0_i32, %c0_i32_0 : i32, i32
  }
  func.func @transform_6(%arg0: i32) -> (i32, i32) {
    %c0_i32 = arith.constant 0 : i32
    %c0_i32_0 = arith.constant 0 : i32
    %c0_i32_1 = arith.constant 0 : i32
    return %c0_i32, %c0_i32_0 : i32, i32
  }
  func.func @transform_7(%arg0: i32) -> (i32, i32) {
    %c0_i32 = arith.constant 0 : i32
    %c0_i32_0 = arith.constant 0 : i32
    return %arg0, %c0_i32 : i32, i32
  }
  func.func @transform_8(%arg0: i32) -> (i32, i32) {
    %c0_i32 = arith.constant 0 : i32
    %c0_i32_0 = arith.constant 0 : i32
    %c0_i32_1 = arith.constant 0 : i32
    return %c0_i32, %c0_i32_0 : i32, i32
  }
}

module attributes {stable_mosaic.version = 14 : i64} {
  func.func @_ssq_body(%arg0: i32, %arg1: memref<256x512xf32, #tpu.memory_space<vmem>>, %arg2: memref<2x512xf32, #tpu.memory_space<vmem>>, %arg3: memref<1x512xf32, #tpu.memory_space<vmem>>) attributes {dimension_semantics = [#tpu.dimension_semantics<arbitrary>], iteration_bounds = array<i64: 16>, scalar_prefetch = 0 : i64, scratch_operands = 0 : i64, tpu.core_type = #tpu.core_type<tc>, window_params = [{transform_indices = @transform_0, window_bounds = array<i64: 256, 512>}, {pipeline_mode = #tpu.pipeline_mode<synchronous>, transform_indices = @transform_1, window_bounds = array<i64: 2, 512>}, {pipeline_mode = #tpu.pipeline_mode<synchronous>, transform_indices = @transform_2, window_bounds = array<i64: 1, 512>}]} {
    %get3A = arith.constant 0 : index
    %get3A_0 = arith.constant 0 : index
    %get3A_1 = vector.load %arg2[%get3A, %get3A_0] : memref<2x512xf32, #tpu.memory_space<vmem>>, vector<1x512xf32>
    %div3A = arith.constant 4.096000e+03 : f32
    %div3A_2 = vector.broadcast %div3A : f32 to vector<1x512xf32>
    %div3A_3 = arith.divf %get3A_1, %div3A_2 : vector<1x512xf32>
    %get3A_4 = arith.constant 0 : index
    %get3A_5 = arith.constant 0 : index
    %get3A_6 = vector.load %arg1[%get3A_4, %get3A_5] : memref<256x512xf32, #tpu.memory_space<vmem>>, vector<256x512xf32>
    %sub3A = vector.broadcast %div3A_3 : vector<1x512xf32> to vector<256x512xf32>
    %sub3A_7 = arith.subf %get3A_6, %sub3A : vector<256x512xf32>
    %mul3A = arith.mulf %sub3A_7, %sub3A_7 : vector<256x512xf32>
    %reduce_sum3A = arith.constant dense<0.000000e+00> : vector<512xf32>
    %reduce_sum3A_8 = vector.multi_reduction <add>, %mul3A, %reduce_sum3A [0] : vector<256x512xf32> to vector<512xf32>
    %broadcast_in_dim3A = vector.shape_cast %reduce_sum3A_8 : vector<512xf32> to vector<1x512xf32>
    %eq3A = arith.constant 0 : i32
    %eq3A_9 = arith.cmpi eq, %arg0, %eq3A : i32
    %convert_element_type3A = arith.extui %eq3A_9 : i1 to i32
    %cond3A = arith.constant 0 : i32
    %cond3A_10 = arith.cmpi ne, %convert_element_type3A, %cond3A : i32
    scf.if %cond3A_10 {
      %swap3A = arith.constant 0 : index
      %swap3A_15 = arith.constant 0 : index
      %swap3A_16 = vector.load %arg3[%swap3A, %swap3A_15] : memref<1x512xf32, #tpu.memory_space<vmem>>, vector<1x512xf32>
      tpu.vector_store %arg3[%swap3A, %swap3A_15], %broadcast_in_dim3A {strides = array<i32>} : memref<1x512xf32, #tpu.memory_space<vmem>>, vector<1x512xf32>,
    } else {
    }
    %ne3A = arith.constant 0 : i32
    %ne3A_11 = arith.cmpi ne, %arg0, %ne3A : i32
    %convert_element_type3A_12 = arith.extui %ne3A_11 : i1 to i32
    %cond3A_13 = arith.constant 0 : i32
    %cond3A_14 = arith.cmpi ne, %convert_element_type3A_12, %cond3A_13 : i32
    scf.if %cond3A_14 {
      %get3A_15 = arith.constant 0 : index
      %get3A_16 = arith.constant 0 : index
      %get3A_17 = vector.load %arg3[%get3A_15, %get3A_16] : memref<1x512xf32, #tpu.memory_space<vmem>>, vector<1x512xf32>
      %add3A = arith.addf %get3A_17, %broadcast_in_dim3A : vector<1x512xf32>
      %swap3A = arith.constant 0 : index
      %swap3A_18 = arith.constant 0 : index
      %swap3A_19 = vector.load %arg3[%swap3A, %swap3A_18] : memref<1x512xf32, #tpu.memory_space<vmem>>, vector<1x512xf32>
      tpu.vector_store %arg3[%swap3A, %swap3A_18], %add3A {strides = array<i32>} : memref<1x512xf32, #tpu.memory_space<vmem>>, vector<1x512xf32>,
    } else {
    }
    return
  }
  func.func @transform_0(%arg0: i32) -> (i32, i32) {
    %c0_i32 = arith.constant 0 : i32
    %c0_i32_0 = arith.constant 0 : i32
    return %arg0, %c0_i32 : i32, i32
  }
  func.func @transform_1(%arg0: i32) -> (i32, i32) {
    %c0_i32 = arith.constant 0 : i32
    %c0_i32_0 = arith.constant 0 : i32
    %c0_i32_1 = arith.constant 0 : i32
    return %c0_i32, %c0_i32_0 : i32, i32
  }
  func.func @transform_2(%arg0: i32) -> (i32, i32) {
    %c0_i32 = arith.constant 0 : i32
    %c0_i32_0 = arith.constant 0 : i32
    %c0_i32_1 = arith.constant 0 : i32
    return %c0_i32, %c0_i32_0 : i32, i32
  }
}

module attributes {stable_mosaic.version = 14 : i64} {
  func.func @_sa_last_body(%arg0: i32, %arg1: memref<256x512xf32, #tpu.memory_space<vmem>>, %arg2: memref<2x512xf32, #tpu.memory_space<vmem>>, %arg3: memref<1x512xf32, #tpu.memory_space<vmem>>, %arg4: memref<1x512xf32, #tpu.memory_space<vmem>>, %arg5: memref<1x512xf32, #tpu.memory_space<vmem>>, %arg6: memref<8x512xf32, #tpu.memory_space<vmem>>) attributes {dimension_semantics = [#tpu.dimension_semantics<arbitrary>], iteration_bounds = array<i64: 16>, scalar_prefetch = 0 : i64, scratch_operands = 0 : i64, tpu.core_type = #tpu.core_type<tc>, window_params = [{transform_indices = @transform_0, window_bounds = array<i64: 256, 512>}, {pipeline_mode = #tpu.pipeline_mode<synchronous>, transform_indices = @transform_1, window_bounds = array<i64: 2, 512>}, {pipeline_mode = #tpu.pipeline_mode<synchronous>, transform_indices = @transform_2, window_bounds = array<i64: 1, 512>}, {pipeline_mode = #tpu.pipeline_mode<synchronous>, transform_indices = @transform_3, window_bounds = array<i64: 1, 512>}, {pipeline_mode = #tpu.pipeline_mode<synchronous>, transform_indices = @transform_4, window_bounds = array<i64: 1, 512>}, {transform_indices = @transform_5, window_bounds = array<i64: 8, 512>}]} {
    %get3A = arith.constant 0 : index
    %get3A_0 = arith.constant 0 : index
    %get3A_1 = vector.load %arg1[%get3A, %get3A_0] : memref<256x512xf32, #tpu.memory_space<vmem>>, vector<256x512xf32>
    %get3A_2 = arith.constant 0 : index
    %get3A_3 = arith.constant 0 : index
    %get3A_4 = vector.load %arg2[%get3A_2, %get3A_3] : memref<2x512xf32, #tpu.memory_space<vmem>>, vector<1x512xf32>
    %div3A = arith.constant 4.096000e+03 : f32
    %div3A_5 = vector.broadcast %div3A : f32 to vector<1x512xf32>
    %div3A_6 = arith.divf %get3A_4, %div3A_5 : vector<1x512xf32>
    %get3A_7 = arith.constant 0 : index
    %get3A_8 = arith.constant 0 : index
    %get3A_9 = vector.load %arg3[%get3A_7, %get3A_8] : memref<1x512xf32, #tpu.memory_space<vmem>>, vector<1x512xf32>
    %div3A_10 = arith.constant 4.096000e+03 : f32
    %div3A_11 = vector.broadcast %div3A_10 : f32 to vector<1x512xf32>
    %div3A_12 = arith.divf %get3A_9, %div3A_11 : vector<1x512xf32>
    %sub3A = vector.broadcast %div3A_6 : vector<1x512xf32> to vector<256x512xf32>
    %sub3A_13 = arith.subf %get3A_1, %sub3A : vector<256x512xf32>
    %add3A = arith.constant 9.99999974E-6 : f32
    %add3A_14 = vector.broadcast %add3A : f32 to vector<1x512xf32>
    %add3A_15 = arith.addf %div3A_12, %add3A_14 : vector<1x512xf32>
    %sqrt3A = math.sqrt %add3A_15 : vector<1x512xf32>
    %div3A_16 = vector.broadcast %sqrt3A : vector<1x512xf32> to vector<256x512xf32>
    %div3A_17 = arith.divf %sub3A_13, %div3A_16 : vector<256x512xf32>
    %get3A_18 = arith.constant 0 : index
    %get3A_19 = arith.constant 0 : index
    %get3A_20 = vector.load %arg4[%get3A_18, %get3A_19] : memref<1x512xf32, #tpu.memory_space<vmem>>, vector<1x512xf32>
    %mul3A = vector.broadcast %get3A_20 : vector<1x512xf32> to vector<256x512xf32>
    %mul3A_21 = arith.mulf %div3A_17, %mul3A : vector<256x512xf32>
    %get3A_22 = arith.constant 0 : index
    %get3A_23 = arith.constant 0 : index
    %get3A_24 = vector.load %arg5[%get3A_22, %get3A_23] : memref<1x512xf32, #tpu.memory_space<vmem>>, vector<1x512xf32>
    %add3A_25 = vector.broadcast %get3A_24 : vector<1x512xf32> to vector<256x512xf32>
    %add3A_26 = arith.addf %mul3A_21, %add3A_25 : vector<256x512xf32>
    %max3A = arith.constant 0.000000e+00 : f32
    %max3A_27 = vector.broadcast %max3A : f32 to vector<256x512xf32>
    %max3A_28 = arith.maximumf %add3A_26, %max3A_27 : vector<256x512xf32>
    %reshape3A = vector.shape_cast %max3A_28 : vector<256x512xf32> to vector<8x32x512xf32>
    %reduce_max3A = arith.constant dense<0xFF800000> : vector<8x512xf32>
    %reduce_max3A_29 = vector.multi_reduction <maximumf>, %reshape3A, %reduce_max3A [1] : vector<8x32x512xf32> to vector<8x512xf32>
    %swap3A = arith.constant 0 : index
    %swap3A_30 = arith.constant 0 : index
    %swap3A_31 = vector.load %arg6[%swap3A, %swap3A_30] : memref<8x512xf32, #tpu.memory_space<vmem>>, vector<8x512xf32>
    tpu.vector_store %arg6[%swap3A, %swap3A_30], %reduce_max3A_29 {strides = array<i32>} : memref<8x512xf32, #tpu.memory_space<vmem>>, vector<8x512xf32>,
    return
  }
  func.func @transform_0(%arg0: i32) -> (i32, i32) {
    %c0_i32 = arith.constant 0 : i32
    %c0_i32_0 = arith.constant 0 : i32
    return %arg0, %c0_i32 : i32, i32
  }
  func.func @transform_1(%arg0: i32) -> (i32, i32) {
    %c0_i32 = arith.constant 0 : i32
    %c0_i32_0 = arith.constant 0 : i32
    %c0_i32_1 = arith.constant 0 : i32
    return %c0_i32, %c0_i32_0 : i32, i32
  }
  func.func @transform_2(%arg0: i32) -> (i32, i32) {
    %c0_i32 = arith.constant 0 : i32
    %c0_i32_0 = arith.constant 0 : i32
    %c0_i32_1 = arith.constant 0 : i32
    return %c0_i32, %c0_i32_0 : i32, i32
  }
  func.func @transform_3(%arg0: i32) -> (i32, i32) {
    %c0_i32 = arith.constant 0 : i32
    %c0_i32_0 = arith.constant 0 : i32
    %c0_i32_1 = arith.constant 0 : i32
    return %c0_i32, %c0_i32_0 : i32, i32
  }
  func.func @transform_4(%arg0: i32) -> (i32, i32) {
    %c0_i32 = arith.constant 0 : i32
    %c0_i32_0 = arith.constant 0 : i32
    %c0_i32_1 = arith.constant 0 : i32
    return %c0_i32, %c0_i32_0 : i32, i32
  }
  func.func @transform_5(%arg0: i32) -> (i32, i32) {
    %c0_i32 = arith.constant 0 : i32
    %c0_i32_0 = arith.constant 0 : i32
    return %arg0, %c0_i32 : i32, i32
  }
}

module attributes {stable_mosaic.version = 14 : i64} {
  func.func @_sa1_body(%arg0: i32, %arg1: memref<128x528xf32, #tpu.memory_space<vmem>>, %arg2: memref<1x3xf32, #tpu.memory_space<vmem>>, %arg3: memref<512x640xf32, #tpu.memory_space<vmem>>, %arg4: memref<1x512xf32, #tpu.memory_space<vmem>>, %arg5: memref<128x512xf32, #tpu.memory_space<vmem>>, %arg6: memref<2x512xf32, #tpu.memory_space<vmem>>) attributes {dimension_semantics = [#tpu.dimension_semantics<arbitrary>], iteration_bounds = array<i64: 1>, scalar_prefetch = 0 : i64, scratch_operands = 0 : i64, tpu.core_type = #tpu.core_type<tc>, window_params = [{transform_indices = @transform_0, window_bounds = array<i64: 128, 528>}, {transform_indices = @transform_1, window_bounds = array<i64: 1, 3>}, {pipeline_mode = #tpu.pipeline_mode<synchronous>, transform_indices = @transform_2, window_bounds = array<i64: 512, 640>}, {pipeline_mode = #tpu.pipeline_mode<synchronous>, transform_indices = @transform_3, window_bounds = array<i64: 1, 512>}, {transform_indices = @transform_4, window_bounds = array<i64: 128, 512>}, {pipeline_mode = #tpu.pipeline_mode<synchronous>, transform_indices = @transform_5, window_bounds = array<i64: 2, 512>}]} {
    %iota3A = tpu.iota {dimensions = array<i32: 0>} : vector<128x1xi32>
    %jit3A = arith.constant 128 : i32
    %div3A = vector.broadcast %jit3A : i32 to vector<128x1xi32>
    %div3A_0 = arith.divsi %iota3A, %div3A : vector<128x1xi32>
    %sign3A = arith.constant 0 : i32
    %sign3A_1 = vector.broadcast %sign3A : i32 to vector<128x1xi32>
    %sign3A_2 = arith.cmpi sgt, %iota3A, %sign3A_1 : vector<128x1xi32>
    %sign3A_3 = arith.extui %sign3A_2 : vector<128x1xi1> to vector<128x1xi32>
    %sign3A_4 = arith.constant 0 : i32
    %sign3A_5 = vector.broadcast %sign3A_4 : i32 to vector<128x1xi32>
    %sign3A_6 = arith.cmpi slt, %iota3A, %sign3A_5 : vector<128x1xi32>
    %sign3A_7 = arith.extui %sign3A_6 : vector<128x1xi1> to vector<128x1xi32>
    %sign3A_8 = arith.subi %sign3A_3, %sign3A_7 : vector<128x1xi32>
    %sign3A_9 = arith.constant 0 : i32
    %sign3A_10 = arith.cmpi sgt, %jit3A, %sign3A_9 : i32
    %sign3A_11 = arith.extui %sign3A_10 : i1 to i32
    %sign3A_12 = arith.constant 0 : i32
    %sign3A_13 = arith.cmpi slt, %jit3A, %sign3A_12 : i32
    %sign3A_14 = arith.extui %sign3A_13 : i1 to i32
    %sign3A_15 = arith.subi %sign3A_11, %sign3A_14 : i32
    %ne3A = vector.broadcast %sign3A_15 : i32 to vector<128x1xi32>
    %ne3A_16 = arith.cmpi ne, %sign3A_8, %ne3A : vector<128x1xi32>
    %rem3A = vector.broadcast %jit3A : i32 to vector<128x1xi32>
    %rem3A_17 = arith.remsi %iota3A, %rem3A : vector<128x1xi32>
    %ne3A_18 = arith.constant 0 : i32
    %ne3A_19 = vector.broadcast %ne3A_18 : i32 to vector<128x1xi32>
    %ne3A_20 = arith.cmpi ne, %rem3A_17, %ne3A_19 : vector<128x1xi32>
    %and3A = arith.andi %ne3A_16, %ne3A_20 : vector<128x1xi1>
    %sub3A = arith.constant 1 : i32
    %sub3A_21 = vector.broadcast %sub3A : i32 to vector<128x1xi32>
    %sub3A_22 = arith.subi %div3A_0, %sub3A_21 : vector<128x1xi32>
    %select_n3A = arith.select %and3A, %sub3A_22, %div3A_0 : vector<128x1xi1>, vector<128x1xi32>
    %iota3A_23 = tpu.iota {dimensions = array<i32: 1>} : vector<128x1xi32>
    %eq3A = arith.cmpi eq, %select_n3A, %iota3A_23 : vector<128x1xi32>
    %jit3A_24 = arith.constant 1.000000e+00 : f32
    %jit3A_25 = arith.constant 0.000000e+00 : f32
    %broadcast_in_dim3A = vector.broadcast %jit3A_24 : f32 to vector<128x1xf32>
    %broadcast_in_dim3A_26 = vector.broadcast %jit3A_25 : f32 to vector<128x1xf32>
    %select_n3A_27 = arith.select %eq3A, %broadcast_in_dim3A, %broadcast_in_dim3A_26 : vector<128x1xi1>, vector<128x1xf32>
    %get3A = arith.constant 0 : index
    %get3A_28 = arith.constant 0 : index
    %get3A_29 = vector.load %arg2[%get3A, %get3A_28] : memref<1x3xf32, #tpu.memory_space<vmem>>, vector<1x3xf32>
    %dot_general3A = arith.constant dense<0.000000e+00> : vector<128x3xf32>
    %dot_general3A_30 = tpu.matmul %select_n3A_27, %get3A_29, %dot_general3A {dimension_numbers = #tpu.dot_dimension_numbers<[1], [0], [0], [1], [0, 0, 1, 1], [], []>, precision = #tpu.contract_precision<fp32>, transpose_lhs_hint = false} : vector<128x1xf32>, vector<1x3xf32>, vector<128x3xf32> -> vector<128x3xf32>
    %get3A_31 = arith.constant 0 : index
    %get3A_32 = arith.constant 512 : index
    %get3A_33 = vector.load %arg1[%get3A_31, %get3A_32] : memref<128x528xf32, #tpu.memory_space<vmem>>, vector<128x3xf32>
    %sub3A_34 = arith.subf %get3A_33, %dot_general3A_30 : vector<128x3xf32>
    %broadcast_in_dim3A_35 = arith.constant 0.000000e+00 : f32
    %broadcast_in_dim3A_36 = vector.broadcast %broadcast_in_dim3A_35 : f32 to vector<128x125xf32>
    %get3A_37 = arith.constant 0 : index
    %get3A_38 = arith.constant 0 : index
    %get3A_39 = vector.load %arg1[%get3A_37, %get3A_38] : memref<128x528xf32, #tpu.memory_space<vmem>>, vector<128x512xf32>
    %concatenate3A = tpu.concatenate %sub3A_34, %get3A_39, %broadcast_in_dim3A_36 in 1 : vector<128x3xf32>, vector<128x512xf32>, vector<128x125xf32> -> vector<128x640xf32>
    %get3A_40 = arith.constant 0 : index
    %get3A_41 = arith.constant 0 : index
    %get3A_42 = vector.load %arg3[%get3A_40, %get3A_41] : memref<512x640xf32, #tpu.memory_space<vmem>>, vector<512x640xf32>
    %dot_general3A_43 = arith.constant dense<0.000000e+00> : vector<128x512xf32>
    %dot_general3A_44 = tpu.matmul %concatenate3A, %get3A_42, %dot_general3A_43 {dimension_numbers = #tpu.dot_dimension_numbers<[1], [1], [0], [0], [0, 0, 1, 0], [], []>, transpose_lhs_hint = false} : vector<128x640xf32>, vector<512x640xf32>, vector<128x512xf32> -> vector<128x512xf32>
    %get3A_45 = arith.constant 0 : index
    %get3A_46 = arith.constant 0 : index
    %get3A_47 = vector.load %arg4[%get3A_45, %get3A_46] : memref<1x512xf32, #tpu.memory_space<vmem>>, vector<1x512xf32>
    %add3A = vector.broadcast %get3A_47 : vector<1x512xf32> to vector<128x512xf32>
    %add3A_48 = arith.addf %dot_general3A_44, %add3A : vector<128x512xf32>
    %swap3A = arith.constant 0 : index
    %swap3A_49 = arith.constant 0 : index
    %swap3A_50 = vector.load %arg5[%swap3A, %swap3A_49] : memref<128x512xf32, #tpu.memory_space<vmem>>, vector<128x512xf32>
    tpu.vector_store %arg5[%swap3A, %swap3A_49], %add3A_48 {strides = array<i32>} : memref<128x512xf32, #tpu.memory_space<vmem>>, vector<128x512xf32>,
    %reduce_sum3A = arith.constant dense<0.000000e+00> : vector<512xf32>
    %reduce_sum3A_51 = vector.multi_reduction <add>, %add3A_48, %reduce_sum3A [0] : vector<128x512xf32> to vector<512xf32>
    %broadcast_in_dim3A_52 = vector.shape_cast %reduce_sum3A_51 : vector<512xf32> to vector<1x512xf32>
    %mul3A = arith.mulf %add3A_48, %add3A_48 : vector<128x512xf32>
    %reduce_sum3A_53 = arith.constant dense<0.000000e+00> : vector<512xf32>
    %reduce_sum3A_54 = vector.multi_reduction <add>, %mul3A, %reduce_sum3A_53 [0] : vector<128x512xf32> to vector<512xf32>
    %broadcast_in_dim3A_55 = vector.shape_cast %reduce_sum3A_54 : vector<512xf32> to vector<1x512xf32>
    %concatenate3A_56 = tpu.concatenate %broadcast_in_dim3A_52, %broadcast_in_dim3A_55 in 0 : vector<1x512xf32>, vector<1x512xf32> -> vector<2x512xf32>
    %eq3A_57 = arith.constant 0 : i32
    %eq3A_58 = arith.cmpi eq, %arg0, %eq3A_57 : i32
    %convert_element_type3A = arith.extui %eq3A_58 : i1 to i32
    %cond3A = arith.constant 0 : i32
    %cond3A_59 = arith.cmpi ne, %convert_element_type3A, %cond3A : i32
    scf.if %cond3A_59 {
      %swap3A_65 = arith.constant 0 : index
      %swap3A_66 = arith.constant 0 : index
      %swap3A_67 = vector.load %arg6[%swap3A_65, %swap3A_66] : memref<2x512xf32, #tpu.memory_space<vmem>>, vector<2x512xf32>
      tpu.vector_store %arg6[%swap3A_65, %swap3A_66], %concatenate3A_56 {strides = array<i32>} : memref<2x512xf32, #tpu.memory_space<vmem>>, vector<2x512xf32>,
    } else {
    }
    %ne3A_60 = arith.constant 0 : i32
    %ne3A_61 = arith.cmpi ne, %arg0, %ne3A_60 : i32
    %convert_element_type3A_62 = arith.extui %ne3A_61 : i1 to i32
    %cond3A_63 = arith.constant 0 : i32
    %cond3A_64 = arith.cmpi ne, %convert_element_type3A_62, %cond3A_63 : i32
    scf.if %cond3A_64 {
      %get3A_65 = arith.constant 0 : index
      %get3A_66 = arith.constant 0 : index
      %get3A_67 = vector.load %arg6[%get3A_65, %get3A_66] : memref<2x512xf32, #tpu.memory_space<vmem>>, vector<2x512xf32>
      %add3A_68 = arith.addf %get3A_67, %concatenate3A_56 : vector<2x512xf32>
      %swap3A_69 = arith.constant 0 : index
      %swap3A_70 = arith.constant 0 : index
      %swap3A_71 = vector.load %arg6[%swap3A_69, %swap3A_70] : memref<2x512xf32, #tpu.memory_space<vmem>>, vector<2x512xf32>
      tpu.vector_store %arg6[%swap3A_69, %swap3A_70], %add3A_68 {strides = array<i32>} : memref<2x512xf32, #tpu.memory_space<vmem>>, vector<2x512xf32>,
    } else {
    }
    return
  }
  func.func @transform_0(%arg0: i32) -> (i32, i32) {
    %c0_i32 = arith.constant 0 : i32
    %c0_i32_0 = arith.constant 0 : i32
    return %arg0, %c0_i32 : i32, i32
  }
  func.func @transform_1(%arg0: i32) -> (i32, i32) {
    %c0_i32 = arith.constant 0 : i32
    %c0_i32_0 = arith.constant 0 : i32
    return %arg0, %c0_i32 : i32, i32
  }
  func.func @transform_2(%arg0: i32) -> (i32, i32) {
    %c0_i32 = arith.constant 0 : i32
    %c0_i32_0 = arith.constant 0 : i32
    %c0_i32_1 = arith.constant 0 : i32
    return %c0_i32, %c0_i32_0 : i32, i32
  }
  func.func @transform_3(%arg0: i32) -> (i32, i32) {
    %c0_i32 = arith.constant 0 : i32
    %c0_i32_0 = arith.constant 0 : i32
    %c0_i32_1 = arith.constant 0 : i32
    return %c0_i32, %c0_i32_0 : i32, i32
  }
  func.func @transform_4(%arg0: i32) -> (i32, i32) {
    %c0_i32 = arith.constant 0 : i32
    %c0_i32_0 = arith.constant 0 : i32
    return %arg0, %c0_i32 : i32, i32
  }
  func.func @transform_5(%arg0: i32) -> (i32, i32) {
    %c0_i32 = arith.constant 0 : i32
    %c0_i32_0 = arith.constant 0 : i32
    %c0_i32_1 = arith.constant 0 : i32
    return %c0_i32, %c0_i32_0 : i32, i32
  }
}

module attributes {stable_mosaic.version = 14 : i64} {
  func.func @_ssq_body(%arg0: i32, %arg1: memref<128x512xf32, #tpu.memory_space<vmem>>, %arg2: memref<2x512xf32, #tpu.memory_space<vmem>>, %arg3: memref<1x512xf32, #tpu.memory_space<vmem>>) attributes {dimension_semantics = [#tpu.dimension_semantics<arbitrary>], iteration_bounds = array<i64: 1>, scalar_prefetch = 0 : i64, scratch_operands = 0 : i64, tpu.core_type = #tpu.core_type<tc>, window_params = [{transform_indices = @transform_0, window_bounds = array<i64: 128, 512>}, {pipeline_mode = #tpu.pipeline_mode<synchronous>, transform_indices = @transform_1, window_bounds = array<i64: 2, 512>}, {pipeline_mode = #tpu.pipeline_mode<synchronous>, transform_indices = @transform_2, window_bounds = array<i64: 1, 512>}]} {
    %get3A = arith.constant 0 : index
    %get3A_0 = arith.constant 0 : index
    %get3A_1 = vector.load %arg2[%get3A, %get3A_0] : memref<2x512xf32, #tpu.memory_space<vmem>>, vector<1x512xf32>
    %div3A = arith.constant 1.280000e+02 : f32
    %div3A_2 = vector.broadcast %div3A : f32 to vector<1x512xf32>
    %div3A_3 = arith.divf %get3A_1, %div3A_2 : vector<1x512xf32>
    %get3A_4 = arith.constant 0 : index
    %get3A_5 = arith.constant 0 : index
    %get3A_6 = vector.load %arg1[%get3A_4, %get3A_5] : memref<128x512xf32, #tpu.memory_space<vmem>>, vector<128x512xf32>
    %sub3A = vector.broadcast %div3A_3 : vector<1x512xf32> to vector<128x512xf32>
    %sub3A_7 = arith.subf %get3A_6, %sub3A : vector<128x512xf32>
    %mul3A = arith.mulf %sub3A_7, %sub3A_7 : vector<128x512xf32>
    %reduce_sum3A = arith.constant dense<0.000000e+00> : vector<512xf32>
    %reduce_sum3A_8 = vector.multi_reduction <add>, %mul3A, %reduce_sum3A [0] : vector<128x512xf32> to vector<512xf32>
    %broadcast_in_dim3A = vector.shape_cast %reduce_sum3A_8 : vector<512xf32> to vector<1x512xf32>
    %eq3A = arith.constant 0 : i32
    %eq3A_9 = arith.cmpi eq, %arg0, %eq3A : i32
    %convert_element_type3A = arith.extui %eq3A_9 : i1 to i32
    %cond3A = arith.constant 0 : i32
    %cond3A_10 = arith.cmpi ne, %convert_element_type3A, %cond3A : i32
    scf.if %cond3A_10 {
      %swap3A = arith.constant 0 : index
      %swap3A_15 = arith.constant 0 : index
      %swap3A_16 = vector.load %arg3[%swap3A, %swap3A_15] : memref<1x512xf32, #tpu.memory_space<vmem>>, vector<1x512xf32>
      tpu.vector_store %arg3[%swap3A, %swap3A_15], %broadcast_in_dim3A {strides = array<i32>} : memref<1x512xf32, #tpu.memory_space<vmem>>, vector<1x512xf32>,
    } else {
    }
    %ne3A = arith.constant 0 : i32
    %ne3A_11 = arith.cmpi ne, %arg0, %ne3A : i32
    %convert_element_type3A_12 = arith.extui %ne3A_11 : i1 to i32
    %cond3A_13 = arith.constant 0 : i32
    %cond3A_14 = arith.cmpi ne, %convert_element_type3A_12, %cond3A_13 : i32
    scf.if %cond3A_14 {
      %get3A_15 = arith.constant 0 : index
      %get3A_16 = arith.constant 0 : index
      %get3A_17 = vector.load %arg3[%get3A_15, %get3A_16] : memref<1x512xf32, #tpu.memory_space<vmem>>, vector<1x512xf32>
      %add3A = arith.addf %get3A_17, %broadcast_in_dim3A : vector<1x512xf32>
      %swap3A = arith.constant 0 : index
      %swap3A_18 = arith.constant 0 : index
      %swap3A_19 = vector.load %arg3[%swap3A, %swap3A_18] : memref<1x512xf32, #tpu.memory_space<vmem>>, vector<1x512xf32>
      tpu.vector_store %arg3[%swap3A, %swap3A_18], %add3A {strides = array<i32>} : memref<1x512xf32, #tpu.memory_space<vmem>>, vector<1x512xf32>,
    } else {
    }
    return
  }
  func.func @transform_0(%arg0: i32) -> (i32, i32) {
    %c0_i32 = arith.constant 0 : i32
    %c0_i32_0 = arith.constant 0 : i32
    return %arg0, %c0_i32 : i32, i32
  }
  func.func @transform_1(%arg0: i32) -> (i32, i32) {
    %c0_i32 = arith.constant 0 : i32
    %c0_i32_0 = arith.constant 0 : i32
    %c0_i32_1 = arith.constant 0 : i32
    return %c0_i32, %c0_i32_0 : i32, i32
  }
  func.func @transform_2(%arg0: i32) -> (i32, i32) {
    %c0_i32 = arith.constant 0 : i32
    %c0_i32_0 = arith.constant 0 : i32
    %c0_i32_1 = arith.constant 0 : i32
    return %c0_i32, %c0_i32_0 : i32, i32
  }
}

module attributes {stable_mosaic.version = 14 : i64} {
  func.func @_sa_mid_body(%arg0: i32, %arg1: memref<128x512xf32, #tpu.memory_space<vmem>>, %arg2: memref<2x512xf32, #tpu.memory_space<vmem>>, %arg3: memref<1x512xf32, #tpu.memory_space<vmem>>, %arg4: memref<1x512xf32, #tpu.memory_space<vmem>>, %arg5: memref<1x512xf32, #tpu.memory_space<vmem>>, %arg6: memref<512x512xf32, #tpu.memory_space<vmem>>, %arg7: memref<1x512xf32, #tpu.memory_space<vmem>>, %arg8: memref<128x512xf32, #tpu.memory_space<vmem>>, %arg9: memref<2x512xf32, #tpu.memory_space<vmem>>) attributes {dimension_semantics = [#tpu.dimension_semantics<arbitrary>], iteration_bounds = array<i64: 1>, scalar_prefetch = 0 : i64, scratch_operands = 0 : i64, tpu.core_type = #tpu.core_type<tc>, window_params = [{transform_indices = @transform_0, window_bounds = array<i64: 128, 512>}, {pipeline_mode = #tpu.pipeline_mode<synchronous>, transform_indices = @transform_1, window_bounds = array<i64: 2, 512>}, {pipeline_mode = #tpu.pipeline_mode<synchronous>, transform_indices = @transform_2, window_bounds = array<i64: 1, 512>}, {pipeline_mode = #tpu.pipeline_mode<synchronous>, transform_indices = @transform_3, window_bounds = array<i64: 1, 512>}, {pipeline_mode = #tpu.pipeline_mode<synchronous>, transform_indices = @transform_4, window_bounds = array<i64: 1, 512>}, {pipeline_mode = #tpu.pipeline_mode<synchronous>, transform_indices = @transform_5, window_bounds = array<i64: 512, 512>}, {pipeline_mode = #tpu.pipeline_mode<synchronous>, transform_indices = @transform_6, window_bounds = array<i64: 1, 512>}, {transform_indices = @transform_7, window_bounds = array<i64: 128, 512>}, {pipeline_mode = #tpu.pipeline_mode<synchronous>, transform_indices = @transform_8, window_bounds = array<i64: 2, 512>}]} {
    %get3A = arith.constant 0 : index
    %get3A_0 = arith.constant 0 : index
    %get3A_1 = vector.load %arg1[%get3A, %get3A_0] : memref<128x512xf32, #tpu.memory_space<vmem>>, vector<128x512xf32>
    %get3A_2 = arith.constant 0 : index
    %get3A_3 = arith.constant 0 : index
    %get3A_4 = vector.load %arg2[%get3A_2, %get3A_3] : memref<2x512xf32, #tpu.memory_space<vmem>>, vector<1x512xf32>
    %div3A = arith.constant 1.280000e+02 : f32
    %div3A_5 = vector.broadcast %div3A : f32 to vector<1x512xf32>
    %div3A_6 = arith.divf %get3A_4, %div3A_5 : vector<1x512xf32>
    %get3A_7 = arith.constant 0 : index
    %get3A_8 = arith.constant 0 : index
    %get3A_9 = vector.load %arg3[%get3A_7, %get3A_8] : memref<1x512xf32, #tpu.memory_space<vmem>>, vector<1x512xf32>
    %div3A_10 = arith.constant 1.280000e+02 : f32
    %div3A_11 = vector.broadcast %div3A_10 : f32 to vector<1x512xf32>
    %div3A_12 = arith.divf %get3A_9, %div3A_11 : vector<1x512xf32>
    %sub3A = vector.broadcast %div3A_6 : vector<1x512xf32> to vector<128x512xf32>
    %sub3A_13 = arith.subf %get3A_1, %sub3A : vector<128x512xf32>
    %add3A = arith.constant 9.99999974E-6 : f32
    %add3A_14 = vector.broadcast %add3A : f32 to vector<1x512xf32>
    %add3A_15 = arith.addf %div3A_12, %add3A_14 : vector<1x512xf32>
    %sqrt3A = math.sqrt %add3A_15 : vector<1x512xf32>
    %div3A_16 = vector.broadcast %sqrt3A : vector<1x512xf32> to vector<128x512xf32>
    %div3A_17 = arith.divf %sub3A_13, %div3A_16 : vector<128x512xf32>
    %get3A_18 = arith.constant 0 : index
    %get3A_19 = arith.constant 0 : index
    %get3A_20 = vector.load %arg4[%get3A_18, %get3A_19] : memref<1x512xf32, #tpu.memory_space<vmem>>, vector<1x512xf32>
    %mul3A = vector.broadcast %get3A_20 : vector<1x512xf32> to vector<128x512xf32>
    %mul3A_21 = arith.mulf %div3A_17, %mul3A : vector<128x512xf32>
    %get3A_22 = arith.constant 0 : index
    %get3A_23 = arith.constant 0 : index
    %get3A_24 = vector.load %arg5[%get3A_22, %get3A_23] : memref<1x512xf32, #tpu.memory_space<vmem>>, vector<1x512xf32>
    %add3A_25 = vector.broadcast %get3A_24 : vector<1x512xf32> to vector<128x512xf32>
    %add3A_26 = arith.addf %mul3A_21, %add3A_25 : vector<128x512xf32>
    %max3A = arith.constant 0.000000e+00 : f32
    %max3A_27 = vector.broadcast %max3A : f32 to vector<128x512xf32>
    %max3A_28 = arith.maximumf %add3A_26, %max3A_27 : vector<128x512xf32>
    %get3A_29 = arith.constant 0 : index
    %get3A_30 = arith.constant 0 : index
    %get3A_31 = vector.load %arg6[%get3A_29, %get3A_30] : memref<512x512xf32, #tpu.memory_space<vmem>>, vector<512x512xf32>
    %dot_general3A = arith.constant dense<0.000000e+00> : vector<128x512xf32>
    %dot_general3A_32 = tpu.matmul %max3A_28, %get3A_31, %dot_general3A {dimension_numbers = #tpu.dot_dimension_numbers<[1], [1], [0], [0], [0, 0, 1, 0], [], []>, transpose_lhs_hint = false} : vector<128x512xf32>, vector<512x512xf32>, vector<128x512xf32> -> vector<128x512xf32>
    %get3A_33 = arith.constant 0 : index
    %get3A_34 = arith.constant 0 : index
    %get3A_35 = vector.load %arg7[%get3A_33, %get3A_34] : memref<1x512xf32, #tpu.memory_space<vmem>>, vector<1x512xf32>
    %add3A_36 = vector.broadcast %get3A_35 : vector<1x512xf32> to vector<128x512xf32>
    %add3A_37 = arith.addf %dot_general3A_32, %add3A_36 : vector<128x512xf32>
    %swap3A = arith.constant 0 : index
    %swap3A_38 = arith.constant 0 : index
    %swap3A_39 = vector.load %arg8[%swap3A, %swap3A_38] : memref<128x512xf32, #tpu.memory_space<vmem>>, vector<128x512xf32>
    tpu.vector_store %arg8[%swap3A, %swap3A_38], %add3A_37 {strides = array<i32>} : memref<128x512xf32, #tpu.memory_space<vmem>>, vector<128x512xf32>,
    %reduce_sum3A = arith.constant dense<0.000000e+00> : vector<512xf32>
    %reduce_sum3A_40 = vector.multi_reduction <add>, %add3A_37, %reduce_sum3A [0] : vector<128x512xf32> to vector<512xf32>
    %broadcast_in_dim3A = vector.shape_cast %reduce_sum3A_40 : vector<512xf32> to vector<1x512xf32>
    %mul3A_41 = arith.mulf %add3A_37, %add3A_37 : vector<128x512xf32>
    %reduce_sum3A_42 = arith.constant dense<0.000000e+00> : vector<512xf32>
    %reduce_sum3A_43 = vector.multi_reduction <add>, %mul3A_41, %reduce_sum3A_42 [0] : vector<128x512xf32> to vector<512xf32>
    %broadcast_in_dim3A_44 = vector.shape_cast %reduce_sum3A_43 : vector<512xf32> to vector<1x512xf32>
    %concatenate3A = tpu.concatenate %broadcast_in_dim3A, %broadcast_in_dim3A_44 in 0 : vector<1x512xf32>, vector<1x512xf32> -> vector<2x512xf32>
    %eq3A = arith.constant 0 : i32
    %eq3A_45 = arith.cmpi eq, %arg0, %eq3A : i32
    %convert_element_type3A = arith.extui %eq3A_45 : i1 to i32
    %cond3A = arith.constant 0 : i32
    %cond3A_46 = arith.cmpi ne, %convert_element_type3A, %cond3A : i32
    scf.if %cond3A_46 {
      %swap3A_51 = arith.constant 0 : index
      %swap3A_52 = arith.constant 0 : index
      %swap3A_53 = vector.load %arg9[%swap3A_51, %swap3A_52] : memref<2x512xf32, #tpu.memory_space<vmem>>, vector<2x512xf32>
      tpu.vector_store %arg9[%swap3A_51, %swap3A_52], %concatenate3A {strides = array<i32>} : memref<2x512xf32, #tpu.memory_space<vmem>>, vector<2x512xf32>,
    } else {
    }
    %ne3A = arith.constant 0 : i32
    %ne3A_47 = arith.cmpi ne, %arg0, %ne3A : i32
    %convert_element_type3A_48 = arith.extui %ne3A_47 : i1 to i32
    %cond3A_49 = arith.constant 0 : i32
    %cond3A_50 = arith.cmpi ne, %convert_element_type3A_48, %cond3A_49 : i32
    scf.if %cond3A_50 {
      %get3A_51 = arith.constant 0 : index
      %get3A_52 = arith.constant 0 : index
      %get3A_53 = vector.load %arg9[%get3A_51, %get3A_52] : memref<2x512xf32, #tpu.memory_space<vmem>>, vector<2x512xf32>
      %add3A_54 = arith.addf %get3A_53, %concatenate3A : vector<2x512xf32>
      %swap3A_55 = arith.constant 0 : index
      %swap3A_56 = arith.constant 0 : index
      %swap3A_57 = vector.load %arg9[%swap3A_55, %swap3A_56] : memref<2x512xf32, #tpu.memory_space<vmem>>, vector<2x512xf32>
      tpu.vector_store %arg9[%swap3A_55, %swap3A_56], %add3A_54 {strides = array<i32>} : memref<2x512xf32, #tpu.memory_space<vmem>>, vector<2x512xf32>,
    } else {
    }
    return
  }
  func.func @transform_0(%arg0: i32) -> (i32, i32) {
    %c0_i32 = arith.constant 0 : i32
    %c0_i32_0 = arith.constant 0 : i32
    return %arg0, %c0_i32 : i32, i32
  }
  func.func @transform_1(%arg0: i32) -> (i32, i32) {
    %c0_i32 = arith.constant 0 : i32
    %c0_i32_0 = arith.constant 0 : i32
    %c0_i32_1 = arith.constant 0 : i32
    return %c0_i32, %c0_i32_0 : i32, i32
  }
  func.func @transform_2(%arg0: i32) -> (i32, i32) {
    %c0_i32 = arith.constant 0 : i32
    %c0_i32_0 = arith.constant 0 : i32
    %c0_i32_1 = arith.constant 0 : i32
    return %c0_i32, %c0_i32_0 : i32, i32
  }
  func.func @transform_3(%arg0: i32) -> (i32, i32) {
    %c0_i32 = arith.constant 0 : i32
    %c0_i32_0 = arith.constant 0 : i32
    %c0_i32_1 = arith.constant 0 : i32
    return %c0_i32, %c0_i32_0 : i32, i32
  }
  func.func @transform_4(%arg0: i32) -> (i32, i32) {
    %c0_i32 = arith.constant 0 : i32
    %c0_i32_0 = arith.constant 0 : i32
    %c0_i32_1 = arith.constant 0 : i32
    return %c0_i32, %c0_i32_0 : i32, i32
  }
  func.func @transform_5(%arg0: i32) -> (i32, i32) {
    %c0_i32 = arith.constant 0 : i32
    %c0_i32_0 = arith.constant 0 : i32
    %c0_i32_1 = arith.constant 0 : i32
    return %c0_i32, %c0_i32_0 : i32, i32
  }
  func.func @transform_6(%arg0: i32) -> (i32, i32) {
    %c0_i32 = arith.constant 0 : i32
    %c0_i32_0 = arith.constant 0 : i32
    %c0_i32_1 = arith.constant 0 : i32
    return %c0_i32, %c0_i32_0 : i32, i32
  }
  func.func @transform_7(%arg0: i32) -> (i32, i32) {
    %c0_i32 = arith.constant 0 : i32
    %c0_i32_0 = arith.constant 0 : i32
    return %arg0, %c0_i32 : i32, i32
  }
  func.func @transform_8(%arg0: i32) -> (i32, i32) {
    %c0_i32 = arith.constant 0 : i32
    %c0_i32_0 = arith.constant 0 : i32
    %c0_i32_1 = arith.constant 0 : i32
    return %c0_i32, %c0_i32_0 : i32, i32
  }
}

module attributes {stable_mosaic.version = 14 : i64} {
  func.func @_sa_mid_body(%arg0: i32, %arg1: memref<128x512xf32, #tpu.memory_space<vmem>>, %arg2: memref<2x512xf32, #tpu.memory_space<vmem>>, %arg3: memref<1x512xf32, #tpu.memory_space<vmem>>, %arg4: memref<1x512xf32, #tpu.memory_space<vmem>>, %arg5: memref<1x512xf32, #tpu.memory_space<vmem>>, %arg6: memref<1024x512xf32, #tpu.memory_space<vmem>>, %arg7: memref<1x1024xf32, #tpu.memory_space<vmem>>, %arg8: memref<128x1024xf32, #tpu.memory_space<vmem>>, %arg9: memref<2x1024xf32, #tpu.memory_space<vmem>>) attributes {dimension_semantics = [#tpu.dimension_semantics<arbitrary>], iteration_bounds = array<i64: 1>, scalar_prefetch = 0 : i64, scratch_operands = 0 : i64, tpu.core_type = #tpu.core_type<tc>, window_params = [{transform_indices = @transform_0, window_bounds = array<i64: 128, 512>}, {pipeline_mode = #tpu.pipeline_mode<synchronous>, transform_indices = @transform_1, window_bounds = array<i64: 2, 512>}, {pipeline_mode = #tpu.pipeline_mode<synchronous>, transform_indices = @transform_2, window_bounds = array<i64: 1, 512>}, {pipeline_mode = #tpu.pipeline_mode<synchronous>, transform_indices = @transform_3, window_bounds = array<i64: 1, 512>}, {pipeline_mode = #tpu.pipeline_mode<synchronous>, transform_indices = @transform_4, window_bounds = array<i64: 1, 512>}, {pipeline_mode = #tpu.pipeline_mode<synchronous>, transform_indices = @transform_5, window_bounds = array<i64: 1024, 512>}, {pipeline_mode = #tpu.pipeline_mode<synchronous>, transform_indices = @transform_6, window_bounds = array<i64: 1, 1024>}, {transform_indices = @transform_7, window_bounds = array<i64: 128, 1024>}, {pipeline_mode = #tpu.pipeline_mode<synchronous>, transform_indices = @transform_8, window_bounds = array<i64: 2, 1024>}]} {
    %get3A = arith.constant 0 : index
    %get3A_0 = arith.constant 0 : index
    %get3A_1 = vector.load %arg1[%get3A, %get3A_0] : memref<128x512xf32, #tpu.memory_space<vmem>>, vector<128x512xf32>
    %get3A_2 = arith.constant 0 : index
    %get3A_3 = arith.constant 0 : index
    %get3A_4 = vector.load %arg2[%get3A_2, %get3A_3] : memref<2x512xf32, #tpu.memory_space<vmem>>, vector<1x512xf32>
    %div3A = arith.constant 1.280000e+02 : f32
    %div3A_5 = vector.broadcast %div3A : f32 to vector<1x512xf32>
    %div3A_6 = arith.divf %get3A_4, %div3A_5 : vector<1x512xf32>
    %get3A_7 = arith.constant 0 : index
    %get3A_8 = arith.constant 0 : index
    %get3A_9 = vector.load %arg3[%get3A_7, %get3A_8] : memref<1x512xf32, #tpu.memory_space<vmem>>, vector<1x512xf32>
    %div3A_10 = arith.constant 1.280000e+02 : f32
    %div3A_11 = vector.broadcast %div3A_10 : f32 to vector<1x512xf32>
    %div3A_12 = arith.divf %get3A_9, %div3A_11 : vector<1x512xf32>
    %sub3A = vector.broadcast %div3A_6 : vector<1x512xf32> to vector<128x512xf32>
    %sub3A_13 = arith.subf %get3A_1, %sub3A : vector<128x512xf32>
    %add3A = arith.constant 9.99999974E-6 : f32
    %add3A_14 = vector.broadcast %add3A : f32 to vector<1x512xf32>
    %add3A_15 = arith.addf %div3A_12, %add3A_14 : vector<1x512xf32>
    %sqrt3A = math.sqrt %add3A_15 : vector<1x512xf32>
    %div3A_16 = vector.broadcast %sqrt3A : vector<1x512xf32> to vector<128x512xf32>
    %div3A_17 = arith.divf %sub3A_13, %div3A_16 : vector<128x512xf32>
    %get3A_18 = arith.constant 0 : index
    %get3A_19 = arith.constant 0 : index
    %get3A_20 = vector.load %arg4[%get3A_18, %get3A_19] : memref<1x512xf32, #tpu.memory_space<vmem>>, vector<1x512xf32>
    %mul3A = vector.broadcast %get3A_20 : vector<1x512xf32> to vector<128x512xf32>
    %mul3A_21 = arith.mulf %div3A_17, %mul3A : vector<128x512xf32>
    %get3A_22 = arith.constant 0 : index
    %get3A_23 = arith.constant 0 : index
    %get3A_24 = vector.load %arg5[%get3A_22, %get3A_23] : memref<1x512xf32, #tpu.memory_space<vmem>>, vector<1x512xf32>
    %add3A_25 = vector.broadcast %get3A_24 : vector<1x512xf32> to vector<128x512xf32>
    %add3A_26 = arith.addf %mul3A_21, %add3A_25 : vector<128x512xf32>
    %max3A = arith.constant 0.000000e+00 : f32
    %max3A_27 = vector.broadcast %max3A : f32 to vector<128x512xf32>
    %max3A_28 = arith.maximumf %add3A_26, %max3A_27 : vector<128x512xf32>
    %get3A_29 = arith.constant 0 : index
    %get3A_30 = arith.constant 0 : index
    %get3A_31 = vector.load %arg6[%get3A_29, %get3A_30] : memref<1024x512xf32, #tpu.memory_space<vmem>>, vector<1024x512xf32>
    %dot_general3A = arith.constant dense<0.000000e+00> : vector<128x1024xf32>
    %dot_general3A_32 = tpu.matmul %max3A_28, %get3A_31, %dot_general3A {dimension_numbers = #tpu.dot_dimension_numbers<[1], [1], [0], [0], [0, 0, 1, 0], [], []>, transpose_lhs_hint = false} : vector<128x512xf32>, vector<1024x512xf32>, vector<128x1024xf32> -> vector<128x1024xf32>
    %get3A_33 = arith.constant 0 : index
    %get3A_34 = arith.constant 0 : index
    %get3A_35 = vector.load %arg7[%get3A_33, %get3A_34] : memref<1x1024xf32, #tpu.memory_space<vmem>>, vector<1x1024xf32>
    %add3A_36 = vector.broadcast %get3A_35 : vector<1x1024xf32> to vector<128x1024xf32>
    %add3A_37 = arith.addf %dot_general3A_32, %add3A_36 : vector<128x1024xf32>
    %swap3A = arith.constant 0 : index
    %swap3A_38 = arith.constant 0 : index
    %swap3A_39 = vector.load %arg8[%swap3A, %swap3A_38] : memref<128x1024xf32, #tpu.memory_space<vmem>>, vector<128x1024xf32>
    tpu.vector_store %arg8[%swap3A, %swap3A_38], %add3A_37 {strides = array<i32>} : memref<128x1024xf32, #tpu.memory_space<vmem>>, vector<128x1024xf32>,
    %reduce_sum3A = arith.constant dense<0.000000e+00> : vector<1024xf32>
    %reduce_sum3A_40 = vector.multi_reduction <add>, %add3A_37, %reduce_sum3A [0] : vector<128x1024xf32> to vector<1024xf32>
    %broadcast_in_dim3A = vector.shape_cast %reduce_sum3A_40 : vector<1024xf32> to vector<1x1024xf32>
    %mul3A_41 = arith.mulf %add3A_37, %add3A_37 : vector<128x1024xf32>
    %reduce_sum3A_42 = arith.constant dense<0.000000e+00> : vector<1024xf32>
    %reduce_sum3A_43 = vector.multi_reduction <add>, %mul3A_41, %reduce_sum3A_42 [0] : vector<128x1024xf32> to vector<1024xf32>
    %broadcast_in_dim3A_44 = vector.shape_cast %reduce_sum3A_43 : vector<1024xf32> to vector<1x1024xf32>
    %concatenate3A = tpu.concatenate %broadcast_in_dim3A, %broadcast_in_dim3A_44 in 0 : vector<1x1024xf32>, vector<1x1024xf32> -> vector<2x1024xf32>
    %eq3A = arith.constant 0 : i32
    %eq3A_45 = arith.cmpi eq, %arg0, %eq3A : i32
    %convert_element_type3A = arith.extui %eq3A_45 : i1 to i32
    %cond3A = arith.constant 0 : i32
    %cond3A_46 = arith.cmpi ne, %convert_element_type3A, %cond3A : i32
    scf.if %cond3A_46 {
      %swap3A_51 = arith.constant 0 : index
      %swap3A_52 = arith.constant 0 : index
      %swap3A_53 = vector.load %arg9[%swap3A_51, %swap3A_52] : memref<2x1024xf32, #tpu.memory_space<vmem>>, vector<2x1024xf32>
      tpu.vector_store %arg9[%swap3A_51, %swap3A_52], %concatenate3A {strides = array<i32>} : memref<2x1024xf32, #tpu.memory_space<vmem>>, vector<2x1024xf32>,
    } else {
    }
    %ne3A = arith.constant 0 : i32
    %ne3A_47 = arith.cmpi ne, %arg0, %ne3A : i32
    %convert_element_type3A_48 = arith.extui %ne3A_47 : i1 to i32
    %cond3A_49 = arith.constant 0 : i32
    %cond3A_50 = arith.cmpi ne, %convert_element_type3A_48, %cond3A_49 : i32
    scf.if %cond3A_50 {
      %get3A_51 = arith.constant 0 : index
      %get3A_52 = arith.constant 0 : index
      %get3A_53 = vector.load %arg9[%get3A_51, %get3A_52] : memref<2x1024xf32, #tpu.memory_space<vmem>>, vector<2x1024xf32>
      %add3A_54 = arith.addf %get3A_53, %concatenate3A : vector<2x1024xf32>
      %swap3A_55 = arith.constant 0 : index
      %swap3A_56 = arith.constant 0 : index
      %swap3A_57 = vector.load %arg9[%swap3A_55, %swap3A_56] : memref<2x1024xf32, #tpu.memory_space<vmem>>, vector<2x1024xf32>
      tpu.vector_store %arg9[%swap3A_55, %swap3A_56], %add3A_54 {strides = array<i32>} : memref<2x1024xf32, #tpu.memory_space<vmem>>, vector<2x1024xf32>,
    } else {
    }
    return
  }
  func.func @transform_0(%arg0: i32) -> (i32, i32) {
    %c0_i32 = arith.constant 0 : i32
    %c0_i32_0 = arith.constant 0 : i32
    return %arg0, %c0_i32 : i32, i32
  }
  func.func @transform_1(%arg0: i32) -> (i32, i32) {
    %c0_i32 = arith.constant 0 : i32
    %c0_i32_0 = arith.constant 0 : i32
    %c0_i32_1 = arith.constant 0 : i32
    return %c0_i32, %c0_i32_0 : i32, i32
  }
  func.func @transform_2(%arg0: i32) -> (i32, i32) {
    %c0_i32 = arith.constant 0 : i32
    %c0_i32_0 = arith.constant 0 : i32
    %c0_i32_1 = arith.constant 0 : i32
    return %c0_i32, %c0_i32_0 : i32, i32
  }
  func.func @transform_3(%arg0: i32) -> (i32, i32) {
    %c0_i32 = arith.constant 0 : i32
    %c0_i32_0 = arith.constant 0 : i32
    %c0_i32_1 = arith.constant 0 : i32
    return %c0_i32, %c0_i32_0 : i32, i32
  }
  func.func @transform_4(%arg0: i32) -> (i32, i32) {
    %c0_i32 = arith.constant 0 : i32
    %c0_i32_0 = arith.constant 0 : i32
    %c0_i32_1 = arith.constant 0 : i32
    return %c0_i32, %c0_i32_0 : i32, i32
  }
  func.func @transform_5(%arg0: i32) -> (i32, i32) {
    %c0_i32 = arith.constant 0 : i32
    %c0_i32_0 = arith.constant 0 : i32
    %c0_i32_1 = arith.constant 0 : i32
    return %c0_i32, %c0_i32_0 : i32, i32
  }
  func.func @transform_6(%arg0: i32) -> (i32, i32) {
    %c0_i32 = arith.constant 0 : i32
    %c0_i32_0 = arith.constant 0 : i32
    %c0_i32_1 = arith.constant 0 : i32
    return %c0_i32, %c0_i32_0 : i32, i32
  }
  func.func @transform_7(%arg0: i32) -> (i32, i32) {
    %c0_i32 = arith.constant 0 : i32
    %c0_i32_0 = arith.constant 0 : i32
    return %arg0, %c0_i32 : i32, i32
  }
  func.func @transform_8(%arg0: i32) -> (i32, i32) {
    %c0_i32 = arith.constant 0 : i32
    %c0_i32_0 = arith.constant 0 : i32
    %c0_i32_1 = arith.constant 0 : i32
    return %c0_i32, %c0_i32_0 : i32, i32
  }
}

module attributes {stable_mosaic.version = 14 : i64} {
  func.func @_ssq_body(%arg0: i32, %arg1: memref<128x1024xf32, #tpu.memory_space<vmem>>, %arg2: memref<2x1024xf32, #tpu.memory_space<vmem>>, %arg3: memref<1x1024xf32, #tpu.memory_space<vmem>>) attributes {dimension_semantics = [#tpu.dimension_semantics<arbitrary>], iteration_bounds = array<i64: 1>, scalar_prefetch = 0 : i64, scratch_operands = 0 : i64, tpu.core_type = #tpu.core_type<tc>, window_params = [{transform_indices = @transform_0, window_bounds = array<i64: 128, 1024>}, {pipeline_mode = #tpu.pipeline_mode<synchronous>, transform_indices = @transform_1, window_bounds = array<i64: 2, 1024>}, {pipeline_mode = #tpu.pipeline_mode<synchronous>, transform_indices = @transform_2, window_bounds = array<i64: 1, 1024>}]} {
    %get3A = arith.constant 0 : index
    %get3A_0 = arith.constant 0 : index
    %get3A_1 = vector.load %arg2[%get3A, %get3A_0] : memref<2x1024xf32, #tpu.memory_space<vmem>>, vector<1x1024xf32>
    %div3A = arith.constant 1.280000e+02 : f32
    %div3A_2 = vector.broadcast %div3A : f32 to vector<1x1024xf32>
    %div3A_3 = arith.divf %get3A_1, %div3A_2 : vector<1x1024xf32>
    %get3A_4 = arith.constant 0 : index
    %get3A_5 = arith.constant 0 : index
    %get3A_6 = vector.load %arg1[%get3A_4, %get3A_5] : memref<128x1024xf32, #tpu.memory_space<vmem>>, vector<128x1024xf32>
    %sub3A = vector.broadcast %div3A_3 : vector<1x1024xf32> to vector<128x1024xf32>
    %sub3A_7 = arith.subf %get3A_6, %sub3A : vector<128x1024xf32>
    %mul3A = arith.mulf %sub3A_7, %sub3A_7 : vector<128x1024xf32>
    %reduce_sum3A = arith.constant dense<0.000000e+00> : vector<1024xf32>
    %reduce_sum3A_8 = vector.multi_reduction <add>, %mul3A, %reduce_sum3A [0] : vector<128x1024xf32> to vector<1024xf32>
    %broadcast_in_dim3A = vector.shape_cast %reduce_sum3A_8 : vector<1024xf32> to vector<1x1024xf32>
    %eq3A = arith.constant 0 : i32
    %eq3A_9 = arith.cmpi eq, %arg0, %eq3A : i32
    %convert_element_type3A = arith.extui %eq3A_9 : i1 to i32
    %cond3A = arith.constant 0 : i32
    %cond3A_10 = arith.cmpi ne, %convert_element_type3A, %cond3A : i32
    scf.if %cond3A_10 {
      %swap3A = arith.constant 0 : index
      %swap3A_15 = arith.constant 0 : index
      %swap3A_16 = vector.load %arg3[%swap3A, %swap3A_15] : memref<1x1024xf32, #tpu.memory_space<vmem>>, vector<1x1024xf32>
      tpu.vector_store %arg3[%swap3A, %swap3A_15], %broadcast_in_dim3A {strides = array<i32>} : memref<1x1024xf32, #tpu.memory_space<vmem>>, vector<1x1024xf32>,
    } else {
    }
    %ne3A = arith.constant 0 : i32
    %ne3A_11 = arith.cmpi ne, %arg0, %ne3A : i32
    %convert_element_type3A_12 = arith.extui %ne3A_11 : i1 to i32
    %cond3A_13 = arith.constant 0 : i32
    %cond3A_14 = arith.cmpi ne, %convert_element_type3A_12, %cond3A_13 : i32
    scf.if %cond3A_14 {
      %get3A_15 = arith.constant 0 : index
      %get3A_16 = arith.constant 0 : index
      %get3A_17 = vector.load %arg3[%get3A_15, %get3A_16] : memref<1x1024xf32, #tpu.memory_space<vmem>>, vector<1x1024xf32>
      %add3A = arith.addf %get3A_17, %broadcast_in_dim3A : vector<1x1024xf32>
      %swap3A = arith.constant 0 : index
      %swap3A_18 = arith.constant 0 : index
      %swap3A_19 = vector.load %arg3[%swap3A, %swap3A_18] : memref<1x1024xf32, #tpu.memory_space<vmem>>, vector<1x1024xf32>
      tpu.vector_store %arg3[%swap3A, %swap3A_18], %add3A {strides = array<i32>} : memref<1x1024xf32, #tpu.memory_space<vmem>>, vector<1x1024xf32>,
    } else {
    }
    return
  }
  func.func @transform_0(%arg0: i32) -> (i32, i32) {
    %c0_i32 = arith.constant 0 : i32
    %c0_i32_0 = arith.constant 0 : i32
    return %arg0, %c0_i32 : i32, i32
  }
  func.func @transform_1(%arg0: i32) -> (i32, i32) {
    %c0_i32 = arith.constant 0 : i32
    %c0_i32_0 = arith.constant 0 : i32
    %c0_i32_1 = arith.constant 0 : i32
    return %c0_i32, %c0_i32_0 : i32, i32
  }
  func.func @transform_2(%arg0: i32) -> (i32, i32) {
    %c0_i32 = arith.constant 0 : i32
    %c0_i32_0 = arith.constant 0 : i32
    %c0_i32_1 = arith.constant 0 : i32
    return %c0_i32, %c0_i32_0 : i32, i32
  }
}

module attributes {stable_mosaic.version = 14 : i64} {
  func.func @_sa_last_body(%arg0: i32, %arg1: memref<128x1024xf32, #tpu.memory_space<vmem>>, %arg2: memref<2x1024xf32, #tpu.memory_space<vmem>>, %arg3: memref<1x1024xf32, #tpu.memory_space<vmem>>, %arg4: memref<1x1024xf32, #tpu.memory_space<vmem>>, %arg5: memref<1x1024xf32, #tpu.memory_space<vmem>>, %arg6: memref<1x1024xf32, #tpu.memory_space<vmem>>) attributes {dimension_semantics = [#tpu.dimension_semantics<arbitrary>], iteration_bounds = array<i64: 1>, scalar_prefetch = 0 : i64, scratch_operands = 0 : i64, tpu.core_type = #tpu.core_type<tc>, window_params = [{transform_indices = @transform_0, window_bounds = array<i64: 128, 1024>}, {pipeline_mode = #tpu.pipeline_mode<synchronous>, transform_indices = @transform_1, window_bounds = array<i64: 2, 1024>}, {pipeline_mode = #tpu.pipeline_mode<synchronous>, transform_indices = @transform_2, window_bounds = array<i64: 1, 1024>}, {pipeline_mode = #tpu.pipeline_mode<synchronous>, transform_indices = @transform_3, window_bounds = array<i64: 1, 1024>}, {pipeline_mode = #tpu.pipeline_mode<synchronous>, transform_indices = @transform_4, window_bounds = array<i64: 1, 1024>}, {transform_indices = @transform_5, window_bounds = array<i64: 1, 1024>}]} {
    %get3A = arith.constant 0 : index
    %get3A_0 = arith.constant 0 : index
    %get3A_1 = vector.load %arg1[%get3A, %get3A_0] : memref<128x1024xf32, #tpu.memory_space<vmem>>, vector<128x1024xf32>
    %get3A_2 = arith.constant 0 : index
    %get3A_3 = arith.constant 0 : index
    %get3A_4 = vector.load %arg2[%get3A_2, %get3A_3] : memref<2x1024xf32, #tpu.memory_space<vmem>>, vector<1x1024xf32>
    %div3A = arith.constant 1.280000e+02 : f32
    %div3A_5 = vector.broadcast %div3A : f32 to vector<1x1024xf32>
    %div3A_6 = arith.divf %get3A_4, %div3A_5 : vector<1x1024xf32>
    %get3A_7 = arith.constant 0 : index
    %get3A_8 = arith.constant 0 : index
    %get3A_9 = vector.load %arg3[%get3A_7, %get3A_8] : memref<1x1024xf32, #tpu.memory_space<vmem>>, vector<1x1024xf32>
    %div3A_10 = arith.constant 1.280000e+02 : f32
    %div3A_11 = vector.broadcast %div3A_10 : f32 to vector<1x1024xf32>
    %div3A_12 = arith.divf %get3A_9, %div3A_11 : vector<1x1024xf32>
    %sub3A = vector.broadcast %div3A_6 : vector<1x1024xf32> to vector<128x1024xf32>
    %sub3A_13 = arith.subf %get3A_1, %sub3A : vector<128x1024xf32>
    %add3A = arith.constant 9.99999974E-6 : f32
    %add3A_14 = vector.broadcast %add3A : f32 to vector<1x1024xf32>
    %add3A_15 = arith.addf %div3A_12, %add3A_14 : vector<1x1024xf32>
    %sqrt3A = math.sqrt %add3A_15 : vector<1x1024xf32>
    %div3A_16 = vector.broadcast %sqrt3A : vector<1x1024xf32> to vector<128x1024xf32>
    %div3A_17 = arith.divf %sub3A_13, %div3A_16 : vector<128x1024xf32>
    %get3A_18 = arith.constant 0 : index
    %get3A_19 = arith.constant 0 : index
    %get3A_20 = vector.load %arg4[%get3A_18, %get3A_19] : memref<1x1024xf32, #tpu.memory_space<vmem>>, vector<1x1024xf32>
    %mul3A = vector.broadcast %get3A_20 : vector<1x1024xf32> to vector<128x1024xf32>
    %mul3A_21 = arith.mulf %div3A_17, %mul3A : vector<128x1024xf32>
    %get3A_22 = arith.constant 0 : index
    %get3A_23 = arith.constant 0 : index
    %get3A_24 = vector.load %arg5[%get3A_22, %get3A_23] : memref<1x1024xf32, #tpu.memory_space<vmem>>, vector<1x1024xf32>
    %add3A_25 = vector.broadcast %get3A_24 : vector<1x1024xf32> to vector<128x1024xf32>
    %add3A_26 = arith.addf %mul3A_21, %add3A_25 : vector<128x1024xf32>
    %max3A = arith.constant 0.000000e+00 : f32
    %max3A_27 = vector.broadcast %max3A : f32 to vector<128x1024xf32>
    %max3A_28 = arith.maximumf %add3A_26, %max3A_27 : vector<128x1024xf32>
    %reshape3A = vector.shape_cast %max3A_28 : vector<128x1024xf32> to vector<1x128x1024xf32>
    %reduce_max3A = arith.constant dense<0xFF800000> : vector<1x1024xf32>
    %reduce_max3A_29 = vector.multi_reduction <maximumf>, %reshape3A, %reduce_max3A [1] : vector<1x128x1024xf32> to vector<1x1024xf32>
    %swap3A = arith.constant 0 : index
    %swap3A_30 = arith.constant 0 : index
    %swap3A_31 = vector.load %arg6[%swap3A, %swap3A_30] : memref<1x1024xf32, #tpu.memory_space<vmem>>, vector<1x1024xf32>
    tpu.vector_store %arg6[%swap3A, %swap3A_30], %reduce_max3A_29 {strides = array<i32>} : memref<1x1024xf32, #tpu.memory_space<vmem>>, vector<1x1024xf32>,
    return
  }
  func.func @transform_0(%arg0: i32) -> (i32, i32) {
    %c0_i32 = arith.constant 0 : i32
    %c0_i32_0 = arith.constant 0 : i32
    return %arg0, %c0_i32 : i32, i32
  }
  func.func @transform_1(%arg0: i32) -> (i32, i32) {
    %c0_i32 = arith.constant 0 : i32
    %c0_i32_0 = arith.constant 0 : i32
    %c0_i32_1 = arith.constant 0 : i32
    return %c0_i32, %c0_i32_0 : i32, i32
  }
  func.func @transform_2(%arg0: i32) -> (i32, i32) {
    %c0_i32 = arith.constant 0 : i32
    %c0_i32_0 = arith.constant 0 : i32
    %c0_i32_1 = arith.constant 0 : i32
    return %c0_i32, %c0_i32_0 : i32, i32
  }
  func.func @transform_3(%arg0: i32) -> (i32, i32) {
    %c0_i32 = arith.constant 0 : i32
    %c0_i32_0 = arith.constant 0 : i32
    %c0_i32_1 = arith.constant 0 : i32
    return %c0_i32, %c0_i32_0 : i32, i32
  }
  func.func @transform_4(%arg0: i32) -> (i32, i32) {
    %c0_i32 = arith.constant 0 : i32
    %c0_i32_0 = arith.constant 0 : i32
    %c0_i32_1 = arith.constant 0 : i32
    return %c0_i32, %c0_i32_0 : i32, i32
  }
  func.func @transform_5(%arg0: i32) -> (i32, i32) {
    %c0_i32 = arith.constant 0 : i32
    %c0_i32_0 = arith.constant 0 : i32
    return %arg0, %c0_i32 : i32, i32
  }
}

module attributes {stable_mosaic.version = 14 : i64} {
  func.func @_fuse_body(%arg0: memref<1x1024xf32, #tpu.memory_space<vmem>>, %arg1: memref<1x1024xf32, #tpu.memory_space<vmem>>, %arg2: memref<1024x1024xf32, #tpu.memory_space<vmem>>, %arg3: memref<1x1024xf32, #tpu.memory_space<vmem>>, %arg4: memref<1024x1024xf32, #tpu.memory_space<vmem>>, %arg5: memref<1x1024xf32, #tpu.memory_space<vmem>>, %arg6: memref<1x1024xf32, #tpu.memory_space<vmem>>, %arg7: memref<1x1024xf32, #tpu.memory_space<vmem>>, %arg8: memref<1x1024xf32, #tpu.memory_space<vmem>>) attributes {dimension_semantics = [], scalar_prefetch = 0 : i64, scratch_operands = 0 : i64, tpu.core_type = #tpu.core_type<tc>} {
    %get3A = arith.constant 0 : index
    %get3A_0 = arith.constant 0 : index
    %get3A_1 = vector.load %arg1[%get3A, %get3A_0] : memref<1x1024xf32, #tpu.memory_space<vmem>>, vector<1x1024xf32>
    %get3A_2 = arith.constant 0 : index
    %get3A_3 = arith.constant 0 : index
    %get3A_4 = vector.load %arg0[%get3A_2, %get3A_3] : memref<1x1024xf32, #tpu.memory_space<vmem>>, vector<1x1024xf32>
    %get3A_5 = arith.constant 0 : index
    %get3A_6 = arith.constant 0 : index
    %get3A_7 = vector.load %arg2[%get3A_5, %get3A_6] : memref<1024x1024xf32, #tpu.memory_space<vmem>>, vector<1024x1024xf32>
    %dot_general3A = arith.constant dense<0.000000e+00> : vector<1x1024xf32>
    %dot_general3A_8 = tpu.matmul %get3A_1, %get3A_7, %dot_general3A {dimension_numbers = #tpu.dot_dimension_numbers<[1], [1], [0], [0], [0, 0, 1, 0], [], []>, transpose_lhs_hint = false} : vector<1x1024xf32>, vector<1024x1024xf32>, vector<1x1024xf32> -> vector<1x1024xf32>
    %get3A_9 = arith.constant 0 : index
    %get3A_10 = arith.constant 0 : index
    %get3A_11 = vector.load %arg3[%get3A_9, %get3A_10] : memref<1x1024xf32, #tpu.memory_space<vmem>>, vector<1x1024xf32>
    %add3A = arith.addf %dot_general3A_8, %get3A_11 : vector<1x1024xf32>
    %get3A_12 = arith.constant 0 : index
    %get3A_13 = arith.constant 0 : index
    %get3A_14 = vector.load %arg4[%get3A_12, %get3A_13] : memref<1024x1024xf32, #tpu.memory_space<vmem>>, vector<1024x1024xf32>
    %dot_general3A_15 = arith.constant dense<0.000000e+00> : vector<1x1024xf32>
    %dot_general3A_16 = tpu.matmul %add3A, %get3A_14, %dot_general3A_15 {dimension_numbers = #tpu.dot_dimension_numbers<[1], [1], [0], [0], [0, 0, 1, 0], [], []>, transpose_lhs_hint = false} : vector<1x1024xf32>, vector<1024x1024xf32>, vector<1x1024xf32> -> vector<1x1024xf32>
    %get3A_17 = arith.constant 0 : index
    %get3A_18 = arith.constant 0 : index
    %get3A_19 = vector.load %arg5[%get3A_17, %get3A_18] : memref<1x1024xf32, #tpu.memory_space<vmem>>, vector<1x1024xf32>
    %add3A_20 = arith.addf %dot_general3A_16, %get3A_19 : vector<1x1024xf32>
    %add3A_21 = arith.addf %get3A_4, %add3A_20 : vector<1x1024xf32>
    %get3A_22 = arith.constant 0 : index
    %get3A_23 = arith.constant 0 : index
    %get3A_24 = vector.load %arg6[%get3A_22, %get3A_23] : memref<1x1024xf32, #tpu.memory_space<vmem>>, vector<1x1024xf32>
    %get3A_25 = arith.constant 0 : index
    %get3A_26 = arith.constant 0 : index
    %get3A_27 = vector.load %arg7[%get3A_25, %get3A_26] : memref<1x1024xf32, #tpu.memory_space<vmem>>, vector<1x1024xf32>
    %reduce_sum3A = arith.constant dense<0.000000e+00> : vector<1xf32>
    %reduce_sum3A_28 = vector.multi_reduction <add>, %add3A_21, %reduce_sum3A [1] : vector<1x1024xf32> to vector<1xf32>
    %broadcast_in_dim3A = vector.shape_cast %reduce_sum3A_28 : vector<1xf32> to vector<1x1xf32>
    %div3A = arith.constant 1.024000e+03 : f32
    %div3A_29 = vector.broadcast %div3A : f32 to vector<1x1xf32>
    %div3A_30 = arith.divf %broadcast_in_dim3A, %div3A_29 : vector<1x1xf32>
    %sub3A = vector.broadcast %div3A_30 : vector<1x1xf32> to vector<1x1024xf32>
    %sub3A_31 = arith.subf %add3A_21, %sub3A : vector<1x1024xf32>
    %mul3A = arith.mulf %sub3A_31, %sub3A_31 : vector<1x1024xf32>
    %reduce_sum3A_32 = arith.constant dense<0.000000e+00> : vector<1xf32>
    %reduce_sum3A_33 = vector.multi_reduction <add>, %mul3A, %reduce_sum3A_32 [1] : vector<1x1024xf32> to vector<1xf32>
    %broadcast_in_dim3A_34 = vector.shape_cast %reduce_sum3A_33 : vector<1xf32> to vector<1x1xf32>
    %div3A_35 = arith.constant 1.024000e+03 : f32
    %div3A_36 = vector.broadcast %div3A_35 : f32 to vector<1x1xf32>
    %div3A_37 = arith.divf %broadcast_in_dim3A_34, %div3A_36 : vector<1x1xf32>
    %add3A_38 = arith.constant 9.99999974E-6 : f32
    %add3A_39 = vector.broadcast %add3A_38 : f32 to vector<1x1xf32>
    %add3A_40 = arith.addf %div3A_37, %add3A_39 : vector<1x1xf32>
    %sqrt3A = math.sqrt %add3A_40 : vector<1x1xf32>
    %div3A_41 = vector.broadcast %sqrt3A : vector<1x1xf32> to vector<1x1024xf32>
    %div3A_42 = arith.divf %sub3A_31, %div3A_41 : vector<1x1024xf32>
    %mul3A_43 = arith.mulf %div3A_42, %get3A_24 : vector<1x1024xf32>
    %add3A_44 = arith.addf %mul3A_43, %get3A_27 : vector<1x1024xf32>
    %swap3A = arith.constant 0 : index
    %swap3A_45 = arith.constant 0 : index
    %swap3A_46 = vector.load %arg8[%swap3A, %swap3A_45] : memref<1x1024xf32, #tpu.memory_space<vmem>>, vector<1x1024xf32>
    tpu.vector_store %arg8[%swap3A, %swap3A_45], %add3A_44 {strides = array<i32>} : memref<1x1024xf32, #tpu.memory_space<vmem>>, vector<1x1024xf32>,
    return
  }
}

module attributes {stable_mosaic.version = 14 : i64} {
  func.func @_cls_body(%arg0: memref<1x1024xf32, #tpu.memory_space<vmem>>, %arg1: memref<1x1024xf32, #tpu.memory_space<vmem>>, %arg2: memref<1024x2048xf32, #tpu.memory_space<vmem>>, %arg3: memref<1x1024xf32, #tpu.memory_space<vmem>>, %arg4: memref<6x1024xf32, #tpu.memory_space<vmem>>, %arg5: memref<1x6xf32, #tpu.memory_space<vmem>>, %arg6: memref<1x6xf32, #tpu.memory_space<vmem>>) attributes {dimension_semantics = [], scalar_prefetch = 0 : i64, scratch_operands = 0 : i64, tpu.core_type = #tpu.core_type<tc>} {
    %get3A = arith.constant 0 : index
    %get3A_0 = arith.constant 0 : index
    %get3A_1 = vector.load %arg0[%get3A, %get3A_0] : memref<1x1024xf32, #tpu.memory_space<vmem>>, vector<1x1024xf32>
    %get3A_2 = arith.constant 0 : index
    %get3A_3 = arith.constant 0 : index
    %get3A_4 = vector.load %arg1[%get3A_2, %get3A_3] : memref<1x1024xf32, #tpu.memory_space<vmem>>, vector<1x1024xf32>
    %concatenate3A = tpu.concatenate %get3A_1, %get3A_4 in 1 : vector<1x1024xf32>, vector<1x1024xf32> -> vector<1x2048xf32>
    %get3A_5 = arith.constant 0 : index
    %get3A_6 = arith.constant 0 : index
    %get3A_7 = vector.load %arg2[%get3A_5, %get3A_6] : memref<1024x2048xf32, #tpu.memory_space<vmem>>, vector<1024x2048xf32>
    %dot_general3A = arith.constant dense<0.000000e+00> : vector<1x1024xf32>
    %dot_general3A_8 = tpu.matmul %concatenate3A, %get3A_7, %dot_general3A {dimension_numbers = #tpu.dot_dimension_numbers<[1], [1], [0], [0], [0, 0, 1, 0], [], []>, transpose_lhs_hint = false} : vector<1x2048xf32>, vector<1024x2048xf32>, vector<1x1024xf32> -> vector<1x1024xf32>
    %get3A_9 = arith.constant 0 : index
    %get3A_10 = arith.constant 0 : index
    %get3A_11 = vector.load %arg3[%get3A_9, %get3A_10] : memref<1x1024xf32, #tpu.memory_space<vmem>>, vector<1x1024xf32>
    %add3A = arith.addf %dot_general3A_8, %get3A_11 : vector<1x1024xf32>
    %max3A = arith.constant 0.000000e+00 : f32
    %max3A_12 = vector.broadcast %max3A : f32 to vector<1x1024xf32>
    %max3A_13 = arith.maximumf %add3A, %max3A_12 : vector<1x1024xf32>
    %get3A_14 = arith.constant 0 : index
    %get3A_15 = arith.constant 0 : index
    %get3A_16 = vector.load %arg4[%get3A_14, %get3A_15] : memref<6x1024xf32, #tpu.memory_space<vmem>>, vector<6x1024xf32>
    %dot_general3A_17 = arith.constant dense<0.000000e+00> : vector<1x6xf32>
    %dot_general3A_18 = tpu.matmul %max3A_13, %get3A_16, %dot_general3A_17 {dimension_numbers = #tpu.dot_dimension_numbers<[1], [1], [0], [0], [0, 0, 1, 0], [], []>, transpose_lhs_hint = false} : vector<1x1024xf32>, vector<6x1024xf32>, vector<1x6xf32> -> vector<1x6xf32>
    %get3A_19 = arith.constant 0 : index
    %get3A_20 = arith.constant 0 : index
    %get3A_21 = vector.load %arg5[%get3A_19, %get3A_20] : memref<1x6xf32, #tpu.memory_space<vmem>>, vector<1x6xf32>
    %add3A_22 = arith.addf %dot_general3A_18, %get3A_21 : vector<1x6xf32>
    %swap3A = arith.constant 0 : index
    %swap3A_23 = arith.constant 0 : index
    %swap3A_24 = vector.load %arg6[%swap3A, %swap3A_23] : memref<1x6xf32, #tpu.memory_space<vmem>>, vector<1x6xf32>
    tpu.vector_store %arg6[%swap3A, %swap3A_23], %add3A_22 {strides = array<i32>} : memref<1x6xf32, #tpu.memory_space<vmem>>, vector<1x6xf32>,
    return
  }
}

</mosaic_0001>

<sc_bundles>
// kernel: kernel.55.cloned.1.call-start
scs
__scs_entry_jumppad:
0x0: {  	(pc) =	sbr.rel $0x88, $3  }
0x1: {  	(tag) =	ssettag $0x0;
	lr =	simm.s32 $0x1  }
0x2: {  	[smem:$0x3F2E] =	sst lr;
	_ =	strace $0xD0000000  }
0x3: {  	_ = 	snop  }
0x4: {  	_ = 	snop  }
0x5: {  	_ = 	snop  }
0x6: {  	_ = 	snop  }
0x7: {  	_ = 	snop  }
__scs_overlays_trampoline_lowered:
0x8: {  	[smem:$0x3F3D] =	sst s0  }
0x9: {  	[smem:$0x3F3E] =	sst s1  }
0xa: {  	[smem:$0x3F3F] =	sst s2  }
0xb: {  	[smem:$0x3F40] =	sst s3  }
0xc: {  	[smem:$0x3F41] =	sst s4  }
0xd: {  	[smem:$0x3F42] =	sst s5  }
0xe: {  	[smem:$0x3F43] =	sst s6  }
0xf: {  	[smem:$0x3F44] =	sst s7  }
0x10: {  	[smem:$0x3F45] =	sst s8  }
0x11: {  	[smem:$0x3F46] =	sst s9;
	s0 =	simm.s32 @!p0 $0x0  }
0x12: {  	s1 =	sld [smem:$0x3F2C];
	s0 =	simm.s32 @p0 $0x1  }
0x13: {  	[smem:$0x3F47] =	sst s0;
	s0 =	simm.s32 @!p1 $0x0  }
0x14: {  	s2 =	sld [smem:$0x3F2B];
	s0 =	simm.s32 @p1 $0x1  }
0x15: {  	[smem:$0x3F48] =	sst s0;
	s0 =	simm.s32 @!p2 $0x0  }
0x16: {  	s3 =	sld [smem:$0x3FDB];
	s0 =	simm.s32 @p2 $0x1  }
0x17: {  	s4 =	simm.s32 $0x1BF5;
	[smem:$0x3F4A] =	sst s0  }
0x18: {  	s0 =	sld [smem:$0x3F2D];
	_ =	swait.ge [sflag:s4], $0x0  }
0x19: {  	s7 =	sld [smem:$0x3F2E]  }
0x1a: {  	s8 =	sadd.s32 $0xFFFFE003, lr  }
0x1b: {  	s9 =	sadd.s32 $0xFFFFFEF7, lr;
	s5 =	simm.s32 $0xFFFFFFFF;
	p2 =	slt.u32 s8, $0xFFFFF086  }
0x1c: {  	p1 =	slt.u32 s9, $0xF7A;
	s5 =	simm.s32 @!p2 $0x0  }
0x1d: {  	s5 =	simm.s32 @p1 $0x1;
	p0 =	seq.s32 s7, s2  }
0x1e: {  	s7 =	smul.u32 @!p0 $0xF7A, s2;
	p2 =	seq.s32 @!p0 s5, $0x0  }
0x1f: {  	s9 =	smul.u32 $0xF7A, s1;
	s8 =	simm.s32 @!p0 $0x1BF5;
	p2 =	por !p2, p0  }
0x20: {  	[sflag:s8] =	ssyncset.s32 @!p0 $0xFFFFF086;
	s6 =	sadd.s32 @!p0 s3, s7;
	s7 =	simm.s32 @!p0 $0x108  }
0x21: {  	s3 =	sadd.s32 s3, s9;
	s6 =	sadd.s32 @!p0 $0x88, s6;
	s7 =	simm.s32 @p2 $0x1082  }
0x22: {  	[simem:s7], [sflag:s8] =	dma.local @!p0 [hbm:s6], $0xF7A  }
0x23: {  	s9 =	sor.u32 $0xD0000000, s2;
	s6 =	simm.s32 $0x108;
	_ =	swait.ge @!p0 [sflag:s8], $0x0  }
0x24: {  	s3 =	sadd.s32 $0x88, s3;
	s6 =	simm.s32 @!p1 $0x1082;
	[sflag:s4] =	ssyncset.s32 $0xFFFFF086  }
0x25: {  	[simem:s6], [sflag:s4] =	dma.local [hbm:s3], $0xF7A  }
0x26: {  	[smem:$0x3F2E] =	sst s1;
	(tag) =	ssettag s2;
	_ =	strace s9  }
0x27: {  	s1 =	sld [smem:$0x3F3E]  }
0x28: {  	s2 =	sld [smem:$0x3F3F]  }
0x29: {  	s4 =	sld [smem:$0x3F41]  }
0x2a: {  	p0 =	seq.s32 s5, $0x0;
	s5 =	sld [smem:$0x3F42]  }
0x2b: {  	s6 =	sld [smem:$0x3F43]  }
0x2c: {  	s7 =	sld [smem:$0x3F44]  }
0x2d: {  	s3 =	simm.s32 $0x108;
	s8 =	sld [smem:$0x3F45]  }
0x2e: {  	s3 =	simm.s32 @!p0 $0x1082;
	s9 =	sld [smem:$0x3F46]  }
0x2f: {  	lr =	sadd.s32 s0, s3;
	s0 =	sld [smem:$0x3F3D]  }
0x30: {  	s3 =	sld [smem:$0x3F40]  }
0x31: {  	[smem:$0x3F49] =	sst s10  }
0x32: {  	s10 =	sld [smem:$0x3F47];
	_ =	sdelay $0x3  }
0x33: {  	p0 =	seq.s32 s10, $0x1;
	s10 =	sld [smem:$0x3F49];
	_ =	sdelay $0x3  }
0x34: {  	[smem:$0x3F49] =	sst s10  }
0x35: {  	s10 =	sld [smem:$0x3F48];
	_ =	sdelay $0x3  }
0x36: {  	p1 =	seq.s32 s10, $0x1;
	s10 =	sld [smem:$0x3F49];
	_ =	sdelay $0x3  }
0x37: {  	[smem:$0x3F49] =	sst s10  }
0x38: {  	s10 =	sld [smem:$0x3F4A]  }
0x39: {  	_ = 	snop;
	(pc) =	sbr.ind lr, $3  }
0x3a: {  	_ = 	snop  }
0x3b: {  	_ = 	snop  }
0x3c: {  	p2 =	seq.s32 s10, $0x1;
	s10 =	sld [smem:$0x3F49]  }
0x3d: {  	_ =	shalt  }
0x3e: {  	_ =	shalt  }
0x3f: {  	_ =	shalt  }
0x40: {  	_ =	shalt  }
0x41: {  	_ =	shalt  }
0x42: {  	_ =	shalt  }
0x43: {  	_ =	shalt  }
0x44: {  	_ =	shalt  }
0x45: {  	_ =	shalt  }
0x46: {  	_ =	shalt  }
0x47: {  	_ =	shalt  }
0x48: {  	_ =	shalt  }
0x49: {  	_ =	shalt  }
0x4a: {  	_ =	shalt  }
0x4b: {  	_ =	shalt  }
0x4c: {  	_ =	shalt  }
0x4d: {  	_ =	shalt  }
0x4e: {  	_ =	shalt  }
0x4f: {  	_ =	shalt  }
0x50: {  	_ =	shalt  }
0x51: {  	_ =	shalt  }
0x52: {  	_ =	shalt  }
0x53: {  	_ =	shalt  }
0x54: {  	_ =	shalt  }
0x55: {  	_ =	shalt  }
0x56: {  	_ =	shalt  }
0x57: {  	_ =	shalt  }
0x58: {  	_ =	shalt  }
0x59: {  	_ =	shalt  }
0x5a: {  	_ =	shalt  }
0x5b: {  	_ =	shalt  }
0x5c: {  	_ =	shalt  }
0x5d: {  	_ =	shalt  }
0x5e: {  	_ =	shalt  }
0x5f: {  	_ =	shalt  }
0x60: {  	_ =	shalt  }
0x61: {  	_ =	shalt  }
0x62: {  	_ =	shalt  }
0x63: {  	_ =	shalt  }
0x64: {  	_ =	shalt  }
0x65: {  	_ =	shalt  }
0x66: {  	_ =	shalt  }
0x67: {  	_ =	shalt  }
0x68: {  	_ =	shalt  }
0x69: {  	_ =	shalt  }
0x6a: {  	_ =	shalt  }
0x6b: {  	_ =	shalt  }
0x6c: {  	_ =	shalt  }
0x6d: {  	_ =	shalt  }
0x6e: {  	_ =	shalt  }
0x6f: {  	_ =	shalt  }
0x70: {  	_ =	shalt  }
0x71: {  	_ =	shalt  }
0x72: {  	_ =	shalt  }
0x73: {  	_ =	shalt  }
0x74: {  	_ =	shalt  }
0x75: {  	_ =	shalt  }
0x76: {  	_ =	shalt  }
0x77: {  	_ =	shalt  }
0x78: {  	_ =	shalt  }
0x79: {  	_ =	shalt  }
0x7a: {  	_ =	shalt  }
0x7b: {  	_ =	shalt  }
0x7c: {  	_ =	shalt  }
0x7d: {  	_ =	shalt  }
0x7e: {  	_ =	shalt  }
0x7f: {  	_ =	shalt  }
0x80: {  	_ =	shalt  }
0x81: {  	_ =	shalt  }
0x82: {  	_ =	shalt  }
0x83: {  	_ =	shalt  }
0x84: {  	_ =	shalt  }
0x85: {  	_ =	shalt  }
0x86: {  	_ =	shalt  }
0x87: {  	_ =	shalt  }
.Lfunc_end0:
.L_simem_size_0:
called_computation_lowered:
.L_overlay_start_0:
0x88: {  	s2 =	sld [smem:$0x3FD9]  }
0x89: {  	s3 =	sld [smem:$0x3FFE];
	_ =	sdelay $0x1  }
0x8a: {  	s1 =	srdreg.scid  }
0x8b: {  	s0 =	sand.u32 $0x1, s1  }
0x8c: {  	s16 =	sshll.u32 s0, $0xA;
	s2 =	sadd.s32 s3, s2  }
0x8d: {  	s2 =	sadd.s32 s2, s16  }
0x8e: {  	[smem:$0x3F55] =	sst s2  }
0x8f: {  	_ = 	snop  }
0x90: {  	(tm) =	ssettm $0x1  }
0x91: {  	s17 =	sld [smem:$0x3FFB];
	_ =	sdelay $0x3  }
0x92: {  	_ =	strace s17  }
0x93: {  	s2 =	sld [smem:$0x3FFC];
	_ =	sdelay $0x3  }
0x94: {  	_ =	strace s2  }
0x95: {  	s2 =	sld [smem:$0x3FFD];
	_ =	sdelay $0x3  }
0x96: {  	_ =	strace s2  }
0x97: {  	_ =	strace $0x8FFFFFFF  }
0x98: {  	s18 =	sld [smem:$0x3FDB];
	_ =	sdelay $0x1  }
0x99: {  	s19 =	simm.s32 $_scs_section_size  }
0x9a: {  	s4 =	simm.s32 $_size__tile_overlayer_lowered;
	s5 =	simm.s32 $_tile_overlayer_lowered  }
0x9b: {  	s22 =	simm.s32 $0x1BFF;
	s21 =	sshll.u32 s5, $0x1;
	s2 =	sadd.s32 s19, s18  }
0x9c: {  	s6 =	simm.s32 $0x0;
	s20 =	sshll.u32 s4, $0x1;
	s4 =	sadd.s32 s21, s2  }
0x9d: {  	[timem:s6], [sflag:s22] =	dma.local [hbm:s4], s20  }
0x9e: {  	_ =	swait.ge [sflag:s22], s20  }
0x9f: {  	s3 =	ssub.s32 $0x0, s20;
	[sflag:s22] =	ssyncset.done $0x0  }
0xa0: {  	[sflag:s22] =	ssyncadd.s32 s3;
	_ =	sdelay $0x1  }
0xa1: {  	s23 =	simm.s32 $0x1B8B  }
0xa2: {  	_ =	swait.ge [sflag:s23], $0x1  }
0xa3: {  	[sflag:s23] =	ssyncset.done $0x0  }
0xa4: {  	s25 =	simm.s32 $0x1B8E;
	s24 =	sld [smem:$0x3FFE];
	[sflag:s23] =	ssyncadd.s32 $0xFFFFFFFF  }
0xa5: {  	s26 =	simm.s32 $execute0_lowered;
	[smem:$0x3FD2] =	sst s25  }
0xa6: {  	s4 =	sshll.u32 s26, $0x1;
	_ =	strace $0x80000046;
	[dreg:$0x1] =	wrdreg $0xFFFFFFFF  }
0xa7: {  	s28 =	simm.s32 $_size_execute0_lowered;
	s2 =	sadd.s32 s2, s4;
	[dreg:$0x0] =	wrdreg $0x0  }
0xa8: {  	s4 =	sshll.u32 s28, $0x1;
	[dreg:$0x2] =	wrdreg s2  }
0xa9: {  	[dreg:$0x3] =	wrdreg s4  }
0xaa: {  	[dreg:$0x4] =	wrdreg $0xC0  }
0xab: {  	_ =	task [dreg:s6], $0x5FFFF  }
0xac: {  	[dreg:$0x1] =	wrdreg $0xFFFFFFFF  }
0xad: {  	[dreg:$0x0] =	wrdreg $0x60  }
0xae: {  	[dreg:$0x2] =	wrdreg s24  }
0xaf: {  	[dreg:$0x3] =	wrdreg $0x9  }
0xb0: {  	_ =	task.clear_ibuf [dreg:s6], $0x4FFFF;
	_ =	strace $0x90000046  }
0xb1: {  	s29 =	simm.s32 $0x9;
	_ =	strace $0x80000048  }
0xb2: {  	_ =	swait.ge [sflag:s29], $0x1  }
0xb3: {  	[sflag:s29] =	ssyncadd.s32 $0xFFFFFFFF  }
0xb4: {  	_ =	strace $0x90000048  }
0xb5: {  	_ =	sfence  }
0xb6: {  	s30 =	sld [smem:$0x0];
	_ =	sdelay $0x2  }
0xb7: {  	s31 =	sshll.u32 s1, $0xD;
	s1 =	sshrl.u32 s1, $0x2  }
0xb8: {  	s3 =	sand.u32 $0x4000, s31;
	s1 =	sadd.s32 s1, s30  }
0xb9: {  	s0 =	sor.u32 s3, s0;
	s1 =	sshll.u32 s1, $0x11  }
0xba: {  	s0 =	sor.u32 s1, s0  }
0xbb: {  	s0 =	sadd.s32 $0x8F2B, s0  }
0xbc: {  	[sflag:s0] =	ssyncadd.remote.s32 $0x1  }
0xbd: {  	_ =	sfence.sel $0xFFFF  }
0xbe: {  	[dreg:$0x0] =	wrdreg $0xFFFFFFFF;
	(pc) =	sbr.abs _section_cstart, $3  }
0xbf: {  	[dreg:$0x1] =	wrdreg $0xFFFFFFFF  }
0xc0: {  	_ =	task.clear_ibuf [dreg:s6], $0x2FFFF;
	_ =	strace $0x9FFFFFFF  }
0xc1: {  	(tm) =	ssettm $0x7FFFFFFF  }
tec
execute0_lowered:
.L_overlay_start_1:
0x0: {  	(tag) =	ssettag $0x1  }
0x1: {  	s1 =	srdreg.scid;
	s0 =	stileid.u32  }
0x2: {  	s6 =	sand.u32 $0x1, s1;
	s31 =	sshll.u32 s0, $0x1  }
0x3: {  	s1 =	sor.u32 s6, s31  }
0x4: {  	s5 =	rddreg [dreg:$0x0];
	s2 =	simm.s32 $0x0;
	s3 =	smul.u32 $0x300, s1  }
0x5: {  	[smem:$0x7FF] =	sst s2  }
0x6: {  	s9 =	ssub.s32 $0x2, s6;
	s1 =	rddreg [dreg:$0x1];
	s8 =	sadd.s32 s3, s5  }
0x7: {  	_ =	strace $0x80000047;
	s3 =	simm.s32 $0x2;
	s4 =	sadd.s32 $0x11BC00, s8  }
0x8: {  	[tilespmem:s2], [sflag:$0x2] =	stream.linear.gather [hbm4b:s4+s2], $0x1800, $0x38;
	[tilespmem:$0x3000] =	vst v63  }
0x9: {  	s7 =	simm.s32 $0x1;
	s10 =	sshrl.u32 s9, $0x1;
	_ =	swait.ge [sflag:s3], $0x1800  }
0xa: {  	s6 =	simm.s32 $0x1800;
	s9 =	ssub.s32 s9, s10;
	[sflag:s3] =	ssyncset.done $0x0  }
0xb: {  	s5 =	sadd.s32 $0x1B800, s5;
	s9 =	smax.u32 s9, $0x1;
	[sflag:s3] =	ssyncadd.s32 $0xFFFFE800  }
0xc: {  	[tilespmem:s6], [sflag:$0x1] =	stream.indirect.gather [hbm4b:s5+s6], $0x1, s2, s6, $0xb8;
	[tilespmem:$0x3000] =	vst v63  }
0xd: {  	p0 =	sne.s32 s9, $0x1;
	_ =	swait.ge [sflag:s7], $0x1800  }
.Ltmp0:
0xe: {  	[sflag:s7] =	ssyncset.done $0x0;
	(pc) =	sbr.rel @!p0 .LBB2_2-.Ltmp0, $4  }
0xf: {  	s8 =	sadd.s32 $0x1BC00, s8;
	[sflag:s7] =	ssyncadd.s32 $0xFFFFE800  }
0x10: {  	[hbm4b:s8+s2] =	stream.linear.scatter [tilespmem:s6], [sflag:$0x2], $0x1800, $0x38;
	[tilespmem:$0x3000] =	vst v63  }
0x11: {  	_ =	swait.ge [sflag:s3], $0x1800  }
0x12: {  	s9 =	sadd.s32 $0xFFFFFFFF, s9;
	[sflag:s3] =	ssyncset.done $0x0  }
.LBB2_1:
0x13: {  	p0 =	sne.s32 s9, $0x1;
	s9 =	sadd.s32 $0xFFFFFFFF, s9;
	[sflag:s3] =	ssyncadd.s32 $0xFFFFE800  }
0x14: {  	[tilespmem:s2], [sflag:$0x2] =	stream.linear.gather [hbm4b:s4+s2], $0x1800, $0x38;
	[tilespmem:$0x3000] =	vst v63  }
0x15: {  	_ =	swait.ge [sflag:s3], $0x1800  }
0x16: {  	[sflag:s3] =	ssyncset.done $0x0  }
0x17: {  	[sflag:s3] =	ssyncadd.s32 $0xFFFFE800  }
0x18: {  	[tilespmem:s6], [sflag:$0x1] =	stream.indirect.gather [hbm4b:s5+s6], $0x1, s2, s6, $0xb8;
	[tilespmem:$0x3000] =	vst v63  }
0x19: {  	_ =	swait.ge [sflag:s7], $0x1800  }
.Ltmp1:
0x1a: {  	[sflag:s7] =	ssyncset.done $0x0;
	(pc) =	sbr.rel @p0 .LBB2_1-.Ltmp1, $4  }
0x1b: {  	[sflag:s7] =	ssyncadd.s32 $0xFFFFE800  }
0x1c: {  	[hbm4b:s8+s2] =	stream.linear.scatter [tilespmem:s6], [sflag:$0x2], $0x1800, $0x38;
	[tilespmem:$0x3000] =	vst v63  }
0x1d: {  	_ =	swait.ge [sflag:s3], $0x1800  }
0x1e: {  	[sflag:s3] =	ssyncset.done $0x0  }
.LBB2_2:
0x1f: {  	[sflag:s3] =	ssyncadd.s32 $0xFFFFE800  }
0x20: {  	_ =	sfence.sel $0x180000  }
0x21: {  	[bflag:$0x0] =	sbarrier.arrive $0xFFFF  }
0x22: {  	p0 =	sne.s32 s0, $0x0;
	_ =	strace $0x90000047  }
0x23: {  	s0 =	sadd.s32 @!p0 $0x100000, s1;
	[bflag:$0x2] =	sbarrier.arrive $0xFFFF  }
0x24: {  	[sflag:s0] =	ssyncadd.tile.s32 @!p0 $0x1;
	_ =	shalt  }
.Lfunc_end2:
_tile_overlayer_lowered:
.L_overlay_start_2:
0x25: {  	(tag) =	ssettag $0x2  }
0x26: {  	s0 =	rddreg [dreg:$0x0];
	s2 =	stileid.u32  }
0x27: {  	s1 =	rddreg [dreg:$0x1];
	p0 =	sne.s32 s2, $0x0  }
0x28: {  	s3 =	rddreg [dreg:$0x2];
	[bflag:$0x3] =	sbarrier.arrive $0xFFFF;
	s2 =	simm.s32 @!p0 $0x1C02  }
0x29: {  	[timem:s3], [sflag:s2] =	dma.local @!p0 [hbm:s0], s1  }
0x2a: {  	s0 =	simm.s32 @!p0 $0x2  }
0x2b: {  	_ =	swait.ge @!p0 [sflag:s0], s1  }
0x2c: {  	s1 =	ssub.s32 @!p0 $0x0, s1;
	[sflag:s0] =	ssyncset.done @!p0 $0x0  }
0x2d: {  	[sflag:s0] =	ssyncadd.s32 @!p0 s1  }
0x2e: {  	[bflag:$0x3] =	sbarrier.arrive $0xFFFF  }
0x2f: {  	_ =	shalt  }

// kernel: kernel.58.cloned.1.call-start
scs
__scs_entry_jumppad:
0x0: {  	(pc) =	sbr.rel $0x88, $3  }
0x1: {  	(tag) =	ssettag $0x0;
	lr =	simm.s32 $0x1  }
0x2: {  	[smem:$0x3F2E] =	sst lr;
	_ =	strace $0xD0000000  }
0x3: {  	_ = 	snop  }
0x4: {  	_ = 	snop  }
0x5: {  	_ = 	snop  }
0x6: {  	_ = 	snop  }
0x7: {  	_ = 	snop  }
__scs_overlays_trampoline_lowered:
0x8: {  	[smem:$0x3F3D] =	sst s0  }
0x9: {  	[smem:$0x3F3E] =	sst s1  }
0xa: {  	[smem:$0x3F3F] =	sst s2  }
0xb: {  	[smem:$0x3F40] =	sst s3  }
0xc: {  	[smem:$0x3F41] =	sst s4  }
0xd: {  	[smem:$0x3F42] =	sst s5  }
0xe: {  	[smem:$0x3F43] =	sst s6  }
0xf: {  	[smem:$0x3F44] =	sst s7  }
0x10: {  	[smem:$0x3F45] =	sst s8  }
0x11: {  	[smem:$0x3F46] =	sst s9;
	s0 =	simm.s32 @!p0 $0x0  }
0x12: {  	s1 =	sld [smem:$0x3F2C];
	s0 =	simm.s32 @p0 $0x1  }
0x13: {  	[smem:$0x3F47] =	sst s0;
	s0 =	simm.s32 @!p1 $0x0  }
0x14: {  	s2 =	sld [smem:$0x3F2B];
	s0 =	simm.s32 @p1 $0x1  }
0x15: {  	[smem:$0x3F48] =	sst s0;
	s0 =	simm.s32 @!p2 $0x0  }
0x16: {  	s3 =	sld [smem:$0x3FDB];
	s0 =	simm.s32 @p2 $0x1  }
0x17: {  	s4 =	simm.s32 $0x1BF5;
	[smem:$0x3F4A] =	sst s0  }
0x18: {  	s0 =	sld [smem:$0x3F2D];
	_ =	swait.ge [sflag:s4], $0x0  }
0x19: {  	s7 =	sld [smem:$0x3F2E]  }
0x1a: {  	s8 =	sadd.s32 $0xFFFFE003, lr  }
0x1b: {  	s9 =	sadd.s32 $0xFFFFFEF7, lr;
	s5 =	simm.s32 $0xFFFFFFFF;
	p2 =	slt.u32 s8, $0xFFFFF086  }
0x1c: {  	p1 =	slt.u32 s9, $0xF7A;
	s5 =	simm.s32 @!p2 $0x0  }
0x1d: {  	s5 =	simm.s32 @p1 $0x1;
	p0 =	seq.s32 s7, s2  }
0x1e: {  	s7 =	smul.u32 @!p0 $0xF7A, s2;
	p2 =	seq.s32 @!p0 s5, $0x0  }
0x1f: {  	s9 =	smul.u32 $0xF7A, s1;
	s8 =	simm.s32 @!p0 $0x1BF5;
	p2 =	por !p2, p0  }
0x20: {  	[sflag:s8] =	ssyncset.s32 @!p0 $0xFFFFF086;
	s6 =	sadd.s32 @!p0 s3, s7;
	s7 =	simm.s32 @!p0 $0x108  }
0x21: {  	s3 =	sadd.s32 s3, s9;
	s6 =	sadd.s32 @!p0 $0x88, s6;
	s7 =	simm.s32 @p2 $0x1082  }
0x22: {  	[simem:s7], [sflag:s8] =	dma.local @!p0 [hbm:s6], $0xF7A  }
0x23: {  	s9 =	sor.u32 $0xD0000000, s2;
	s6 =	simm.s32 $0x108;
	_ =	swait.ge @!p0 [sflag:s8], $0x0  }
0x24: {  	s3 =	sadd.s32 $0x88, s3;
	s6 =	simm.s32 @!p1 $0x1082;
	[sflag:s4] =	ssyncset.s32 $0xFFFFF086  }
0x25: {  	[simem:s6], [sflag:s4] =	dma.local [hbm:s3], $0xF7A  }
0x26: {  	[smem:$0x3F2E] =	sst s1;
	(tag) =	ssettag s2;
	_ =	strace s9  }
0x27: {  	s1 =	sld [smem:$0x3F3E]  }
0x28: {  	s2 =	sld [smem:$0x3F3F]  }
0x29: {  	s4 =	sld [smem:$0x3F41]  }
0x2a: {  	p0 =	seq.s32 s5, $0x0;
	s5 =	sld [smem:$0x3F42]  }
0x2b: {  	s6 =	sld [smem:$0x3F43]  }
0x2c: {  	s7 =	sld [smem:$0x3F44]  }
0x2d: {  	s3 =	simm.s32 $0x108;
	s8 =	sld [smem:$0x3F45]  }
0x2e: {  	s3 =	simm.s32 @!p0 $0x1082;
	s9 =	sld [smem:$0x3F46]  }
0x2f: {  	lr =	sadd.s32 s0, s3;
	s0 =	sld [smem:$0x3F3D]  }
0x30: {  	s3 =	sld [smem:$0x3F40]  }
0x31: {  	[smem:$0x3F49] =	sst s10  }
0x32: {  	s10 =	sld [smem:$0x3F47];
	_ =	sdelay $0x3  }
0x33: {  	p0 =	seq.s32 s10, $0x1;
	s10 =	sld [smem:$0x3F49];
	_ =	sdelay $0x3  }
0x34: {  	[smem:$0x3F49] =	sst s10  }
0x35: {  	s10 =	sld [smem:$0x3F48];
	_ =	sdelay $0x3  }
0x36: {  	p1 =	seq.s32 s10, $0x1;
	s10 =	sld [smem:$0x3F49];
	_ =	sdelay $0x3  }
0x37: {  	[smem:$0x3F49] =	sst s10  }
0x38: {  	s10 =	sld [smem:$0x3F4A]  }
0x39: {  	_ = 	snop;
	(pc) =	sbr.ind lr, $3  }
0x3a: {  	_ = 	snop  }
0x3b: {  	_ = 	snop  }
0x3c: {  	p2 =	seq.s32 s10, $0x1;
	s10 =	sld [smem:$0x3F49]  }
0x3d: {  	_ =	shalt  }
0x3e: {  	_ =	shalt  }
0x3f: {  	_ =	shalt  }
0x40: {  	_ =	shalt  }
0x41: {  	_ =	shalt  }
0x42: {  	_ =	shalt  }
0x43: {  	_ =	shalt  }
0x44: {  	_ =	shalt  }
0x45: {  	_ =	shalt  }
0x46: {  	_ =	shalt  }
0x47: {  	_ =	shalt  }
0x48: {  	_ =	shalt  }
0x49: {  	_ =	shalt  }
0x4a: {  	_ =	shalt  }
0x4b: {  	_ =	shalt  }
0x4c: {  	_ =	shalt  }
0x4d: {  	_ =	shalt  }
0x4e: {  	_ =	shalt  }
0x4f: {  	_ =	shalt  }
0x50: {  	_ =	shalt  }
0x51: {  	_ =	shalt  }
0x52: {  	_ =	shalt  }
0x53: {  	_ =	shalt  }
0x54: {  	_ =	shalt  }
0x55: {  	_ =	shalt  }
0x56: {  	_ =	shalt  }
0x57: {  	_ =	shalt  }
0x58: {  	_ =	shalt  }
0x59: {  	_ =	shalt  }
0x5a: {  	_ =	shalt  }
0x5b: {  	_ =	shalt  }
0x5c: {  	_ =	shalt  }
0x5d: {  	_ =	shalt  }
0x5e: {  	_ =	shalt  }
0x5f: {  	_ =	shalt  }
0x60: {  	_ =	shalt  }
0x61: {  	_ =	shalt  }
0x62: {  	_ =	shalt  }
0x63: {  	_ =	shalt  }
0x64: {  	_ =	shalt  }
0x65: {  	_ =	shalt  }
0x66: {  	_ =	shalt  }
0x67: {  	_ =	shalt  }
0x68: {  	_ =	shalt  }
0x69: {  	_ =	shalt  }
0x6a: {  	_ =	shalt  }
0x6b: {  	_ =	shalt  }
0x6c: {  	_ =	shalt  }
0x6d: {  	_ =	shalt  }
0x6e: {  	_ =	shalt  }
0x6f: {  	_ =	shalt  }
0x70: {  	_ =	shalt  }
0x71: {  	_ =	shalt  }
0x72: {  	_ =	shalt  }
0x73: {  	_ =	shalt  }
0x74: {  	_ =	shalt  }
0x75: {  	_ =	shalt  }
0x76: {  	_ =	shalt  }
0x77: {  	_ =	shalt  }
0x78: {  	_ =	shalt  }
0x79: {  	_ =	shalt  }
0x7a: {  	_ =	shalt  }
0x7b: {  	_ =	shalt  }
0x7c: {  	_ =	shalt  }
0x7d: {  	_ =	shalt  }
0x7e: {  	_ =	shalt  }
0x7f: {  	_ =	shalt  }
0x80: {  	_ =	shalt  }
0x81: {  	_ =	shalt  }
0x82: {  	_ =	shalt  }
0x83: {  	_ =	shalt  }
0x84: {  	_ =	shalt  }
0x85: {  	_ =	shalt  }
0x86: {  	_ =	shalt  }
0x87: {  	_ =	shalt  }
.Lfunc_end0:
.L_simem_size_0:
called_computation.1_lowered:
.L_overlay_start_0:
0x88: {  	s2 =	sld [smem:$0x3FD9]  }
0x89: {  	s3 =	sld [smem:$0x3FFE];
	_ =	sdelay $0x1  }
0x8a: {  	s1 =	srdreg.scid  }
0x8b: {  	s0 =	sand.u32 $0x1, s1  }
0x8c: {  	s16 =	sshll.u32 s0, $0xA;
	s2 =	sadd.s32 s3, s2  }
0x8d: {  	s2 =	sadd.s32 s2, s16  }
0x8e: {  	[smem:$0x3F55] =	sst s2  }
0x8f: {  	_ = 	snop  }
0x90: {  	(tm) =	ssettm $0x1  }
0x91: {  	s17 =	sld [smem:$0x3FFB];
	_ =	sdelay $0x3  }
0x92: {  	_ =	strace s17  }
0x93: {  	s2 =	sld [smem:$0x3FFC];
	_ =	sdelay $0x3  }
0x94: {  	_ =	strace s2  }
0x95: {  	s2 =	sld [smem:$0x3FFD];
	_ =	sdelay $0x3  }
0x96: {  	_ =	strace s2  }
0x97: {  	_ =	strace $0x8FFFFFFF  }
0x98: {  	s18 =	sld [smem:$0x3FDB];
	_ =	sdelay $0x1  }
0x99: {  	s19 =	simm.s32 $_scs_section_size  }
0x9a: {  	s4 =	simm.s32 $_size__tile_overlayer_lowered;
	s5 =	simm.s32 $_tile_overlayer_lowered  }
0x9b: {  	s22 =	simm.s32 $0x1BFF;
	s21 =	sshll.u32 s5, $0x1;
	s2 =	sadd.s32 s19, s18  }
0x9c: {  	s6 =	simm.s32 $0x0;
	s20 =	sshll.u32 s4, $0x1;
	s4 =	sadd.s32 s21, s2  }
0x9d: {  	[timem:s6], [sflag:s22] =	dma.local [hbm:s4], s20  }
0x9e: {  	_ =	swait.ge [sflag:s22], s20  }
0x9f: {  	s3 =	ssub.s32 $0x0, s20;
	[sflag:s22] =	ssyncset.done $0x0  }
0xa0: {  	[sflag:s22] =	ssyncadd.s32 s3;
	_ =	sdelay $0x1  }
0xa1: {  	s23 =	simm.s32 $0x1B8B  }
0xa2: {  	_ =	swait.ge [sflag:s23], $0x1  }
0xa3: {  	[sflag:s23] =	ssyncset.done $0x0  }
0xa4: {  	s25 =	simm.s32 $0x1B8E;
	s24 =	sld [smem:$0x3FFE];
	[sflag:s23] =	ssyncadd.s32 $0xFFFFFFFF  }
0xa5: {  	s26 =	simm.s32 $execute0_lowered;
	[smem:$0x3FD2] =	sst s25  }
0xa6: {  	s4 =	sshll.u32 s26, $0x1;
	_ =	strace $0x80000049;
	[dreg:$0x1] =	wrdreg $0xFFFFFFFF  }
0xa7: {  	s28 =	simm.s32 $_size_execute0_lowered;
	s2 =	sadd.s32 s2, s4;
	[dreg:$0x0] =	wrdreg $0x0  }
0xa8: {  	s4 =	sshll.u32 s28, $0x1;
	[dreg:$0x2] =	wrdreg s2  }
0xa9: {  	[dreg:$0x3] =	wrdreg s4  }
0xaa: {  	[dreg:$0x4] =	wrdreg $0xC0  }
0xab: {  	_ =	task [dreg:s6], $0x5FFFF  }
0xac: {  	[dreg:$0x1] =	wrdreg $0xFFFFFFFF  }
0xad: {  	[dreg:$0x0] =	wrdreg $0x60  }
0xae: {  	[dreg:$0x2] =	wrdreg s24  }
0xaf: {  	[dreg:$0x3] =	wrdreg $0x9  }
0xb0: {  	_ =	task.clear_ibuf [dreg:s6], $0x4FFFF;
	_ =	strace $0x90000049  }
0xb1: {  	s29 =	simm.s32 $0x9;
	_ =	strace $0x8000004B  }
0xb2: {  	_ =	swait.ge [sflag:s29], $0x1  }
0xb3: {  	[sflag:s29] =	ssyncadd.s32 $0xFFFFFFFF  }
0xb4: {  	_ =	strace $0x9000004B  }
0xb5: {  	_ =	sfence  }
0xb6: {  	s30 =	sld [smem:$0x0];
	_ =	sdelay $0x2  }
0xb7: {  	s31 =	sshll.u32 s1, $0xD;
	s1 =	sshrl.u32 s1, $0x2  }
0xb8: {  	s3 =	sand.u32 $0x4000, s31;
	s1 =	sadd.s32 s1, s30  }
0xb9: {  	s0 =	sor.u32 s3, s0;
	s1 =	sshll.u32 s1, $0x11  }
0xba: {  	s0 =	sor.u32 s1, s0  }
0xbb: {  	s0 =	sadd.s32 $0x8F2B, s0  }
0xbc: {  	[sflag:s0] =	ssyncadd.remote.s32 $0x1  }
0xbd: {  	_ =	sfence.sel $0xFFFF  }
0xbe: {  	[dreg:$0x0] =	wrdreg $0xFFFFFFFF;
	(pc) =	sbr.abs _section_cstart, $3  }
0xbf: {  	[dreg:$0x1] =	wrdreg $0xFFFFFFFF  }
0xc0: {  	_ =	task.clear_ibuf [dreg:s6], $0x2FFFF;
	_ =	strace $0x9FFFFFFF  }
0xc1: {  	(tm) =	ssettm $0x7FFFFFFF  }
tec
execute0_lowered:
.L_overlay_start_1:
0x0: {  	(tag) =	ssettag $0x1  }
0x1: {  	s1 =	srdreg.scid;
	s0 =	stileid.u32  }
0x2: {  	s23 =	sand.u32 $0x1, s1;
	s30 =	sshll.u32 s0, $0x1  }
0x3: {  	s1 =	sor.u32 s23, s30  }
0x4: {  	s9 =	rddreg [dreg:$0x0];
	s2 =	simm.s32 $0x0;
	s3 =	smul.u32 $0x10600, s1  }
0x5: {  	[smem:$0x7FF] =	sst s2  }
0x6: {  	s22 =	sadd.s32 $0x21C00, s9;
	s1 =	rddreg [dreg:$0x1];
	s25 =	sshrl.u32 s3, $0x3  }
0x7: {  	_ =	strace $0x8000004A;
	s3 =	simm.s32 $0x2;
	s4 =	sadd.s32 s22, s25  }
0x8: {  	[tilespmem:s2], [sflag:$0x2] =	stream.linear.gather [hbm4b:s4+s2], $0x20C0, $0x38;
	[tilespmem:$0x4200] =	vst v63  }
0x9: {  	_ =	swait.ge [sflag:s3], $0x20C0  }
0xa: {  	s6 =	simm.s32 $0x20C0;
	s7 =	simm.s32 $0x2100;
	[sflag:s3] =	ssyncset.done $0x0  }
0xb: {  	s8 =	simm.s32 $0x1;
	s5 =	sadd.s32 $0x63400, s9;
	[sflag:s3] =	ssyncadd.s32 $0xFFFFDF40  }
0xc: {  	[tilespmem:s7], [sflag:$0x1] =	stream.indirect.gather [hbm4b:s5+s6], $0x1, s2, s6, $0xb8;
	[tilespmem:$0x4200] =	vst v63  }
0xd: {  	_ =	swait.ge [sflag:s8], $0x20C0  }
0xe: {  	s24 =	sadd.s32 $0x6B800, s9;
	[sflag:s8] =	ssyncset.done $0x0  }
0xf: {  	s9 =	sadd.s32 s24, s25;
	[sflag:s8] =	ssyncadd.s32 $0xFFFFDF40  }
0x10: {  	[hbm4b:s9+s2] =	stream.linear.scatter [tilespmem:s7], [sflag:$0x2], $0x20C0, $0x38;
	[tilespmem:$0x4200] =	vst v63  }
0x11: {  	_ =	swait.ge [sflag:s3], $0x20C0  }
0x12: {  	s11 =	sadd.s32 $0x418, s25;
	[sflag:s3] =	ssyncset.done $0x0  }
0x13: {  	s10 =	sadd.s32 s22, s11;
	[sflag:s3] =	ssyncadd.s32 $0xFFFFDF40  }
0x14: {  	[tilespmem:s2], [sflag:$0x2] =	stream.linear.gather [hbm4b:s10+s2], $0x20C0, $0x38;
	[tilespmem:$0x4200] =	vst v63  }
0x15: {  	_ =	swait.ge [sflag:s3], $0x20C0  }
0x16: {  	[sflag:s3] =	ssyncset.done $0x0  }
0x17: {  	[sflag:s3] =	ssyncadd.s32 $0xFFFFDF40  }
0x18: {  	[tilespmem:s7], [sflag:$0x1] =	stream.indirect.gather [hbm4b:s5+s6], $0x1, s2, s6, $0xb8;
	[tilespmem:$0x4200] =	vst v63  }
0x19: {  	_ =	swait.ge [sflag:s8], $0x20C0  }
0x1a: {  	[sflag:s8] =	ssyncset.done $0x0  }
0x1b: {  	s11 =	sadd.s32 s24, s11;
	[sflag:s8] =	ssyncadd.s32 $0xFFFFDF40  }
0x1c: {  	[hbm4b:s11+s2] =	stream.linear.scatter [tilespmem:s7], [sflag:$0x2], $0x20C0, $0x38;
	[tilespmem:$0x4200] =	vst v63  }
0x1d: {  	_ =	swait.ge [sflag:s3], $0x20C0  }
0x1e: {  	s13 =	sadd.s32 $0x830, s25;
	[sflag:s3] =	ssyncset.done $0x0  }
0x1f: {  	s12 =	sadd.s32 s22, s13;
	[sflag:s3] =	ssyncadd.s32 $0xFFFFDF40  }
0x20: {  	[tilespmem:s2], [sflag:$0x2] =	stream.linear.gather [hbm4b:s12+s2], $0x20C0, $0x38;
	[tilespmem:$0x4200] =	vst v63  }
0x21: {  	_ =	swait.ge [sflag:s3], $0x20C0  }
0x22: {  	[sflag:s3] =	ssyncset.done $0x0  }
0x23: {  	[sflag:s3] =	ssyncadd.s32 $0xFFFFDF40  }
0x24: {  	[tilespmem:s7], [sflag:$0x1] =	stream.indirect.gather [hbm4b:s5+s6], $0x1, s2, s6, $0xb8;
	[tilespmem:$0x4200] =	vst v63  }
0x25: {  	_ =	swait.ge [sflag:s8], $0x20C0  }
0x26: {  	[sflag:s8] =	ssyncset.done $0x0  }
0x27: {  	s13 =	sadd.s32 s24, s13;
	[sflag:s8] =	ssyncadd.s32 $0xFFFFDF40  }
0x28: {  	[hbm4b:s13+s2] =	stream.linear.scatter [tilespmem:s7], [sflag:$0x2], $0x20C0, $0x38;
	[tilespmem:$0x4200] =	vst v63  }
0x29: {  	_ =	swait.ge [sflag:s3], $0x20C0  }
0x2a: {  	s15 =	sadd.s32 $0xC48, s25;
	[sflag:s3] =	ssyncset.done $0x0  }
0x2b: {  	s14 =	sadd.s32 s22, s15;
	[sflag:s3] =	ssyncadd.s32 $0xFFFFDF40  }
0x2c: {  	[tilespmem:s2], [sflag:$0x2] =	stream.linear.gather [hbm4b:s14+s2], $0x20C0, $0x38;
	[tilespmem:$0x4200] =	vst v63  }
0x2d: {  	_ =	swait.ge [sflag:s3], $0x20C0  }
0x2e: {  	[sflag:s3] =	ssyncset.done $0x0  }
0x2f: {  	[sflag:s3] =	ssyncadd.s32 $0xFFFFDF40  }
0x30: {  	[tilespmem:s7], [sflag:$0x1] =	stream.indirect.gather [hbm4b:s5+s6], $0x1, s2, s6, $0xb8;
	[tilespmem:$0x4200] =	vst v63  }
0x31: {  	_ =	swait.ge [sflag:s8], $0x20C0  }
0x32: {  	[sflag:s8] =	ssyncset.done $0x0  }
0x33: {  	s15 =	sadd.s32 s24, s15;
	[sflag:s8] =	ssyncadd.s32 $0xFFFFDF40  }
0x34: {  	[hbm4b:s15+s2] =	stream.linear.scatter [tilespmem:s7], [sflag:$0x2], $0x20C0, $0x38;
	[tilespmem:$0x4200] =	vst v63  }
0x35: {  	_ =	swait.ge [sflag:s3], $0x20C0  }
0x36: {  	s17 =	sadd.s32 $0x1060, s25;
	[sflag:s3] =	ssyncset.done $0x0  }
0x37: {  	s16 =	sadd.s32 s22, s17;
	[sflag:s3] =	ssyncadd.s32 $0xFFFFDF40  }
0x38: {  	[tilespmem:s2], [sflag:$0x2] =	stream.linear.gather [hbm4b:s16+s2], $0x20C0, $0x38;
	[tilespmem:$0x4200] =	vst v63  }
0x39: {  	_ =	swait.ge [sflag:s3], $0x20C0  }
0x3a: {  	[sflag:s3] =	ssyncset.done $0x0  }
0x3b: {  	[sflag:s3] =	ssyncadd.s32 $0xFFFFDF40  }
0x3c: {  	[tilespmem:s7], [sflag:$0x1] =	stream.indirect.gather [hbm4b:s5+s6], $0x1, s2, s6, $0xb8;
	[tilespmem:$0x4200] =	vst v63  }
0x3d: {  	_ =	swait.ge [sflag:s8], $0x20C0  }
0x3e: {  	[sflag:s8] =	ssyncset.done $0x0  }
0x3f: {  	s17 =	sadd.s32 s24, s17;
	[sflag:s8] =	ssyncadd.s32 $0xFFFFDF40  }
0x40: {  	[hbm4b:s17+s2] =	stream.linear.scatter [tilespmem:s7], [sflag:$0x2], $0x20C0, $0x38;
	[tilespmem:$0x4200] =	vst v63  }
0x41: {  	_ =	swait.ge [sflag:s3], $0x20C0  }
0x42: {  	s19 =	sadd.s32 $0x1478, s25;
	[sflag:s3] =	ssyncset.done $0x0  }
0x43: {  	s18 =	sadd.s32 s22, s19;
	[sflag:s3] =	ssyncadd.s32 $0xFFFFDF40  }
0x44: {  	[tilespmem:s2], [sflag:$0x2] =	stream.linear.gather [hbm4b:s18+s2], $0x20C0, $0x38;
	[tilespmem:$0x4200] =	vst v63  }
0x45: {  	_ =	swait.ge [sflag:s3], $0x20C0  }
0x46: {  	[sflag:s3] =	ssyncset.done $0x0  }
0x47: {  	[sflag:s3] =	ssyncadd.s32 $0xFFFFDF40  }
0x48: {  	[tilespmem:s7], [sflag:$0x1] =	stream.indirect.gather [hbm4b:s5+s6], $0x1, s2, s6, $0xb8;
	[tilespmem:$0x4200] =	vst v63  }
0x49: {  	_ =	swait.ge [sflag:s8], $0x20C0  }
0x4a: {  	[sflag:s8] =	ssyncset.done $0x0  }
0x4b: {  	s19 =	sadd.s32 s24, s19;
	[sflag:s8] =	ssyncadd.s32 $0xFFFFDF40  }
0x4c: {  	[hbm4b:s19+s2] =	stream.linear.scatter [tilespmem:s7], [sflag:$0x2], $0x20C0, $0x38;
	[tilespmem:$0x4200] =	vst v63  }
0x4d: {  	_ =	swait.ge [sflag:s3], $0x20C0  }
0x4e: {  	s21 =	sadd.s32 $0x1890, s25;
	[sflag:s3] =	ssyncset.done $0x0  }
0x4f: {  	s20 =	sadd.s32 s22, s21;
	[sflag:s3] =	ssyncadd.s32 $0xFFFFDF40  }
0x50: {  	[tilespmem:s2], [sflag:$0x2] =	stream.linear.gather [hbm4b:s20+s2], $0x20C0, $0x38;
	[tilespmem:$0x4200] =	vst v63  }
0x51: {  	_ =	swait.ge [sflag:s3], $0x20C0  }
0x52: {  	[sflag:s3] =	ssyncset.done $0x0  }
0x53: {  	[sflag:s3] =	ssyncadd.s32 $0xFFFFDF40  }
0x54: {  	[tilespmem:s7], [sflag:$0x1] =	stream.indirect.gather [hbm4b:s5+s6], $0x1, s2, s6, $0xb8;
	[tilespmem:$0x4200] =	vst v63  }
0x55: {  	_ =	swait.ge [sflag:s8], $0x20C0  }
0x56: {  	[sflag:s8] =	ssyncset.done $0x0  }
0x57: {  	s21 =	sadd.s32 s24, s21;
	[sflag:s8] =	ssyncadd.s32 $0xFFFFDF40  }
0x58: {  	[hbm4b:s21+s2] =	stream.linear.scatter [tilespmem:s7], [sflag:$0x2], $0x20C0, $0x38;
	[tilespmem:$0x4200] =	vst v63  }
0x59: {  	_ =	swait.ge [sflag:s3], $0x20C0  }
0x5a: {  	s25 =	sadd.s32 $0x1CA8, s25;
	[sflag:s3] =	ssyncset.done $0x0  }
0x5b: {  	s23 =	ssub.s32 $0x2, s23;
	s22 =	sadd.s32 s22, s25;
	[sflag:s3] =	ssyncadd.s32 $0xFFFFDF40  }
0x5c: {  	[tilespmem:s2], [sflag:$0x2] =	stream.linear.gather [hbm4b:s22+s2], $0x20C0, $0x38;
	[tilespmem:$0x4200] =	vst v63  }
0x5d: {  	s26 =	sshrl.u32 s23, $0x1;
	_ =	swait.ge [sflag:s3], $0x20C0  }
0x5e: {  	s26 =	ssub.s32 s23, s26;
	[sflag:s3] =	ssyncset.done $0x0  }
0x5f: {  	s31 =	smax.u32 s26, $0x1;
	[sflag:s3] =	ssyncadd.s32 $0xFFFFDF40  }
0x60: {  	[tilespmem:s7], [sflag:$0x1] =	stream.indirect.gather [hbm4b:s5+s6], $0x1, s2, s6, $0xb8;
	[tilespmem:$0x4200] =	vst v63  }
0x61: {  	p0 =	sne.s32 s31, $0x1;
	_ =	swait.ge [sflag:s8], $0x20C0  }
.Ltmp0:
0x62: {  	[sflag:s8] =	ssyncset.done $0x0;
	(pc) =	sbr.rel @!p0 .LBB2_2-.Ltmp0, $4  }
0x63: {  	s23 =	sadd.s32 s24, s25;
	[sflag:s8] =	ssyncadd.s32 $0xFFFFDF40  }
0x64: {  	[hbm4b:s23+s2] =	stream.linear.scatter [tilespmem:s7], [sflag:$0x2], $0x20C0, $0x38;
	[tilespmem:$0x4200] =	vst v63  }
0x65: {  	_ =	swait.ge [sflag:s3], $0x20C0  }
0x66: {  	s24 =	sadd.s32 $0xFFFFFFFF, s31;
	[sflag:s3] =	ssyncset.done $0x0  }
.LBB2_1:
0x67: {  	p0 =	sne.s32 s24, $0x1;
	s24 =	sadd.s32 $0xFFFFFFFF, s24;
	[sflag:s3] =	ssyncadd.s32 $0xFFFFDF40  }
0x68: {  	[tilespmem:s2], [sflag:$0x2] =	stream.linear.gather [hbm4b:s4+s2], $0x20C0, $0x38;
	[tilespmem:$0x4200] =	vst v63  }
0x69: {  	_ =	swait.ge [sflag:s3], $0x20C0  }
0x6a: {  	[sflag:s3] =	ssyncset.done $0x0  }
0x6b: {  	[sflag:s3] =	ssyncadd.s32 $0xFFFFDF40  }
0x6c: {  	[tilespmem:s7], [sflag:$0x1] =	stream.indirect.gather [hbm4b:s5+s6], $0x1, s2, s6, $0xb8;
	[tilespmem:$0x4200] =	vst v63  }
0x6d: {  	_ =	swait.ge [sflag:s8], $0x20C0  }
0x6e: {  	[sflag:s8] =	ssyncset.done $0x0  }
0x6f: {  	[sflag:s8] =	ssyncadd.s32 $0xFFFFDF40  }
0x70: {  	[hbm4b:s9+s2] =	stream.linear.scatter [tilespmem:s7], [sflag:$0x2], $0x20C0, $0x38;
	[tilespmem:$0x4200] =	vst v63  }
0x71: {  	_ =	swait.ge [sflag:s3], $0x20C0  }
0x72: {  	[sflag:s3] =	ssyncset.done $0x0  }
0x73: {  	[sflag:s3] =	ssyncadd.s32 $0xFFFFDF40  }
0x74: {  	[tilespmem:s2], [sflag:$0x2] =	stream.linear.gather [hbm4b:s10+s2], $0x20C0, $0x38;
	[tilespmem:$0x4200] =	vst v63  }
0x75: {  	_ =	swait.ge [sflag:s3], $0x20C0  }
0x76: {  	[sflag:s3] =	ssyncset.done $0x0  }
0x77: {  	[sflag:s3] =	ssyncadd.s32 $0xFFFFDF40  }
0x78: {  	[tilespmem:s7], [sflag:$0x1] =	stream.indirect.gather [hbm4b:s5+s6], $0x1, s2, s6, $0xb8;
	[tilespmem:$0x4200] =	vst v63  }
0x79: {  	_ =	swait.ge [sflag:s8], $0x20C0  }
0x7a: {  	[sflag:s8] =	ssyncset.done $0x0  }
0x7b: {  	[sflag:s8] =	ssyncadd.s32 $0xFFFFDF40  }
0x7c: {  	[hbm4b:s11+s2] =	stream.linear.scatter [tilespmem:s7], [sflag:$0x2], $0x20C0, $0x38;
	[tilespmem:$0x4200] =	vst v63  }
0x7d: {  	_ =	swait.ge [sflag:s3], $0x20C0  }
0x7e: {  	[sflag:s3] =	ssyncset.done $0x0  }
0x7f: {  	[sflag:s3] =	ssyncadd.s32 $0xFFFFDF40  }
0x80: {  	[tilespmem:s2], [sflag:$0x2] =	stream.linear.gather [hbm4b:s12+s2], $0x20C0, $0x38;
	[tilespmem:$0x4200] =	vst v63  }
0x81: {  	_ =	swait.ge [sflag:s3], $0x20C0  }
0x82: {  	[sflag:s3] =	ssyncset.done $0x0  }
0x83: {  	[sflag:s3] =	ssyncadd.s32 $0xFFFFDF40  }
0x84: {  	[tilespmem:s7], [sflag:$0x1] =	stream.indirect.gather [hbm4b:s5+s6], $0x1, s2, s6, $0xb8;
	[tilespmem:$0x4200] =	vst v63  }
0x85: {  	_ =	swait.ge [sflag:s8], $0x20C0  }
0x86: {  	[sflag:s8] =	ssyncset.done $0x0  }
0x87: {  	[sflag:s8] =	ssyncadd.s32 $0xFFFFDF40  }
0x88: {  	[hbm4b:s13+s2] =	stream.linear.scatter [tilespmem:s7], [sflag:$0x2], $0x20C0, $0x38;
	[tilespmem:$0x4200] =	vst v63  }
0x89: {  	_ =	swait.ge [sflag:s3], $0x20C0  }
0x8a: {  	[sflag:s3] =	ssyncset.done $0x0  }
0x8b: {  	[sflag:s3] =	ssyncadd.s32 $0xFFFFDF40  }
0x8c: {  	[tilespmem:s2], [sflag:$0x2] =	stream.linear.gather [hbm4b:s14+s2], $0x20C0, $0x38;
	[tilespmem:$0x4200] =	vst v63  }
0x8d: {  	_ =	swait.ge [sflag:s3], $0x20C0  }
0x8e: {  	[sflag:s3] =	ssyncset.done $0x0  }
0x8f: {  	[sflag:s3] =	ssyncadd.s32 $0xFFFFDF40  }
0x90: {  	[tilespmem:s7], [sflag:$0x1] =	stream.indirect.gather [hbm4b:s5+s6], $0x1, s2, s6, $0xb8;
	[tilespmem:$0x4200] =	vst v63  }
0x91: {  	_ =	swait.ge [sflag:s8], $0x20C0  }
0x92: {  	[sflag:s8] =	ssyncset.done $0x0  }
0x93: {  	[sflag:s8] =	ssyncadd.s32 $0xFFFFDF40  }
0x94: {  	[hbm4b:s15+s2] =	stream.linear.scatter [tilespmem:s7], [sflag:$0x2], $0x20C0, $0x38;
	[tilespmem:$0x4200] =	vst v63  }
0x95: {  	_ =	swait.ge [sflag:s3], $0x20C0  }
0x96: {  	[sflag:s3] =	ssyncset.done $0x0  }
0x97: {  	[sflag:s3] =	ssyncadd.s32 $0xFFFFDF40  }
0x98: {  	[tilespmem:s2], [sflag:$0x2] =	stream.linear.gather [hbm4b:s16+s2], $0x20C0, $0x38;
	[tilespmem:$0x4200] =	vst v63  }
0x99: {  	_ =	swait.ge [sflag:s3], $0x20C0  }
0x9a: {  	[sflag:s3] =	ssyncset.done $0x0  }
0x9b: {  	[sflag:s3] =	ssyncadd.s32 $0xFFFFDF40  }
0x9c: {  	[tilespmem:s7], [sflag:$0x1] =	stream.indirect.gather [hbm4b:s5+s6], $0x1, s2, s6, $0xb8;
	[tilespmem:$0x4200] =	vst v63  }
0x9d: {  	_ =	swait.ge [sflag:s8], $0x20C0  }
0x9e: {  	[sflag:s8] =	ssyncset.done $0x0  }
0x9f: {  	[sflag:s8] =	ssyncadd.s32 $0xFFFFDF40  }
0xa0: {  	[hbm4b:s17+s2] =	stream.linear.scatter [tilespmem:s7], [sflag:$0x2], $0x20C0, $0x38;
	[tilespmem:$0x4200] =	vst v63  }
0xa1: {  	_ =	swait.ge [sflag:s3], $0x20C0  }
0xa2: {  	[sflag:s3] =	ssyncset.done $0x0  }
0xa3: {  	[sflag:s3] =	ssyncadd.s32 $0xFFFFDF40  }
0xa4: {  	[tilespmem:s2], [sflag:$0x2] =	stream.linear.gather [hbm4b:s18+s2], $0x20C0, $0x38;
	[tilespmem:$0x4200] =	vst v63  }
0xa5: {  	_ =	swait.ge [sflag:s3], $0x20C0  }
0xa6: {  	[sflag:s3] =	ssyncset.done $0x0  }
0xa7: {  	[sflag:s3] =	ssyncadd.s32 $0xFFFFDF40  }
0xa8: {  	[tilespmem:s7], [sflag:$0x1] =	stream.indirect.gather [hbm4b:s5+s6], $0x1, s2, s6, $0xb8;
	[tilespmem:$0x4200] =	vst v63  }
0xa9: {  	_ =	swait.ge [sflag:s8], $0x20C0  }
0xaa: {  	[sflag:s8] =	ssyncset.done $0x0  }
0xab: {  	[sflag:s8] =	ssyncadd.s32 $0xFFFFDF40  }
0xac: {  	[hbm4b:s19+s2] =	stream.linear.scatter [tilespmem:s7], [sflag:$0x2], $0x20C0, $0x38;
	[tilespmem:$0x4200] =	vst v63  }
0xad: {  	_ =	swait.ge [sflag:s3], $0x20C0  }
0xae: {  	[sflag:s3] =	ssyncset.done $0x0  }
0xaf: {  	[sflag:s3] =	ssyncadd.s32 $0xFFFFDF40  }
0xb0: {  	[tilespmem:s2], [sflag:$0x2] =	stream.linear.gather [hbm4b:s20+s2], $0x20C0, $0x38;
	[tilespmem:$0x4200] =	vst v63  }
0xb1: {  	_ =	swait.ge [sflag:s3], $0x20C0  }
0xb2: {  	[sflag:s3] =	ssyncset.done $0x0  }
0xb3: {  	[sflag:s3] =	ssyncadd.s32 $0xFFFFDF40  }
0xb4: {  	[tilespmem:s7], [sflag:$0x1] =	stream.indirect.gather [hbm4b:s5+s6], $0x1, s2, s6, $0xb8;
	[tilespmem:$0x4200] =	vst v63  }
0xb5: {  	_ =	swait.ge [sflag:s8], $0x20C0  }
0xb6: {  	[sflag:s8] =	ssyncset.done $0x0  }
0xb7: {  	[sflag:s8] =	ssyncadd.s32 $0xFFFFDF40  }
0xb8: {  	[hbm4b:s21+s2] =	stream.linear.scatter [tilespmem:s7], [sflag:$0x2], $0x20C0, $0x38;
	[tilespmem:$0x4200] =	vst v63  }
0xb9: {  	_ =	swait.ge [sflag:s3], $0x20C0  }
0xba: {  	[sflag:s3] =	ssyncset.done $0x0  }
0xbb: {  	[sflag:s3] =	ssyncadd.s32 $0xFFFFDF40  }
0xbc: {  	[tilespmem:s2], [sflag:$0x2] =	stream.linear.gather [hbm4b:s22+s2], $0x20C0, $0x38;
	[tilespmem:$0x4200] =	vst v63  }
0xbd: {  	_ =	swait.ge [sflag:s3], $0x20C0  }
0xbe: {  	[sflag:s3] =	ssyncset.done $0x0  }
0xbf: {  	[sflag:s3] =	ssyncadd.s32 $0xFFFFDF40  }
0xc0: {  	[tilespmem:s7], [sflag:$0x1] =	stream.indirect.gather [hbm4b:s5+s6], $0x1, s2, s6, $0xb8;
	[tilespmem:$0x4200] =	vst v63  }
0xc1: {  	_ =	swait.ge [sflag:s8], $0x20C0  }
.Ltmp1:
0xc2: {  	[sflag:s8] =	ssyncset.done $0x0;
	(pc) =	sbr.rel @p0 .LBB2_1-.Ltmp1, $4  }
0xc3: {  	[sflag:s8] =	ssyncadd.s32 $0xFFFFDF40  }
0xc4: {  	[hbm4b:s23+s2] =	stream.linear.scatter [tilespmem:s7], [sflag:$0x2], $0x20C0, $0x38;
	[tilespmem:$0x4200] =	vst v63  }
0xc5: {  	_ =	swait.ge [sflag:s3], $0x20C0  }
0xc6: {  	[sflag:s3] =	ssyncset.done $0x0  }
.LBB2_2:
0xc7: {  	[sflag:s3] =	ssyncadd.s32 $0xFFFFDF40  }
0xc8: {  	_ =	sfence.sel $0x180000  }
0xc9: {  	[bflag:$0x0] =	sbarrier.arrive $0xFFFF  }
0xca: {  	p0 =	sne.s32 s0, $0x0;
	_ =	strace $0x9000004A  }
0xcb: {  	s0 =	sadd.s32 @!p0 $0x100000, s1;
	[bflag:$0x2] =	sbarrier.arrive $0xFFFF  }
0xcc: {  	[sflag:s0] =	ssyncadd.tile.s32 @!p0 $0x1;
	_ =	shalt  }
.Lfunc_end2:
_tile_overlayer_lowered:
.L_overlay_start_2:
0xcd: {  	(tag) =	ssettag $0x2  }
0xce: {  	s0 =	rddreg [dreg:$0x0];
	s2 =	stileid.u32  }
0xcf: {  	s1 =	rddreg [dreg:$0x1];
	p0 =	sne.s32 s2, $0x0  }
0xd0: {  	s3 =	rddreg [dreg:$0x2];
	[bflag:$0x3] =	sbarrier.arrive $0xFFFF;
	s2 =	simm.s32 @!p0 $0x1C02  }
0xd1: {  	[timem:s3], [sflag:s2] =	dma.local @!p0 [hbm:s0], s1  }
0xd2: {  	s0 =	simm.s32 @!p0 $0x2  }
0xd3: {  	_ =	swait.ge @!p0 [sflag:s0], s1  }
0xd4: {  	s1 =	ssub.s32 @!p0 $0x0, s1;
	[sflag:s0] =	ssyncset.done @!p0 $0x0  }
0xd5: {  	[sflag:s0] =	ssyncadd.s32 @!p0 s1  }
0xd6: {  	[bflag:$0x3] =	sbarrier.arrive $0xFFFF  }
0xd7: {  	_ =	shalt  }

// kernel: kernel.61.cloned.1.call-start
scs
__scs_entry_jumppad:
0x0: {  	(pc) =	sbr.rel $0x88, $3  }
0x1: {  	(tag) =	ssettag $0x0;
	lr =	simm.s32 $0x1  }
0x2: {  	[smem:$0x3F2E] =	sst lr;
	_ =	strace $0xD0000000  }
0x3: {  	_ = 	snop  }
0x4: {  	_ = 	snop  }
0x5: {  	_ = 	snop  }
0x6: {  	_ = 	snop  }
0x7: {  	_ = 	snop  }
__scs_overlays_trampoline_lowered:
0x8: {  	[smem:$0x3F3D] =	sst s0  }
0x9: {  	[smem:$0x3F3E] =	sst s1  }
0xa: {  	[smem:$0x3F3F] =	sst s2  }
0xb: {  	[smem:$0x3F40] =	sst s3  }
0xc: {  	[smem:$0x3F41] =	sst s4  }
0xd: {  	[smem:$0x3F42] =	sst s5  }
0xe: {  	[smem:$0x3F43] =	sst s6  }
0xf: {  	[smem:$0x3F44] =	sst s7  }
0x10: {  	[smem:$0x3F45] =	sst s8  }
0x11: {  	[smem:$0x3F46] =	sst s9;
	s0 =	simm.s32 @!p0 $0x0  }
0x12: {  	s1 =	sld [smem:$0x3F2C];
	s0 =	simm.s32 @p0 $0x1  }
0x13: {  	[smem:$0x3F47] =	sst s0;
	s0 =	simm.s32 @!p1 $0x0  }
0x14: {  	s2 =	sld [smem:$0x3F2B];
	s0 =	simm.s32 @p1 $0x1  }
0x15: {  	[smem:$0x3F48] =	sst s0;
	s0 =	simm.s32 @!p2 $0x0  }
0x16: {  	s3 =	sld [smem:$0x3FDB];
	s0 =	simm.s32 @p2 $0x1  }
0x17: {  	s4 =	simm.s32 $0x1BF5;
	[smem:$0x3F4A] =	sst s0  }
0x18: {  	s0 =	sld [smem:$0x3F2D];
	_ =	swait.ge [sflag:s4], $0x0  }
0x19: {  	s7 =	sld [smem:$0x3F2E]  }
0x1a: {  	s8 =	sadd.s32 $0xFFFFE003, lr  }
0x1b: {  	s9 =	sadd.s32 $0xFFFFFEF7, lr;
	s5 =	simm.s32 $0xFFFFFFFF;
	p2 =	slt.u32 s8, $0xFFFFF086  }
0x1c: {  	p1 =	slt.u32 s9, $0xF7A;
	s5 =	simm.s32 @!p2 $0x0  }
0x1d: {  	s5 =	simm.s32 @p1 $0x1;
	p0 =	seq.s32 s7, s2  }
0x1e: {  	s7 =	smul.u32 @!p0 $0xF7A, s2;
	p2 =	seq.s32 @!p0 s5, $0x0  }
0x1f: {  	s9 =	smul.u32 $0xF7A, s1;
	s8 =	simm.s32 @!p0 $0x1BF5;
	p2 =	por !p2, p0  }
0x20: {  	[sflag:s8] =	ssyncset.s32 @!p0 $0xFFFFF086;
	s6 =	sadd.s32 @!p0 s3, s7;
	s7 =	simm.s32 @!p0 $0x108  }
0x21: {  	s3 =	sadd.s32 s3, s9;
	s6 =	sadd.s32 @!p0 $0x88, s6;
	s7 =	simm.s32 @p2 $0x1082  }
0x22: {  	[simem:s7], [sflag:s8] =	dma.local @!p0 [hbm:s6], $0xF7A  }
0x23: {  	s9 =	sor.u32 $0xD0000000, s2;
	s6 =	simm.s32 $0x108;
	_ =	swait.ge @!p0 [sflag:s8], $0x0  }
0x24: {  	s3 =	sadd.s32 $0x88, s3;
	s6 =	simm.s32 @!p1 $0x1082;
	[sflag:s4] =	ssyncset.s32 $0xFFFFF086  }
0x25: {  	[simem:s6], [sflag:s4] =	dma.local [hbm:s3], $0xF7A  }
0x26: {  	[smem:$0x3F2E] =	sst s1;
	(tag) =	ssettag s2;
	_ =	strace s9  }
0x27: {  	s1 =	sld [smem:$0x3F3E]  }
0x28: {  	s2 =	sld [smem:$0x3F3F]  }
0x29: {  	s4 =	sld [smem:$0x3F41]  }
0x2a: {  	p0 =	seq.s32 s5, $0x0;
	s5 =	sld [smem:$0x3F42]  }
0x2b: {  	s6 =	sld [smem:$0x3F43]  }
0x2c: {  	s7 =	sld [smem:$0x3F44]  }
0x2d: {  	s3 =	simm.s32 $0x108;
	s8 =	sld [smem:$0x3F45]  }
0x2e: {  	s3 =	simm.s32 @!p0 $0x1082;
	s9 =	sld [smem:$0x3F46]  }
0x2f: {  	lr =	sadd.s32 s0, s3;
	s0 =	sld [smem:$0x3F3D]  }
0x30: {  	s3 =	sld [smem:$0x3F40]  }
0x31: {  	[smem:$0x3F49] =	sst s10  }
0x32: {  	s10 =	sld [smem:$0x3F47];
	_ =	sdelay $0x3  }
0x33: {  	p0 =	seq.s32 s10, $0x1;
	s10 =	sld [smem:$0x3F49];
	_ =	sdelay $0x3  }
0x34: {  	[smem:$0x3F49] =	sst s10  }
0x35: {  	s10 =	sld [smem:$0x3F48];
	_ =	sdelay $0x3  }
0x36: {  	p1 =	seq.s32 s10, $0x1;
	s10 =	sld [smem:$0x3F49];
	_ =	sdelay $0x3  }
0x37: {  	[smem:$0x3F49] =	sst s10  }
0x38: {  	s10 =	sld [smem:$0x3F4A]  }
0x39: {  	_ = 	snop;
	(pc) =	sbr.ind lr, $3  }
0x3a: {  	_ = 	snop  }
0x3b: {  	_ = 	snop  }
0x3c: {  	p2 =	seq.s32 s10, $0x1;
	s10 =	sld [smem:$0x3F49]  }
0x3d: {  	_ =	shalt  }
0x3e: {  	_ =	shalt  }
0x3f: {  	_ =	shalt  }
0x40: {  	_ =	shalt  }
0x41: {  	_ =	shalt  }
0x42: {  	_ =	shalt  }
0x43: {  	_ =	shalt  }
0x44: {  	_ =	shalt  }
0x45: {  	_ =	shalt  }
0x46: {  	_ =	shalt  }
0x47: {  	_ =	shalt  }
0x48: {  	_ =	shalt  }
0x49: {  	_ =	shalt  }
0x4a: {  	_ =	shalt  }
0x4b: {  	_ =	shalt  }
0x4c: {  	_ =	shalt  }
0x4d: {  	_ =	shalt  }
0x4e: {  	_ =	shalt  }
0x4f: {  	_ =	shalt  }
0x50: {  	_ =	shalt  }
0x51: {  	_ =	shalt  }
0x52: {  	_ =	shalt  }
0x53: {  	_ =	shalt  }
0x54: {  	_ =	shalt  }
0x55: {  	_ =	shalt  }
0x56: {  	_ =	shalt  }
0x57: {  	_ =	shalt  }
0x58: {  	_ =	shalt  }
0x59: {  	_ =	shalt  }
0x5a: {  	_ =	shalt  }
0x5b: {  	_ =	shalt  }
0x5c: {  	_ =	shalt  }
0x5d: {  	_ =	shalt  }
0x5e: {  	_ =	shalt  }
0x5f: {  	_ =	shalt  }
0x60: {  	_ =	shalt  }
0x61: {  	_ =	shalt  }
0x62: {  	_ =	shalt  }
0x63: {  	_ =	shalt  }
0x64: {  	_ =	shalt  }
0x65: {  	_ =	shalt  }
0x66: {  	_ =	shalt  }
0x67: {  	_ =	shalt  }
0x68: {  	_ =	shalt  }
0x69: {  	_ =	shalt  }
0x6a: {  	_ =	shalt  }
0x6b: {  	_ =	shalt  }
0x6c: {  	_ =	shalt  }
0x6d: {  	_ =	shalt  }
0x6e: {  	_ =	shalt  }
0x6f: {  	_ =	shalt  }
0x70: {  	_ =	shalt  }
0x71: {  	_ =	shalt  }
0x72: {  	_ =	shalt  }
0x73: {  	_ =	shalt  }
0x74: {  	_ =	shalt  }
0x75: {  	_ =	shalt  }
0x76: {  	_ =	shalt  }
0x77: {  	_ =	shalt  }
0x78: {  	_ =	shalt  }
0x79: {  	_ =	shalt  }
0x7a: {  	_ =	shalt  }
0x7b: {  	_ =	shalt  }
0x7c: {  	_ =	shalt  }
0x7d: {  	_ =	shalt  }
0x7e: {  	_ =	shalt  }
0x7f: {  	_ =	shalt  }
0x80: {  	_ =	shalt  }
0x81: {  	_ =	shalt  }
0x82: {  	_ =	shalt  }
0x83: {  	_ =	shalt  }
0x84: {  	_ =	shalt  }
0x85: {  	_ =	shalt  }
0x86: {  	_ =	shalt  }
0x87: {  	_ =	shalt  }
.Lfunc_end0:
.L_simem_size_0:
called_computation.2_lowered:
.L_overlay_start_0:
0x88: {  	s2 =	sld [smem:$0x3FD9]  }
0x89: {  	s3 =	sld [smem:$0x3FFE];
	_ =	sdelay $0x1  }
0x8a: {  	s1 =	srdreg.scid  }
0x8b: {  	s0 =	sand.u32 $0x1, s1  }
0x8c: {  	s16 =	sshll.u32 s0, $0xA;
	s2 =	sadd.s32 s3, s2  }
0x8d: {  	s2 =	sadd.s32 s2, s16  }
0x8e: {  	[smem:$0x3F55] =	sst s2  }
0x8f: {  	_ = 	snop  }
0x90: {  	(tm) =	ssettm $0x1  }
0x91: {  	s17 =	sld [smem:$0x3FFB];
	_ =	sdelay $0x3  }
0x92: {  	_ =	strace s17  }
0x93: {  	s2 =	sld [smem:$0x3FFC];
	_ =	sdelay $0x3  }
0x94: {  	_ =	strace s2  }
0x95: {  	s2 =	sld [smem:$0x3FFD];
	_ =	sdelay $0x3  }
0x96: {  	_ =	strace s2  }
0x97: {  	_ =	strace $0x8FFFFFFF  }
0x98: {  	s18 =	sld [smem:$0x3FDB];
	_ =	sdelay $0x1  }
0x99: {  	s19 =	simm.s32 $_scs_section_size  }
0x9a: {  	s4 =	simm.s32 $_size__tile_overlayer_lowered;
	s5 =	simm.s32 $_tile_overlayer_lowered  }
0x9b: {  	s22 =	simm.s32 $0x1BFF;
	s21 =	sshll.u32 s5, $0x1;
	s2 =	sadd.s32 s19, s18  }
0x9c: {  	s6 =	simm.s32 $0x0;
	s20 =	sshll.u32 s4, $0x1;
	s4 =	sadd.s32 s21, s2  }
0x9d: {  	[timem:s6], [sflag:s22] =	dma.local [hbm:s4], s20  }
0x9e: {  	_ =	swait.ge [sflag:s22], s20  }
0x9f: {  	s3 =	ssub.s32 $0x0, s20;
	[sflag:s22] =	ssyncset.done $0x0  }
0xa0: {  	[sflag:s22] =	ssyncadd.s32 s3;
	_ =	sdelay $0x1  }
0xa1: {  	s23 =	simm.s32 $0x1B8B  }
0xa2: {  	_ =	swait.ge [sflag:s23], $0x1  }
0xa3: {  	[sflag:s23] =	ssyncset.done $0x0  }
0xa4: {  	s25 =	simm.s32 $0x1B8E;
	s24 =	sld [smem:$0x3FFE];
	[sflag:s23] =	ssyncadd.s32 $0xFFFFFFFF  }
0xa5: {  	s26 =	simm.s32 $execute0_lowered;
	[smem:$0x3FD2] =	sst s25  }
0xa6: {  	s4 =	sshll.u32 s26, $0x1;
	_ =	strace $0x8000004C;
	[dreg:$0x1] =	wrdreg $0xFFFFFFFF  }
0xa7: {  	s28 =	simm.s32 $_size_execute0_lowered;
	s2 =	sadd.s32 s2, s4;
	[dreg:$0x0] =	wrdreg $0x0  }
0xa8: {  	s4 =	sshll.u32 s28, $0x1;
	[dreg:$0x2] =	wrdreg s2  }
0xa9: {  	[dreg:$0x3] =	wrdreg s4  }
0xaa: {  	[dreg:$0x4] =	wrdreg $0xC0  }
0xab: {  	_ =	task [dreg:s6], $0x5FFFF  }
0xac: {  	[dreg:$0x1] =	wrdreg $0xFFFFFFFF  }
0xad: {  	[dreg:$0x0] =	wrdreg $0x60  }
0xae: {  	[dreg:$0x2] =	wrdreg s24  }
0xaf: {  	[dreg:$0x3] =	wrdreg $0x9  }
0xb0: {  	_ =	task.clear_ibuf [dreg:s6], $0x4FFFF;
	_ =	strace $0x9000004C  }
0xb1: {  	s29 =	simm.s32 $0x9;
	_ =	strace $0x8000004E  }
0xb2: {  	_ =	swait.ge [sflag:s29], $0x1  }
0xb3: {  	[sflag:s29] =	ssyncadd.s32 $0xFFFFFFFF  }
0xb4: {  	_ =	strace $0x9000004E  }
0xb5: {  	_ =	sfence  }
0xb6: {  	s30 =	sld [smem:$0x0];
	_ =	sdelay $0x2  }
0xb7: {  	s31 =	sshll.u32 s1, $0xD;
	s1 =	sshrl.u32 s1, $0x2  }
0xb8: {  	s3 =	sand.u32 $0x4000, s31;
	s1 =	sadd.s32 s1, s30  }
0xb9: {  	s0 =	sor.u32 s3, s0;
	s1 =	sshll.u32 s1, $0x11  }
0xba: {  	s0 =	sor.u32 s1, s0  }
0xbb: {  	s0 =	sadd.s32 $0x8F2B, s0  }
0xbc: {  	[sflag:s0] =	ssyncadd.remote.s32 $0x1  }
0xbd: {  	_ =	sfence.sel $0xFFFF  }
0xbe: {  	[dreg:$0x0] =	wrdreg $0xFFFFFFFF;
	(pc) =	sbr.abs _section_cstart, $3  }
0xbf: {  	[dreg:$0x1] =	wrdreg $0xFFFFFFFF  }
0xc0: {  	_ =	task.clear_ibuf [dreg:s6], $0x2FFFF;
	_ =	strace $0x9FFFFFFF  }
0xc1: {  	(tm) =	ssettm $0x7FFFFFFF  }
tec
execute0_lowered:
.L_overlay_start_1:
0x0: {  	(tag) =	ssettag $0x1  }
0x1: {  	s1 =	srdreg.scid;
	s0 =	stileid.u32  }
0x2: {  	s15 =	sand.u32 $0x1, s1;
	s30 =	sshll.u32 s0, $0x1  }
0x3: {  	s1 =	sor.u32 s15, s30  }
0x4: {  	s9 =	rddreg [dreg:$0x0];
	s2 =	simm.s32 $0x0;
	s3 =	smul.u32 $0x8180, s1  }
0x5: {  	[smem:$0x7FF] =	sst s2  }
0x6: {  	s14 =	sadd.s32 $0xAD000, s9;
	s1 =	rddreg [dreg:$0x1];
	s16 =	sshrl.u32 s3, $0x3  }
0x7: {  	_ =	strace $0x8000004D;
	s3 =	simm.s32 $0x2;
	s4 =	sadd.s32 s14, s16  }
0x8: {  	[tilespmem:s2], [sflag:$0x2] =	stream.linear.gather [hbm4b:s4+s2], $0x2060, $0x38;
	[tilespmem:$0x4100] =	vst v63  }
0x9: {  	_ =	swait.ge [sflag:s3], $0x2060  }
0xa: {  	s6 =	simm.s32 $0x2060;
	s7 =	simm.s32 $0x2080;
	[sflag:s3] =	ssyncset.done $0x0  }
0xb: {  	s8 =	simm.s32 $0x1;
	s5 =	sadd.s32 $0x1C000, s9;
	[sflag:s3] =	ssyncadd.s32 $0xFFFFDFA0  }
0xc: {  	[tilespmem:s7], [sflag:$0x1] =	stream.indirect.gather [hbm4b:s5+s6], $0x1, s2, s6, $0xb8;
	[tilespmem:$0x4100] =	vst v63  }
0xd: {  	_ =	swait.ge [sflag:s8], $0x2060  }
0xe: {  	s17 =	sadd.s32 $0x20200, s9;
	[sflag:s8] =	ssyncset.done $0x0  }
0xf: {  	s9 =	sadd.s32 s17, s16;
	[sflag:s8] =	ssyncadd.s32 $0xFFFFDFA0  }
0x10: {  	[hbm4b:s9+s2] =	stream.linear.scatter [tilespmem:s7], [sflag:$0x2], $0x2060, $0x38;
	[tilespmem:$0x4100] =	vst v63  }
0x11: {  	_ =	swait.ge [sflag:s3], $0x2060  }
0x12: {  	s11 =	sadd.s32 $0x40C, s16;
	[sflag:s3] =	ssyncset.done $0x0  }
0x13: {  	s10 =	sadd.s32 s14, s11;
	[sflag:s3] =	ssyncadd.s32 $0xFFFFDFA0  }
0x14: {  	[tilespmem:s2], [sflag:$0x2] =	stream.linear.gather [hbm4b:s10+s2], $0x2060, $0x38;
	[tilespmem:$0x4100] =	vst v63  }
0x15: {  	_ =	swait.ge [sflag:s3], $0x2060  }
0x16: {  	[sflag:s3] =	ssyncset.done $0x0  }
0x17: {  	[sflag:s3] =	ssyncadd.s32 $0xFFFFDFA0  }
0x18: {  	[tilespmem:s7], [sflag:$0x1] =	stream.indirect.gather [hbm4b:s5+s6], $0x1, s2, s6, $0xb8;
	[tilespmem:$0x4100] =	vst v63  }
0x19: {  	_ =	swait.ge [sflag:s8], $0x2060  }
0x1a: {  	[sflag:s8] =	ssyncset.done $0x0  }
0x1b: {  	s11 =	sadd.s32 s17, s11;
	[sflag:s8] =	ssyncadd.s32 $0xFFFFDFA0  }
0x1c: {  	[hbm4b:s11+s2] =	stream.linear.scatter [tilespmem:s7], [sflag:$0x2], $0x2060, $0x38;
	[tilespmem:$0x4100] =	vst v63  }
0x1d: {  	_ =	swait.ge [sflag:s3], $0x2060  }
0x1e: {  	s13 =	sadd.s32 $0x818, s16;
	[sflag:s3] =	ssyncset.done $0x0  }
0x1f: {  	s12 =	sadd.s32 s14, s13;
	[sflag:s3] =	ssyncadd.s32 $0xFFFFDFA0  }
0x20: {  	[tilespmem:s2], [sflag:$0x2] =	stream.linear.gather [hbm4b:s12+s2], $0x2060, $0x38;
	[tilespmem:$0x4100] =	vst v63  }
0x21: {  	_ =	swait.ge [sflag:s3], $0x2060  }
0x22: {  	[sflag:s3] =	ssyncset.done $0x0  }
0x23: {  	[sflag:s3] =	ssyncadd.s32 $0xFFFFDFA0  }
0x24: {  	[tilespmem:s7], [sflag:$0x1] =	stream.indirect.gather [hbm4b:s5+s6], $0x1, s2, s6, $0xb8;
	[tilespmem:$0x4100] =	vst v63  }
0x25: {  	_ =	swait.ge [sflag:s8], $0x2060  }
0x26: {  	[sflag:s8] =	ssyncset.done $0x0  }
0x27: {  	s13 =	sadd.s32 s17, s13;
	[sflag:s8] =	ssyncadd.s32 $0xFFFFDFA0  }
0x28: {  	[hbm4b:s13+s2] =	stream.linear.scatter [tilespmem:s7], [sflag:$0x2], $0x2060, $0x38;
	[tilespmem:$0x4100] =	vst v63  }
0x29: {  	_ =	swait.ge [sflag:s3], $0x2060  }
0x2a: {  	s16 =	sadd.s32 $0xC24, s16;
	[sflag:s3] =	ssyncset.done $0x0  }
0x2b: {  	s15 =	ssub.s32 $0x2, s15;
	s14 =	sadd.s32 s14, s16;
	[sflag:s3] =	ssyncadd.s32 $0xFFFFDFA0  }
0x2c: {  	[tilespmem:s2], [sflag:$0x2] =	stream.linear.gather [hbm4b:s14+s2], $0x2060, $0x38;
	[tilespmem:$0x4100] =	vst v63  }
0x2d: {  	s18 =	sshrl.u32 s15, $0x1;
	_ =	swait.ge [sflag:s3], $0x2060  }
0x2e: {  	s18 =	ssub.s32 s15, s18;
	[sflag:s3] =	ssyncset.done $0x0  }
0x2f: {  	s31 =	smax.u32 s18, $0x1;
	[sflag:s3] =	ssyncadd.s32 $0xFFFFDFA0  }
0x30: {  	[tilespmem:s7], [sflag:$0x1] =	stream.indirect.gather [hbm4b:s5+s6], $0x1, s2, s6, $0xb8;
	[tilespmem:$0x4100] =	vst v63  }
0x31: {  	p0 =	sne.s32 s31, $0x1;
	_ =	swait.ge [sflag:s8], $0x2060  }
.Ltmp0:
0x32: {  	[sflag:s8] =	ssyncset.done $0x0;
	(pc) =	sbr.rel @!p0 .LBB2_2-.Ltmp0, $4  }
0x33: {  	s15 =	sadd.s32 s17, s16;
	[sflag:s8] =	ssyncadd.s32 $0xFFFFDFA0  }
0x34: {  	[hbm4b:s15+s2] =	stream.linear.scatter [tilespmem:s7], [sflag:$0x2], $0x2060, $0x38;
	[tilespmem:$0x4100] =	vst v63  }
0x35: {  	_ =	swait.ge [sflag:s3], $0x2060  }
0x36: {  	s16 =	sadd.s32 $0xFFFFFFFF, s31;
	[sflag:s3] =	ssyncset.done $0x0  }
.LBB2_1:
0x37: {  	p0 =	sne.s32 s16, $0x1;
	s16 =	sadd.s32 $0xFFFFFFFF, s16;
	[sflag:s3] =	ssyncadd.s32 $0xFFFFDFA0  }
0x38: {  	[tilespmem:s2], [sflag:$0x2] =	stream.linear.gather [hbm4b:s4+s2], $0x2060, $0x38;
	[tilespmem:$0x4100] =	vst v63  }
0x39: {  	_ =	swait.ge [sflag:s3], $0x2060  }
0x3a: {  	[sflag:s3] =	ssyncset.done $0x0  }
0x3b: {  	[sflag:s3] =	ssyncadd.s32 $0xFFFFDFA0  }
0x3c: {  	[tilespmem:s7], [sflag:$0x1] =	stream.indirect.gather [hbm4b:s5+s6], $0x1, s2, s6, $0xb8;
	[tilespmem:$0x4100] =	vst v63  }
0x3d: {  	_ =	swait.ge [sflag:s8], $0x2060  }
0x3e: {  	[sflag:s8] =	ssyncset.done $0x0  }
0x3f: {  	[sflag:s8] =	ssyncadd.s32 $0xFFFFDFA0  }
0x40: {  	[hbm4b:s9+s2] =	stream.linear.scatter [tilespmem:s7], [sflag:$0x2], $0x2060, $0x38;
	[tilespmem:$0x4100] =	vst v63  }
0x41: {  	_ =	swait.ge [sflag:s3], $0x2060  }
0x42: {  	[sflag:s3] =	ssyncset.done $0x0  }
0x43: {  	[sflag:s3] =	ssyncadd.s32 $0xFFFFDFA0  }
0x44: {  	[tilespmem:s2], [sflag:$0x2] =	stream.linear.gather [hbm4b:s10+s2], $0x2060, $0x38;
	[tilespmem:$0x4100] =	vst v63  }
0x45: {  	_ =	swait.ge [sflag:s3], $0x2060  }
0x46: {  	[sflag:s3] =	ssyncset.done $0x0  }
0x47: {  	[sflag:s3] =	ssyncadd.s32 $0xFFFFDFA0  }
0x48: {  	[tilespmem:s7], [sflag:$0x1] =	stream.indirect.gather [hbm4b:s5+s6], $0x1, s2, s6, $0xb8;
	[tilespmem:$0x4100] =	vst v63  }
0x49: {  	_ =	swait.ge [sflag:s8], $0x2060  }
0x4a: {  	[sflag:s8] =	ssyncset.done $0x0  }
0x4b: {  	[sflag:s8] =	ssyncadd.s32 $0xFFFFDFA0  }
0x4c: {  	[hbm4b:s11+s2] =	stream.linear.scatter [tilespmem:s7], [sflag:$0x2], $0x2060, $0x38;
	[tilespmem:$0x4100] =	vst v63  }
0x4d: {  	_ =	swait.ge [sflag:s3], $0x2060  }
0x4e: {  	[sflag:s3] =	ssyncset.done $0x0  }
0x4f: {  	[sflag:s3] =	ssyncadd.s32 $0xFFFFDFA0  }
0x50: {  	[tilespmem:s2], [sflag:$0x2] =	stream.linear.gather [hbm4b:s12+s2], $0x2060, $0x38;
	[tilespmem:$0x4100] =	vst v63  }
0x51: {  	_ =	swait.ge [sflag:s3], $0x2060  }
0x52: {  	[sflag:s3] =	ssyncset.done $0x0  }
0x53: {  	[sflag:s3] =	ssyncadd.s32 $0xFFFFDFA0  }
0x54: {  	[tilespmem:s7], [sflag:$0x1] =	stream.indirect.gather [hbm4b:s5+s6], $0x1, s2, s6, $0xb8;
	[tilespmem:$0x4100] =	vst v63  }
0x55: {  	_ =	swait.ge [sflag:s8], $0x2060  }
0x56: {  	[sflag:s8] =	ssyncset.done $0x0  }
0x57: {  	[sflag:s8] =	ssyncadd.s32 $0xFFFFDFA0  }
0x58: {  	[hbm4b:s13+s2] =	stream.linear.scatter [tilespmem:s7], [sflag:$0x2], $0x2060, $0x38;
	[tilespmem:$0x4100] =	vst v63  }
0x59: {  	_ =	swait.ge [sflag:s3], $0x2060  }
0x5a: {  	[sflag:s3] =	ssyncset.done $0x0  }
0x5b: {  	[sflag:s3] =	ssyncadd.s32 $0xFFFFDFA0  }
0x5c: {  	[tilespmem:s2], [sflag:$0x2] =	stream.linear.gather [hbm4b:s14+s2], $0x2060, $0x38;
	[tilespmem:$0x4100] =	vst v63  }
0x5d: {  	_ =	swait.ge [sflag:s3], $0x2060  }
0x5e: {  	[sflag:s3] =	ssyncset.done $0x0  }
0x5f: {  	[sflag:s3] =	ssyncadd.s32 $0xFFFFDFA0  }
0x60: {  	[tilespmem:s7], [sflag:$0x1] =	stream.indirect.gather [hbm4b:s5+s6], $0x1, s2, s6, $0xb8;
	[tilespmem:$0x4100] =	vst v63  }
0x61: {  	_ =	swait.ge [sflag:s8], $0x2060  }
.Ltmp1:
0x62: {  	[sflag:s8] =	ssyncset.done $0x0;
	(pc) =	sbr.rel @p0 .LBB2_1-.Ltmp1, $4  }
0x63: {  	[sflag:s8] =	ssyncadd.s32 $0xFFFFDFA0  }
0x64: {  	[hbm4b:s15+s2] =	stream.linear.scatter [tilespmem:s7], [sflag:$0x2], $0x2060, $0x38;
	[tilespmem:$0x4100] =	vst v63  }
0x65: {  	_ =	swait.ge [sflag:s3], $0x2060  }
0x66: {  	[sflag:s3] =	ssyncset.done $0x0  }
.LBB2_2:
0x67: {  	[sflag:s3] =	ssyncadd.s32 $0xFFFFDFA0  }
0x68: {  	_ =	sfence.sel $0x180000  }
0x69: {  	[bflag:$0x0] =	sbarrier.arrive $0xFFFF  }
0x6a: {  	p0 =	sne.s32 s0, $0x0;
	_ =	strace $0x9000004D  }
0x6b: {  	s0 =	sadd.s32 @!p0 $0x100000, s1;
	[bflag:$0x2] =	sbarrier.arrive $0xFFFF  }
0x6c: {  	[sflag:s0] =	ssyncadd.tile.s32 @!p0 $0x1;
	_ =	shalt  }
.Lfunc_end2:
_tile_overlayer_lowered:
.L_overlay_start_2:
0x6d: {  	(tag) =	ssettag $0x2  }
0x6e: {  	s0 =	rddreg [dreg:$0x0];
	s2 =	stileid.u32  }
0x6f: {  	s1 =	rddreg [dreg:$0x1];
	p0 =	sne.s32 s2, $0x0  }
0x70: {  	s3 =	rddreg [dreg:$0x2];
	[bflag:$0x3] =	sbarrier.arrive $0xFFFF;
	s2 =	simm.s32 @!p0 $0x1C02  }
0x71: {  	[timem:s3], [sflag:s2] =	dma.local @!p0 [hbm:s0], s1  }
0x72: {  	s0 =	simm.s32 @!p0 $0x2  }
0x73: {  	_ =	swait.ge @!p0 [sflag:s0], s1  }
0x74: {  	s1 =	ssub.s32 @!p0 $0x0, s1;
	[sflag:s0] =	ssyncset.done @!p0 $0x0  }
0x75: {  	[sflag:s0] =	ssyncadd.s32 @!p0 s1  }
0x76: {  	[bflag:$0x3] =	sbarrier.arrive $0xFFFF  }
0x77: {  	_ =	shalt  }

</sc_bundles>
